<compile_context>
chip_gen: v7x
topology: tpu7x:2x2x1
jax: 0.10.2.dev20260603
libtpu: 0.0.44.dev20260713+nightly
codegen_flags: <defaults>
</compile_context>

<pallas_src>
import functools

import jax
import jax.numpy as jnp
from jax import lax
from jax.experimental import pallas as pl
from jax.experimental.pallas import tpu as pltpu
from jax.experimental.pallas import tpu_sc as plsc

N = 10000
E = 320000
D = 128

NC = 2
NS = 16
NW = NC * NS
E_TILE = E // NW
CH = 80
NCH = E_TILE // CH
NP = 10240
N_TILE = NP // NS

_sc_mesh = plsc.VectorSubcoreMesh(core_axis_name="c", subcore_axis_name="s",
                                  num_cores=NC, num_subcores=NS)


def _zero_vmem(buf, width):
    zeros = jnp.zeros((16,), jnp.float32)

    def body(i, _):
        for j in range(width // 16):
            buf[i, j * 16:(j + 1) * 16] = zeros
        return _

    lax.fori_loop(0, buf.shape[0], body, None)


@functools.partial(
    pl.kernel,
    out_type=jax.ShapeDtypeStruct((NC, NS, N_TILE, D), jnp.float32),
    mesh=_sc_mesh,
    scratch_types=[
        pltpu.VMEM((NCH, CH), jnp.int32),
        pltpu.VMEM((NCH, CH), jnp.int32),
        pltpu.VMEM((CH, D), jnp.float32),
        pltpu.SemaphoreType.DMA,
        pltpu.VMEM_SHARED((NP, D), jnp.float32),
    ],
)
def _sc_scatter_rows(y_hbm, src_hbm, dst_hbm, out_hbm,
                     idx_s, idx_d, rows, sem, acc):
    cid = lax.axis_index("c")
    sid = lax.axis_index("s")
    tile = cid * NS + sid

    pltpu.sync_copy(src_hbm.at[tile], idx_s)
    pltpu.sync_copy(dst_hbm.at[tile], idx_d)

    _zero_vmem(rows, D)
    for r in range(N_TILE // CH):
        pltpu.sync_copy(rows, acc.at[pl.ds(sid * N_TILE + r * CH, CH)])
    plsc.subcore_barrier()

    def body(c, _):
        pltpu.async_copy(y_hbm.at[idx_s.at[c]], rows, sem).wait()
        pltpu.sync_copy(rows, acc.at[idx_d.at[c]], add=True)
        return _

    lax.fori_loop(0, NCH, body, None)
    plsc.subcore_barrier()

    pltpu.sync_copy(acc.at[pl.ds(sid * N_TILE, N_TILE)],
                    out_hbm.at[cid, sid])


DW = 128


@functools.partial(
    pl.kernel,
    out_type=jax.ShapeDtypeStruct((NC, NS, N_TILE, DW), jnp.float32),
    mesh=_sc_mesh,
    scratch_types=[
        pltpu.VMEM((NCH, CH), jnp.int32),
        pltpu.VMEM((CH, DW), jnp.float32),
        pltpu.VMEM_SHARED((NP, DW), jnp.float32),
    ],
)
def _sc_degree(src_hbm, out_hbm, idx_s, rows, acc):
    cid = lax.axis_index("c")
    sid = lax.axis_index("s")
    tile = cid * NS + sid
    pltpu.sync_copy(src_hbm.at[tile], idx_s)

    _zero_vmem(rows, DW)
    for r in range(N_TILE // CH):
        pltpu.sync_copy(rows, acc.at[pl.ds(sid * N_TILE + r * CH, CH)])
    plsc.subcore_barrier()

    ones = jnp.ones((16,), jnp.float32)

    def fill(i, _):
        for j in range(DW // 16):
            rows[i, j * 16:(j + 1) * 16] = ones
        return _

    lax.fori_loop(0, CH, fill, None)

    def body(c, _):
        pltpu.sync_copy(rows, acc.at[idx_s.at[c]], add=True)
        return _

    lax.fori_loop(0, NCH, body, None)
    plsc.subcore_barrier()
    pltpu.sync_copy(acc.at[pl.ds(sid * N_TILE, N_TILE)], out_hbm.at[cid, sid])



_RB = 1000
_NRB = N // _RB


def _prep_body(deg_ref, x_ref, dinv_ref, y_ref):
    d = deg_ref[0, :, 0:1] + deg_ref[1, :, 0:1]
    dinv = jnp.where(d > 0, lax.rsqrt(jnp.where(d > 0, d, 1.0)), 0.0)
    dinv_ref[...] = dinv
    y_ref[...] = x_ref[...] * dinv


_prep = pl.pallas_call(
    _prep_body,
    grid=(_NRB,),
    in_specs=[
        pl.BlockSpec((NC, _RB, DW), lambda i: (0, i, 0)),
        pl.BlockSpec((_RB, D), lambda i: (i, 0)),
    ],
    out_specs=[
        pl.BlockSpec((_RB, 1), lambda i: (i, 0)),
        pl.BlockSpec((_RB, D), lambda i: (i, 0)),
    ],
    out_shape=[
        jax.ShapeDtypeStruct((N, 1), jnp.float32),
        jax.ShapeDtypeStruct((N, D), jnp.float32),
    ],
)


def _mid_body(u_ref, dinv_ref, tx1_ref, y1_ref):
    dinv = dinv_ref[...]
    tx1 = -(dinv * (u_ref[0] + u_ref[1]))
    tx1_ref[...] = tx1
    y1_ref[...] = dinv * tx1


_mid = pl.pallas_call(
    _mid_body,
    grid=(_NRB,),
    in_specs=[
        pl.BlockSpec((NC, _RB, D), lambda i: (0, i, 0)),
        pl.BlockSpec((_RB, 1), lambda i: (i, 0)),
    ],
    out_specs=[
        pl.BlockSpec((_RB, D), lambda i: (i, 0)),
        pl.BlockSpec((_RB, D), lambda i: (i, 0)),
    ],
    out_shape=[
        jax.ShapeDtypeStruct((N, D), jnp.float32),
        jax.ShapeDtypeStruct((N, D), jnp.float32),
    ],
)


def _fin_body(u_ref, tx0_ref, tx1_ref, dinv_ref, w_ref, b_ref, *out_refs,
              relu):
    dinv = dinv_ref[...]
    tx0 = tx0_ref[...]
    tx2 = -2.0 * dinv * (u_ref[0] + u_ref[1]) - tx0
    out = (jnp.dot(tx0, w_ref[0], preferred_element_type=jnp.float32)
           + jnp.dot(tx1_ref[...], w_ref[1], preferred_element_type=jnp.float32)
           + jnp.dot(tx2, w_ref[2], preferred_element_type=jnp.float32)
           + b_ref[...])
    if relu:
        out = jnp.maximum(out, 0.0)
        out_refs[0][...] = out
        out_refs[1][...] = dinv * out
    else:
        out_refs[0][...] = out


def _make_fin(relu):
    out_specs = [pl.BlockSpec((_RB, D), lambda i: (i, 0))]
    out_shape = [jax.ShapeDtypeStruct((N, D), jnp.float32)]
    if relu:
        out_specs = out_specs + [pl.BlockSpec((_RB, D), lambda i: (i, 0))]
        out_shape = out_shape + [jax.ShapeDtypeStruct((N, D), jnp.float32)]
    return pl.pallas_call(
        functools.partial(_fin_body, relu=relu),
        grid=(_NRB,),
        in_specs=[
            pl.BlockSpec((NC, _RB, D), lambda i: (0, i, 0)),
            pl.BlockSpec((_RB, D), lambda i: (i, 0)),
            pl.BlockSpec((_RB, D), lambda i: (i, 0)),
            pl.BlockSpec((_RB, 1), lambda i: (i, 0)),
            pl.BlockSpec((3, D, D), lambda i: (0, 0, 0)),
            pl.BlockSpec((1, D), lambda i: (0, 0)),
        ],
        out_specs=out_specs,
        out_shape=out_shape,
    )


_fin_relu = _make_fin(True)
_fin_last = _make_fin(False)


def kernel(x, edge_index, W1, b1, Wm, bm, W2, b2):
    ei = edge_index.astype(jnp.int32)
    src_t = ei[0].reshape(NW, NCH, CH)
    dst_t = ei[1].reshape(NW, NCH, CH)

    deg = _sc_degree(src_t).reshape(NC, NP, DW)
    dinv, y0 = _prep(deg, x)

    def layer(tx0, y_in, W, b, fin):
        u1 = _sc_scatter_rows(y_in, src_t, dst_t).reshape(NC, NP, D)
        tx1, y1 = _mid(u1, dinv)
        u2 = _sc_scatter_rows(y1, src_t, dst_t).reshape(NC, NP, D)
        return fin(u2, tx0, tx1, dinv, W, b.reshape(1, D))

    h1, ya = layer(x, y0, W1, b1, _fin_relu)
    h2, yb = layer(h1, ya, Wm, bm, _fin_relu)
    (out,) = layer(h2, yb, W2, b2, _fin_last)
    return out

# --- scband reference (transcript-rebuilt; emitter-appended) ---
"""Pipeline reference for scband-cheb-ben-x-71159018160655 (READ-ONLY COPY).

The authoritative reference and input builder live on the scoring server;
editing this copy changes nothing except your own understanding.
"""

import jax, jax.numpy as jnp
import numpy as np

N = 10000
E = 320000
D = 128
K = 3


def _cheb_norm(edge_index, num_nodes):
    # PyG ChebConv __norm__ with normalization='sym', lambda_max=2.0:
    # L_hat = 2/lambda_max * (I - D^-1/2 A D^-1/2) - I = -D^-1/2 A D^-1/2
    # (diagonal entries cancel to zero), so only off-diagonal weights remain.
    src = edge_index[0]
    dst = edge_index[1]
    w = jnp.ones((src.shape[0],), dtype=jnp.float32)
    deg = jnp.zeros((num_nodes,), dtype=jnp.float32).at[src].add(w)
    deg_inv_sqrt = jnp.where(deg > 0, 1.0 / jnp.sqrt(jnp.where(deg > 0, deg, 1.0)), 0.0)
    norm = -deg_inv_sqrt[src] * w * deg_inv_sqrt[dst]
    return norm


def _spmv(edge_index, norm, x, num_nodes):
    # out[dst] += norm[e] * x[src]
    src = edge_index[0]
    dst = edge_index[1]
    msg = norm[:, None] * jnp.take(x, src, axis=0)
    return jnp.zeros((num_nodes, x.shape[1]), dtype=x.dtype).at[dst].add(msg)


def _cheb_conv(x, edge_index, norm, W, b):
    # W: [K, in, out]; PyG ChebConv: sum_k lins[k](T_k(L_hat) x) + bias
    num_nodes = x.shape[0]
    Tx_0 = x
    out = Tx_0 @ W[0]
    Tx_1 = _spmv(edge_index, norm, x, num_nodes)
    out = out + Tx_1 @ W[1]
    for k in range(2, W.shape[0]):
        Tx_2 = 2.0 * _spmv(edge_index, norm, Tx_1, num_nodes) - Tx_0
        out = out + Tx_2 @ W[k]
        Tx_0, Tx_1 = Tx_1, Tx_2
    return out + b


def setup_inputs(seed: int = 0) -> dict:
    key = jax.random.key(seed)
    ks = jax.random.split(key, 8)
    x = jax.random.normal(ks[0], (N, D), dtype=jnp.float32)
    edge_index = jax.random.randint(ks[1], (2, E), 0, N, dtype=jnp.int64)
    scale = float(np.sqrt(2.0 / (D + D)))
    W1 = jax.random.normal(ks[2], (K, D, D), dtype=jnp.float32) * scale
    b1 = jnp.zeros((D,), dtype=jnp.float32)
    Wm = jax.random.normal(ks[3], (K, D, D), dtype=jnp.float32) * scale
    bm = jnp.zeros((D,), dtype=jnp.float32)
    W2 = jax.random.normal(ks[4], (K, D, D), dtype=jnp.float32) * scale
    b2 = jnp.zeros((D,), dtype=jnp.float32)
    return {"x": x, "edge_index": edge_index, "W1": W1, "b1": b1, "Wm": Wm, "bm": bm, "W2": W2, "b2": b2}


def reference(x, edge_index, W1, b1, Wm, bm, W2, b2):
    # Eval mode: F.dropout is identity when training=False.
    norm = _cheb_norm(edge_index, x.shape[0])
    h = jax.nn.relu(_cheb_conv(x, edge_index, norm, W1, b1))
    h = jax.nn.relu(_cheb_conv(h, edge_index, norm, Wm, bm))
    out = _cheb_conv(h, edge_index, norm, W2, b2)
    return out

if __name__ == "__main__":
    import jax
    _d = setup_inputs()
    print(jax.jit(kernel)(*tuple(_d.values())))

</pallas_src>

<mosaic_0001>
#map = affine_map<(d0, d1) -> (0, 0)>
#map1 = affine_map<(d0, d1) -> (0, 0, 0)>
#map2 = affine_map<(d0, d1) -> (0, 0, 0, 0)>
module attributes {stable_mosaic.version = 14 : i64} {
  func.func @_sc_scatter_rows(%arg0: i32, %arg1: i32, %arg2: memref<10000x128xf32, #tpu.memory_space<hbm>>, %arg3: memref<32x125x80xi32, #tpu.memory_space<hbm>>, %arg4: memref<32x125x80xi32, #tpu.memory_space<hbm>>, %arg5: memref<2x16x640x128xf32, #tpu.memory_space<hbm>>, %arg6: memref<125x80xi32, #tpu.memory_space<vmem>>, %arg7: memref<125x80xi32, #tpu.memory_space<vmem>>, %arg8: memref<80x128xf32, #tpu.memory_space<vmem>>, %arg9: memref<!tpu.dma_semaphore, #tpu.memory_space<semaphore_mem>>, %arg10: memref<10240x128xf32, #tpu.memory_space<vmem_shared>>) attributes {dimension_semantics = [#tpu.dimension_semantics<core_parallel>, #tpu.dimension_semantics<subcore_parallel>], iteration_bounds = array<i64: 2, 16>, scalar_prefetch = 0 : i64, scratch_operands = 5 : i64, tpu.core_type = #tpu.core_type<sc_vector_subcore>, window_params = [{transform_indices = #map}, {transform_indices = #map1}, {transform_indices = #map1}, {transform_indices = #map2}]} {
    %mul3A = arith.constant 16 : i32
    %mul3A_0 = arith.muli %arg0, %mul3A : i32
    %add3A = arith.addi %mul3A_0, %arg1 : i32
    "tpu.region"() ({
      %run_scoped3A = tpu.sem_alloc : memref<!tpu.dma_semaphore, #tpu.memory_space<semaphore_mem>>
      %dma_start3A = arith.constant 0 : i32
      %dma_start3A_46 = arith.constant 0 : i32
      %dma_start3A_47 = tpu.memref_slice %arg3[%add3A, %dma_start3A, %dma_start3A_46] : memref<32x125x80xi32, #tpu.memory_space<hbm>> -> memref<1x125x80xi32, #tpu.memory_space<hbm>>
      %dma_start3A_48 = tpu.memref_squeeze %dma_start3A_47 : memref<1x125x80xi32, #tpu.memory_space<hbm>> -> memref<125x80xi32, #tpu.memory_space<hbm>>
      %dma_start3A_49 = arith.constant 0 : i32
      %dma_start3A_50 = arith.constant 0 : i32
      %dma_start3A_51 = tpu.memref_slice %arg3[%add3A, %dma_start3A_49, %dma_start3A_50] : memref<32x125x80xi32, #tpu.memory_space<hbm>> -> memref<1x125x80xi32, #tpu.memory_space<hbm>>
      %dma_start3A_52 = tpu.memref_squeeze %dma_start3A_51 : memref<1x125x80xi32, #tpu.memory_space<hbm>> -> memref<125x80xi32, #tpu.memory_space<hbm>>
      tpu.enqueue_dma source(%dma_start3A_52 : memref<125x80xi32, #tpu.memory_space<hbm>>) target(%arg6 : memref<125x80xi32, #tpu.memory_space<vmem>>) target_semaphore(%run_scoped3A : memref<!tpu.dma_semaphore, #tpu.memory_space<semaphore_mem>>)
      %dma_wait3A = arith.constant 0 : i32
      %dma_wait3A_53 = arith.constant 0 : i32
      %dma_wait3A_54 = tpu.memref_slice %arg3[%add3A, %dma_wait3A, %dma_wait3A_53] : memref<32x125x80xi32, #tpu.memory_space<hbm>> -> memref<1x125x80xi32, #tpu.memory_space<hbm>>
      %dma_wait3A_55 = tpu.memref_squeeze %dma_wait3A_54 : memref<1x125x80xi32, #tpu.memory_space<hbm>> -> memref<125x80xi32, #tpu.memory_space<hbm>>
      %dma_wait3A_56 = arith.constant 0 : i32
      %dma_wait3A_57 = arith.constant 0 : i32
      %dma_wait3A_58 = tpu.memref_slice %arg3[%add3A, %dma_wait3A_56, %dma_wait3A_57] : memref<32x125x80xi32, #tpu.memory_space<hbm>> -> memref<1x125x80xi32, #tpu.memory_space<hbm>>
      %dma_wait3A_59 = tpu.memref_squeeze %dma_wait3A_58 : memref<1x125x80xi32, #tpu.memory_space<hbm>> -> memref<125x80xi32, #tpu.memory_space<hbm>>
      tpu.wait_dma2 semaphore(%run_scoped3A : memref<!tpu.dma_semaphore, #tpu.memory_space<semaphore_mem>>) src(%dma_wait3A_59 : memref<125x80xi32, #tpu.memory_space<hbm>>) dst(%arg6 : memref<125x80xi32, #tpu.memory_space<vmem>>)
      tpu.yield
    }) : () -> ()
    "tpu.region"() ({
      %run_scoped3A = tpu.sem_alloc : memref<!tpu.dma_semaphore, #tpu.memory_space<semaphore_mem>>
      %dma_start3A = arith.constant 0 : i32
      %dma_start3A_46 = arith.constant 0 : i32
      %dma_start3A_47 = tpu.memref_slice %arg4[%add3A, %dma_start3A, %dma_start3A_46] : memref<32x125x80xi32, #tpu.memory_space<hbm>> -> memref<1x125x80xi32, #tpu.memory_space<hbm>>
      %dma_start3A_48 = tpu.memref_squeeze %dma_start3A_47 : memref<1x125x80xi32, #tpu.memory_space<hbm>> -> memref<125x80xi32, #tpu.memory_space<hbm>>
      %dma_start3A_49 = arith.constant 0 : i32
      %dma_start3A_50 = arith.constant 0 : i32
      %dma_start3A_51 = tpu.memref_slice %arg4[%add3A, %dma_start3A_49, %dma_start3A_50] : memref<32x125x80xi32, #tpu.memory_space<hbm>> -> memref<1x125x80xi32, #tpu.memory_space<hbm>>
      %dma_start3A_52 = tpu.memref_squeeze %dma_start3A_51 : memref<1x125x80xi32, #tpu.memory_space<hbm>> -> memref<125x80xi32, #tpu.memory_space<hbm>>
      tpu.enqueue_dma source(%dma_start3A_52 : memref<125x80xi32, #tpu.memory_space<hbm>>) target(%arg7 : memref<125x80xi32, #tpu.memory_space<vmem>>) target_semaphore(%run_scoped3A : memref<!tpu.dma_semaphore, #tpu.memory_space<semaphore_mem>>)
      %dma_wait3A = arith.constant 0 : i32
      %dma_wait3A_53 = arith.constant 0 : i32
      %dma_wait3A_54 = tpu.memref_slice %arg4[%add3A, %dma_wait3A, %dma_wait3A_53] : memref<32x125x80xi32, #tpu.memory_space<hbm>> -> memref<1x125x80xi32, #tpu.memory_space<hbm>>
      %dma_wait3A_55 = tpu.memref_squeeze %dma_wait3A_54 : memref<1x125x80xi32, #tpu.memory_space<hbm>> -> memref<125x80xi32, #tpu.memory_space<hbm>>
      %dma_wait3A_56 = arith.constant 0 : i32
      %dma_wait3A_57 = arith.constant 0 : i32
      %dma_wait3A_58 = tpu.memref_slice %arg4[%add3A, %dma_wait3A_56, %dma_wait3A_57] : memref<32x125x80xi32, #tpu.memory_space<hbm>> -> memref<1x125x80xi32, #tpu.memory_space<hbm>>
      %dma_wait3A_59 = tpu.memref_squeeze %dma_wait3A_58 : memref<1x125x80xi32, #tpu.memory_space<hbm>> -> memref<125x80xi32, #tpu.memory_space<hbm>>
      tpu.wait_dma2 semaphore(%run_scoped3A : memref<!tpu.dma_semaphore, #tpu.memory_space<semaphore_mem>>) src(%dma_wait3A_59 : memref<125x80xi32, #tpu.memory_space<hbm>>) dst(%arg7 : memref<125x80xi32, #tpu.memory_space<vmem>>)
      tpu.yield
    }) : () -> ()
    %broadcast_in_dim3A = arith.constant 0.000000e+00 : f32
    %broadcast_in_dim3A_1 = vector.broadcast %broadcast_in_dim3A : f32 to vector<16xf32>
    %scan3A = arith.constant 0 : i32
    %scan3A_2 = arith.constant 80 : i32
    %scan3A_3 = arith.addi %scan3A, %scan3A_2 : i32
    %scan3A_4 = arith.constant 1 : i32
    scf.for %scan3A_46 = %scan3A to %scan3A_3 step %scan3A_4  : i32 {
      %swap3A = arith.index_cast %scan3A_46 : i32 to index
      %swap3A_47 = arith.constant 0 : index
      %swap3A_48 = tpu.vector_load %arg8[%swap3A, %swap3A_47] {strides = array<i32>} : memref<80x128xf32, #tpu.memory_space<vmem>>, vector<1x16xf32>,
      %swap3A_49 = vector.shape_cast %swap3A_48 : vector<1x16xf32> to vector<16xf32>
      %swap3A_50 = vector.shape_cast %broadcast_in_dim3A_1 : vector<16xf32> to vector<1x16xf32>
      tpu.vector_store %arg8[%swap3A, %swap3A_47], %swap3A_50 {strides = array<i32>} : memref<80x128xf32, #tpu.memory_space<vmem>>, vector<1x16xf32>,
      %swap3A_51 = arith.index_cast %scan3A_46 : i32 to index
      %swap3A_52 = arith.constant 16 : index
      %swap3A_53 = tpu.vector_load %arg8[%swap3A_51, %swap3A_52] {strides = array<i32>} : memref<80x128xf32, #tpu.memory_space<vmem>>, vector<1x16xf32>,
      %swap3A_54 = vector.shape_cast %swap3A_53 : vector<1x16xf32> to vector<16xf32>
      %swap3A_55 = vector.shape_cast %broadcast_in_dim3A_1 : vector<16xf32> to vector<1x16xf32>
      tpu.vector_store %arg8[%swap3A_51, %swap3A_52], %swap3A_55 {strides = array<i32>} : memref<80x128xf32, #tpu.memory_space<vmem>>, vector<1x16xf32>,
      %swap3A_56 = arith.index_cast %scan3A_46 : i32 to index
      %swap3A_57 = arith.constant 32 : index
      %swap3A_58 = tpu.vector_load %arg8[%swap3A_56, %swap3A_57] {strides = array<i32>} : memref<80x128xf32, #tpu.memory_space<vmem>>, vector<1x16xf32>,
      %swap3A_59 = vector.shape_cast %swap3A_58 : vector<1x16xf32> to vector<16xf32>
      %swap3A_60 = vector.shape_cast %broadcast_in_dim3A_1 : vector<16xf32> to vector<1x16xf32>
      tpu.vector_store %arg8[%swap3A_56, %swap3A_57], %swap3A_60 {strides = array<i32>} : memref<80x128xf32, #tpu.memory_space<vmem>>, vector<1x16xf32>,
      %swap3A_61 = arith.index_cast %scan3A_46 : i32 to index
      %swap3A_62 = arith.constant 48 : index
      %swap3A_63 = tpu.vector_load %arg8[%swap3A_61, %swap3A_62] {strides = array<i32>} : memref<80x128xf32, #tpu.memory_space<vmem>>, vector<1x16xf32>,
      %swap3A_64 = vector.shape_cast %swap3A_63 : vector<1x16xf32> to vector<16xf32>
      %swap3A_65 = vector.shape_cast %broadcast_in_dim3A_1 : vector<16xf32> to vector<1x16xf32>
      tpu.vector_store %arg8[%swap3A_61, %swap3A_62], %swap3A_65 {strides = array<i32>} : memref<80x128xf32, #tpu.memory_space<vmem>>, vector<1x16xf32>,
      %swap3A_66 = arith.index_cast %scan3A_46 : i32 to index
      %swap3A_67 = arith.constant 64 : index
      %swap3A_68 = tpu.vector_load %arg8[%swap3A_66, %swap3A_67] {strides = array<i32>} : memref<80x128xf32, #tpu.memory_space<vmem>>, vector<1x16xf32>,
      %swap3A_69 = vector.shape_cast %swap3A_68 : vector<1x16xf32> to vector<16xf32>
      %swap3A_70 = vector.shape_cast %broadcast_in_dim3A_1 : vector<16xf32> to vector<1x16xf32>
      tpu.vector_store %arg8[%swap3A_66, %swap3A_67], %swap3A_70 {strides = array<i32>} : memref<80x128xf32, #tpu.memory_space<vmem>>, vector<1x16xf32>,
      %swap3A_71 = arith.index_cast %scan3A_46 : i32 to index
      %swap3A_72 = arith.constant 80 : index
      %swap3A_73 = tpu.vector_load %arg8[%swap3A_71, %swap3A_72] {strides = array<i32>} : memref<80x128xf32, #tpu.memory_space<vmem>>, vector<1x16xf32>,
      %swap3A_74 = vector.shape_cast %swap3A_73 : vector<1x16xf32> to vector<16xf32>
      %swap3A_75 = vector.shape_cast %broadcast_in_dim3A_1 : vector<16xf32> to vector<1x16xf32>
      tpu.vector_store %arg8[%swap3A_71, %swap3A_72], %swap3A_75 {strides = array<i32>} : memref<80x128xf32, #tpu.memory_space<vmem>>, vector<1x16xf32>,
      %swap3A_76 = arith.index_cast %scan3A_46 : i32 to index
      %swap3A_77 = arith.constant 96 : index
      %swap3A_78 = tpu.vector_load %arg8[%swap3A_76, %swap3A_77] {strides = array<i32>} : memref<80x128xf32, #tpu.memory_space<vmem>>, vector<1x16xf32>,
      %swap3A_79 = vector.shape_cast %swap3A_78 : vector<1x16xf32> to vector<16xf32>
      %swap3A_80 = vector.shape_cast %broadcast_in_dim3A_1 : vector<16xf32> to vector<1x16xf32>
      tpu.vector_store %arg8[%swap3A_76, %swap3A_77], %swap3A_80 {strides = array<i32>} : memref<80x128xf32, #tpu.memory_space<vmem>>, vector<1x16xf32>,
      %swap3A_81 = arith.index_cast %scan3A_46 : i32 to index
      %swap3A_82 = arith.constant 112 : index
      %swap3A_83 = tpu.vector_load %arg8[%swap3A_81, %swap3A_82] {strides = array<i32>} : memref<80x128xf32, #tpu.memory_space<vmem>>, vector<1x16xf32>,
      %swap3A_84 = vector.shape_cast %swap3A_83 : vector<1x16xf32> to vector<16xf32>
      %swap3A_85 = vector.shape_cast %broadcast_in_dim3A_1 : vector<16xf32> to vector<1x16xf32>
      tpu.vector_store %arg8[%swap3A_81, %swap3A_82], %swap3A_85 {strides = array<i32>} : memref<80x128xf32, #tpu.memory_space<vmem>>, vector<1x16xf32>,
    }
    %scan3A_5 = arith.constant 80 : i32
    %mul3A_6 = arith.constant 640 : i32
    %mul3A_7 = arith.muli %arg1, %mul3A_6 : i32
    %add3A_8 = arith.constant 0 : i32
    %add3A_9 = arith.addi %mul3A_7, %add3A_8 : i32
    "tpu.region"() ({
      %run_scoped3A = tpu.sem_alloc : memref<!tpu.dma_semaphore, #tpu.memory_space<semaphore_mem>>
      %dma_start3A = arith.constant 0 : i32
      %dma_start3A_46 = tpu.memref_slice %arg10[%add3A_9, %dma_start3A] : memref<10240x128xf32, #tpu.memory_space<vmem_shared>> -> memref<80x128xf32, #tpu.memory_space<vmem_shared>>
      %dma_start3A_47 = arith.constant 0 : i32
      %dma_start3A_48 = tpu.memref_slice %arg10[%add3A_9, %dma_start3A_47] : memref<10240x128xf32, #tpu.memory_space<vmem_shared>> -> memref<80x128xf32, #tpu.memory_space<vmem_shared>>
      tpu.enqueue_dma source(%arg8 : memref<80x128xf32, #tpu.memory_space<vmem>>) target(%dma_start3A_48 : memref<80x128xf32, #tpu.memory_space<vmem_shared>>) target_semaphore(%run_scoped3A : memref<!tpu.dma_semaphore, #tpu.memory_space<semaphore_mem>>)
      %dma_wait3A = arith.constant 0 : i32
      %dma_wait3A_49 = tpu.memref_slice %arg10[%add3A_9, %dma_wait3A] : memref<10240x128xf32, #tpu.memory_space<vmem_shared>> -> memref<80x128xf32, #tpu.memory_space<vmem_shared>>
      %dma_wait3A_50 = arith.constant 0 : i32
      %dma_wait3A_51 = tpu.memref_slice %arg10[%add3A_9, %dma_wait3A_50] : memref<10240x128xf32, #tpu.memory_space<vmem_shared>> -> memref<80x128xf32, #tpu.memory_space<vmem_shared>>
      tpu.wait_dma2 semaphore(%run_scoped3A : memref<!tpu.dma_semaphore, #tpu.memory_space<semaphore_mem>>) src(%arg8 : memref<80x128xf32, #tpu.memory_space<vmem>>) dst(%dma_wait3A_51 : memref<80x128xf32, #tpu.memory_space<vmem_shared>>)
      tpu.yield
    }) : () -> ()
    %mul3A_10 = arith.constant 640 : i32
    %mul3A_11 = arith.muli %arg1, %mul3A_10 : i32
    %add3A_12 = arith.constant 80 : i32
    %add3A_13 = arith.addi %mul3A_11, %add3A_12 : i32
    "tpu.region"() ({
      %run_scoped3A = tpu.sem_alloc : memref<!tpu.dma_semaphore, #tpu.memory_space<semaphore_mem>>
      %dma_start3A = arith.constant 0 : i32
      %dma_start3A_46 = tpu.memref_slice %arg10[%add3A_13, %dma_start3A] : memref<10240x128xf32, #tpu.memory_space<vmem_shared>> -> memref<80x128xf32, #tpu.memory_space<vmem_shared>>
      %dma_start3A_47 = arith.constant 0 : i32
      %dma_start3A_48 = tpu.memref_slice %arg10[%add3A_13, %dma_start3A_47] : memref<10240x128xf32, #tpu.memory_space<vmem_shared>> -> memref<80x128xf32, #tpu.memory_space<vmem_shared>>
      tpu.enqueue_dma source(%arg8 : memref<80x128xf32, #tpu.memory_space<vmem>>) target(%dma_start3A_48 : memref<80x128xf32, #tpu.memory_space<vmem_shared>>) target_semaphore(%run_scoped3A : memref<!tpu.dma_semaphore, #tpu.memory_space<semaphore_mem>>)
      %dma_wait3A = arith.constant 0 : i32
      %dma_wait3A_49 = tpu.memref_slice %arg10[%add3A_13, %dma_wait3A] : memref<10240x128xf32, #tpu.memory_space<vmem_shared>> -> memref<80x128xf32, #tpu.memory_space<vmem_shared>>
      %dma_wait3A_50 = arith.constant 0 : i32
      %dma_wait3A_51 = tpu.memref_slice %arg10[%add3A_13, %dma_wait3A_50] : memref<10240x128xf32, #tpu.memory_space<vmem_shared>> -> memref<80x128xf32, #tpu.memory_space<vmem_shared>>
      tpu.wait_dma2 semaphore(%run_scoped3A : memref<!tpu.dma_semaphore, #tpu.memory_space<semaphore_mem>>) src(%arg8 : memref<80x128xf32, #tpu.memory_space<vmem>>) dst(%dma_wait3A_51 : memref<80x128xf32, #tpu.memory_space<vmem_shared>>)
      tpu.yield
    }) : () -> ()
    %mul3A_14 = arith.constant 640 : i32
    %mul3A_15 = arith.muli %arg1, %mul3A_14 : i32
    %add3A_16 = arith.constant 160 : i32
    %add3A_17 = arith.addi %mul3A_15, %add3A_16 : i32
    "tpu.region"() ({
      %run_scoped3A = tpu.sem_alloc : memref<!tpu.dma_semaphore, #tpu.memory_space<semaphore_mem>>
      %dma_start3A = arith.constant 0 : i32
      %dma_start3A_46 = tpu.memref_slice %arg10[%add3A_17, %dma_start3A] : memref<10240x128xf32, #tpu.memory_space<vmem_shared>> -> memref<80x128xf32, #tpu.memory_space<vmem_shared>>
      %dma_start3A_47 = arith.constant 0 : i32
      %dma_start3A_48 = tpu.memref_slice %arg10[%add3A_17, %dma_start3A_47] : memref<10240x128xf32, #tpu.memory_space<vmem_shared>> -> memref<80x128xf32, #tpu.memory_space<vmem_shared>>
      tpu.enqueue_dma source(%arg8 : memref<80x128xf32, #tpu.memory_space<vmem>>) target(%dma_start3A_48 : memref<80x128xf32, #tpu.memory_space<vmem_shared>>) target_semaphore(%run_scoped3A : memref<!tpu.dma_semaphore, #tpu.memory_space<semaphore_mem>>)
      %dma_wait3A = arith.constant 0 : i32
      %dma_wait3A_49 = tpu.memref_slice %arg10[%add3A_17, %dma_wait3A] : memref<10240x128xf32, #tpu.memory_space<vmem_shared>> -> memref<80x128xf32, #tpu.memory_space<vmem_shared>>
      %dma_wait3A_50 = arith.constant 0 : i32
      %dma_wait3A_51 = tpu.memref_slice %arg10[%add3A_17, %dma_wait3A_50] : memref<10240x128xf32, #tpu.memory_space<vmem_shared>> -> memref<80x128xf32, #tpu.memory_space<vmem_shared>>
      tpu.wait_dma2 semaphore(%run_scoped3A : memref<!tpu.dma_semaphore, #tpu.memory_space<semaphore_mem>>) src(%arg8 : memref<80x128xf32, #tpu.memory_space<vmem>>) dst(%dma_wait3A_51 : memref<80x128xf32, #tpu.memory_space<vmem_shared>>)
      tpu.yield
    }) : () -> ()
    %mul3A_18 = arith.constant 640 : i32
    %mul3A_19 = arith.muli %arg1, %mul3A_18 : i32
    %add3A_20 = arith.constant 240 : i32
    %add3A_21 = arith.addi %mul3A_19, %add3A_20 : i32
    "tpu.region"() ({
      %run_scoped3A = tpu.sem_alloc : memref<!tpu.dma_semaphore, #tpu.memory_space<semaphore_mem>>
      %dma_start3A = arith.constant 0 : i32
      %dma_start3A_46 = tpu.memref_slice %arg10[%add3A_21, %dma_start3A] : memref<10240x128xf32, #tpu.memory_space<vmem_shared>> -> memref<80x128xf32, #tpu.memory_space<vmem_shared>>
      %dma_start3A_47 = arith.constant 0 : i32
      %dma_start3A_48 = tpu.memref_slice %arg10[%add3A_21, %dma_start3A_47] : memref<10240x128xf32, #tpu.memory_space<vmem_shared>> -> memref<80x128xf32, #tpu.memory_space<vmem_shared>>
      tpu.enqueue_dma source(%arg8 : memref<80x128xf32, #tpu.memory_space<vmem>>) target(%dma_start3A_48 : memref<80x128xf32, #tpu.memory_space<vmem_shared>>) target_semaphore(%run_scoped3A : memref<!tpu.dma_semaphore, #tpu.memory_space<semaphore_mem>>)
      %dma_wait3A = arith.constant 0 : i32
      %dma_wait3A_49 = tpu.memref_slice %arg10[%add3A_21, %dma_wait3A] : memref<10240x128xf32, #tpu.memory_space<vmem_shared>> -> memref<80x128xf32, #tpu.memory_space<vmem_shared>>
      %dma_wait3A_50 = arith.constant 0 : i32
      %dma_wait3A_51 = tpu.memref_slice %arg10[%add3A_21, %dma_wait3A_50] : memref<10240x128xf32, #tpu.memory_space<vmem_shared>> -> memref<80x128xf32, #tpu.memory_space<vmem_shared>>
      tpu.wait_dma2 semaphore(%run_scoped3A : memref<!tpu.dma_semaphore, #tpu.memory_space<semaphore_mem>>) src(%arg8 : memref<80x128xf32, #tpu.memory_space<vmem>>) dst(%dma_wait3A_51 : memref<80x128xf32, #tpu.memory_space<vmem_shared>>)
      tpu.yield
    }) : () -> ()
    %mul3A_22 = arith.constant 640 : i32
    %mul3A_23 = arith.muli %arg1, %mul3A_22 : i32
    %add3A_24 = arith.constant 320 : i32
    %add3A_25 = arith.addi %mul3A_23, %add3A_24 : i32
    "tpu.region"() ({
      %run_scoped3A = tpu.sem_alloc : memref<!tpu.dma_semaphore, #tpu.memory_space<semaphore_mem>>
      %dma_start3A = arith.constant 0 : i32
      %dma_start3A_46 = tpu.memref_slice %arg10[%add3A_25, %dma_start3A] : memref<10240x128xf32, #tpu.memory_space<vmem_shared>> -> memref<80x128xf32, #tpu.memory_space<vmem_shared>>
      %dma_start3A_47 = arith.constant 0 : i32
      %dma_start3A_48 = tpu.memref_slice %arg10[%add3A_25, %dma_start3A_47] : memref<10240x128xf32, #tpu.memory_space<vmem_shared>> -> memref<80x128xf32, #tpu.memory_space<vmem_shared>>
      tpu.enqueue_dma source(%arg8 : memref<80x128xf32, #tpu.memory_space<vmem>>) target(%dma_start3A_48 : memref<80x128xf32, #tpu.memory_space<vmem_shared>>) target_semaphore(%run_scoped3A : memref<!tpu.dma_semaphore, #tpu.memory_space<semaphore_mem>>)
      %dma_wait3A = arith.constant 0 : i32
      %dma_wait3A_49 = tpu.memref_slice %arg10[%add3A_25, %dma_wait3A] : memref<10240x128xf32, #tpu.memory_space<vmem_shared>> -> memref<80x128xf32, #tpu.memory_space<vmem_shared>>
      %dma_wait3A_50 = arith.constant 0 : i32
      %dma_wait3A_51 = tpu.memref_slice %arg10[%add3A_25, %dma_wait3A_50] : memref<10240x128xf32, #tpu.memory_space<vmem_shared>> -> memref<80x128xf32, #tpu.memory_space<vmem_shared>>
      tpu.wait_dma2 semaphore(%run_scoped3A : memref<!tpu.dma_semaphore, #tpu.memory_space<semaphore_mem>>) src(%arg8 : memref<80x128xf32, #tpu.memory_space<vmem>>) dst(%dma_wait3A_51 : memref<80x128xf32, #tpu.memory_space<vmem_shared>>)
      tpu.yield
    }) : () -> ()
    %mul3A_26 = arith.constant 640 : i32
    %mul3A_27 = arith.muli %arg1, %mul3A_26 : i32
    %add3A_28 = arith.constant 400 : i32
    %add3A_29 = arith.addi %mul3A_27, %add3A_28 : i32
    "tpu.region"() ({
      %run_scoped3A = tpu.sem_alloc : memref<!tpu.dma_semaphore, #tpu.memory_space<semaphore_mem>>
      %dma_start3A = arith.constant 0 : i32
      %dma_start3A_46 = tpu.memref_slice %arg10[%add3A_29, %dma_start3A] : memref<10240x128xf32, #tpu.memory_space<vmem_shared>> -> memref<80x128xf32, #tpu.memory_space<vmem_shared>>
      %dma_start3A_47 = arith.constant 0 : i32
      %dma_start3A_48 = tpu.memref_slice %arg10[%add3A_29, %dma_start3A_47] : memref<10240x128xf32, #tpu.memory_space<vmem_shared>> -> memref<80x128xf32, #tpu.memory_space<vmem_shared>>
      tpu.enqueue_dma source(%arg8 : memref<80x128xf32, #tpu.memory_space<vmem>>) target(%dma_start3A_48 : memref<80x128xf32, #tpu.memory_space<vmem_shared>>) target_semaphore(%run_scoped3A : memref<!tpu.dma_semaphore, #tpu.memory_space<semaphore_mem>>)
      %dma_wait3A = arith.constant 0 : i32
      %dma_wait3A_49 = tpu.memref_slice %arg10[%add3A_29, %dma_wait3A] : memref<10240x128xf32, #tpu.memory_space<vmem_shared>> -> memref<80x128xf32, #tpu.memory_space<vmem_shared>>
      %dma_wait3A_50 = arith.constant 0 : i32
      %dma_wait3A_51 = tpu.memref_slice %arg10[%add3A_29, %dma_wait3A_50] : memref<10240x128xf32, #tpu.memory_space<vmem_shared>> -> memref<80x128xf32, #tpu.memory_space<vmem_shared>>
      tpu.wait_dma2 semaphore(%run_scoped3A : memref<!tpu.dma_semaphore, #tpu.memory_space<semaphore_mem>>) src(%arg8 : memref<80x128xf32, #tpu.memory_space<vmem>>) dst(%dma_wait3A_51 : memref<80x128xf32, #tpu.memory_space<vmem_shared>>)
      tpu.yield
    }) : () -> ()
    %mul3A_30 = arith.constant 640 : i32
    %mul3A_31 = arith.muli %arg1, %mul3A_30 : i32
    %add3A_32 = arith.constant 480 : i32
    %add3A_33 = arith.addi %mul3A_31, %add3A_32 : i32
    "tpu.region"() ({
      %run_scoped3A = tpu.sem_alloc : memref<!tpu.dma_semaphore, #tpu.memory_space<semaphore_mem>>
      %dma_start3A = arith.constant 0 : i32
      %dma_start3A_46 = tpu.memref_slice %arg10[%add3A_33, %dma_start3A] : memref<10240x128xf32, #tpu.memory_space<vmem_shared>> -> memref<80x128xf32, #tpu.memory_space<vmem_shared>>
      %dma_start3A_47 = arith.constant 0 : i32
      %dma_start3A_48 = tpu.memref_slice %arg10[%add3A_33, %dma_start3A_47] : memref<10240x128xf32, #tpu.memory_space<vmem_shared>> -> memref<80x128xf32, #tpu.memory_space<vmem_shared>>
      tpu.enqueue_dma source(%arg8 : memref<80x128xf32, #tpu.memory_space<vmem>>) target(%dma_start3A_48 : memref<80x128xf32, #tpu.memory_space<vmem_shared>>) target_semaphore(%run_scoped3A : memref<!tpu.dma_semaphore, #tpu.memory_space<semaphore_mem>>)
      %dma_wait3A = arith.constant 0 : i32
      %dma_wait3A_49 = tpu.memref_slice %arg10[%add3A_33, %dma_wait3A] : memref<10240x128xf32, #tpu.memory_space<vmem_shared>> -> memref<80x128xf32, #tpu.memory_space<vmem_shared>>
      %dma_wait3A_50 = arith.constant 0 : i32
      %dma_wait3A_51 = tpu.memref_slice %arg10[%add3A_33, %dma_wait3A_50] : memref<10240x128xf32, #tpu.memory_space<vmem_shared>> -> memref<80x128xf32, #tpu.memory_space<vmem_shared>>
      tpu.wait_dma2 semaphore(%run_scoped3A : memref<!tpu.dma_semaphore, #tpu.memory_space<semaphore_mem>>) src(%arg8 : memref<80x128xf32, #tpu.memory_space<vmem>>) dst(%dma_wait3A_51 : memref<80x128xf32, #tpu.memory_space<vmem_shared>>)
      tpu.yield
    }) : () -> ()
    %mul3A_34 = arith.constant 640 : i32
    %mul3A_35 = arith.muli %arg1, %mul3A_34 : i32
    %add3A_36 = arith.constant 560 : i32
    %add3A_37 = arith.addi %mul3A_35, %add3A_36 : i32
    "tpu.region"() ({
      %run_scoped3A = tpu.sem_alloc : memref<!tpu.dma_semaphore, #tpu.memory_space<semaphore_mem>>
      %dma_start3A = arith.constant 0 : i32
      %dma_start3A_46 = tpu.memref_slice %arg10[%add3A_37, %dma_start3A] : memref<10240x128xf32, #tpu.memory_space<vmem_shared>> -> memref<80x128xf32, #tpu.memory_space<vmem_shared>>
      %dma_start3A_47 = arith.constant 0 : i32
      %dma_start3A_48 = tpu.memref_slice %arg10[%add3A_37, %dma_start3A_47] : memref<10240x128xf32, #tpu.memory_space<vmem_shared>> -> memref<80x128xf32, #tpu.memory_space<vmem_shared>>
      tpu.enqueue_dma source(%arg8 : memref<80x128xf32, #tpu.memory_space<vmem>>) target(%dma_start3A_48 : memref<80x128xf32, #tpu.memory_space<vmem_shared>>) target_semaphore(%run_scoped3A : memref<!tpu.dma_semaphore, #tpu.memory_space<semaphore_mem>>)
      %dma_wait3A = arith.constant 0 : i32
      %dma_wait3A_49 = tpu.memref_slice %arg10[%add3A_37, %dma_wait3A] : memref<10240x128xf32, #tpu.memory_space<vmem_shared>> -> memref<80x128xf32, #tpu.memory_space<vmem_shared>>
      %dma_wait3A_50 = arith.constant 0 : i32
      %dma_wait3A_51 = tpu.memref_slice %arg10[%add3A_37, %dma_wait3A_50] : memref<10240x128xf32, #tpu.memory_space<vmem_shared>> -> memref<80x128xf32, #tpu.memory_space<vmem_shared>>
      tpu.wait_dma2 semaphore(%run_scoped3A : memref<!tpu.dma_semaphore, #tpu.memory_space<semaphore_mem>>) src(%arg8 : memref<80x128xf32, #tpu.memory_space<vmem>>) dst(%dma_wait3A_51 : memref<80x128xf32, #tpu.memory_space<vmem_shared>>)
      tpu.yield
    }) : () -> ()
    %barrier3A = arith.constant 0 : index
    tpu.barrier barrier_id(%barrier3A)
    %scan3A_38 = arith.constant 0 : i32
    %scan3A_39 = arith.constant 125 : i32
    %scan3A_40 = arith.addi %scan3A_38, %scan3A_39 : i32
    %scan3A_41 = arith.constant 1 : i32
    scf.for %scan3A_46 = %scan3A_38 to %scan3A_40 step %scan3A_41  : i32 {
      %dma_start3A = arith.constant 0 : i32
      %dma_start3A_47 = tpu.memref_slice %arg6[%scan3A_46, %dma_start3A] : memref<125x80xi32, #tpu.memory_space<vmem>> -> memref<1x80xi32, #tpu.memory_space<vmem>>
      %dma_start3A_48 = tpu.memref_squeeze %dma_start3A_47 : memref<1x80xi32, #tpu.memory_space<vmem>> -> memref<80xi32, #tpu.memory_space<vmem>>
      %dma_start3A_49 = arith.constant 0 : i32
      %dma_start3A_50 = arith.constant 0 : i32
      %dma_start3A_51 = tpu.memref_slice %arg2[%dma_start3A_49, %dma_start3A_50] : memref<10000x128xf32, #tpu.memory_space<hbm>> -> memref<10000x128xf32, #tpu.memory_space<hbm>>
      tpu.enqueue_indirect_dma source(%dma_start3A_51 : memref<10000x128xf32, #tpu.memory_space<hbm>>) target(%arg8 : memref<80x128xf32, #tpu.memory_space<vmem>>) offsets(%dma_start3A_48 : memref<80xi32, #tpu.memory_space<vmem>>) semaphore(%arg9 : memref<!tpu.dma_semaphore, #tpu.memory_space<semaphore_mem>>)
      %dma_wait3A = arith.constant 0 : i32
      %dma_wait3A_52 = tpu.memref_slice %arg6[%scan3A_46, %dma_wait3A] : memref<125x80xi32, #tpu.memory_space<vmem>> -> memref<1x80xi32, #tpu.memory_space<vmem>>
      %dma_wait3A_53 = tpu.memref_squeeze %dma_wait3A_52 : memref<1x80xi32, #tpu.memory_space<vmem>> -> memref<80xi32, #tpu.memory_space<vmem>>
      %dma_wait3A_54 = arith.constant 0 : i32
      %dma_wait3A_55 = arith.constant 0 : i32
      %dma_wait3A_56 = tpu.memref_slice %arg2[%dma_wait3A_54, %dma_wait3A_55] : memref<10000x128xf32, #tpu.memory_space<hbm>> -> memref<10000x128xf32, #tpu.memory_space<hbm>>
      tpu.wait_indirect_dma semaphore(%arg9 : memref<!tpu.dma_semaphore, #tpu.memory_space<semaphore_mem>>) src(%dma_wait3A_56 : memref<10000x128xf32, #tpu.memory_space<hbm>>) dst(%arg8 : memref<80x128xf32, #tpu.memory_space<vmem>>)
      "tpu.region"() ({
        %run_scoped3A = tpu.sem_alloc : memref<!tpu.dma_semaphore, #tpu.memory_space<semaphore_mem>>
        %dma_start3A_57 = arith.constant 0 : i32
        %dma_start3A_58 = tpu.memref_slice %arg7[%scan3A_46, %dma_start3A_57] : memref<125x80xi32, #tpu.memory_space<vmem>> -> memref<1x80xi32, #tpu.memory_space<vmem>>
        %dma_start3A_59 = tpu.memref_squeeze %dma_start3A_58 : memref<1x80xi32, #tpu.memory_space<vmem>> -> memref<80xi32, #tpu.memory_space<vmem>>
        %dma_start3A_60 = arith.constant 0 : i32
        %dma_start3A_61 = arith.constant 0 : i32
        %dma_start3A_62 = tpu.memref_slice %arg10[%dma_start3A_60, %dma_start3A_61] : memref<10240x128xf32, #tpu.memory_space<vmem_shared>> -> memref<10240x128xf32, #tpu.memory_space<vmem_shared>>
        tpu.enqueue_indirect_dma source(%arg8 : memref<80x128xf32, #tpu.memory_space<vmem>>) target(%dma_start3A_62 : memref<10240x128xf32, #tpu.memory_space<vmem_shared>>) offsets(%dma_start3A_59 : memref<80xi32, #tpu.memory_space<vmem>>) semaphore(%run_scoped3A : memref<!tpu.dma_semaphore, #tpu.memory_space<semaphore_mem>>) {add = true}
        %dma_wait3A_63 = arith.constant 0 : i32
        %dma_wait3A_64 = tpu.memref_slice %arg7[%scan3A_46, %dma_wait3A_63] : memref<125x80xi32, #tpu.memory_space<vmem>> -> memref<1x80xi32, #tpu.memory_space<vmem>>
        %dma_wait3A_65 = tpu.memref_squeeze %dma_wait3A_64 : memref<1x80xi32, #tpu.memory_space<vmem>> -> memref<80xi32, #tpu.memory_space<vmem>>
        %dma_wait3A_66 = arith.constant 0 : i32
        %dma_wait3A_67 = arith.constant 0 : i32
        %dma_wait3A_68 = tpu.memref_slice %arg10[%dma_wait3A_66, %dma_wait3A_67] : memref<10240x128xf32, #tpu.memory_space<vmem_shared>> -> memref<10240x128xf32, #tpu.memory_space<vmem_shared>>
        tpu.wait_indirect_dma semaphore(%run_scoped3A : memref<!tpu.dma_semaphore, #tpu.memory_space<semaphore_mem>>) src(%arg8 : memref<80x128xf32, #tpu.memory_space<vmem>>) dst(%dma_wait3A_68 : memref<10240x128xf32, #tpu.memory_space<vmem_shared>>)
        tpu.yield
      }) : () -> ()
    }
    %scan3A_42 = arith.constant 125 : i32
    %barrier3A_43 = arith.constant 0 : index
    tpu.barrier barrier_id(%barrier3A_43)
    %mul3A_44 = arith.constant 640 : i32
    %mul3A_45 = arith.muli %arg1, %mul3A_44 : i32
    "tpu.region"() ({
      %run_scoped3A = tpu.sem_alloc : memref<!tpu.dma_semaphore, #tpu.memory_space<semaphore_mem>>
      %dma_start3A = arith.constant 0 : i32
      %dma_start3A_46 = arith.constant 0 : i32
      %dma_start3A_47 = tpu.memref_slice %arg5[%arg0, %arg1, %dma_start3A, %dma_start3A_46] : memref<2x16x640x128xf32, #tpu.memory_space<hbm>> -> memref<1x1x640x128xf32, #tpu.memory_space<hbm>>
      %dma_start3A_48 = tpu.memref_squeeze %dma_start3A_47 : memref<1x1x640x128xf32, #tpu.memory_space<hbm>> -> memref<640x128xf32, #tpu.memory_space<hbm>>
      %dma_start3A_49 = arith.constant 0 : i32
      %dma_start3A_50 = tpu.memref_slice %arg10[%mul3A_45, %dma_start3A_49] : memref<10240x128xf32, #tpu.memory_space<vmem_shared>> -> memref<640x128xf32, #tpu.memory_space<vmem_shared>>
      tpu.enqueue_dma source(%dma_start3A_50 : memref<640x128xf32, #tpu.memory_space<vmem_shared>>) target(%dma_start3A_48 : memref<640x128xf32, #tpu.memory_space<hbm>>) target_semaphore(%run_scoped3A : memref<!tpu.dma_semaphore, #tpu.memory_space<semaphore_mem>>)
      %dma_wait3A = arith.constant 0 : i32
      %dma_wait3A_51 = arith.constant 0 : i32
      %dma_wait3A_52 = tpu.memref_slice %arg5[%arg0, %arg1, %dma_wait3A, %dma_wait3A_51] : memref<2x16x640x128xf32, #tpu.memory_space<hbm>> -> memref<1x1x640x128xf32, #tpu.memory_space<hbm>>
      %dma_wait3A_53 = tpu.memref_squeeze %dma_wait3A_52 : memref<1x1x640x128xf32, #tpu.memory_space<hbm>> -> memref<640x128xf32, #tpu.memory_space<hbm>>
      %dma_wait3A_54 = arith.constant 0 : i32
      %dma_wait3A_55 = tpu.memref_slice %arg10[%mul3A_45, %dma_wait3A_54] : memref<10240x128xf32, #tpu.memory_space<vmem_shared>> -> memref<640x128xf32, #tpu.memory_space<vmem_shared>>
      tpu.wait_dma2 semaphore(%run_scoped3A : memref<!tpu.dma_semaphore, #tpu.memory_space<semaphore_mem>>) src(%dma_wait3A_55 : memref<640x128xf32, #tpu.memory_space<vmem_shared>>) dst(%dma_wait3A_53 : memref<640x128xf32, #tpu.memory_space<hbm>>)
      tpu.yield
    }) : () -> ()
    return
  }
}

#map = affine_map<(d0, d1) -> (0, 0, 0)>
#map1 = affine_map<(d0, d1) -> (0, 0, 0, 0)>
module attributes {stable_mosaic.version = 14 : i64} {
  func.func @_sc_degree(%arg0: i32, %arg1: i32, %arg2: memref<32x125x80xi32, #tpu.memory_space<hbm>>, %arg3: memref<2x16x640x128xf32, #tpu.memory_space<hbm>>, %arg4: memref<125x80xi32, #tpu.memory_space<vmem>>, %arg5: memref<80x128xf32, #tpu.memory_space<vmem>>, %arg6: memref<10240x128xf32, #tpu.memory_space<vmem_shared>>) attributes {dimension_semantics = [#tpu.dimension_semantics<core_parallel>, #tpu.dimension_semantics<subcore_parallel>], iteration_bounds = array<i64: 2, 16>, scalar_prefetch = 0 : i64, scratch_operands = 3 : i64, tpu.core_type = #tpu.core_type<sc_vector_subcore>, window_params = [{transform_indices = #map}, {transform_indices = #map1}]} {
    %mul3A = arith.constant 16 : i32
    %mul3A_0 = arith.muli %arg0, %mul3A : i32
    %add3A = arith.addi %mul3A_0, %arg1 : i32
    "tpu.region"() ({
      %run_scoped3A = tpu.sem_alloc : memref<!tpu.dma_semaphore, #tpu.memory_space<semaphore_mem>>
      %dma_start3A = arith.constant 0 : i32
      %dma_start3A_53 = arith.constant 0 : i32
      %dma_start3A_54 = tpu.memref_slice %arg2[%add3A, %dma_start3A, %dma_start3A_53] : memref<32x125x80xi32, #tpu.memory_space<hbm>> -> memref<1x125x80xi32, #tpu.memory_space<hbm>>
      %dma_start3A_55 = tpu.memref_squeeze %dma_start3A_54 : memref<1x125x80xi32, #tpu.memory_space<hbm>> -> memref<125x80xi32, #tpu.memory_space<hbm>>
      %dma_start3A_56 = arith.constant 0 : i32
      %dma_start3A_57 = arith.constant 0 : i32
      %dma_start3A_58 = tpu.memref_slice %arg2[%add3A, %dma_start3A_56, %dma_start3A_57] : memref<32x125x80xi32, #tpu.memory_space<hbm>> -> memref<1x125x80xi32, #tpu.memory_space<hbm>>
      %dma_start3A_59 = tpu.memref_squeeze %dma_start3A_58 : memref<1x125x80xi32, #tpu.memory_space<hbm>> -> memref<125x80xi32, #tpu.memory_space<hbm>>
      tpu.enqueue_dma source(%dma_start3A_59 : memref<125x80xi32, #tpu.memory_space<hbm>>) target(%arg4 : memref<125x80xi32, #tpu.memory_space<vmem>>) target_semaphore(%run_scoped3A : memref<!tpu.dma_semaphore, #tpu.memory_space<semaphore_mem>>)
      %dma_wait3A = arith.constant 0 : i32
      %dma_wait3A_60 = arith.constant 0 : i32
      %dma_wait3A_61 = tpu.memref_slice %arg2[%add3A, %dma_wait3A, %dma_wait3A_60] : memref<32x125x80xi32, #tpu.memory_space<hbm>> -> memref<1x125x80xi32, #tpu.memory_space<hbm>>
      %dma_wait3A_62 = tpu.memref_squeeze %dma_wait3A_61 : memref<1x125x80xi32, #tpu.memory_space<hbm>> -> memref<125x80xi32, #tpu.memory_space<hbm>>
      %dma_wait3A_63 = arith.constant 0 : i32
      %dma_wait3A_64 = arith.constant 0 : i32
      %dma_wait3A_65 = tpu.memref_slice %arg2[%add3A, %dma_wait3A_63, %dma_wait3A_64] : memref<32x125x80xi32, #tpu.memory_space<hbm>> -> memref<1x125x80xi32, #tpu.memory_space<hbm>>
      %dma_wait3A_66 = tpu.memref_squeeze %dma_wait3A_65 : memref<1x125x80xi32, #tpu.memory_space<hbm>> -> memref<125x80xi32, #tpu.memory_space<hbm>>
      tpu.wait_dma2 semaphore(%run_scoped3A : memref<!tpu.dma_semaphore, #tpu.memory_space<semaphore_mem>>) src(%dma_wait3A_66 : memref<125x80xi32, #tpu.memory_space<hbm>>) dst(%arg4 : memref<125x80xi32, #tpu.memory_space<vmem>>)
      tpu.yield
    }) : () -> ()
    %broadcast_in_dim3A = arith.constant 0.000000e+00 : f32
    %broadcast_in_dim3A_1 = vector.broadcast %broadcast_in_dim3A : f32 to vector<16xf32>
    %scan3A = arith.constant 0 : i32
    %scan3A_2 = arith.constant 80 : i32
    %scan3A_3 = arith.addi %scan3A, %scan3A_2 : i32
    %scan3A_4 = arith.constant 1 : i32
    scf.for %scan3A_53 = %scan3A to %scan3A_3 step %scan3A_4  : i32 {
      %swap3A = arith.index_cast %scan3A_53 : i32 to index
      %swap3A_54 = arith.constant 0 : index
      %swap3A_55 = tpu.vector_load %arg5[%swap3A, %swap3A_54] {strides = array<i32>} : memref<80x128xf32, #tpu.memory_space<vmem>>, vector<1x16xf32>,
      %swap3A_56 = vector.shape_cast %swap3A_55 : vector<1x16xf32> to vector<16xf32>
      %swap3A_57 = vector.shape_cast %broadcast_in_dim3A_1 : vector<16xf32> to vector<1x16xf32>
      tpu.vector_store %arg5[%swap3A, %swap3A_54], %swap3A_57 {strides = array<i32>} : memref<80x128xf32, #tpu.memory_space<vmem>>, vector<1x16xf32>,
      %swap3A_58 = arith.index_cast %scan3A_53 : i32 to index
      %swap3A_59 = arith.constant 16 : index
      %swap3A_60 = tpu.vector_load %arg5[%swap3A_58, %swap3A_59] {strides = array<i32>} : memref<80x128xf32, #tpu.memory_space<vmem>>, vector<1x16xf32>,
      %swap3A_61 = vector.shape_cast %swap3A_60 : vector<1x16xf32> to vector<16xf32>
      %swap3A_62 = vector.shape_cast %broadcast_in_dim3A_1 : vector<16xf32> to vector<1x16xf32>
      tpu.vector_store %arg5[%swap3A_58, %swap3A_59], %swap3A_62 {strides = array<i32>} : memref<80x128xf32, #tpu.memory_space<vmem>>, vector<1x16xf32>,
      %swap3A_63 = arith.index_cast %scan3A_53 : i32 to index
      %swap3A_64 = arith.constant 32 : index
      %swap3A_65 = tpu.vector_load %arg5[%swap3A_63, %swap3A_64] {strides = array<i32>} : memref<80x128xf32, #tpu.memory_space<vmem>>, vector<1x16xf32>,
      %swap3A_66 = vector.shape_cast %swap3A_65 : vector<1x16xf32> to vector<16xf32>
      %swap3A_67 = vector.shape_cast %broadcast_in_dim3A_1 : vector<16xf32> to vector<1x16xf32>
      tpu.vector_store %arg5[%swap3A_63, %swap3A_64], %swap3A_67 {strides = array<i32>} : memref<80x128xf32, #tpu.memory_space<vmem>>, vector<1x16xf32>,
      %swap3A_68 = arith.index_cast %scan3A_53 : i32 to index
      %swap3A_69 = arith.constant 48 : index
      %swap3A_70 = tpu.vector_load %arg5[%swap3A_68, %swap3A_69] {strides = array<i32>} : memref<80x128xf32, #tpu.memory_space<vmem>>, vector<1x16xf32>,
      %swap3A_71 = vector.shape_cast %swap3A_70 : vector<1x16xf32> to vector<16xf32>
      %swap3A_72 = vector.shape_cast %broadcast_in_dim3A_1 : vector<16xf32> to vector<1x16xf32>
      tpu.vector_store %arg5[%swap3A_68, %swap3A_69], %swap3A_72 {strides = array<i32>} : memref<80x128xf32, #tpu.memory_space<vmem>>, vector<1x16xf32>,
      %swap3A_73 = arith.index_cast %scan3A_53 : i32 to index
      %swap3A_74 = arith.constant 64 : index
      %swap3A_75 = tpu.vector_load %arg5[%swap3A_73, %swap3A_74] {strides = array<i32>} : memref<80x128xf32, #tpu.memory_space<vmem>>, vector<1x16xf32>,
      %swap3A_76 = vector.shape_cast %swap3A_75 : vector<1x16xf32> to vector<16xf32>
      %swap3A_77 = vector.shape_cast %broadcast_in_dim3A_1 : vector<16xf32> to vector<1x16xf32>
      tpu.vector_store %arg5[%swap3A_73, %swap3A_74], %swap3A_77 {strides = array<i32>} : memref<80x128xf32, #tpu.memory_space<vmem>>, vector<1x16xf32>,
      %swap3A_78 = arith.index_cast %scan3A_53 : i32 to index
      %swap3A_79 = arith.constant 80 : index
      %swap3A_80 = tpu.vector_load %arg5[%swap3A_78, %swap3A_79] {strides = array<i32>} : memref<80x128xf32, #tpu.memory_space<vmem>>, vector<1x16xf32>,
      %swap3A_81 = vector.shape_cast %swap3A_80 : vector<1x16xf32> to vector<16xf32>
      %swap3A_82 = vector.shape_cast %broadcast_in_dim3A_1 : vector<16xf32> to vector<1x16xf32>
      tpu.vector_store %arg5[%swap3A_78, %swap3A_79], %swap3A_82 {strides = array<i32>} : memref<80x128xf32, #tpu.memory_space<vmem>>, vector<1x16xf32>,
      %swap3A_83 = arith.index_cast %scan3A_53 : i32 to index
      %swap3A_84 = arith.constant 96 : index
      %swap3A_85 = tpu.vector_load %arg5[%swap3A_83, %swap3A_84] {strides = array<i32>} : memref<80x128xf32, #tpu.memory_space<vmem>>, vector<1x16xf32>,
      %swap3A_86 = vector.shape_cast %swap3A_85 : vector<1x16xf32> to vector<16xf32>
      %swap3A_87 = vector.shape_cast %broadcast_in_dim3A_1 : vector<16xf32> to vector<1x16xf32>
      tpu.vector_store %arg5[%swap3A_83, %swap3A_84], %swap3A_87 {strides = array<i32>} : memref<80x128xf32, #tpu.memory_space<vmem>>, vector<1x16xf32>,
      %swap3A_88 = arith.index_cast %scan3A_53 : i32 to index
      %swap3A_89 = arith.constant 112 : index
      %swap3A_90 = tpu.vector_load %arg5[%swap3A_88, %swap3A_89] {strides = array<i32>} : memref<80x128xf32, #tpu.memory_space<vmem>>, vector<1x16xf32>,
      %swap3A_91 = vector.shape_cast %swap3A_90 : vector<1x16xf32> to vector<16xf32>
      %swap3A_92 = vector.shape_cast %broadcast_in_dim3A_1 : vector<16xf32> to vector<1x16xf32>
      tpu.vector_store %arg5[%swap3A_88, %swap3A_89], %swap3A_92 {strides = array<i32>} : memref<80x128xf32, #tpu.memory_space<vmem>>, vector<1x16xf32>,
    }
    %scan3A_5 = arith.constant 80 : i32
    %mul3A_6 = arith.constant 640 : i32
    %mul3A_7 = arith.muli %arg1, %mul3A_6 : i32
    %add3A_8 = arith.constant 0 : i32
    %add3A_9 = arith.addi %mul3A_7, %add3A_8 : i32
    "tpu.region"() ({
      %run_scoped3A = tpu.sem_alloc : memref<!tpu.dma_semaphore, #tpu.memory_space<semaphore_mem>>
      %dma_start3A = arith.constant 0 : i32
      %dma_start3A_53 = tpu.memref_slice %arg6[%add3A_9, %dma_start3A] : memref<10240x128xf32, #tpu.memory_space<vmem_shared>> -> memref<80x128xf32, #tpu.memory_space<vmem_shared>>
      %dma_start3A_54 = arith.constant 0 : i32
      %dma_start3A_55 = tpu.memref_slice %arg6[%add3A_9, %dma_start3A_54] : memref<10240x128xf32, #tpu.memory_space<vmem_shared>> -> memref<80x128xf32, #tpu.memory_space<vmem_shared>>
      tpu.enqueue_dma source(%arg5 : memref<80x128xf32, #tpu.memory_space<vmem>>) target(%dma_start3A_55 : memref<80x128xf32, #tpu.memory_space<vmem_shared>>) target_semaphore(%run_scoped3A : memref<!tpu.dma_semaphore, #tpu.memory_space<semaphore_mem>>)
      %dma_wait3A = arith.constant 0 : i32
      %dma_wait3A_56 = tpu.memref_slice %arg6[%add3A_9, %dma_wait3A] : memref<10240x128xf32, #tpu.memory_space<vmem_shared>> -> memref<80x128xf32, #tpu.memory_space<vmem_shared>>
      %dma_wait3A_57 = arith.constant 0 : i32
      %dma_wait3A_58 = tpu.memref_slice %arg6[%add3A_9, %dma_wait3A_57] : memref<10240x128xf32, #tpu.memory_space<vmem_shared>> -> memref<80x128xf32, #tpu.memory_space<vmem_shared>>
      tpu.wait_dma2 semaphore(%run_scoped3A : memref<!tpu.dma_semaphore, #tpu.memory_space<semaphore_mem>>) src(%arg5 : memref<80x128xf32, #tpu.memory_space<vmem>>) dst(%dma_wait3A_58 : memref<80x128xf32, #tpu.memory_space<vmem_shared>>)
      tpu.yield
    }) : () -> ()
    %mul3A_10 = arith.constant 640 : i32
    %mul3A_11 = arith.muli %arg1, %mul3A_10 : i32
    %add3A_12 = arith.constant 80 : i32
    %add3A_13 = arith.addi %mul3A_11, %add3A_12 : i32
    "tpu.region"() ({
      %run_scoped3A = tpu.sem_alloc : memref<!tpu.dma_semaphore, #tpu.memory_space<semaphore_mem>>
      %dma_start3A = arith.constant 0 : i32
      %dma_start3A_53 = tpu.memref_slice %arg6[%add3A_13, %dma_start3A] : memref<10240x128xf32, #tpu.memory_space<vmem_shared>> -> memref<80x128xf32, #tpu.memory_space<vmem_shared>>
      %dma_start3A_54 = arith.constant 0 : i32
      %dma_start3A_55 = tpu.memref_slice %arg6[%add3A_13, %dma_start3A_54] : memref<10240x128xf32, #tpu.memory_space<vmem_shared>> -> memref<80x128xf32, #tpu.memory_space<vmem_shared>>
      tpu.enqueue_dma source(%arg5 : memref<80x128xf32, #tpu.memory_space<vmem>>) target(%dma_start3A_55 : memref<80x128xf32, #tpu.memory_space<vmem_shared>>) target_semaphore(%run_scoped3A : memref<!tpu.dma_semaphore, #tpu.memory_space<semaphore_mem>>)
      %dma_wait3A = arith.constant 0 : i32
      %dma_wait3A_56 = tpu.memref_slice %arg6[%add3A_13, %dma_wait3A] : memref<10240x128xf32, #tpu.memory_space<vmem_shared>> -> memref<80x128xf32, #tpu.memory_space<vmem_shared>>
      %dma_wait3A_57 = arith.constant 0 : i32
      %dma_wait3A_58 = tpu.memref_slice %arg6[%add3A_13, %dma_wait3A_57] : memref<10240x128xf32, #tpu.memory_space<vmem_shared>> -> memref<80x128xf32, #tpu.memory_space<vmem_shared>>
      tpu.wait_dma2 semaphore(%run_scoped3A : memref<!tpu.dma_semaphore, #tpu.memory_space<semaphore_mem>>) src(%arg5 : memref<80x128xf32, #tpu.memory_space<vmem>>) dst(%dma_wait3A_58 : memref<80x128xf32, #tpu.memory_space<vmem_shared>>)
      tpu.yield
    }) : () -> ()
    %mul3A_14 = arith.constant 640 : i32
    %mul3A_15 = arith.muli %arg1, %mul3A_14 : i32
    %add3A_16 = arith.constant 160 : i32
    %add3A_17 = arith.addi %mul3A_15, %add3A_16 : i32
    "tpu.region"() ({
      %run_scoped3A = tpu.sem_alloc : memref<!tpu.dma_semaphore, #tpu.memory_space<semaphore_mem>>
      %dma_start3A = arith.constant 0 : i32
      %dma_start3A_53 = tpu.memref_slice %arg6[%add3A_17, %dma_start3A] : memref<10240x128xf32, #tpu.memory_space<vmem_shared>> -> memref<80x128xf32, #tpu.memory_space<vmem_shared>>
      %dma_start3A_54 = arith.constant 0 : i32
      %dma_start3A_55 = tpu.memref_slice %arg6[%add3A_17, %dma_start3A_54] : memref<10240x128xf32, #tpu.memory_space<vmem_shared>> -> memref<80x128xf32, #tpu.memory_space<vmem_shared>>
      tpu.enqueue_dma source(%arg5 : memref<80x128xf32, #tpu.memory_space<vmem>>) target(%dma_start3A_55 : memref<80x128xf32, #tpu.memory_space<vmem_shared>>) target_semaphore(%run_scoped3A : memref<!tpu.dma_semaphore, #tpu.memory_space<semaphore_mem>>)
      %dma_wait3A = arith.constant 0 : i32
      %dma_wait3A_56 = tpu.memref_slice %arg6[%add3A_17, %dma_wait3A] : memref<10240x128xf32, #tpu.memory_space<vmem_shared>> -> memref<80x128xf32, #tpu.memory_space<vmem_shared>>
      %dma_wait3A_57 = arith.constant 0 : i32
      %dma_wait3A_58 = tpu.memref_slice %arg6[%add3A_17, %dma_wait3A_57] : memref<10240x128xf32, #tpu.memory_space<vmem_shared>> -> memref<80x128xf32, #tpu.memory_space<vmem_shared>>
      tpu.wait_dma2 semaphore(%run_scoped3A : memref<!tpu.dma_semaphore, #tpu.memory_space<semaphore_mem>>) src(%arg5 : memref<80x128xf32, #tpu.memory_space<vmem>>) dst(%dma_wait3A_58 : memref<80x128xf32, #tpu.memory_space<vmem_shared>>)
      tpu.yield
    }) : () -> ()
    %mul3A_18 = arith.constant 640 : i32
    %mul3A_19 = arith.muli %arg1, %mul3A_18 : i32
    %add3A_20 = arith.constant 240 : i32
    %add3A_21 = arith.addi %mul3A_19, %add3A_20 : i32
    "tpu.region"() ({
      %run_scoped3A = tpu.sem_alloc : memref<!tpu.dma_semaphore, #tpu.memory_space<semaphore_mem>>
      %dma_start3A = arith.constant 0 : i32
      %dma_start3A_53 = tpu.memref_slice %arg6[%add3A_21, %dma_start3A] : memref<10240x128xf32, #tpu.memory_space<vmem_shared>> -> memref<80x128xf32, #tpu.memory_space<vmem_shared>>
      %dma_start3A_54 = arith.constant 0 : i32
      %dma_start3A_55 = tpu.memref_slice %arg6[%add3A_21, %dma_start3A_54] : memref<10240x128xf32, #tpu.memory_space<vmem_shared>> -> memref<80x128xf32, #tpu.memory_space<vmem_shared>>
      tpu.enqueue_dma source(%arg5 : memref<80x128xf32, #tpu.memory_space<vmem>>) target(%dma_start3A_55 : memref<80x128xf32, #tpu.memory_space<vmem_shared>>) target_semaphore(%run_scoped3A : memref<!tpu.dma_semaphore, #tpu.memory_space<semaphore_mem>>)
      %dma_wait3A = arith.constant 0 : i32
      %dma_wait3A_56 = tpu.memref_slice %arg6[%add3A_21, %dma_wait3A] : memref<10240x128xf32, #tpu.memory_space<vmem_shared>> -> memref<80x128xf32, #tpu.memory_space<vmem_shared>>
      %dma_wait3A_57 = arith.constant 0 : i32
      %dma_wait3A_58 = tpu.memref_slice %arg6[%add3A_21, %dma_wait3A_57] : memref<10240x128xf32, #tpu.memory_space<vmem_shared>> -> memref<80x128xf32, #tpu.memory_space<vmem_shared>>
      tpu.wait_dma2 semaphore(%run_scoped3A : memref<!tpu.dma_semaphore, #tpu.memory_space<semaphore_mem>>) src(%arg5 : memref<80x128xf32, #tpu.memory_space<vmem>>) dst(%dma_wait3A_58 : memref<80x128xf32, #tpu.memory_space<vmem_shared>>)
      tpu.yield
    }) : () -> ()
    %mul3A_22 = arith.constant 640 : i32
    %mul3A_23 = arith.muli %arg1, %mul3A_22 : i32
    %add3A_24 = arith.constant 320 : i32
    %add3A_25 = arith.addi %mul3A_23, %add3A_24 : i32
    "tpu.region"() ({
      %run_scoped3A = tpu.sem_alloc : memref<!tpu.dma_semaphore, #tpu.memory_space<semaphore_mem>>
      %dma_start3A = arith.constant 0 : i32
      %dma_start3A_53 = tpu.memref_slice %arg6[%add3A_25, %dma_start3A] : memref<10240x128xf32, #tpu.memory_space<vmem_shared>> -> memref<80x128xf32, #tpu.memory_space<vmem_shared>>
      %dma_start3A_54 = arith.constant 0 : i32
      %dma_start3A_55 = tpu.memref_slice %arg6[%add3A_25, %dma_start3A_54] : memref<10240x128xf32, #tpu.memory_space<vmem_shared>> -> memref<80x128xf32, #tpu.memory_space<vmem_shared>>
      tpu.enqueue_dma source(%arg5 : memref<80x128xf32, #tpu.memory_space<vmem>>) target(%dma_start3A_55 : memref<80x128xf32, #tpu.memory_space<vmem_shared>>) target_semaphore(%run_scoped3A : memref<!tpu.dma_semaphore, #tpu.memory_space<semaphore_mem>>)
      %dma_wait3A = arith.constant 0 : i32
      %dma_wait3A_56 = tpu.memref_slice %arg6[%add3A_25, %dma_wait3A] : memref<10240x128xf32, #tpu.memory_space<vmem_shared>> -> memref<80x128xf32, #tpu.memory_space<vmem_shared>>
      %dma_wait3A_57 = arith.constant 0 : i32
      %dma_wait3A_58 = tpu.memref_slice %arg6[%add3A_25, %dma_wait3A_57] : memref<10240x128xf32, #tpu.memory_space<vmem_shared>> -> memref<80x128xf32, #tpu.memory_space<vmem_shared>>
      tpu.wait_dma2 semaphore(%run_scoped3A : memref<!tpu.dma_semaphore, #tpu.memory_space<semaphore_mem>>) src(%arg5 : memref<80x128xf32, #tpu.memory_space<vmem>>) dst(%dma_wait3A_58 : memref<80x128xf32, #tpu.memory_space<vmem_shared>>)
      tpu.yield
    }) : () -> ()
    %mul3A_26 = arith.constant 640 : i32
    %mul3A_27 = arith.muli %arg1, %mul3A_26 : i32
    %add3A_28 = arith.constant 400 : i32
    %add3A_29 = arith.addi %mul3A_27, %add3A_28 : i32
    "tpu.region"() ({
      %run_scoped3A = tpu.sem_alloc : memref<!tpu.dma_semaphore, #tpu.memory_space<semaphore_mem>>
      %dma_start3A = arith.constant 0 : i32
      %dma_start3A_53 = tpu.memref_slice %arg6[%add3A_29, %dma_start3A] : memref<10240x128xf32, #tpu.memory_space<vmem_shared>> -> memref<80x128xf32, #tpu.memory_space<vmem_shared>>
      %dma_start3A_54 = arith.constant 0 : i32
      %dma_start3A_55 = tpu.memref_slice %arg6[%add3A_29, %dma_start3A_54] : memref<10240x128xf32, #tpu.memory_space<vmem_shared>> -> memref<80x128xf32, #tpu.memory_space<vmem_shared>>
      tpu.enqueue_dma source(%arg5 : memref<80x128xf32, #tpu.memory_space<vmem>>) target(%dma_start3A_55 : memref<80x128xf32, #tpu.memory_space<vmem_shared>>) target_semaphore(%run_scoped3A : memref<!tpu.dma_semaphore, #tpu.memory_space<semaphore_mem>>)
      %dma_wait3A = arith.constant 0 : i32
      %dma_wait3A_56 = tpu.memref_slice %arg6[%add3A_29, %dma_wait3A] : memref<10240x128xf32, #tpu.memory_space<vmem_shared>> -> memref<80x128xf32, #tpu.memory_space<vmem_shared>>
      %dma_wait3A_57 = arith.constant 0 : i32
      %dma_wait3A_58 = tpu.memref_slice %arg6[%add3A_29, %dma_wait3A_57] : memref<10240x128xf32, #tpu.memory_space<vmem_shared>> -> memref<80x128xf32, #tpu.memory_space<vmem_shared>>
      tpu.wait_dma2 semaphore(%run_scoped3A : memref<!tpu.dma_semaphore, #tpu.memory_space<semaphore_mem>>) src(%arg5 : memref<80x128xf32, #tpu.memory_space<vmem>>) dst(%dma_wait3A_58 : memref<80x128xf32, #tpu.memory_space<vmem_shared>>)
      tpu.yield
    }) : () -> ()
    %mul3A_30 = arith.constant 640 : i32
    %mul3A_31 = arith.muli %arg1, %mul3A_30 : i32
    %add3A_32 = arith.constant 480 : i32
    %add3A_33 = arith.addi %mul3A_31, %add3A_32 : i32
    "tpu.region"() ({
      %run_scoped3A = tpu.sem_alloc : memref<!tpu.dma_semaphore, #tpu.memory_space<semaphore_mem>>
      %dma_start3A = arith.constant 0 : i32
      %dma_start3A_53 = tpu.memref_slice %arg6[%add3A_33, %dma_start3A] : memref<10240x128xf32, #tpu.memory_space<vmem_shared>> -> memref<80x128xf32, #tpu.memory_space<vmem_shared>>
      %dma_start3A_54 = arith.constant 0 : i32
      %dma_start3A_55 = tpu.memref_slice %arg6[%add3A_33, %dma_start3A_54] : memref<10240x128xf32, #tpu.memory_space<vmem_shared>> -> memref<80x128xf32, #tpu.memory_space<vmem_shared>>
      tpu.enqueue_dma source(%arg5 : memref<80x128xf32, #tpu.memory_space<vmem>>) target(%dma_start3A_55 : memref<80x128xf32, #tpu.memory_space<vmem_shared>>) target_semaphore(%run_scoped3A : memref<!tpu.dma_semaphore, #tpu.memory_space<semaphore_mem>>)
      %dma_wait3A = arith.constant 0 : i32
      %dma_wait3A_56 = tpu.memref_slice %arg6[%add3A_33, %dma_wait3A] : memref<10240x128xf32, #tpu.memory_space<vmem_shared>> -> memref<80x128xf32, #tpu.memory_space<vmem_shared>>
      %dma_wait3A_57 = arith.constant 0 : i32
      %dma_wait3A_58 = tpu.memref_slice %arg6[%add3A_33, %dma_wait3A_57] : memref<10240x128xf32, #tpu.memory_space<vmem_shared>> -> memref<80x128xf32, #tpu.memory_space<vmem_shared>>
      tpu.wait_dma2 semaphore(%run_scoped3A : memref<!tpu.dma_semaphore, #tpu.memory_space<semaphore_mem>>) src(%arg5 : memref<80x128xf32, #tpu.memory_space<vmem>>) dst(%dma_wait3A_58 : memref<80x128xf32, #tpu.memory_space<vmem_shared>>)
      tpu.yield
    }) : () -> ()
    %mul3A_34 = arith.constant 640 : i32
    %mul3A_35 = arith.muli %arg1, %mul3A_34 : i32
    %add3A_36 = arith.constant 560 : i32
    %add3A_37 = arith.addi %mul3A_35, %add3A_36 : i32
    "tpu.region"() ({
      %run_scoped3A = tpu.sem_alloc : memref<!tpu.dma_semaphore, #tpu.memory_space<semaphore_mem>>
      %dma_start3A = arith.constant 0 : i32
      %dma_start3A_53 = tpu.memref_slice %arg6[%add3A_37, %dma_start3A] : memref<10240x128xf32, #tpu.memory_space<vmem_shared>> -> memref<80x128xf32, #tpu.memory_space<vmem_shared>>
      %dma_start3A_54 = arith.constant 0 : i32
      %dma_start3A_55 = tpu.memref_slice %arg6[%add3A_37, %dma_start3A_54] : memref<10240x128xf32, #tpu.memory_space<vmem_shared>> -> memref<80x128xf32, #tpu.memory_space<vmem_shared>>
      tpu.enqueue_dma source(%arg5 : memref<80x128xf32, #tpu.memory_space<vmem>>) target(%dma_start3A_55 : memref<80x128xf32, #tpu.memory_space<vmem_shared>>) target_semaphore(%run_scoped3A : memref<!tpu.dma_semaphore, #tpu.memory_space<semaphore_mem>>)
      %dma_wait3A = arith.constant 0 : i32
      %dma_wait3A_56 = tpu.memref_slice %arg6[%add3A_37, %dma_wait3A] : memref<10240x128xf32, #tpu.memory_space<vmem_shared>> -> memref<80x128xf32, #tpu.memory_space<vmem_shared>>
      %dma_wait3A_57 = arith.constant 0 : i32
      %dma_wait3A_58 = tpu.memref_slice %arg6[%add3A_37, %dma_wait3A_57] : memref<10240x128xf32, #tpu.memory_space<vmem_shared>> -> memref<80x128xf32, #tpu.memory_space<vmem_shared>>
      tpu.wait_dma2 semaphore(%run_scoped3A : memref<!tpu.dma_semaphore, #tpu.memory_space<semaphore_mem>>) src(%arg5 : memref<80x128xf32, #tpu.memory_space<vmem>>) dst(%dma_wait3A_58 : memref<80x128xf32, #tpu.memory_space<vmem_shared>>)
      tpu.yield
    }) : () -> ()
    %barrier3A = arith.constant 0 : index
    tpu.barrier barrier_id(%barrier3A)
    %broadcast_in_dim3A_38 = arith.constant 1.000000e+00 : f32
    %broadcast_in_dim3A_39 = vector.broadcast %broadcast_in_dim3A_38 : f32 to vector<16xf32>
    %scan3A_40 = arith.constant 0 : i32
    %scan3A_41 = arith.constant 80 : i32
    %scan3A_42 = arith.addi %scan3A_40, %scan3A_41 : i32
    %scan3A_43 = arith.constant 1 : i32
    scf.for %scan3A_53 = %scan3A_40 to %scan3A_42 step %scan3A_43  : i32 {
      %swap3A = arith.index_cast %scan3A_53 : i32 to index
      %swap3A_54 = arith.constant 0 : index
      %swap3A_55 = tpu.vector_load %arg5[%swap3A, %swap3A_54] {strides = array<i32>} : memref<80x128xf32, #tpu.memory_space<vmem>>, vector<1x16xf32>,
      %swap3A_56 = vector.shape_cast %swap3A_55 : vector<1x16xf32> to vector<16xf32>
      %swap3A_57 = vector.shape_cast %broadcast_in_dim3A_39 : vector<16xf32> to vector<1x16xf32>
      tpu.vector_store %arg5[%swap3A, %swap3A_54], %swap3A_57 {strides = array<i32>} : memref<80x128xf32, #tpu.memory_space<vmem>>, vector<1x16xf32>,
      %swap3A_58 = arith.index_cast %scan3A_53 : i32 to index
      %swap3A_59 = arith.constant 16 : index
      %swap3A_60 = tpu.vector_load %arg5[%swap3A_58, %swap3A_59] {strides = array<i32>} : memref<80x128xf32, #tpu.memory_space<vmem>>, vector<1x16xf32>,
      %swap3A_61 = vector.shape_cast %swap3A_60 : vector<1x16xf32> to vector<16xf32>
      %swap3A_62 = vector.shape_cast %broadcast_in_dim3A_39 : vector<16xf32> to vector<1x16xf32>
      tpu.vector_store %arg5[%swap3A_58, %swap3A_59], %swap3A_62 {strides = array<i32>} : memref<80x128xf32, #tpu.memory_space<vmem>>, vector<1x16xf32>,
      %swap3A_63 = arith.index_cast %scan3A_53 : i32 to index
      %swap3A_64 = arith.constant 32 : index
      %swap3A_65 = tpu.vector_load %arg5[%swap3A_63, %swap3A_64] {strides = array<i32>} : memref<80x128xf32, #tpu.memory_space<vmem>>, vector<1x16xf32>,
      %swap3A_66 = vector.shape_cast %swap3A_65 : vector<1x16xf32> to vector<16xf32>
      %swap3A_67 = vector.shape_cast %broadcast_in_dim3A_39 : vector<16xf32> to vector<1x16xf32>
      tpu.vector_store %arg5[%swap3A_63, %swap3A_64], %swap3A_67 {strides = array<i32>} : memref<80x128xf32, #tpu.memory_space<vmem>>, vector<1x16xf32>,
      %swap3A_68 = arith.index_cast %scan3A_53 : i32 to index
      %swap3A_69 = arith.constant 48 : index
      %swap3A_70 = tpu.vector_load %arg5[%swap3A_68, %swap3A_69] {strides = array<i32>} : memref<80x128xf32, #tpu.memory_space<vmem>>, vector<1x16xf32>,
      %swap3A_71 = vector.shape_cast %swap3A_70 : vector<1x16xf32> to vector<16xf32>
      %swap3A_72 = vector.shape_cast %broadcast_in_dim3A_39 : vector<16xf32> to vector<1x16xf32>
      tpu.vector_store %arg5[%swap3A_68, %swap3A_69], %swap3A_72 {strides = array<i32>} : memref<80x128xf32, #tpu.memory_space<vmem>>, vector<1x16xf32>,
      %swap3A_73 = arith.index_cast %scan3A_53 : i32 to index
      %swap3A_74 = arith.constant 64 : index
      %swap3A_75 = tpu.vector_load %arg5[%swap3A_73, %swap3A_74] {strides = array<i32>} : memref<80x128xf32, #tpu.memory_space<vmem>>, vector<1x16xf32>,
      %swap3A_76 = vector.shape_cast %swap3A_75 : vector<1x16xf32> to vector<16xf32>
      %swap3A_77 = vector.shape_cast %broadcast_in_dim3A_39 : vector<16xf32> to vector<1x16xf32>
      tpu.vector_store %arg5[%swap3A_73, %swap3A_74], %swap3A_77 {strides = array<i32>} : memref<80x128xf32, #tpu.memory_space<vmem>>, vector<1x16xf32>,
      %swap3A_78 = arith.index_cast %scan3A_53 : i32 to index
      %swap3A_79 = arith.constant 80 : index
      %swap3A_80 = tpu.vector_load %arg5[%swap3A_78, %swap3A_79] {strides = array<i32>} : memref<80x128xf32, #tpu.memory_space<vmem>>, vector<1x16xf32>,
      %swap3A_81 = vector.shape_cast %swap3A_80 : vector<1x16xf32> to vector<16xf32>
      %swap3A_82 = vector.shape_cast %broadcast_in_dim3A_39 : vector<16xf32> to vector<1x16xf32>
      tpu.vector_store %arg5[%swap3A_78, %swap3A_79], %swap3A_82 {strides = array<i32>} : memref<80x128xf32, #tpu.memory_space<vmem>>, vector<1x16xf32>,
      %swap3A_83 = arith.index_cast %scan3A_53 : i32 to index
      %swap3A_84 = arith.constant 96 : index
      %swap3A_85 = tpu.vector_load %arg5[%swap3A_83, %swap3A_84] {strides = array<i32>} : memref<80x128xf32, #tpu.memory_space<vmem>>, vector<1x16xf32>,
      %swap3A_86 = vector.shape_cast %swap3A_85 : vector<1x16xf32> to vector<16xf32>
      %swap3A_87 = vector.shape_cast %broadcast_in_dim3A_39 : vector<16xf32> to vector<1x16xf32>
      tpu.vector_store %arg5[%swap3A_83, %swap3A_84], %swap3A_87 {strides = array<i32>} : memref<80x128xf32, #tpu.memory_space<vmem>>, vector<1x16xf32>,
      %swap3A_88 = arith.index_cast %scan3A_53 : i32 to index
      %swap3A_89 = arith.constant 112 : index
      %swap3A_90 = tpu.vector_load %arg5[%swap3A_88, %swap3A_89] {strides = array<i32>} : memref<80x128xf32, #tpu.memory_space<vmem>>, vector<1x16xf32>,
      %swap3A_91 = vector.shape_cast %swap3A_90 : vector<1x16xf32> to vector<16xf32>
      %swap3A_92 = vector.shape_cast %broadcast_in_dim3A_39 : vector<16xf32> to vector<1x16xf32>
      tpu.vector_store %arg5[%swap3A_88, %swap3A_89], %swap3A_92 {strides = array<i32>} : memref<80x128xf32, #tpu.memory_space<vmem>>, vector<1x16xf32>,
    }
    %scan3A_44 = arith.constant 80 : i32
    %scan3A_45 = arith.constant 0 : i32
    %scan3A_46 = arith.constant 125 : i32
    %scan3A_47 = arith.addi %scan3A_45, %scan3A_46 : i32
    %scan3A_48 = arith.constant 1 : i32
    scf.for %scan3A_53 = %scan3A_45 to %scan3A_47 step %scan3A_48  : i32 {
      "tpu.region"() ({
        %run_scoped3A = tpu.sem_alloc : memref<!tpu.dma_semaphore, #tpu.memory_space<semaphore_mem>>
        %dma_start3A = arith.constant 0 : i32
        %dma_start3A_54 = tpu.memref_slice %arg4[%scan3A_53, %dma_start3A] : memref<125x80xi32, #tpu.memory_space<vmem>> -> memref<1x80xi32, #tpu.memory_space<vmem>>
        %dma_start3A_55 = tpu.memref_squeeze %dma_start3A_54 : memref<1x80xi32, #tpu.memory_space<vmem>> -> memref<80xi32, #tpu.memory_space<vmem>>
        %dma_start3A_56 = arith.constant 0 : i32
        %dma_start3A_57 = arith.constant 0 : i32
        %dma_start3A_58 = tpu.memref_slice %arg6[%dma_start3A_56, %dma_start3A_57] : memref<10240x128xf32, #tpu.memory_space<vmem_shared>> -> memref<10240x128xf32, #tpu.memory_space<vmem_shared>>
        tpu.enqueue_indirect_dma source(%arg5 : memref<80x128xf32, #tpu.memory_space<vmem>>) target(%dma_start3A_58 : memref<10240x128xf32, #tpu.memory_space<vmem_shared>>) offsets(%dma_start3A_55 : memref<80xi32, #tpu.memory_space<vmem>>) semaphore(%run_scoped3A : memref<!tpu.dma_semaphore, #tpu.memory_space<semaphore_mem>>) {add = true}
        %dma_wait3A = arith.constant 0 : i32
        %dma_wait3A_59 = tpu.memref_slice %arg4[%scan3A_53, %dma_wait3A] : memref<125x80xi32, #tpu.memory_space<vmem>> -> memref<1x80xi32, #tpu.memory_space<vmem>>
        %dma_wait3A_60 = tpu.memref_squeeze %dma_wait3A_59 : memref<1x80xi32, #tpu.memory_space<vmem>> -> memref<80xi32, #tpu.memory_space<vmem>>
        %dma_wait3A_61 = arith.constant 0 : i32
        %dma_wait3A_62 = arith.constant 0 : i32
        %dma_wait3A_63 = tpu.memref_slice %arg6[%dma_wait3A_61, %dma_wait3A_62] : memref<10240x128xf32, #tpu.memory_space<vmem_shared>> -> memref<10240x128xf32, #tpu.memory_space<vmem_shared>>
        tpu.wait_indirect_dma semaphore(%run_scoped3A : memref<!tpu.dma_semaphore, #tpu.memory_space<semaphore_mem>>) src(%arg5 : memref<80x128xf32, #tpu.memory_space<vmem>>) dst(%dma_wait3A_63 : memref<10240x128xf32, #tpu.memory_space<vmem_shared>>)
        tpu.yield
      }) : () -> ()
    }
    %scan3A_49 = arith.constant 125 : i32
    %barrier3A_50 = arith.constant 0 : index
    tpu.barrier barrier_id(%barrier3A_50)
    %mul3A_51 = arith.constant 640 : i32
    %mul3A_52 = arith.muli %arg1, %mul3A_51 : i32
    "tpu.region"() ({
      %run_scoped3A = tpu.sem_alloc : memref<!tpu.dma_semaphore, #tpu.memory_space<semaphore_mem>>
      %dma_start3A = arith.constant 0 : i32
      %dma_start3A_53 = arith.constant 0 : i32
      %dma_start3A_54 = tpu.memref_slice %arg3[%arg0, %arg1, %dma_start3A, %dma_start3A_53] : memref<2x16x640x128xf32, #tpu.memory_space<hbm>> -> memref<1x1x640x128xf32, #tpu.memory_space<hbm>>
      %dma_start3A_55 = tpu.memref_squeeze %dma_start3A_54 : memref<1x1x640x128xf32, #tpu.memory_space<hbm>> -> memref<640x128xf32, #tpu.memory_space<hbm>>
      %dma_start3A_56 = arith.constant 0 : i32
      %dma_start3A_57 = tpu.memref_slice %arg6[%mul3A_52, %dma_start3A_56] : memref<10240x128xf32, #tpu.memory_space<vmem_shared>> -> memref<640x128xf32, #tpu.memory_space<vmem_shared>>
      tpu.enqueue_dma source(%dma_start3A_57 : memref<640x128xf32, #tpu.memory_space<vmem_shared>>) target(%dma_start3A_55 : memref<640x128xf32, #tpu.memory_space<hbm>>) target_semaphore(%run_scoped3A : memref<!tpu.dma_semaphore, #tpu.memory_space<semaphore_mem>>)
      %dma_wait3A = arith.constant 0 : i32
      %dma_wait3A_58 = arith.constant 0 : i32
      %dma_wait3A_59 = tpu.memref_slice %arg3[%arg0, %arg1, %dma_wait3A, %dma_wait3A_58] : memref<2x16x640x128xf32, #tpu.memory_space<hbm>> -> memref<1x1x640x128xf32, #tpu.memory_space<hbm>>
      %dma_wait3A_60 = tpu.memref_squeeze %dma_wait3A_59 : memref<1x1x640x128xf32, #tpu.memory_space<hbm>> -> memref<640x128xf32, #tpu.memory_space<hbm>>
      %dma_wait3A_61 = arith.constant 0 : i32
      %dma_wait3A_62 = tpu.memref_slice %arg6[%mul3A_52, %dma_wait3A_61] : memref<10240x128xf32, #tpu.memory_space<vmem_shared>> -> memref<640x128xf32, #tpu.memory_space<vmem_shared>>
      tpu.wait_dma2 semaphore(%run_scoped3A : memref<!tpu.dma_semaphore, #tpu.memory_space<semaphore_mem>>) src(%dma_wait3A_62 : memref<640x128xf32, #tpu.memory_space<vmem_shared>>) dst(%dma_wait3A_60 : memref<640x128xf32, #tpu.memory_space<hbm>>)
      tpu.yield
    }) : () -> ()
    return
  }
}

#map = affine_map<(d0, d1) -> (0, 0)>
#map1 = affine_map<(d0, d1) -> (0, 0, 0)>
#map2 = affine_map<(d0, d1) -> (0, 0, 0, 0)>
module attributes {stable_mosaic.version = 14 : i64} {
  func.func @_sc_scatter_rows(%arg0: i32, %arg1: i32, %arg2: memref<10000x128xf32, #tpu.memory_space<hbm>>, %arg3: memref<32x125x80xi32, #tpu.memory_space<hbm>>, %arg4: memref<32x125x80xi32, #tpu.memory_space<hbm>>, %arg5: memref<2x16x640x128xf32, #tpu.memory_space<hbm>>, %arg6: memref<125x80xi32, #tpu.memory_space<vmem>>, %arg7: memref<125x80xi32, #tpu.memory_space<vmem>>, %arg8: memref<80x128xf32, #tpu.memory_space<vmem>>, %arg9: memref<!tpu.dma_semaphore, #tpu.memory_space<semaphore_mem>>, %arg10: memref<10240x128xf32, #tpu.memory_space<vmem_shared>>) attributes {dimension_semantics = [#tpu.dimension_semantics<core_parallel>, #tpu.dimension_semantics<subcore_parallel>], iteration_bounds = array<i64: 2, 16>, scalar_prefetch = 0 : i64, scratch_operands = 5 : i64, tpu.core_type = #tpu.core_type<sc_vector_subcore>, window_params = [{transform_indices = #map}, {transform_indices = #map1}, {transform_indices = #map1}, {transform_indices = #map2}]} {
    %mul3A = arith.constant 16 : i32
    %mul3A_0 = arith.muli %arg0, %mul3A : i32
    %add3A = arith.addi %mul3A_0, %arg1 : i32
    "tpu.region"() ({
      %run_scoped3A = tpu.sem_alloc : memref<!tpu.dma_semaphore, #tpu.memory_space<semaphore_mem>>
      %dma_start3A = arith.constant 0 : i32
      %dma_start3A_46 = arith.constant 0 : i32
      %dma_start3A_47 = tpu.memref_slice %arg3[%add3A, %dma_start3A, %dma_start3A_46] : memref<32x125x80xi32, #tpu.memory_space<hbm>> -> memref<1x125x80xi32, #tpu.memory_space<hbm>>
      %dma_start3A_48 = tpu.memref_squeeze %dma_start3A_47 : memref<1x125x80xi32, #tpu.memory_space<hbm>> -> memref<125x80xi32, #tpu.memory_space<hbm>>
      %dma_start3A_49 = arith.constant 0 : i32
      %dma_start3A_50 = arith.constant 0 : i32
      %dma_start3A_51 = tpu.memref_slice %arg3[%add3A, %dma_start3A_49, %dma_start3A_50] : memref<32x125x80xi32, #tpu.memory_space<hbm>> -> memref<1x125x80xi32, #tpu.memory_space<hbm>>
      %dma_start3A_52 = tpu.memref_squeeze %dma_start3A_51 : memref<1x125x80xi32, #tpu.memory_space<hbm>> -> memref<125x80xi32, #tpu.memory_space<hbm>>
      tpu.enqueue_dma source(%dma_start3A_52 : memref<125x80xi32, #tpu.memory_space<hbm>>) target(%arg6 : memref<125x80xi32, #tpu.memory_space<vmem>>) target_semaphore(%run_scoped3A : memref<!tpu.dma_semaphore, #tpu.memory_space<semaphore_mem>>)
      %dma_wait3A = arith.constant 0 : i32
      %dma_wait3A_53 = arith.constant 0 : i32
      %dma_wait3A_54 = tpu.memref_slice %arg3[%add3A, %dma_wait3A, %dma_wait3A_53] : memref<32x125x80xi32, #tpu.memory_space<hbm>> -> memref<1x125x80xi32, #tpu.memory_space<hbm>>
      %dma_wait3A_55 = tpu.memref_squeeze %dma_wait3A_54 : memref<1x125x80xi32, #tpu.memory_space<hbm>> -> memref<125x80xi32, #tpu.memory_space<hbm>>
      %dma_wait3A_56 = arith.constant 0 : i32
      %dma_wait3A_57 = arith.constant 0 : i32
      %dma_wait3A_58 = tpu.memref_slice %arg3[%add3A, %dma_wait3A_56, %dma_wait3A_57] : memref<32x125x80xi32, #tpu.memory_space<hbm>> -> memref<1x125x80xi32, #tpu.memory_space<hbm>>
      %dma_wait3A_59 = tpu.memref_squeeze %dma_wait3A_58 : memref<1x125x80xi32, #tpu.memory_space<hbm>> -> memref<125x80xi32, #tpu.memory_space<hbm>>
      tpu.wait_dma2 semaphore(%run_scoped3A : memref<!tpu.dma_semaphore, #tpu.memory_space<semaphore_mem>>) src(%dma_wait3A_59 : memref<125x80xi32, #tpu.memory_space<hbm>>) dst(%arg6 : memref<125x80xi32, #tpu.memory_space<vmem>>)
      tpu.yield
    }) : () -> ()
    "tpu.region"() ({
      %run_scoped3A = tpu.sem_alloc : memref<!tpu.dma_semaphore, #tpu.memory_space<semaphore_mem>>
      %dma_start3A = arith.constant 0 : i32
      %dma_start3A_46 = arith.constant 0 : i32
      %dma_start3A_47 = tpu.memref_slice %arg4[%add3A, %dma_start3A, %dma_start3A_46] : memref<32x125x80xi32, #tpu.memory_space<hbm>> -> memref<1x125x80xi32, #tpu.memory_space<hbm>>
      %dma_start3A_48 = tpu.memref_squeeze %dma_start3A_47 : memref<1x125x80xi32, #tpu.memory_space<hbm>> -> memref<125x80xi32, #tpu.memory_space<hbm>>
      %dma_start3A_49 = arith.constant 0 : i32
      %dma_start3A_50 = arith.constant 0 : i32
      %dma_start3A_51 = tpu.memref_slice %arg4[%add3A, %dma_start3A_49, %dma_start3A_50] : memref<32x125x80xi32, #tpu.memory_space<hbm>> -> memref<1x125x80xi32, #tpu.memory_space<hbm>>
      %dma_start3A_52 = tpu.memref_squeeze %dma_start3A_51 : memref<1x125x80xi32, #tpu.memory_space<hbm>> -> memref<125x80xi32, #tpu.memory_space<hbm>>
      tpu.enqueue_dma source(%dma_start3A_52 : memref<125x80xi32, #tpu.memory_space<hbm>>) target(%arg7 : memref<125x80xi32, #tpu.memory_space<vmem>>) target_semaphore(%run_scoped3A : memref<!tpu.dma_semaphore, #tpu.memory_space<semaphore_mem>>)
      %dma_wait3A = arith.constant 0 : i32
      %dma_wait3A_53 = arith.constant 0 : i32
      %dma_wait3A_54 = tpu.memref_slice %arg4[%add3A, %dma_wait3A, %dma_wait3A_53] : memref<32x125x80xi32, #tpu.memory_space<hbm>> -> memref<1x125x80xi32, #tpu.memory_space<hbm>>
      %dma_wait3A_55 = tpu.memref_squeeze %dma_wait3A_54 : memref<1x125x80xi32, #tpu.memory_space<hbm>> -> memref<125x80xi32, #tpu.memory_space<hbm>>
      %dma_wait3A_56 = arith.constant 0 : i32
      %dma_wait3A_57 = arith.constant 0 : i32
      %dma_wait3A_58 = tpu.memref_slice %arg4[%add3A, %dma_wait3A_56, %dma_wait3A_57] : memref<32x125x80xi32, #tpu.memory_space<hbm>> -> memref<1x125x80xi32, #tpu.memory_space<hbm>>
      %dma_wait3A_59 = tpu.memref_squeeze %dma_wait3A_58 : memref<1x125x80xi32, #tpu.memory_space<hbm>> -> memref<125x80xi32, #tpu.memory_space<hbm>>
      tpu.wait_dma2 semaphore(%run_scoped3A : memref<!tpu.dma_semaphore, #tpu.memory_space<semaphore_mem>>) src(%dma_wait3A_59 : memref<125x80xi32, #tpu.memory_space<hbm>>) dst(%arg7 : memref<125x80xi32, #tpu.memory_space<vmem>>)
      tpu.yield
    }) : () -> ()
    %broadcast_in_dim3A = arith.constant 0.000000e+00 : f32
    %broadcast_in_dim3A_1 = vector.broadcast %broadcast_in_dim3A : f32 to vector<16xf32>
    %scan3A = arith.constant 0 : i32
    %scan3A_2 = arith.constant 80 : i32
    %scan3A_3 = arith.addi %scan3A, %scan3A_2 : i32
    %scan3A_4 = arith.constant 1 : i32
    scf.for %scan3A_46 = %scan3A to %scan3A_3 step %scan3A_4  : i32 {
      %swap3A = arith.index_cast %scan3A_46 : i32 to index
      %swap3A_47 = arith.constant 0 : index
      %swap3A_48 = tpu.vector_load %arg8[%swap3A, %swap3A_47] {strides = array<i32>} : memref<80x128xf32, #tpu.memory_space<vmem>>, vector<1x16xf32>,
      %swap3A_49 = vector.shape_cast %swap3A_48 : vector<1x16xf32> to vector<16xf32>
      %swap3A_50 = vector.shape_cast %broadcast_in_dim3A_1 : vector<16xf32> to vector<1x16xf32>
      tpu.vector_store %arg8[%swap3A, %swap3A_47], %swap3A_50 {strides = array<i32>} : memref<80x128xf32, #tpu.memory_space<vmem>>, vector<1x16xf32>,
      %swap3A_51 = arith.index_cast %scan3A_46 : i32 to index
      %swap3A_52 = arith.constant 16 : index
      %swap3A_53 = tpu.vector_load %arg8[%swap3A_51, %swap3A_52] {strides = array<i32>} : memref<80x128xf32, #tpu.memory_space<vmem>>, vector<1x16xf32>,
      %swap3A_54 = vector.shape_cast %swap3A_53 : vector<1x16xf32> to vector<16xf32>
      %swap3A_55 = vector.shape_cast %broadcast_in_dim3A_1 : vector<16xf32> to vector<1x16xf32>
      tpu.vector_store %arg8[%swap3A_51, %swap3A_52], %swap3A_55 {strides = array<i32>} : memref<80x128xf32, #tpu.memory_space<vmem>>, vector<1x16xf32>,
      %swap3A_56 = arith.index_cast %scan3A_46 : i32 to index
      %swap3A_57 = arith.constant 32 : index
      %swap3A_58 = tpu.vector_load %arg8[%swap3A_56, %swap3A_57] {strides = array<i32>} : memref<80x128xf32, #tpu.memory_space<vmem>>, vector<1x16xf32>,
      %swap3A_59 = vector.shape_cast %swap3A_58 : vector<1x16xf32> to vector<16xf32>
      %swap3A_60 = vector.shape_cast %broadcast_in_dim3A_1 : vector<16xf32> to vector<1x16xf32>
      tpu.vector_store %arg8[%swap3A_56, %swap3A_57], %swap3A_60 {strides = array<i32>} : memref<80x128xf32, #tpu.memory_space<vmem>>, vector<1x16xf32>,
      %swap3A_61 = arith.index_cast %scan3A_46 : i32 to index
      %swap3A_62 = arith.constant 48 : index
      %swap3A_63 = tpu.vector_load %arg8[%swap3A_61, %swap3A_62] {strides = array<i32>} : memref<80x128xf32, #tpu.memory_space<vmem>>, vector<1x16xf32>,
      %swap3A_64 = vector.shape_cast %swap3A_63 : vector<1x16xf32> to vector<16xf32>
      %swap3A_65 = vector.shape_cast %broadcast_in_dim3A_1 : vector<16xf32> to vector<1x16xf32>
      tpu.vector_store %arg8[%swap3A_61, %swap3A_62], %swap3A_65 {strides = array<i32>} : memref<80x128xf32, #tpu.memory_space<vmem>>, vector<1x16xf32>,
      %swap3A_66 = arith.index_cast %scan3A_46 : i32 to index
      %swap3A_67 = arith.constant 64 : index
      %swap3A_68 = tpu.vector_load %arg8[%swap3A_66, %swap3A_67] {strides = array<i32>} : memref<80x128xf32, #tpu.memory_space<vmem>>, vector<1x16xf32>,
      %swap3A_69 = vector.shape_cast %swap3A_68 : vector<1x16xf32> to vector<16xf32>
      %swap3A_70 = vector.shape_cast %broadcast_in_dim3A_1 : vector<16xf32> to vector<1x16xf32>
      tpu.vector_store %arg8[%swap3A_66, %swap3A_67], %swap3A_70 {strides = array<i32>} : memref<80x128xf32, #tpu.memory_space<vmem>>, vector<1x16xf32>,
      %swap3A_71 = arith.index_cast %scan3A_46 : i32 to index
      %swap3A_72 = arith.constant 80 : index
      %swap3A_73 = tpu.vector_load %arg8[%swap3A_71, %swap3A_72] {strides = array<i32>} : memref<80x128xf32, #tpu.memory_space<vmem>>, vector<1x16xf32>,
      %swap3A_74 = vector.shape_cast %swap3A_73 : vector<1x16xf32> to vector<16xf32>
      %swap3A_75 = vector.shape_cast %broadcast_in_dim3A_1 : vector<16xf32> to vector<1x16xf32>
      tpu.vector_store %arg8[%swap3A_71, %swap3A_72], %swap3A_75 {strides = array<i32>} : memref<80x128xf32, #tpu.memory_space<vmem>>, vector<1x16xf32>,
      %swap3A_76 = arith.index_cast %scan3A_46 : i32 to index
      %swap3A_77 = arith.constant 96 : index
      %swap3A_78 = tpu.vector_load %arg8[%swap3A_76, %swap3A_77] {strides = array<i32>} : memref<80x128xf32, #tpu.memory_space<vmem>>, vector<1x16xf32>,
      %swap3A_79 = vector.shape_cast %swap3A_78 : vector<1x16xf32> to vector<16xf32>
      %swap3A_80 = vector.shape_cast %broadcast_in_dim3A_1 : vector<16xf32> to vector<1x16xf32>
      tpu.vector_store %arg8[%swap3A_76, %swap3A_77], %swap3A_80 {strides = array<i32>} : memref<80x128xf32, #tpu.memory_space<vmem>>, vector<1x16xf32>,
      %swap3A_81 = arith.index_cast %scan3A_46 : i32 to index
      %swap3A_82 = arith.constant 112 : index
      %swap3A_83 = tpu.vector_load %arg8[%swap3A_81, %swap3A_82] {strides = array<i32>} : memref<80x128xf32, #tpu.memory_space<vmem>>, vector<1x16xf32>,
      %swap3A_84 = vector.shape_cast %swap3A_83 : vector<1x16xf32> to vector<16xf32>
      %swap3A_85 = vector.shape_cast %broadcast_in_dim3A_1 : vector<16xf32> to vector<1x16xf32>
      tpu.vector_store %arg8[%swap3A_81, %swap3A_82], %swap3A_85 {strides = array<i32>} : memref<80x128xf32, #tpu.memory_space<vmem>>, vector<1x16xf32>,
    }
    %scan3A_5 = arith.constant 80 : i32
    %mul3A_6 = arith.constant 640 : i32
    %mul3A_7 = arith.muli %arg1, %mul3A_6 : i32
    %add3A_8 = arith.constant 0 : i32
    %add3A_9 = arith.addi %mul3A_7, %add3A_8 : i32
    "tpu.region"() ({
      %run_scoped3A = tpu.sem_alloc : memref<!tpu.dma_semaphore, #tpu.memory_space<semaphore_mem>>
      %dma_start3A = arith.constant 0 : i32
      %dma_start3A_46 = tpu.memref_slice %arg10[%add3A_9, %dma_start3A] : memref<10240x128xf32, #tpu.memory_space<vmem_shared>> -> memref<80x128xf32, #tpu.memory_space<vmem_shared>>
      %dma_start3A_47 = arith.constant 0 : i32
      %dma_start3A_48 = tpu.memref_slice %arg10[%add3A_9, %dma_start3A_47] : memref<10240x128xf32, #tpu.memory_space<vmem_shared>> -> memref<80x128xf32, #tpu.memory_space<vmem_shared>>
      tpu.enqueue_dma source(%arg8 : memref<80x128xf32, #tpu.memory_space<vmem>>) target(%dma_start3A_48 : memref<80x128xf32, #tpu.memory_space<vmem_shared>>) target_semaphore(%run_scoped3A : memref<!tpu.dma_semaphore, #tpu.memory_space<semaphore_mem>>)
      %dma_wait3A = arith.constant 0 : i32
      %dma_wait3A_49 = tpu.memref_slice %arg10[%add3A_9, %dma_wait3A] : memref<10240x128xf32, #tpu.memory_space<vmem_shared>> -> memref<80x128xf32, #tpu.memory_space<vmem_shared>>
      %dma_wait3A_50 = arith.constant 0 : i32
      %dma_wait3A_51 = tpu.memref_slice %arg10[%add3A_9, %dma_wait3A_50] : memref<10240x128xf32, #tpu.memory_space<vmem_shared>> -> memref<80x128xf32, #tpu.memory_space<vmem_shared>>
      tpu.wait_dma2 semaphore(%run_scoped3A : memref<!tpu.dma_semaphore, #tpu.memory_space<semaphore_mem>>) src(%arg8 : memref<80x128xf32, #tpu.memory_space<vmem>>) dst(%dma_wait3A_51 : memref<80x128xf32, #tpu.memory_space<vmem_shared>>)
      tpu.yield
    }) : () -> ()
    %mul3A_10 = arith.constant 640 : i32
    %mul3A_11 = arith.muli %arg1, %mul3A_10 : i32
    %add3A_12 = arith.constant 80 : i32
    %add3A_13 = arith.addi %mul3A_11, %add3A_12 : i32
    "tpu.region"() ({
      %run_scoped3A = tpu.sem_alloc : memref<!tpu.dma_semaphore, #tpu.memory_space<semaphore_mem>>
      %dma_start3A = arith.constant 0 : i32
      %dma_start3A_46 = tpu.memref_slice %arg10[%add3A_13, %dma_start3A] : memref<10240x128xf32, #tpu.memory_space<vmem_shared>> -> memref<80x128xf32, #tpu.memory_space<vmem_shared>>
      %dma_start3A_47 = arith.constant 0 : i32
      %dma_start3A_48 = tpu.memref_slice %arg10[%add3A_13, %dma_start3A_47] : memref<10240x128xf32, #tpu.memory_space<vmem_shared>> -> memref<80x128xf32, #tpu.memory_space<vmem_shared>>
      tpu.enqueue_dma source(%arg8 : memref<80x128xf32, #tpu.memory_space<vmem>>) target(%dma_start3A_48 : memref<80x128xf32, #tpu.memory_space<vmem_shared>>) target_semaphore(%run_scoped3A : memref<!tpu.dma_semaphore, #tpu.memory_space<semaphore_mem>>)
      %dma_wait3A = arith.constant 0 : i32
      %dma_wait3A_49 = tpu.memref_slice %arg10[%add3A_13, %dma_wait3A] : memref<10240x128xf32, #tpu.memory_space<vmem_shared>> -> memref<80x128xf32, #tpu.memory_space<vmem_shared>>
      %dma_wait3A_50 = arith.constant 0 : i32
      %dma_wait3A_51 = tpu.memref_slice %arg10[%add3A_13, %dma_wait3A_50] : memref<10240x128xf32, #tpu.memory_space<vmem_shared>> -> memref<80x128xf32, #tpu.memory_space<vmem_shared>>
      tpu.wait_dma2 semaphore(%run_scoped3A : memref<!tpu.dma_semaphore, #tpu.memory_space<semaphore_mem>>) src(%arg8 : memref<80x128xf32, #tpu.memory_space<vmem>>) dst(%dma_wait3A_51 : memref<80x128xf32, #tpu.memory_space<vmem_shared>>)
      tpu.yield
    }) : () -> ()
    %mul3A_14 = arith.constant 640 : i32
    %mul3A_15 = arith.muli %arg1, %mul3A_14 : i32
    %add3A_16 = arith.constant 160 : i32
    %add3A_17 = arith.addi %mul3A_15, %add3A_16 : i32
    "tpu.region"() ({
      %run_scoped3A = tpu.sem_alloc : memref<!tpu.dma_semaphore, #tpu.memory_space<semaphore_mem>>
      %dma_start3A = arith.constant 0 : i32
      %dma_start3A_46 = tpu.memref_slice %arg10[%add3A_17, %dma_start3A] : memref<10240x128xf32, #tpu.memory_space<vmem_shared>> -> memref<80x128xf32, #tpu.memory_space<vmem_shared>>
      %dma_start3A_47 = arith.constant 0 : i32
      %dma_start3A_48 = tpu.memref_slice %arg10[%add3A_17, %dma_start3A_47] : memref<10240x128xf32, #tpu.memory_space<vmem_shared>> -> memref<80x128xf32, #tpu.memory_space<vmem_shared>>
      tpu.enqueue_dma source(%arg8 : memref<80x128xf32, #tpu.memory_space<vmem>>) target(%dma_start3A_48 : memref<80x128xf32, #tpu.memory_space<vmem_shared>>) target_semaphore(%run_scoped3A : memref<!tpu.dma_semaphore, #tpu.memory_space<semaphore_mem>>)
      %dma_wait3A = arith.constant 0 : i32
      %dma_wait3A_49 = tpu.memref_slice %arg10[%add3A_17, %dma_wait3A] : memref<10240x128xf32, #tpu.memory_space<vmem_shared>> -> memref<80x128xf32, #tpu.memory_space<vmem_shared>>
      %dma_wait3A_50 = arith.constant 0 : i32
      %dma_wait3A_51 = tpu.memref_slice %arg10[%add3A_17, %dma_wait3A_50] : memref<10240x128xf32, #tpu.memory_space<vmem_shared>> -> memref<80x128xf32, #tpu.memory_space<vmem_shared>>
      tpu.wait_dma2 semaphore(%run_scoped3A : memref<!tpu.dma_semaphore, #tpu.memory_space<semaphore_mem>>) src(%arg8 : memref<80x128xf32, #tpu.memory_space<vmem>>) dst(%dma_wait3A_51 : memref<80x128xf32, #tpu.memory_space<vmem_shared>>)
      tpu.yield
    }) : () -> ()
    %mul3A_18 = arith.constant 640 : i32
    %mul3A_19 = arith.muli %arg1, %mul3A_18 : i32
    %add3A_20 = arith.constant 240 : i32
    %add3A_21 = arith.addi %mul3A_19, %add3A_20 : i32
    "tpu.region"() ({
      %run_scoped3A = tpu.sem_alloc : memref<!tpu.dma_semaphore, #tpu.memory_space<semaphore_mem>>
      %dma_start3A = arith.constant 0 : i32
      %dma_start3A_46 = tpu.memref_slice %arg10[%add3A_21, %dma_start3A] : memref<10240x128xf32, #tpu.memory_space<vmem_shared>> -> memref<80x128xf32, #tpu.memory_space<vmem_shared>>
      %dma_start3A_47 = arith.constant 0 : i32
      %dma_start3A_48 = tpu.memref_slice %arg10[%add3A_21, %dma_start3A_47] : memref<10240x128xf32, #tpu.memory_space<vmem_shared>> -> memref<80x128xf32, #tpu.memory_space<vmem_shared>>
      tpu.enqueue_dma source(%arg8 : memref<80x128xf32, #tpu.memory_space<vmem>>) target(%dma_start3A_48 : memref<80x128xf32, #tpu.memory_space<vmem_shared>>) target_semaphore(%run_scoped3A : memref<!tpu.dma_semaphore, #tpu.memory_space<semaphore_mem>>)
      %dma_wait3A = arith.constant 0 : i32
      %dma_wait3A_49 = tpu.memref_slice %arg10[%add3A_21, %dma_wait3A] : memref<10240x128xf32, #tpu.memory_space<vmem_shared>> -> memref<80x128xf32, #tpu.memory_space<vmem_shared>>
      %dma_wait3A_50 = arith.constant 0 : i32
      %dma_wait3A_51 = tpu.memref_slice %arg10[%add3A_21, %dma_wait3A_50] : memref<10240x128xf32, #tpu.memory_space<vmem_shared>> -> memref<80x128xf32, #tpu.memory_space<vmem_shared>>
      tpu.wait_dma2 semaphore(%run_scoped3A : memref<!tpu.dma_semaphore, #tpu.memory_space<semaphore_mem>>) src(%arg8 : memref<80x128xf32, #tpu.memory_space<vmem>>) dst(%dma_wait3A_51 : memref<80x128xf32, #tpu.memory_space<vmem_shared>>)
      tpu.yield
    }) : () -> ()
    %mul3A_22 = arith.constant 640 : i32
    %mul3A_23 = arith.muli %arg1, %mul3A_22 : i32
    %add3A_24 = arith.constant 320 : i32
    %add3A_25 = arith.addi %mul3A_23, %add3A_24 : i32
    "tpu.region"() ({
      %run_scoped3A = tpu.sem_alloc : memref<!tpu.dma_semaphore, #tpu.memory_space<semaphore_mem>>
      %dma_start3A = arith.constant 0 : i32
      %dma_start3A_46 = tpu.memref_slice %arg10[%add3A_25, %dma_start3A] : memref<10240x128xf32, #tpu.memory_space<vmem_shared>> -> memref<80x128xf32, #tpu.memory_space<vmem_shared>>
      %dma_start3A_47 = arith.constant 0 : i32
      %dma_start3A_48 = tpu.memref_slice %arg10[%add3A_25, %dma_start3A_47] : memref<10240x128xf32, #tpu.memory_space<vmem_shared>> -> memref<80x128xf32, #tpu.memory_space<vmem_shared>>
      tpu.enqueue_dma source(%arg8 : memref<80x128xf32, #tpu.memory_space<vmem>>) target(%dma_start3A_48 : memref<80x128xf32, #tpu.memory_space<vmem_shared>>) target_semaphore(%run_scoped3A : memref<!tpu.dma_semaphore, #tpu.memory_space<semaphore_mem>>)
      %dma_wait3A = arith.constant 0 : i32
      %dma_wait3A_49 = tpu.memref_slice %arg10[%add3A_25, %dma_wait3A] : memref<10240x128xf32, #tpu.memory_space<vmem_shared>> -> memref<80x128xf32, #tpu.memory_space<vmem_shared>>
      %dma_wait3A_50 = arith.constant 0 : i32
      %dma_wait3A_51 = tpu.memref_slice %arg10[%add3A_25, %dma_wait3A_50] : memref<10240x128xf32, #tpu.memory_space<vmem_shared>> -> memref<80x128xf32, #tpu.memory_space<vmem_shared>>
      tpu.wait_dma2 semaphore(%run_scoped3A : memref<!tpu.dma_semaphore, #tpu.memory_space<semaphore_mem>>) src(%arg8 : memref<80x128xf32, #tpu.memory_space<vmem>>) dst(%dma_wait3A_51 : memref<80x128xf32, #tpu.memory_space<vmem_shared>>)
      tpu.yield
    }) : () -> ()
    %mul3A_26 = arith.constant 640 : i32
    %mul3A_27 = arith.muli %arg1, %mul3A_26 : i32
    %add3A_28 = arith.constant 400 : i32
    %add3A_29 = arith.addi %mul3A_27, %add3A_28 : i32
    "tpu.region"() ({
      %run_scoped3A = tpu.sem_alloc : memref<!tpu.dma_semaphore, #tpu.memory_space<semaphore_mem>>
      %dma_start3A = arith.constant 0 : i32
      %dma_start3A_46 = tpu.memref_slice %arg10[%add3A_29, %dma_start3A] : memref<10240x128xf32, #tpu.memory_space<vmem_shared>> -> memref<80x128xf32, #tpu.memory_space<vmem_shared>>
      %dma_start3A_47 = arith.constant 0 : i32
      %dma_start3A_48 = tpu.memref_slice %arg10[%add3A_29, %dma_start3A_47] : memref<10240x128xf32, #tpu.memory_space<vmem_shared>> -> memref<80x128xf32, #tpu.memory_space<vmem_shared>>
      tpu.enqueue_dma source(%arg8 : memref<80x128xf32, #tpu.memory_space<vmem>>) target(%dma_start3A_48 : memref<80x128xf32, #tpu.memory_space<vmem_shared>>) target_semaphore(%run_scoped3A : memref<!tpu.dma_semaphore, #tpu.memory_space<semaphore_mem>>)
      %dma_wait3A = arith.constant 0 : i32
      %dma_wait3A_49 = tpu.memref_slice %arg10[%add3A_29, %dma_wait3A] : memref<10240x128xf32, #tpu.memory_space<vmem_shared>> -> memref<80x128xf32, #tpu.memory_space<vmem_shared>>
      %dma_wait3A_50 = arith.constant 0 : i32
      %dma_wait3A_51 = tpu.memref_slice %arg10[%add3A_29, %dma_wait3A_50] : memref<10240x128xf32, #tpu.memory_space<vmem_shared>> -> memref<80x128xf32, #tpu.memory_space<vmem_shared>>
      tpu.wait_dma2 semaphore(%run_scoped3A : memref<!tpu.dma_semaphore, #tpu.memory_space<semaphore_mem>>) src(%arg8 : memref<80x128xf32, #tpu.memory_space<vmem>>) dst(%dma_wait3A_51 : memref<80x128xf32, #tpu.memory_space<vmem_shared>>)
      tpu.yield
    }) : () -> ()
    %mul3A_30 = arith.constant 640 : i32
    %mul3A_31 = arith.muli %arg1, %mul3A_30 : i32
    %add3A_32 = arith.constant 480 : i32
    %add3A_33 = arith.addi %mul3A_31, %add3A_32 : i32
    "tpu.region"() ({
      %run_scoped3A = tpu.sem_alloc : memref<!tpu.dma_semaphore, #tpu.memory_space<semaphore_mem>>
      %dma_start3A = arith.constant 0 : i32
      %dma_start3A_46 = tpu.memref_slice %arg10[%add3A_33, %dma_start3A] : memref<10240x128xf32, #tpu.memory_space<vmem_shared>> -> memref<80x128xf32, #tpu.memory_space<vmem_shared>>
      %dma_start3A_47 = arith.constant 0 : i32
      %dma_start3A_48 = tpu.memref_slice %arg10[%add3A_33, %dma_start3A_47] : memref<10240x128xf32, #tpu.memory_space<vmem_shared>> -> memref<80x128xf32, #tpu.memory_space<vmem_shared>>
      tpu.enqueue_dma source(%arg8 : memref<80x128xf32, #tpu.memory_space<vmem>>) target(%dma_start3A_48 : memref<80x128xf32, #tpu.memory_space<vmem_shared>>) target_semaphore(%run_scoped3A : memref<!tpu.dma_semaphore, #tpu.memory_space<semaphore_mem>>)
      %dma_wait3A = arith.constant 0 : i32
      %dma_wait3A_49 = tpu.memref_slice %arg10[%add3A_33, %dma_wait3A] : memref<10240x128xf32, #tpu.memory_space<vmem_shared>> -> memref<80x128xf32, #tpu.memory_space<vmem_shared>>
      %dma_wait3A_50 = arith.constant 0 : i32
      %dma_wait3A_51 = tpu.memref_slice %arg10[%add3A_33, %dma_wait3A_50] : memref<10240x128xf32, #tpu.memory_space<vmem_shared>> -> memref<80x128xf32, #tpu.memory_space<vmem_shared>>
      tpu.wait_dma2 semaphore(%run_scoped3A : memref<!tpu.dma_semaphore, #tpu.memory_space<semaphore_mem>>) src(%arg8 : memref<80x128xf32, #tpu.memory_space<vmem>>) dst(%dma_wait3A_51 : memref<80x128xf32, #tpu.memory_space<vmem_shared>>)
      tpu.yield
    }) : () -> ()
    %mul3A_34 = arith.constant 640 : i32
    %mul3A_35 = arith.muli %arg1, %mul3A_34 : i32
    %add3A_36 = arith.constant 560 : i32
    %add3A_37 = arith.addi %mul3A_35, %add3A_36 : i32
    "tpu.region"() ({
      %run_scoped3A = tpu.sem_alloc : memref<!tpu.dma_semaphore, #tpu.memory_space<semaphore_mem>>
      %dma_start3A = arith.constant 0 : i32
      %dma_start3A_46 = tpu.memref_slice %arg10[%add3A_37, %dma_start3A] : memref<10240x128xf32, #tpu.memory_space<vmem_shared>> -> memref<80x128xf32, #tpu.memory_space<vmem_shared>>
      %dma_start3A_47 = arith.constant 0 : i32
      %dma_start3A_48 = tpu.memref_slice %arg10[%add3A_37, %dma_start3A_47] : memref<10240x128xf32, #tpu.memory_space<vmem_shared>> -> memref<80x128xf32, #tpu.memory_space<vmem_shared>>
      tpu.enqueue_dma source(%arg8 : memref<80x128xf32, #tpu.memory_space<vmem>>) target(%dma_start3A_48 : memref<80x128xf32, #tpu.memory_space<vmem_shared>>) target_semaphore(%run_scoped3A : memref<!tpu.dma_semaphore, #tpu.memory_space<semaphore_mem>>)
      %dma_wait3A = arith.constant 0 : i32
      %dma_wait3A_49 = tpu.memref_slice %arg10[%add3A_37, %dma_wait3A] : memref<10240x128xf32, #tpu.memory_space<vmem_shared>> -> memref<80x128xf32, #tpu.memory_space<vmem_shared>>
      %dma_wait3A_50 = arith.constant 0 : i32
      %dma_wait3A_51 = tpu.memref_slice %arg10[%add3A_37, %dma_wait3A_50] : memref<10240x128xf32, #tpu.memory_space<vmem_shared>> -> memref<80x128xf32, #tpu.memory_space<vmem_shared>>
      tpu.wait_dma2 semaphore(%run_scoped3A : memref<!tpu.dma_semaphore, #tpu.memory_space<semaphore_mem>>) src(%arg8 : memref<80x128xf32, #tpu.memory_space<vmem>>) dst(%dma_wait3A_51 : memref<80x128xf32, #tpu.memory_space<vmem_shared>>)
      tpu.yield
    }) : () -> ()
    %barrier3A = arith.constant 0 : index
    tpu.barrier barrier_id(%barrier3A)
    %scan3A_38 = arith.constant 0 : i32
    %scan3A_39 = arith.constant 125 : i32
    %scan3A_40 = arith.addi %scan3A_38, %scan3A_39 : i32
    %scan3A_41 = arith.constant 1 : i32
    scf.for %scan3A_46 = %scan3A_38 to %scan3A_40 step %scan3A_41  : i32 {
      %dma_start3A = arith.constant 0 : i32
      %dma_start3A_47 = tpu.memref_slice %arg6[%scan3A_46, %dma_start3A] : memref<125x80xi32, #tpu.memory_space<vmem>> -> memref<1x80xi32, #tpu.memory_space<vmem>>
      %dma_start3A_48 = tpu.memref_squeeze %dma_start3A_47 : memref<1x80xi32, #tpu.memory_space<vmem>> -> memref<80xi32, #tpu.memory_space<vmem>>
      %dma_start3A_49 = arith.constant 0 : i32
      %dma_start3A_50 = arith.constant 0 : i32
      %dma_start3A_51 = tpu.memref_slice %arg2[%dma_start3A_49, %dma_start3A_50] : memref<10000x128xf32, #tpu.memory_space<hbm>> -> memref<10000x128xf32, #tpu.memory_space<hbm>>
      tpu.enqueue_indirect_dma source(%dma_start3A_51 : memref<10000x128xf32, #tpu.memory_space<hbm>>) target(%arg8 : memref<80x128xf32, #tpu.memory_space<vmem>>) offsets(%dma_start3A_48 : memref<80xi32, #tpu.memory_space<vmem>>) semaphore(%arg9 : memref<!tpu.dma_semaphore, #tpu.memory_space<semaphore_mem>>)
      %dma_wait3A = arith.constant 0 : i32
      %dma_wait3A_52 = tpu.memref_slice %arg6[%scan3A_46, %dma_wait3A] : memref<125x80xi32, #tpu.memory_space<vmem>> -> memref<1x80xi32, #tpu.memory_space<vmem>>
      %dma_wait3A_53 = tpu.memref_squeeze %dma_wait3A_52 : memref<1x80xi32, #tpu.memory_space<vmem>> -> memref<80xi32, #tpu.memory_space<vmem>>
      %dma_wait3A_54 = arith.constant 0 : i32
      %dma_wait3A_55 = arith.constant 0 : i32
      %dma_wait3A_56 = tpu.memref_slice %arg2[%dma_wait3A_54, %dma_wait3A_55] : memref<10000x128xf32, #tpu.memory_space<hbm>> -> memref<10000x128xf32, #tpu.memory_space<hbm>>
      tpu.wait_indirect_dma semaphore(%arg9 : memref<!tpu.dma_semaphore, #tpu.memory_space<semaphore_mem>>) src(%dma_wait3A_56 : memref<10000x128xf32, #tpu.memory_space<hbm>>) dst(%arg8 : memref<80x128xf32, #tpu.memory_space<vmem>>)
      "tpu.region"() ({
        %run_scoped3A = tpu.sem_alloc : memref<!tpu.dma_semaphore, #tpu.memory_space<semaphore_mem>>
        %dma_start3A_57 = arith.constant 0 : i32
        %dma_start3A_58 = tpu.memref_slice %arg7[%scan3A_46, %dma_start3A_57] : memref<125x80xi32, #tpu.memory_space<vmem>> -> memref<1x80xi32, #tpu.memory_space<vmem>>
        %dma_start3A_59 = tpu.memref_squeeze %dma_start3A_58 : memref<1x80xi32, #tpu.memory_space<vmem>> -> memref<80xi32, #tpu.memory_space<vmem>>
        %dma_start3A_60 = arith.constant 0 : i32
        %dma_start3A_61 = arith.constant 0 : i32
        %dma_start3A_62 = tpu.memref_slice %arg10[%dma_start3A_60, %dma_start3A_61] : memref<10240x128xf32, #tpu.memory_space<vmem_shared>> -> memref<10240x128xf32, #tpu.memory_space<vmem_shared>>
        tpu.enqueue_indirect_dma source(%arg8 : memref<80x128xf32, #tpu.memory_space<vmem>>) target(%dma_start3A_62 : memref<10240x128xf32, #tpu.memory_space<vmem_shared>>) offsets(%dma_start3A_59 : memref<80xi32, #tpu.memory_space<vmem>>) semaphore(%run_scoped3A : memref<!tpu.dma_semaphore, #tpu.memory_space<semaphore_mem>>) {add = true}
        %dma_wait3A_63 = arith.constant 0 : i32
        %dma_wait3A_64 = tpu.memref_slice %arg7[%scan3A_46, %dma_wait3A_63] : memref<125x80xi32, #tpu.memory_space<vmem>> -> memref<1x80xi32, #tpu.memory_space<vmem>>
        %dma_wait3A_65 = tpu.memref_squeeze %dma_wait3A_64 : memref<1x80xi32, #tpu.memory_space<vmem>> -> memref<80xi32, #tpu.memory_space<vmem>>
        %dma_wait3A_66 = arith.constant 0 : i32
        %dma_wait3A_67 = arith.constant 0 : i32
        %dma_wait3A_68 = tpu.memref_slice %arg10[%dma_wait3A_66, %dma_wait3A_67] : memref<10240x128xf32, #tpu.memory_space<vmem_shared>> -> memref<10240x128xf32, #tpu.memory_space<vmem_shared>>
        tpu.wait_indirect_dma semaphore(%run_scoped3A : memref<!tpu.dma_semaphore, #tpu.memory_space<semaphore_mem>>) src(%arg8 : memref<80x128xf32, #tpu.memory_space<vmem>>) dst(%dma_wait3A_68 : memref<10240x128xf32, #tpu.memory_space<vmem_shared>>)
        tpu.yield
      }) : () -> ()
    }
    %scan3A_42 = arith.constant 125 : i32
    %barrier3A_43 = arith.constant 0 : index
    tpu.barrier barrier_id(%barrier3A_43)
    %mul3A_44 = arith.constant 640 : i32
    %mul3A_45 = arith.muli %arg1, %mul3A_44 : i32
    "tpu.region"() ({
      %run_scoped3A = tpu.sem_alloc : memref<!tpu.dma_semaphore, #tpu.memory_space<semaphore_mem>>
      %dma_start3A = arith.constant 0 : i32
      %dma_start3A_46 = arith.constant 0 : i32
      %dma_start3A_47 = tpu.memref_slice %arg5[%arg0, %arg1, %dma_start3A, %dma_start3A_46] : memref<2x16x640x128xf32, #tpu.memory_space<hbm>> -> memref<1x1x640x128xf32, #tpu.memory_space<hbm>>
      %dma_start3A_48 = tpu.memref_squeeze %dma_start3A_47 : memref<1x1x640x128xf32, #tpu.memory_space<hbm>> -> memref<640x128xf32, #tpu.memory_space<hbm>>
      %dma_start3A_49 = arith.constant 0 : i32
      %dma_start3A_50 = tpu.memref_slice %arg10[%mul3A_45, %dma_start3A_49] : memref<10240x128xf32, #tpu.memory_space<vmem_shared>> -> memref<640x128xf32, #tpu.memory_space<vmem_shared>>
      tpu.enqueue_dma source(%dma_start3A_50 : memref<640x128xf32, #tpu.memory_space<vmem_shared>>) target(%dma_start3A_48 : memref<640x128xf32, #tpu.memory_space<hbm>>) target_semaphore(%run_scoped3A : memref<!tpu.dma_semaphore, #tpu.memory_space<semaphore_mem>>)
      %dma_wait3A = arith.constant 0 : i32
      %dma_wait3A_51 = arith.constant 0 : i32
      %dma_wait3A_52 = tpu.memref_slice %arg5[%arg0, %arg1, %dma_wait3A, %dma_wait3A_51] : memref<2x16x640x128xf32, #tpu.memory_space<hbm>> -> memref<1x1x640x128xf32, #tpu.memory_space<hbm>>
      %dma_wait3A_53 = tpu.memref_squeeze %dma_wait3A_52 : memref<1x1x640x128xf32, #tpu.memory_space<hbm>> -> memref<640x128xf32, #tpu.memory_space<hbm>>
      %dma_wait3A_54 = arith.constant 0 : i32
      %dma_wait3A_55 = tpu.memref_slice %arg10[%mul3A_45, %dma_wait3A_54] : memref<10240x128xf32, #tpu.memory_space<vmem_shared>> -> memref<640x128xf32, #tpu.memory_space<vmem_shared>>
      tpu.wait_dma2 semaphore(%run_scoped3A : memref<!tpu.dma_semaphore, #tpu.memory_space<semaphore_mem>>) src(%dma_wait3A_55 : memref<640x128xf32, #tpu.memory_space<vmem_shared>>) dst(%dma_wait3A_53 : memref<640x128xf32, #tpu.memory_space<hbm>>)
      tpu.yield
    }) : () -> ()
    return
  }
}

#map = affine_map<(d0, d1) -> (0, 0)>
#map1 = affine_map<(d0, d1) -> (0, 0, 0)>
#map2 = affine_map<(d0, d1) -> (0, 0, 0, 0)>
module attributes {stable_mosaic.version = 14 : i64} {
  func.func @_sc_scatter_rows(%arg0: i32, %arg1: i32, %arg2: memref<10000x128xf32, #tpu.memory_space<hbm>>, %arg3: memref<32x125x80xi32, #tpu.memory_space<hbm>>, %arg4: memref<32x125x80xi32, #tpu.memory_space<hbm>>, %arg5: memref<2x16x640x128xf32, #tpu.memory_space<hbm>>, %arg6: memref<125x80xi32, #tpu.memory_space<vmem>>, %arg7: memref<125x80xi32, #tpu.memory_space<vmem>>, %arg8: memref<80x128xf32, #tpu.memory_space<vmem>>, %arg9: memref<!tpu.dma_semaphore, #tpu.memory_space<semaphore_mem>>, %arg10: memref<10240x128xf32, #tpu.memory_space<vmem_shared>>) attributes {dimension_semantics = [#tpu.dimension_semantics<core_parallel>, #tpu.dimension_semantics<subcore_parallel>], iteration_bounds = array<i64: 2, 16>, scalar_prefetch = 0 : i64, scratch_operands = 5 : i64, tpu.core_type = #tpu.core_type<sc_vector_subcore>, window_params = [{transform_indices = #map}, {transform_indices = #map1}, {transform_indices = #map1}, {transform_indices = #map2}]} {
    %mul3A = arith.constant 16 : i32
    %mul3A_0 = arith.muli %arg0, %mul3A : i32
    %add3A = arith.addi %mul3A_0, %arg1 : i32
    "tpu.region"() ({
      %run_scoped3A = tpu.sem_alloc : memref<!tpu.dma_semaphore, #tpu.memory_space<semaphore_mem>>
      %dma_start3A = arith.constant 0 : i32
      %dma_start3A_46 = arith.constant 0 : i32
      %dma_start3A_47 = tpu.memref_slice %arg3[%add3A, %dma_start3A, %dma_start3A_46] : memref<32x125x80xi32, #tpu.memory_space<hbm>> -> memref<1x125x80xi32, #tpu.memory_space<hbm>>
      %dma_start3A_48 = tpu.memref_squeeze %dma_start3A_47 : memref<1x125x80xi32, #tpu.memory_space<hbm>> -> memref<125x80xi32, #tpu.memory_space<hbm>>
      %dma_start3A_49 = arith.constant 0 : i32
      %dma_start3A_50 = arith.constant 0 : i32
      %dma_start3A_51 = tpu.memref_slice %arg3[%add3A, %dma_start3A_49, %dma_start3A_50] : memref<32x125x80xi32, #tpu.memory_space<hbm>> -> memref<1x125x80xi32, #tpu.memory_space<hbm>>
      %dma_start3A_52 = tpu.memref_squeeze %dma_start3A_51 : memref<1x125x80xi32, #tpu.memory_space<hbm>> -> memref<125x80xi32, #tpu.memory_space<hbm>>
      tpu.enqueue_dma source(%dma_start3A_52 : memref<125x80xi32, #tpu.memory_space<hbm>>) target(%arg6 : memref<125x80xi32, #tpu.memory_space<vmem>>) target_semaphore(%run_scoped3A : memref<!tpu.dma_semaphore, #tpu.memory_space<semaphore_mem>>)
      %dma_wait3A = arith.constant 0 : i32
      %dma_wait3A_53 = arith.constant 0 : i32
      %dma_wait3A_54 = tpu.memref_slice %arg3[%add3A, %dma_wait3A, %dma_wait3A_53] : memref<32x125x80xi32, #tpu.memory_space<hbm>> -> memref<1x125x80xi32, #tpu.memory_space<hbm>>
      %dma_wait3A_55 = tpu.memref_squeeze %dma_wait3A_54 : memref<1x125x80xi32, #tpu.memory_space<hbm>> -> memref<125x80xi32, #tpu.memory_space<hbm>>
      %dma_wait3A_56 = arith.constant 0 : i32
      %dma_wait3A_57 = arith.constant 0 : i32
      %dma_wait3A_58 = tpu.memref_slice %arg3[%add3A, %dma_wait3A_56, %dma_wait3A_57] : memref<32x125x80xi32, #tpu.memory_space<hbm>> -> memref<1x125x80xi32, #tpu.memory_space<hbm>>
      %dma_wait3A_59 = tpu.memref_squeeze %dma_wait3A_58 : memref<1x125x80xi32, #tpu.memory_space<hbm>> -> memref<125x80xi32, #tpu.memory_space<hbm>>
      tpu.wait_dma2 semaphore(%run_scoped3A : memref<!tpu.dma_semaphore, #tpu.memory_space<semaphore_mem>>) src(%dma_wait3A_59 : memref<125x80xi32, #tpu.memory_space<hbm>>) dst(%arg6 : memref<125x80xi32, #tpu.memory_space<vmem>>)
      tpu.yield
    }) : () -> ()
    "tpu.region"() ({
      %run_scoped3A = tpu.sem_alloc : memref<!tpu.dma_semaphore, #tpu.memory_space<semaphore_mem>>
      %dma_start3A = arith.constant 0 : i32
      %dma_start3A_46 = arith.constant 0 : i32
      %dma_start3A_47 = tpu.memref_slice %arg4[%add3A, %dma_start3A, %dma_start3A_46] : memref<32x125x80xi32, #tpu.memory_space<hbm>> -> memref<1x125x80xi32, #tpu.memory_space<hbm>>
      %dma_start3A_48 = tpu.memref_squeeze %dma_start3A_47 : memref<1x125x80xi32, #tpu.memory_space<hbm>> -> memref<125x80xi32, #tpu.memory_space<hbm>>
      %dma_start3A_49 = arith.constant 0 : i32
      %dma_start3A_50 = arith.constant 0 : i32
      %dma_start3A_51 = tpu.memref_slice %arg4[%add3A, %dma_start3A_49, %dma_start3A_50] : memref<32x125x80xi32, #tpu.memory_space<hbm>> -> memref<1x125x80xi32, #tpu.memory_space<hbm>>
      %dma_start3A_52 = tpu.memref_squeeze %dma_start3A_51 : memref<1x125x80xi32, #tpu.memory_space<hbm>> -> memref<125x80xi32, #tpu.memory_space<hbm>>
      tpu.enqueue_dma source(%dma_start3A_52 : memref<125x80xi32, #tpu.memory_space<hbm>>) target(%arg7 : memref<125x80xi32, #tpu.memory_space<vmem>>) target_semaphore(%run_scoped3A : memref<!tpu.dma_semaphore, #tpu.memory_space<semaphore_mem>>)
      %dma_wait3A = arith.constant 0 : i32
      %dma_wait3A_53 = arith.constant 0 : i32
      %dma_wait3A_54 = tpu.memref_slice %arg4[%add3A, %dma_wait3A, %dma_wait3A_53] : memref<32x125x80xi32, #tpu.memory_space<hbm>> -> memref<1x125x80xi32, #tpu.memory_space<hbm>>
      %dma_wait3A_55 = tpu.memref_squeeze %dma_wait3A_54 : memref<1x125x80xi32, #tpu.memory_space<hbm>> -> memref<125x80xi32, #tpu.memory_space<hbm>>
      %dma_wait3A_56 = arith.constant 0 : i32
      %dma_wait3A_57 = arith.constant 0 : i32
      %dma_wait3A_58 = tpu.memref_slice %arg4[%add3A, %dma_wait3A_56, %dma_wait3A_57] : memref<32x125x80xi32, #tpu.memory_space<hbm>> -> memref<1x125x80xi32, #tpu.memory_space<hbm>>
      %dma_wait3A_59 = tpu.memref_squeeze %dma_wait3A_58 : memref<1x125x80xi32, #tpu.memory_space<hbm>> -> memref<125x80xi32, #tpu.memory_space<hbm>>
      tpu.wait_dma2 semaphore(%run_scoped3A : memref<!tpu.dma_semaphore, #tpu.memory_space<semaphore_mem>>) src(%dma_wait3A_59 : memref<125x80xi32, #tpu.memory_space<hbm>>) dst(%arg7 : memref<125x80xi32, #tpu.memory_space<vmem>>)
      tpu.yield
    }) : () -> ()
    %broadcast_in_dim3A = arith.constant 0.000000e+00 : f32
    %broadcast_in_dim3A_1 = vector.broadcast %broadcast_in_dim3A : f32 to vector<16xf32>
    %scan3A = arith.constant 0 : i32
    %scan3A_2 = arith.constant 80 : i32
    %scan3A_3 = arith.addi %scan3A, %scan3A_2 : i32
    %scan3A_4 = arith.constant 1 : i32
    scf.for %scan3A_46 = %scan3A to %scan3A_3 step %scan3A_4  : i32 {
      %swap3A = arith.index_cast %scan3A_46 : i32 to index
      %swap3A_47 = arith.constant 0 : index
      %swap3A_48 = tpu.vector_load %arg8[%swap3A, %swap3A_47] {strides = array<i32>} : memref<80x128xf32, #tpu.memory_space<vmem>>, vector<1x16xf32>,
      %swap3A_49 = vector.shape_cast %swap3A_48 : vector<1x16xf32> to vector<16xf32>
      %swap3A_50 = vector.shape_cast %broadcast_in_dim3A_1 : vector<16xf32> to vector<1x16xf32>
      tpu.vector_store %arg8[%swap3A, %swap3A_47], %swap3A_50 {strides = array<i32>} : memref<80x128xf32, #tpu.memory_space<vmem>>, vector<1x16xf32>,
      %swap3A_51 = arith.index_cast %scan3A_46 : i32 to index
      %swap3A_52 = arith.constant 16 : index
      %swap3A_53 = tpu.vector_load %arg8[%swap3A_51, %swap3A_52] {strides = array<i32>} : memref<80x128xf32, #tpu.memory_space<vmem>>, vector<1x16xf32>,
      %swap3A_54 = vector.shape_cast %swap3A_53 : vector<1x16xf32> to vector<16xf32>
      %swap3A_55 = vector.shape_cast %broadcast_in_dim3A_1 : vector<16xf32> to vector<1x16xf32>
      tpu.vector_store %arg8[%swap3A_51, %swap3A_52], %swap3A_55 {strides = array<i32>} : memref<80x128xf32, #tpu.memory_space<vmem>>, vector<1x16xf32>,
      %swap3A_56 = arith.index_cast %scan3A_46 : i32 to index
      %swap3A_57 = arith.constant 32 : index
      %swap3A_58 = tpu.vector_load %arg8[%swap3A_56, %swap3A_57] {strides = array<i32>} : memref<80x128xf32, #tpu.memory_space<vmem>>, vector<1x16xf32>,
      %swap3A_59 = vector.shape_cast %swap3A_58 : vector<1x16xf32> to vector<16xf32>
      %swap3A_60 = vector.shape_cast %broadcast_in_dim3A_1 : vector<16xf32> to vector<1x16xf32>
      tpu.vector_store %arg8[%swap3A_56, %swap3A_57], %swap3A_60 {strides = array<i32>} : memref<80x128xf32, #tpu.memory_space<vmem>>, vector<1x16xf32>,
      %swap3A_61 = arith.index_cast %scan3A_46 : i32 to index
      %swap3A_62 = arith.constant 48 : index
      %swap3A_63 = tpu.vector_load %arg8[%swap3A_61, %swap3A_62] {strides = array<i32>} : memref<80x128xf32, #tpu.memory_space<vmem>>, vector<1x16xf32>,
      %swap3A_64 = vector.shape_cast %swap3A_63 : vector<1x16xf32> to vector<16xf32>
      %swap3A_65 = vector.shape_cast %broadcast_in_dim3A_1 : vector<16xf32> to vector<1x16xf32>
      tpu.vector_store %arg8[%swap3A_61, %swap3A_62], %swap3A_65 {strides = array<i32>} : memref<80x128xf32, #tpu.memory_space<vmem>>, vector<1x16xf32>,
      %swap3A_66 = arith.index_cast %scan3A_46 : i32 to index
      %swap3A_67 = arith.constant 64 : index
      %swap3A_68 = tpu.vector_load %arg8[%swap3A_66, %swap3A_67] {strides = array<i32>} : memref<80x128xf32, #tpu.memory_space<vmem>>, vector<1x16xf32>,
      %swap3A_69 = vector.shape_cast %swap3A_68 : vector<1x16xf32> to vector<16xf32>
      %swap3A_70 = vector.shape_cast %broadcast_in_dim3A_1 : vector<16xf32> to vector<1x16xf32>
      tpu.vector_store %arg8[%swap3A_66, %swap3A_67], %swap3A_70 {strides = array<i32>} : memref<80x128xf32, #tpu.memory_space<vmem>>, vector<1x16xf32>,
      %swap3A_71 = arith.index_cast %scan3A_46 : i32 to index
      %swap3A_72 = arith.constant 80 : index
      %swap3A_73 = tpu.vector_load %arg8[%swap3A_71, %swap3A_72] {strides = array<i32>} : memref<80x128xf32, #tpu.memory_space<vmem>>, vector<1x16xf32>,
      %swap3A_74 = vector.shape_cast %swap3A_73 : vector<1x16xf32> to vector<16xf32>
      %swap3A_75 = vector.shape_cast %broadcast_in_dim3A_1 : vector<16xf32> to vector<1x16xf32>
      tpu.vector_store %arg8[%swap3A_71, %swap3A_72], %swap3A_75 {strides = array<i32>} : memref<80x128xf32, #tpu.memory_space<vmem>>, vector<1x16xf32>,
      %swap3A_76 = arith.index_cast %scan3A_46 : i32 to index
      %swap3A_77 = arith.constant 96 : index
      %swap3A_78 = tpu.vector_load %arg8[%swap3A_76, %swap3A_77] {strides = array<i32>} : memref<80x128xf32, #tpu.memory_space<vmem>>, vector<1x16xf32>,
      %swap3A_79 = vector.shape_cast %swap3A_78 : vector<1x16xf32> to vector<16xf32>
      %swap3A_80 = vector.shape_cast %broadcast_in_dim3A_1 : vector<16xf32> to vector<1x16xf32>
      tpu.vector_store %arg8[%swap3A_76, %swap3A_77], %swap3A_80 {strides = array<i32>} : memref<80x128xf32, #tpu.memory_space<vmem>>, vector<1x16xf32>,
      %swap3A_81 = arith.index_cast %scan3A_46 : i32 to index
      %swap3A_82 = arith.constant 112 : index
      %swap3A_83 = tpu.vector_load %arg8[%swap3A_81, %swap3A_82] {strides = array<i32>} : memref<80x128xf32, #tpu.memory_space<vmem>>, vector<1x16xf32>,
      %swap3A_84 = vector.shape_cast %swap3A_83 : vector<1x16xf32> to vector<16xf32>
      %swap3A_85 = vector.shape_cast %broadcast_in_dim3A_1 : vector<16xf32> to vector<1x16xf32>
      tpu.vector_store %arg8[%swap3A_81, %swap3A_82], %swap3A_85 {strides = array<i32>} : memref<80x128xf32, #tpu.memory_space<vmem>>, vector<1x16xf32>,
    }
    %scan3A_5 = arith.constant 80 : i32
    %mul3A_6 = arith.constant 640 : i32
    %mul3A_7 = arith.muli %arg1, %mul3A_6 : i32
    %add3A_8 = arith.constant 0 : i32
    %add3A_9 = arith.addi %mul3A_7, %add3A_8 : i32
    "tpu.region"() ({
      %run_scoped3A = tpu.sem_alloc : memref<!tpu.dma_semaphore, #tpu.memory_space<semaphore_mem>>
      %dma_start3A = arith.constant 0 : i32
      %dma_start3A_46 = tpu.memref_slice %arg10[%add3A_9, %dma_start3A] : memref<10240x128xf32, #tpu.memory_space<vmem_shared>> -> memref<80x128xf32, #tpu.memory_space<vmem_shared>>
      %dma_start3A_47 = arith.constant 0 : i32
      %dma_start3A_48 = tpu.memref_slice %arg10[%add3A_9, %dma_start3A_47] : memref<10240x128xf32, #tpu.memory_space<vmem_shared>> -> memref<80x128xf32, #tpu.memory_space<vmem_shared>>
      tpu.enqueue_dma source(%arg8 : memref<80x128xf32, #tpu.memory_space<vmem>>) target(%dma_start3A_48 : memref<80x128xf32, #tpu.memory_space<vmem_shared>>) target_semaphore(%run_scoped3A : memref<!tpu.dma_semaphore, #tpu.memory_space<semaphore_mem>>)
      %dma_wait3A = arith.constant 0 : i32
      %dma_wait3A_49 = tpu.memref_slice %arg10[%add3A_9, %dma_wait3A] : memref<10240x128xf32, #tpu.memory_space<vmem_shared>> -> memref<80x128xf32, #tpu.memory_space<vmem_shared>>
      %dma_wait3A_50 = arith.constant 0 : i32
      %dma_wait3A_51 = tpu.memref_slice %arg10[%add3A_9, %dma_wait3A_50] : memref<10240x128xf32, #tpu.memory_space<vmem_shared>> -> memref<80x128xf32, #tpu.memory_space<vmem_shared>>
      tpu.wait_dma2 semaphore(%run_scoped3A : memref<!tpu.dma_semaphore, #tpu.memory_space<semaphore_mem>>) src(%arg8 : memref<80x128xf32, #tpu.memory_space<vmem>>) dst(%dma_wait3A_51 : memref<80x128xf32, #tpu.memory_space<vmem_shared>>)
      tpu.yield
    }) : () -> ()
    %mul3A_10 = arith.constant 640 : i32
    %mul3A_11 = arith.muli %arg1, %mul3A_10 : i32
    %add3A_12 = arith.constant 80 : i32
    %add3A_13 = arith.addi %mul3A_11, %add3A_12 : i32
    "tpu.region"() ({
      %run_scoped3A = tpu.sem_alloc : memref<!tpu.dma_semaphore, #tpu.memory_space<semaphore_mem>>
      %dma_start3A = arith.constant 0 : i32
      %dma_start3A_46 = tpu.memref_slice %arg10[%add3A_13, %dma_start3A] : memref<10240x128xf32, #tpu.memory_space<vmem_shared>> -> memref<80x128xf32, #tpu.memory_space<vmem_shared>>
      %dma_start3A_47 = arith.constant 0 : i32
      %dma_start3A_48 = tpu.memref_slice %arg10[%add3A_13, %dma_start3A_47] : memref<10240x128xf32, #tpu.memory_space<vmem_shared>> -> memref<80x128xf32, #tpu.memory_space<vmem_shared>>
      tpu.enqueue_dma source(%arg8 : memref<80x128xf32, #tpu.memory_space<vmem>>) target(%dma_start3A_48 : memref<80x128xf32, #tpu.memory_space<vmem_shared>>) target_semaphore(%run_scoped3A : memref<!tpu.dma_semaphore, #tpu.memory_space<semaphore_mem>>)
      %dma_wait3A = arith.constant 0 : i32
      %dma_wait3A_49 = tpu.memref_slice %arg10[%add3A_13, %dma_wait3A] : memref<10240x128xf32, #tpu.memory_space<vmem_shared>> -> memref<80x128xf32, #tpu.memory_space<vmem_shared>>
      %dma_wait3A_50 = arith.constant 0 : i32
      %dma_wait3A_51 = tpu.memref_slice %arg10[%add3A_13, %dma_wait3A_50] : memref<10240x128xf32, #tpu.memory_space<vmem_shared>> -> memref<80x128xf32, #tpu.memory_space<vmem_shared>>
      tpu.wait_dma2 semaphore(%run_scoped3A : memref<!tpu.dma_semaphore, #tpu.memory_space<semaphore_mem>>) src(%arg8 : memref<80x128xf32, #tpu.memory_space<vmem>>) dst(%dma_wait3A_51 : memref<80x128xf32, #tpu.memory_space<vmem_shared>>)
      tpu.yield
    }) : () -> ()
    %mul3A_14 = arith.constant 640 : i32
    %mul3A_15 = arith.muli %arg1, %mul3A_14 : i32
    %add3A_16 = arith.constant 160 : i32
    %add3A_17 = arith.addi %mul3A_15, %add3A_16 : i32
    "tpu.region"() ({
      %run_scoped3A = tpu.sem_alloc : memref<!tpu.dma_semaphore, #tpu.memory_space<semaphore_mem>>
      %dma_start3A = arith.constant 0 : i32
      %dma_start3A_46 = tpu.memref_slice %arg10[%add3A_17, %dma_start3A] : memref<10240x128xf32, #tpu.memory_space<vmem_shared>> -> memref<80x128xf32, #tpu.memory_space<vmem_shared>>
      %dma_start3A_47 = arith.constant 0 : i32
      %dma_start3A_48 = tpu.memref_slice %arg10[%add3A_17, %dma_start3A_47] : memref<10240x128xf32, #tpu.memory_space<vmem_shared>> -> memref<80x128xf32, #tpu.memory_space<vmem_shared>>
      tpu.enqueue_dma source(%arg8 : memref<80x128xf32, #tpu.memory_space<vmem>>) target(%dma_start3A_48 : memref<80x128xf32, #tpu.memory_space<vmem_shared>>) target_semaphore(%run_scoped3A : memref<!tpu.dma_semaphore, #tpu.memory_space<semaphore_mem>>)
      %dma_wait3A = arith.constant 0 : i32
      %dma_wait3A_49 = tpu.memref_slice %arg10[%add3A_17, %dma_wait3A] : memref<10240x128xf32, #tpu.memory_space<vmem_shared>> -> memref<80x128xf32, #tpu.memory_space<vmem_shared>>
      %dma_wait3A_50 = arith.constant 0 : i32
      %dma_wait3A_51 = tpu.memref_slice %arg10[%add3A_17, %dma_wait3A_50] : memref<10240x128xf32, #tpu.memory_space<vmem_shared>> -> memref<80x128xf32, #tpu.memory_space<vmem_shared>>
      tpu.wait_dma2 semaphore(%run_scoped3A : memref<!tpu.dma_semaphore, #tpu.memory_space<semaphore_mem>>) src(%arg8 : memref<80x128xf32, #tpu.memory_space<vmem>>) dst(%dma_wait3A_51 : memref<80x128xf32, #tpu.memory_space<vmem_shared>>)
      tpu.yield
    }) : () -> ()
    %mul3A_18 = arith.constant 640 : i32
    %mul3A_19 = arith.muli %arg1, %mul3A_18 : i32
    %add3A_20 = arith.constant 240 : i32
    %add3A_21 = arith.addi %mul3A_19, %add3A_20 : i32
    "tpu.region"() ({
      %run_scoped3A = tpu.sem_alloc : memref<!tpu.dma_semaphore, #tpu.memory_space<semaphore_mem>>
      %dma_start3A = arith.constant 0 : i32
      %dma_start3A_46 = tpu.memref_slice %arg10[%add3A_21, %dma_start3A] : memref<10240x128xf32, #tpu.memory_space<vmem_shared>> -> memref<80x128xf32, #tpu.memory_space<vmem_shared>>
      %dma_start3A_47 = arith.constant 0 : i32
      %dma_start3A_48 = tpu.memref_slice %arg10[%add3A_21, %dma_start3A_47] : memref<10240x128xf32, #tpu.memory_space<vmem_shared>> -> memref<80x128xf32, #tpu.memory_space<vmem_shared>>
      tpu.enqueue_dma source(%arg8 : memref<80x128xf32, #tpu.memory_space<vmem>>) target(%dma_start3A_48 : memref<80x128xf32, #tpu.memory_space<vmem_shared>>) target_semaphore(%run_scoped3A : memref<!tpu.dma_semaphore, #tpu.memory_space<semaphore_mem>>)
      %dma_wait3A = arith.constant 0 : i32
      %dma_wait3A_49 = tpu.memref_slice %arg10[%add3A_21, %dma_wait3A] : memref<10240x128xf32, #tpu.memory_space<vmem_shared>> -> memref<80x128xf32, #tpu.memory_space<vmem_shared>>
      %dma_wait3A_50 = arith.constant 0 : i32
      %dma_wait3A_51 = tpu.memref_slice %arg10[%add3A_21, %dma_wait3A_50] : memref<10240x128xf32, #tpu.memory_space<vmem_shared>> -> memref<80x128xf32, #tpu.memory_space<vmem_shared>>
      tpu.wait_dma2 semaphore(%run_scoped3A : memref<!tpu.dma_semaphore, #tpu.memory_space<semaphore_mem>>) src(%arg8 : memref<80x128xf32, #tpu.memory_space<vmem>>) dst(%dma_wait3A_51 : memref<80x128xf32, #tpu.memory_space<vmem_shared>>)
      tpu.yield
    }) : () -> ()
    %mul3A_22 = arith.constant 640 : i32
    %mul3A_23 = arith.muli %arg1, %mul3A_22 : i32
    %add3A_24 = arith.constant 320 : i32
    %add3A_25 = arith.addi %mul3A_23, %add3A_24 : i32
    "tpu.region"() ({
      %run_scoped3A = tpu.sem_alloc : memref<!tpu.dma_semaphore, #tpu.memory_space<semaphore_mem>>
      %dma_start3A = arith.constant 0 : i32
      %dma_start3A_46 = tpu.memref_slice %arg10[%add3A_25, %dma_start3A] : memref<10240x128xf32, #tpu.memory_space<vmem_shared>> -> memref<80x128xf32, #tpu.memory_space<vmem_shared>>
      %dma_start3A_47 = arith.constant 0 : i32
      %dma_start3A_48 = tpu.memref_slice %arg10[%add3A_25, %dma_start3A_47] : memref<10240x128xf32, #tpu.memory_space<vmem_shared>> -> memref<80x128xf32, #tpu.memory_space<vmem_shared>>
      tpu.enqueue_dma source(%arg8 : memref<80x128xf32, #tpu.memory_space<vmem>>) target(%dma_start3A_48 : memref<80x128xf32, #tpu.memory_space<vmem_shared>>) target_semaphore(%run_scoped3A : memref<!tpu.dma_semaphore, #tpu.memory_space<semaphore_mem>>)
      %dma_wait3A = arith.constant 0 : i32
      %dma_wait3A_49 = tpu.memref_slice %arg10[%add3A_25, %dma_wait3A] : memref<10240x128xf32, #tpu.memory_space<vmem_shared>> -> memref<80x128xf32, #tpu.memory_space<vmem_shared>>
      %dma_wait3A_50 = arith.constant 0 : i32
      %dma_wait3A_51 = tpu.memref_slice %arg10[%add3A_25, %dma_wait3A_50] : memref<10240x128xf32, #tpu.memory_space<vmem_shared>> -> memref<80x128xf32, #tpu.memory_space<vmem_shared>>
      tpu.wait_dma2 semaphore(%run_scoped3A : memref<!tpu.dma_semaphore, #tpu.memory_space<semaphore_mem>>) src(%arg8 : memref<80x128xf32, #tpu.memory_space<vmem>>) dst(%dma_wait3A_51 : memref<80x128xf32, #tpu.memory_space<vmem_shared>>)
      tpu.yield
    }) : () -> ()
    %mul3A_26 = arith.constant 640 : i32
    %mul3A_27 = arith.muli %arg1, %mul3A_26 : i32
    %add3A_28 = arith.constant 400 : i32
    %add3A_29 = arith.addi %mul3A_27, %add3A_28 : i32
    "tpu.region"() ({
      %run_scoped3A = tpu.sem_alloc : memref<!tpu.dma_semaphore, #tpu.memory_space<semaphore_mem>>
      %dma_start3A = arith.constant 0 : i32
      %dma_start3A_46 = tpu.memref_slice %arg10[%add3A_29, %dma_start3A] : memref<10240x128xf32, #tpu.memory_space<vmem_shared>> -> memref<80x128xf32, #tpu.memory_space<vmem_shared>>
      %dma_start3A_47 = arith.constant 0 : i32
      %dma_start3A_48 = tpu.memref_slice %arg10[%add3A_29, %dma_start3A_47] : memref<10240x128xf32, #tpu.memory_space<vmem_shared>> -> memref<80x128xf32, #tpu.memory_space<vmem_shared>>
      tpu.enqueue_dma source(%arg8 : memref<80x128xf32, #tpu.memory_space<vmem>>) target(%dma_start3A_48 : memref<80x128xf32, #tpu.memory_space<vmem_shared>>) target_semaphore(%run_scoped3A : memref<!tpu.dma_semaphore, #tpu.memory_space<semaphore_mem>>)
      %dma_wait3A = arith.constant 0 : i32
      %dma_wait3A_49 = tpu.memref_slice %arg10[%add3A_29, %dma_wait3A] : memref<10240x128xf32, #tpu.memory_space<vmem_shared>> -> memref<80x128xf32, #tpu.memory_space<vmem_shared>>
      %dma_wait3A_50 = arith.constant 0 : i32
      %dma_wait3A_51 = tpu.memref_slice %arg10[%add3A_29, %dma_wait3A_50] : memref<10240x128xf32, #tpu.memory_space<vmem_shared>> -> memref<80x128xf32, #tpu.memory_space<vmem_shared>>
      tpu.wait_dma2 semaphore(%run_scoped3A : memref<!tpu.dma_semaphore, #tpu.memory_space<semaphore_mem>>) src(%arg8 : memref<80x128xf32, #tpu.memory_space<vmem>>) dst(%dma_wait3A_51 : memref<80x128xf32, #tpu.memory_space<vmem_shared>>)
      tpu.yield
    }) : () -> ()
    %mul3A_30 = arith.constant 640 : i32
    %mul3A_31 = arith.muli %arg1, %mul3A_30 : i32
    %add3A_32 = arith.constant 480 : i32
    %add3A_33 = arith.addi %mul3A_31, %add3A_32 : i32
    "tpu.region"() ({
      %run_scoped3A = tpu.sem_alloc : memref<!tpu.dma_semaphore, #tpu.memory_space<semaphore_mem>>
      %dma_start3A = arith.constant 0 : i32
      %dma_start3A_46 = tpu.memref_slice %arg10[%add3A_33, %dma_start3A] : memref<10240x128xf32, #tpu.memory_space<vmem_shared>> -> memref<80x128xf32, #tpu.memory_space<vmem_shared>>
      %dma_start3A_47 = arith.constant 0 : i32
      %dma_start3A_48 = tpu.memref_slice %arg10[%add3A_33, %dma_start3A_47] : memref<10240x128xf32, #tpu.memory_space<vmem_shared>> -> memref<80x128xf32, #tpu.memory_space<vmem_shared>>
      tpu.enqueue_dma source(%arg8 : memref<80x128xf32, #tpu.memory_space<vmem>>) target(%dma_start3A_48 : memref<80x128xf32, #tpu.memory_space<vmem_shared>>) target_semaphore(%run_scoped3A : memref<!tpu.dma_semaphore, #tpu.memory_space<semaphore_mem>>)
      %dma_wait3A = arith.constant 0 : i32
      %dma_wait3A_49 = tpu.memref_slice %arg10[%add3A_33, %dma_wait3A] : memref<10240x128xf32, #tpu.memory_space<vmem_shared>> -> memref<80x128xf32, #tpu.memory_space<vmem_shared>>
      %dma_wait3A_50 = arith.constant 0 : i32
      %dma_wait3A_51 = tpu.memref_slice %arg10[%add3A_33, %dma_wait3A_50] : memref<10240x128xf32, #tpu.memory_space<vmem_shared>> -> memref<80x128xf32, #tpu.memory_space<vmem_shared>>
      tpu.wait_dma2 semaphore(%run_scoped3A : memref<!tpu.dma_semaphore, #tpu.memory_space<semaphore_mem>>) src(%arg8 : memref<80x128xf32, #tpu.memory_space<vmem>>) dst(%dma_wait3A_51 : memref<80x128xf32, #tpu.memory_space<vmem_shared>>)
      tpu.yield
    }) : () -> ()
    %mul3A_34 = arith.constant 640 : i32
    %mul3A_35 = arith.muli %arg1, %mul3A_34 : i32
    %add3A_36 = arith.constant 560 : i32
    %add3A_37 = arith.addi %mul3A_35, %add3A_36 : i32
    "tpu.region"() ({
      %run_scoped3A = tpu.sem_alloc : memref<!tpu.dma_semaphore, #tpu.memory_space<semaphore_mem>>
      %dma_start3A = arith.constant 0 : i32
      %dma_start3A_46 = tpu.memref_slice %arg10[%add3A_37, %dma_start3A] : memref<10240x128xf32, #tpu.memory_space<vmem_shared>> -> memref<80x128xf32, #tpu.memory_space<vmem_shared>>
      %dma_start3A_47 = arith.constant 0 : i32
      %dma_start3A_48 = tpu.memref_slice %arg10[%add3A_37, %dma_start3A_47] : memref<10240x128xf32, #tpu.memory_space<vmem_shared>> -> memref<80x128xf32, #tpu.memory_space<vmem_shared>>
      tpu.enqueue_dma source(%arg8 : memref<80x128xf32, #tpu.memory_space<vmem>>) target(%dma_start3A_48 : memref<80x128xf32, #tpu.memory_space<vmem_shared>>) target_semaphore(%run_scoped3A : memref<!tpu.dma_semaphore, #tpu.memory_space<semaphore_mem>>)
      %dma_wait3A = arith.constant 0 : i32
      %dma_wait3A_49 = tpu.memref_slice %arg10[%add3A_37, %dma_wait3A] : memref<10240x128xf32, #tpu.memory_space<vmem_shared>> -> memref<80x128xf32, #tpu.memory_space<vmem_shared>>
      %dma_wait3A_50 = arith.constant 0 : i32
      %dma_wait3A_51 = tpu.memref_slice %arg10[%add3A_37, %dma_wait3A_50] : memref<10240x128xf32, #tpu.memory_space<vmem_shared>> -> memref<80x128xf32, #tpu.memory_space<vmem_shared>>
      tpu.wait_dma2 semaphore(%run_scoped3A : memref<!tpu.dma_semaphore, #tpu.memory_space<semaphore_mem>>) src(%arg8 : memref<80x128xf32, #tpu.memory_space<vmem>>) dst(%dma_wait3A_51 : memref<80x128xf32, #tpu.memory_space<vmem_shared>>)
      tpu.yield
    }) : () -> ()
    %barrier3A = arith.constant 0 : index
    tpu.barrier barrier_id(%barrier3A)
    %scan3A_38 = arith.constant 0 : i32
    %scan3A_39 = arith.constant 125 : i32
    %scan3A_40 = arith.addi %scan3A_38, %scan3A_39 : i32
    %scan3A_41 = arith.constant 1 : i32
    scf.for %scan3A_46 = %scan3A_38 to %scan3A_40 step %scan3A_41  : i32 {
      %dma_start3A = arith.constant 0 : i32
      %dma_start3A_47 = tpu.memref_slice %arg6[%scan3A_46, %dma_start3A] : memref<125x80xi32, #tpu.memory_space<vmem>> -> memref<1x80xi32, #tpu.memory_space<vmem>>
      %dma_start3A_48 = tpu.memref_squeeze %dma_start3A_47 : memref<1x80xi32, #tpu.memory_space<vmem>> -> memref<80xi32, #tpu.memory_space<vmem>>
      %dma_start3A_49 = arith.constant 0 : i32
      %dma_start3A_50 = arith.constant 0 : i32
      %dma_start3A_51 = tpu.memref_slice %arg2[%dma_start3A_49, %dma_start3A_50] : memref<10000x128xf32, #tpu.memory_space<hbm>> -> memref<10000x128xf32, #tpu.memory_space<hbm>>
      tpu.enqueue_indirect_dma source(%dma_start3A_51 : memref<10000x128xf32, #tpu.memory_space<hbm>>) target(%arg8 : memref<80x128xf32, #tpu.memory_space<vmem>>) offsets(%dma_start3A_48 : memref<80xi32, #tpu.memory_space<vmem>>) semaphore(%arg9 : memref<!tpu.dma_semaphore, #tpu.memory_space<semaphore_mem>>)
      %dma_wait3A = arith.constant 0 : i32
      %dma_wait3A_52 = tpu.memref_slice %arg6[%scan3A_46, %dma_wait3A] : memref<125x80xi32, #tpu.memory_space<vmem>> -> memref<1x80xi32, #tpu.memory_space<vmem>>
      %dma_wait3A_53 = tpu.memref_squeeze %dma_wait3A_52 : memref<1x80xi32, #tpu.memory_space<vmem>> -> memref<80xi32, #tpu.memory_space<vmem>>
      %dma_wait3A_54 = arith.constant 0 : i32
      %dma_wait3A_55 = arith.constant 0 : i32
      %dma_wait3A_56 = tpu.memref_slice %arg2[%dma_wait3A_54, %dma_wait3A_55] : memref<10000x128xf32, #tpu.memory_space<hbm>> -> memref<10000x128xf32, #tpu.memory_space<hbm>>
      tpu.wait_indirect_dma semaphore(%arg9 : memref<!tpu.dma_semaphore, #tpu.memory_space<semaphore_mem>>) src(%dma_wait3A_56 : memref<10000x128xf32, #tpu.memory_space<hbm>>) dst(%arg8 : memref<80x128xf32, #tpu.memory_space<vmem>>)
      "tpu.region"() ({
        %run_scoped3A = tpu.sem_alloc : memref<!tpu.dma_semaphore, #tpu.memory_space<semaphore_mem>>
        %dma_start3A_57 = arith.constant 0 : i32
        %dma_start3A_58 = tpu.memref_slice %arg7[%scan3A_46, %dma_start3A_57] : memref<125x80xi32, #tpu.memory_space<vmem>> -> memref<1x80xi32, #tpu.memory_space<vmem>>
        %dma_start3A_59 = tpu.memref_squeeze %dma_start3A_58 : memref<1x80xi32, #tpu.memory_space<vmem>> -> memref<80xi32, #tpu.memory_space<vmem>>
        %dma_start3A_60 = arith.constant 0 : i32
        %dma_start3A_61 = arith.constant 0 : i32
        %dma_start3A_62 = tpu.memref_slice %arg10[%dma_start3A_60, %dma_start3A_61] : memref<10240x128xf32, #tpu.memory_space<vmem_shared>> -> memref<10240x128xf32, #tpu.memory_space<vmem_shared>>
        tpu.enqueue_indirect_dma source(%arg8 : memref<80x128xf32, #tpu.memory_space<vmem>>) target(%dma_start3A_62 : memref<10240x128xf32, #tpu.memory_space<vmem_shared>>) offsets(%dma_start3A_59 : memref<80xi32, #tpu.memory_space<vmem>>) semaphore(%run_scoped3A : memref<!tpu.dma_semaphore, #tpu.memory_space<semaphore_mem>>) {add = true}
        %dma_wait3A_63 = arith.constant 0 : i32
        %dma_wait3A_64 = tpu.memref_slice %arg7[%scan3A_46, %dma_wait3A_63] : memref<125x80xi32, #tpu.memory_space<vmem>> -> memref<1x80xi32, #tpu.memory_space<vmem>>
        %dma_wait3A_65 = tpu.memref_squeeze %dma_wait3A_64 : memref<1x80xi32, #tpu.memory_space<vmem>> -> memref<80xi32, #tpu.memory_space<vmem>>
        %dma_wait3A_66 = arith.constant 0 : i32
        %dma_wait3A_67 = arith.constant 0 : i32
        %dma_wait3A_68 = tpu.memref_slice %arg10[%dma_wait3A_66, %dma_wait3A_67] : memref<10240x128xf32, #tpu.memory_space<vmem_shared>> -> memref<10240x128xf32, #tpu.memory_space<vmem_shared>>
        tpu.wait_indirect_dma semaphore(%run_scoped3A : memref<!tpu.dma_semaphore, #tpu.memory_space<semaphore_mem>>) src(%arg8 : memref<80x128xf32, #tpu.memory_space<vmem>>) dst(%dma_wait3A_68 : memref<10240x128xf32, #tpu.memory_space<vmem_shared>>)
        tpu.yield
      }) : () -> ()
    }
    %scan3A_42 = arith.constant 125 : i32
    %barrier3A_43 = arith.constant 0 : index
    tpu.barrier barrier_id(%barrier3A_43)
    %mul3A_44 = arith.constant 640 : i32
    %mul3A_45 = arith.muli %arg1, %mul3A_44 : i32
    "tpu.region"() ({
      %run_scoped3A = tpu.sem_alloc : memref<!tpu.dma_semaphore, #tpu.memory_space<semaphore_mem>>
      %dma_start3A = arith.constant 0 : i32
      %dma_start3A_46 = arith.constant 0 : i32
      %dma_start3A_47 = tpu.memref_slice %arg5[%arg0, %arg1, %dma_start3A, %dma_start3A_46] : memref<2x16x640x128xf32, #tpu.memory_space<hbm>> -> memref<1x1x640x128xf32, #tpu.memory_space<hbm>>
      %dma_start3A_48 = tpu.memref_squeeze %dma_start3A_47 : memref<1x1x640x128xf32, #tpu.memory_space<hbm>> -> memref<640x128xf32, #tpu.memory_space<hbm>>
      %dma_start3A_49 = arith.constant 0 : i32
      %dma_start3A_50 = tpu.memref_slice %arg10[%mul3A_45, %dma_start3A_49] : memref<10240x128xf32, #tpu.memory_space<vmem_shared>> -> memref<640x128xf32, #tpu.memory_space<vmem_shared>>
      tpu.enqueue_dma source(%dma_start3A_50 : memref<640x128xf32, #tpu.memory_space<vmem_shared>>) target(%dma_start3A_48 : memref<640x128xf32, #tpu.memory_space<hbm>>) target_semaphore(%run_scoped3A : memref<!tpu.dma_semaphore, #tpu.memory_space<semaphore_mem>>)
      %dma_wait3A = arith.constant 0 : i32
      %dma_wait3A_51 = arith.constant 0 : i32
      %dma_wait3A_52 = tpu.memref_slice %arg5[%arg0, %arg1, %dma_wait3A, %dma_wait3A_51] : memref<2x16x640x128xf32, #tpu.memory_space<hbm>> -> memref<1x1x640x128xf32, #tpu.memory_space<hbm>>
      %dma_wait3A_53 = tpu.memref_squeeze %dma_wait3A_52 : memref<1x1x640x128xf32, #tpu.memory_space<hbm>> -> memref<640x128xf32, #tpu.memory_space<hbm>>
      %dma_wait3A_54 = arith.constant 0 : i32
      %dma_wait3A_55 = tpu.memref_slice %arg10[%mul3A_45, %dma_wait3A_54] : memref<10240x128xf32, #tpu.memory_space<vmem_shared>> -> memref<640x128xf32, #tpu.memory_space<vmem_shared>>
      tpu.wait_dma2 semaphore(%run_scoped3A : memref<!tpu.dma_semaphore, #tpu.memory_space<semaphore_mem>>) src(%dma_wait3A_55 : memref<640x128xf32, #tpu.memory_space<vmem_shared>>) dst(%dma_wait3A_53 : memref<640x128xf32, #tpu.memory_space<hbm>>)
      tpu.yield
    }) : () -> ()
    return
  }
}

#map = affine_map<(d0, d1) -> (0, 0)>
#map1 = affine_map<(d0, d1) -> (0, 0, 0)>
#map2 = affine_map<(d0, d1) -> (0, 0, 0, 0)>
module attributes {stable_mosaic.version = 14 : i64} {
  func.func @_sc_scatter_rows(%arg0: i32, %arg1: i32, %arg2: memref<10000x128xf32, #tpu.memory_space<hbm>>, %arg3: memref<32x125x80xi32, #tpu.memory_space<hbm>>, %arg4: memref<32x125x80xi32, #tpu.memory_space<hbm>>, %arg5: memref<2x16x640x128xf32, #tpu.memory_space<hbm>>, %arg6: memref<125x80xi32, #tpu.memory_space<vmem>>, %arg7: memref<125x80xi32, #tpu.memory_space<vmem>>, %arg8: memref<80x128xf32, #tpu.memory_space<vmem>>, %arg9: memref<!tpu.dma_semaphore, #tpu.memory_space<semaphore_mem>>, %arg10: memref<10240x128xf32, #tpu.memory_space<vmem_shared>>) attributes {dimension_semantics = [#tpu.dimension_semantics<core_parallel>, #tpu.dimension_semantics<subcore_parallel>], iteration_bounds = array<i64: 2, 16>, scalar_prefetch = 0 : i64, scratch_operands = 5 : i64, tpu.core_type = #tpu.core_type<sc_vector_subcore>, window_params = [{transform_indices = #map}, {transform_indices = #map1}, {transform_indices = #map1}, {transform_indices = #map2}]} {
    %mul3A = arith.constant 16 : i32
    %mul3A_0 = arith.muli %arg0, %mul3A : i32
    %add3A = arith.addi %mul3A_0, %arg1 : i32
    "tpu.region"() ({
      %run_scoped3A = tpu.sem_alloc : memref<!tpu.dma_semaphore, #tpu.memory_space<semaphore_mem>>
      %dma_start3A = arith.constant 0 : i32
      %dma_start3A_46 = arith.constant 0 : i32
      %dma_start3A_47 = tpu.memref_slice %arg3[%add3A, %dma_start3A, %dma_start3A_46] : memref<32x125x80xi32, #tpu.memory_space<hbm>> -> memref<1x125x80xi32, #tpu.memory_space<hbm>>
      %dma_start3A_48 = tpu.memref_squeeze %dma_start3A_47 : memref<1x125x80xi32, #tpu.memory_space<hbm>> -> memref<125x80xi32, #tpu.memory_space<hbm>>
      %dma_start3A_49 = arith.constant 0 : i32
      %dma_start3A_50 = arith.constant 0 : i32
      %dma_start3A_51 = tpu.memref_slice %arg3[%add3A, %dma_start3A_49, %dma_start3A_50] : memref<32x125x80xi32, #tpu.memory_space<hbm>> -> memref<1x125x80xi32, #tpu.memory_space<hbm>>
      %dma_start3A_52 = tpu.memref_squeeze %dma_start3A_51 : memref<1x125x80xi32, #tpu.memory_space<hbm>> -> memref<125x80xi32, #tpu.memory_space<hbm>>
      tpu.enqueue_dma source(%dma_start3A_52 : memref<125x80xi32, #tpu.memory_space<hbm>>) target(%arg6 : memref<125x80xi32, #tpu.memory_space<vmem>>) target_semaphore(%run_scoped3A : memref<!tpu.dma_semaphore, #tpu.memory_space<semaphore_mem>>)
      %dma_wait3A = arith.constant 0 : i32
      %dma_wait3A_53 = arith.constant 0 : i32
      %dma_wait3A_54 = tpu.memref_slice %arg3[%add3A, %dma_wait3A, %dma_wait3A_53] : memref<32x125x80xi32, #tpu.memory_space<hbm>> -> memref<1x125x80xi32, #tpu.memory_space<hbm>>
      %dma_wait3A_55 = tpu.memref_squeeze %dma_wait3A_54 : memref<1x125x80xi32, #tpu.memory_space<hbm>> -> memref<125x80xi32, #tpu.memory_space<hbm>>
      %dma_wait3A_56 = arith.constant 0 : i32
      %dma_wait3A_57 = arith.constant 0 : i32
      %dma_wait3A_58 = tpu.memref_slice %arg3[%add3A, %dma_wait3A_56, %dma_wait3A_57] : memref<32x125x80xi32, #tpu.memory_space<hbm>> -> memref<1x125x80xi32, #tpu.memory_space<hbm>>
      %dma_wait3A_59 = tpu.memref_squeeze %dma_wait3A_58 : memref<1x125x80xi32, #tpu.memory_space<hbm>> -> memref<125x80xi32, #tpu.memory_space<hbm>>
      tpu.wait_dma2 semaphore(%run_scoped3A : memref<!tpu.dma_semaphore, #tpu.memory_space<semaphore_mem>>) src(%dma_wait3A_59 : memref<125x80xi32, #tpu.memory_space<hbm>>) dst(%arg6 : memref<125x80xi32, #tpu.memory_space<vmem>>)
      tpu.yield
    }) : () -> ()
    "tpu.region"() ({
      %run_scoped3A = tpu.sem_alloc : memref<!tpu.dma_semaphore, #tpu.memory_space<semaphore_mem>>
      %dma_start3A = arith.constant 0 : i32
      %dma_start3A_46 = arith.constant 0 : i32
      %dma_start3A_47 = tpu.memref_slice %arg4[%add3A, %dma_start3A, %dma_start3A_46] : memref<32x125x80xi32, #tpu.memory_space<hbm>> -> memref<1x125x80xi32, #tpu.memory_space<hbm>>
      %dma_start3A_48 = tpu.memref_squeeze %dma_start3A_47 : memref<1x125x80xi32, #tpu.memory_space<hbm>> -> memref<125x80xi32, #tpu.memory_space<hbm>>
      %dma_start3A_49 = arith.constant 0 : i32
      %dma_start3A_50 = arith.constant 0 : i32
      %dma_start3A_51 = tpu.memref_slice %arg4[%add3A, %dma_start3A_49, %dma_start3A_50] : memref<32x125x80xi32, #tpu.memory_space<hbm>> -> memref<1x125x80xi32, #tpu.memory_space<hbm>>
      %dma_start3A_52 = tpu.memref_squeeze %dma_start3A_51 : memref<1x125x80xi32, #tpu.memory_space<hbm>> -> memref<125x80xi32, #tpu.memory_space<hbm>>
      tpu.enqueue_dma source(%dma_start3A_52 : memref<125x80xi32, #tpu.memory_space<hbm>>) target(%arg7 : memref<125x80xi32, #tpu.memory_space<vmem>>) target_semaphore(%run_scoped3A : memref<!tpu.dma_semaphore, #tpu.memory_space<semaphore_mem>>)
      %dma_wait3A = arith.constant 0 : i32
      %dma_wait3A_53 = arith.constant 0 : i32
      %dma_wait3A_54 = tpu.memref_slice %arg4[%add3A, %dma_wait3A, %dma_wait3A_53] : memref<32x125x80xi32, #tpu.memory_space<hbm>> -> memref<1x125x80xi32, #tpu.memory_space<hbm>>
      %dma_wait3A_55 = tpu.memref_squeeze %dma_wait3A_54 : memref<1x125x80xi32, #tpu.memory_space<hbm>> -> memref<125x80xi32, #tpu.memory_space<hbm>>
      %dma_wait3A_56 = arith.constant 0 : i32
      %dma_wait3A_57 = arith.constant 0 : i32
      %dma_wait3A_58 = tpu.memref_slice %arg4[%add3A, %dma_wait3A_56, %dma_wait3A_57] : memref<32x125x80xi32, #tpu.memory_space<hbm>> -> memref<1x125x80xi32, #tpu.memory_space<hbm>>
      %dma_wait3A_59 = tpu.memref_squeeze %dma_wait3A_58 : memref<1x125x80xi32, #tpu.memory_space<hbm>> -> memref<125x80xi32, #tpu.memory_space<hbm>>
      tpu.wait_dma2 semaphore(%run_scoped3A : memref<!tpu.dma_semaphore, #tpu.memory_space<semaphore_mem>>) src(%dma_wait3A_59 : memref<125x80xi32, #tpu.memory_space<hbm>>) dst(%arg7 : memref<125x80xi32, #tpu.memory_space<vmem>>)
      tpu.yield
    }) : () -> ()
    %broadcast_in_dim3A = arith.constant 0.000000e+00 : f32
    %broadcast_in_dim3A_1 = vector.broadcast %broadcast_in_dim3A : f32 to vector<16xf32>
    %scan3A = arith.constant 0 : i32
    %scan3A_2 = arith.constant 80 : i32
    %scan3A_3 = arith.addi %scan3A, %scan3A_2 : i32
    %scan3A_4 = arith.constant 1 : i32
    scf.for %scan3A_46 = %scan3A to %scan3A_3 step %scan3A_4  : i32 {
      %swap3A = arith.index_cast %scan3A_46 : i32 to index
      %swap3A_47 = arith.constant 0 : index
      %swap3A_48 = tpu.vector_load %arg8[%swap3A, %swap3A_47] {strides = array<i32>} : memref<80x128xf32, #tpu.memory_space<vmem>>, vector<1x16xf32>,
      %swap3A_49 = vector.shape_cast %swap3A_48 : vector<1x16xf32> to vector<16xf32>
      %swap3A_50 = vector.shape_cast %broadcast_in_dim3A_1 : vector<16xf32> to vector<1x16xf32>
      tpu.vector_store %arg8[%swap3A, %swap3A_47], %swap3A_50 {strides = array<i32>} : memref<80x128xf32, #tpu.memory_space<vmem>>, vector<1x16xf32>,
      %swap3A_51 = arith.index_cast %scan3A_46 : i32 to index
      %swap3A_52 = arith.constant 16 : index
      %swap3A_53 = tpu.vector_load %arg8[%swap3A_51, %swap3A_52] {strides = array<i32>} : memref<80x128xf32, #tpu.memory_space<vmem>>, vector<1x16xf32>,
      %swap3A_54 = vector.shape_cast %swap3A_53 : vector<1x16xf32> to vector<16xf32>
      %swap3A_55 = vector.shape_cast %broadcast_in_dim3A_1 : vector<16xf32> to vector<1x16xf32>
      tpu.vector_store %arg8[%swap3A_51, %swap3A_52], %swap3A_55 {strides = array<i32>} : memref<80x128xf32, #tpu.memory_space<vmem>>, vector<1x16xf32>,
      %swap3A_56 = arith.index_cast %scan3A_46 : i32 to index
      %swap3A_57 = arith.constant 32 : index
      %swap3A_58 = tpu.vector_load %arg8[%swap3A_56, %swap3A_57] {strides = array<i32>} : memref<80x128xf32, #tpu.memory_space<vmem>>, vector<1x16xf32>,
      %swap3A_59 = vector.shape_cast %swap3A_58 : vector<1x16xf32> to vector<16xf32>
      %swap3A_60 = vector.shape_cast %broadcast_in_dim3A_1 : vector<16xf32> to vector<1x16xf32>
      tpu.vector_store %arg8[%swap3A_56, %swap3A_57], %swap3A_60 {strides = array<i32>} : memref<80x128xf32, #tpu.memory_space<vmem>>, vector<1x16xf32>,
      %swap3A_61 = arith.index_cast %scan3A_46 : i32 to index
      %swap3A_62 = arith.constant 48 : index
      %swap3A_63 = tpu.vector_load %arg8[%swap3A_61, %swap3A_62] {strides = array<i32>} : memref<80x128xf32, #tpu.memory_space<vmem>>, vector<1x16xf32>,
      %swap3A_64 = vector.shape_cast %swap3A_63 : vector<1x16xf32> to vector<16xf32>
      %swap3A_65 = vector.shape_cast %broadcast_in_dim3A_1 : vector<16xf32> to vector<1x16xf32>
      tpu.vector_store %arg8[%swap3A_61, %swap3A_62], %swap3A_65 {strides = array<i32>} : memref<80x128xf32, #tpu.memory_space<vmem>>, vector<1x16xf32>,
      %swap3A_66 = arith.index_cast %scan3A_46 : i32 to index
      %swap3A_67 = arith.constant 64 : index
      %swap3A_68 = tpu.vector_load %arg8[%swap3A_66, %swap3A_67] {strides = array<i32>} : memref<80x128xf32, #tpu.memory_space<vmem>>, vector<1x16xf32>,
      %swap3A_69 = vector.shape_cast %swap3A_68 : vector<1x16xf32> to vector<16xf32>
      %swap3A_70 = vector.shape_cast %broadcast_in_dim3A_1 : vector<16xf32> to vector<1x16xf32>
      tpu.vector_store %arg8[%swap3A_66, %swap3A_67], %swap3A_70 {strides = array<i32>} : memref<80x128xf32, #tpu.memory_space<vmem>>, vector<1x16xf32>,
      %swap3A_71 = arith.index_cast %scan3A_46 : i32 to index
      %swap3A_72 = arith.constant 80 : index
      %swap3A_73 = tpu.vector_load %arg8[%swap3A_71, %swap3A_72] {strides = array<i32>} : memref<80x128xf32, #tpu.memory_space<vmem>>, vector<1x16xf32>,
      %swap3A_74 = vector.shape_cast %swap3A_73 : vector<1x16xf32> to vector<16xf32>
      %swap3A_75 = vector.shape_cast %broadcast_in_dim3A_1 : vector<16xf32> to vector<1x16xf32>
      tpu.vector_store %arg8[%swap3A_71, %swap3A_72], %swap3A_75 {strides = array<i32>} : memref<80x128xf32, #tpu.memory_space<vmem>>, vector<1x16xf32>,
      %swap3A_76 = arith.index_cast %scan3A_46 : i32 to index
      %swap3A_77 = arith.constant 96 : index
      %swap3A_78 = tpu.vector_load %arg8[%swap3A_76, %swap3A_77] {strides = array<i32>} : memref<80x128xf32, #tpu.memory_space<vmem>>, vector<1x16xf32>,
      %swap3A_79 = vector.shape_cast %swap3A_78 : vector<1x16xf32> to vector<16xf32>
      %swap3A_80 = vector.shape_cast %broadcast_in_dim3A_1 : vector<16xf32> to vector<1x16xf32>
      tpu.vector_store %arg8[%swap3A_76, %swap3A_77], %swap3A_80 {strides = array<i32>} : memref<80x128xf32, #tpu.memory_space<vmem>>, vector<1x16xf32>,
      %swap3A_81 = arith.index_cast %scan3A_46 : i32 to index
      %swap3A_82 = arith.constant 112 : index
      %swap3A_83 = tpu.vector_load %arg8[%swap3A_81, %swap3A_82] {strides = array<i32>} : memref<80x128xf32, #tpu.memory_space<vmem>>, vector<1x16xf32>,
      %swap3A_84 = vector.shape_cast %swap3A_83 : vector<1x16xf32> to vector<16xf32>
      %swap3A_85 = vector.shape_cast %broadcast_in_dim3A_1 : vector<16xf32> to vector<1x16xf32>
      tpu.vector_store %arg8[%swap3A_81, %swap3A_82], %swap3A_85 {strides = array<i32>} : memref<80x128xf32, #tpu.memory_space<vmem>>, vector<1x16xf32>,
    }
    %scan3A_5 = arith.constant 80 : i32
    %mul3A_6 = arith.constant 640 : i32
    %mul3A_7 = arith.muli %arg1, %mul3A_6 : i32
    %add3A_8 = arith.constant 0 : i32
    %add3A_9 = arith.addi %mul3A_7, %add3A_8 : i32
    "tpu.region"() ({
      %run_scoped3A = tpu.sem_alloc : memref<!tpu.dma_semaphore, #tpu.memory_space<semaphore_mem>>
      %dma_start3A = arith.constant 0 : i32
      %dma_start3A_46 = tpu.memref_slice %arg10[%add3A_9, %dma_start3A] : memref<10240x128xf32, #tpu.memory_space<vmem_shared>> -> memref<80x128xf32, #tpu.memory_space<vmem_shared>>
      %dma_start3A_47 = arith.constant 0 : i32
      %dma_start3A_48 = tpu.memref_slice %arg10[%add3A_9, %dma_start3A_47] : memref<10240x128xf32, #tpu.memory_space<vmem_shared>> -> memref<80x128xf32, #tpu.memory_space<vmem_shared>>
      tpu.enqueue_dma source(%arg8 : memref<80x128xf32, #tpu.memory_space<vmem>>) target(%dma_start3A_48 : memref<80x128xf32, #tpu.memory_space<vmem_shared>>) target_semaphore(%run_scoped3A : memref<!tpu.dma_semaphore, #tpu.memory_space<semaphore_mem>>)
      %dma_wait3A = arith.constant 0 : i32
      %dma_wait3A_49 = tpu.memref_slice %arg10[%add3A_9, %dma_wait3A] : memref<10240x128xf32, #tpu.memory_space<vmem_shared>> -> memref<80x128xf32, #tpu.memory_space<vmem_shared>>
      %dma_wait3A_50 = arith.constant 0 : i32
      %dma_wait3A_51 = tpu.memref_slice %arg10[%add3A_9, %dma_wait3A_50] : memref<10240x128xf32, #tpu.memory_space<vmem_shared>> -> memref<80x128xf32, #tpu.memory_space<vmem_shared>>
      tpu.wait_dma2 semaphore(%run_scoped3A : memref<!tpu.dma_semaphore, #tpu.memory_space<semaphore_mem>>) src(%arg8 : memref<80x128xf32, #tpu.memory_space<vmem>>) dst(%dma_wait3A_51 : memref<80x128xf32, #tpu.memory_space<vmem_shared>>)
      tpu.yield
    }) : () -> ()
    %mul3A_10 = arith.constant 640 : i32
    %mul3A_11 = arith.muli %arg1, %mul3A_10 : i32
    %add3A_12 = arith.constant 80 : i32
    %add3A_13 = arith.addi %mul3A_11, %add3A_12 : i32
    "tpu.region"() ({
      %run_scoped3A = tpu.sem_alloc : memref<!tpu.dma_semaphore, #tpu.memory_space<semaphore_mem>>
      %dma_start3A = arith.constant 0 : i32
      %dma_start3A_46 = tpu.memref_slice %arg10[%add3A_13, %dma_start3A] : memref<10240x128xf32, #tpu.memory_space<vmem_shared>> -> memref<80x128xf32, #tpu.memory_space<vmem_shared>>
      %dma_start3A_47 = arith.constant 0 : i32
      %dma_start3A_48 = tpu.memref_slice %arg10[%add3A_13, %dma_start3A_47] : memref<10240x128xf32, #tpu.memory_space<vmem_shared>> -> memref<80x128xf32, #tpu.memory_space<vmem_shared>>
      tpu.enqueue_dma source(%arg8 : memref<80x128xf32, #tpu.memory_space<vmem>>) target(%dma_start3A_48 : memref<80x128xf32, #tpu.memory_space<vmem_shared>>) target_semaphore(%run_scoped3A : memref<!tpu.dma_semaphore, #tpu.memory_space<semaphore_mem>>)
      %dma_wait3A = arith.constant 0 : i32
      %dma_wait3A_49 = tpu.memref_slice %arg10[%add3A_13, %dma_wait3A] : memref<10240x128xf32, #tpu.memory_space<vmem_shared>> -> memref<80x128xf32, #tpu.memory_space<vmem_shared>>
      %dma_wait3A_50 = arith.constant 0 : i32
      %dma_wait3A_51 = tpu.memref_slice %arg10[%add3A_13, %dma_wait3A_50] : memref<10240x128xf32, #tpu.memory_space<vmem_shared>> -> memref<80x128xf32, #tpu.memory_space<vmem_shared>>
      tpu.wait_dma2 semaphore(%run_scoped3A : memref<!tpu.dma_semaphore, #tpu.memory_space<semaphore_mem>>) src(%arg8 : memref<80x128xf32, #tpu.memory_space<vmem>>) dst(%dma_wait3A_51 : memref<80x128xf32, #tpu.memory_space<vmem_shared>>)
      tpu.yield
    }) : () -> ()
    %mul3A_14 = arith.constant 640 : i32
    %mul3A_15 = arith.muli %arg1, %mul3A_14 : i32
    %add3A_16 = arith.constant 160 : i32
    %add3A_17 = arith.addi %mul3A_15, %add3A_16 : i32
    "tpu.region"() ({
      %run_scoped3A = tpu.sem_alloc : memref<!tpu.dma_semaphore, #tpu.memory_space<semaphore_mem>>
      %dma_start3A = arith.constant 0 : i32
      %dma_start3A_46 = tpu.memref_slice %arg10[%add3A_17, %dma_start3A] : memref<10240x128xf32, #tpu.memory_space<vmem_shared>> -> memref<80x128xf32, #tpu.memory_space<vmem_shared>>
      %dma_start3A_47 = arith.constant 0 : i32
      %dma_start3A_48 = tpu.memref_slice %arg10[%add3A_17, %dma_start3A_47] : memref<10240x128xf32, #tpu.memory_space<vmem_shared>> -> memref<80x128xf32, #tpu.memory_space<vmem_shared>>
      tpu.enqueue_dma source(%arg8 : memref<80x128xf32, #tpu.memory_space<vmem>>) target(%dma_start3A_48 : memref<80x128xf32, #tpu.memory_space<vmem_shared>>) target_semaphore(%run_scoped3A : memref<!tpu.dma_semaphore, #tpu.memory_space<semaphore_mem>>)
      %dma_wait3A = arith.constant 0 : i32
      %dma_wait3A_49 = tpu.memref_slice %arg10[%add3A_17, %dma_wait3A] : memref<10240x128xf32, #tpu.memory_space<vmem_shared>> -> memref<80x128xf32, #tpu.memory_space<vmem_shared>>
      %dma_wait3A_50 = arith.constant 0 : i32
      %dma_wait3A_51 = tpu.memref_slice %arg10[%add3A_17, %dma_wait3A_50] : memref<10240x128xf32, #tpu.memory_space<vmem_shared>> -> memref<80x128xf32, #tpu.memory_space<vmem_shared>>
      tpu.wait_dma2 semaphore(%run_scoped3A : memref<!tpu.dma_semaphore, #tpu.memory_space<semaphore_mem>>) src(%arg8 : memref<80x128xf32, #tpu.memory_space<vmem>>) dst(%dma_wait3A_51 : memref<80x128xf32, #tpu.memory_space<vmem_shared>>)
      tpu.yield
    }) : () -> ()
    %mul3A_18 = arith.constant 640 : i32
    %mul3A_19 = arith.muli %arg1, %mul3A_18 : i32
    %add3A_20 = arith.constant 240 : i32
    %add3A_21 = arith.addi %mul3A_19, %add3A_20 : i32
    "tpu.region"() ({
      %run_scoped3A = tpu.sem_alloc : memref<!tpu.dma_semaphore, #tpu.memory_space<semaphore_mem>>
      %dma_start3A = arith.constant 0 : i32
      %dma_start3A_46 = tpu.memref_slice %arg10[%add3A_21, %dma_start3A] : memref<10240x128xf32, #tpu.memory_space<vmem_shared>> -> memref<80x128xf32, #tpu.memory_space<vmem_shared>>
      %dma_start3A_47 = arith.constant 0 : i32
      %dma_start3A_48 = tpu.memref_slice %arg10[%add3A_21, %dma_start3A_47] : memref<10240x128xf32, #tpu.memory_space<vmem_shared>> -> memref<80x128xf32, #tpu.memory_space<vmem_shared>>
      tpu.enqueue_dma source(%arg8 : memref<80x128xf32, #tpu.memory_space<vmem>>) target(%dma_start3A_48 : memref<80x128xf32, #tpu.memory_space<vmem_shared>>) target_semaphore(%run_scoped3A : memref<!tpu.dma_semaphore, #tpu.memory_space<semaphore_mem>>)
      %dma_wait3A = arith.constant 0 : i32
      %dma_wait3A_49 = tpu.memref_slice %arg10[%add3A_21, %dma_wait3A] : memref<10240x128xf32, #tpu.memory_space<vmem_shared>> -> memref<80x128xf32, #tpu.memory_space<vmem_shared>>
      %dma_wait3A_50 = arith.constant 0 : i32
      %dma_wait3A_51 = tpu.memref_slice %arg10[%add3A_21, %dma_wait3A_50] : memref<10240x128xf32, #tpu.memory_space<vmem_shared>> -> memref<80x128xf32, #tpu.memory_space<vmem_shared>>
      tpu.wait_dma2 semaphore(%run_scoped3A : memref<!tpu.dma_semaphore, #tpu.memory_space<semaphore_mem>>) src(%arg8 : memref<80x128xf32, #tpu.memory_space<vmem>>) dst(%dma_wait3A_51 : memref<80x128xf32, #tpu.memory_space<vmem_shared>>)
      tpu.yield
    }) : () -> ()
    %mul3A_22 = arith.constant 640 : i32
    %mul3A_23 = arith.muli %arg1, %mul3A_22 : i32
    %add3A_24 = arith.constant 320 : i32
    %add3A_25 = arith.addi %mul3A_23, %add3A_24 : i32
    "tpu.region"() ({
      %run_scoped3A = tpu.sem_alloc : memref<!tpu.dma_semaphore, #tpu.memory_space<semaphore_mem>>
      %dma_start3A = arith.constant 0 : i32
      %dma_start3A_46 = tpu.memref_slice %arg10[%add3A_25, %dma_start3A] : memref<10240x128xf32, #tpu.memory_space<vmem_shared>> -> memref<80x128xf32, #tpu.memory_space<vmem_shared>>
      %dma_start3A_47 = arith.constant 0 : i32
      %dma_start3A_48 = tpu.memref_slice %arg10[%add3A_25, %dma_start3A_47] : memref<10240x128xf32, #tpu.memory_space<vmem_shared>> -> memref<80x128xf32, #tpu.memory_space<vmem_shared>>
      tpu.enqueue_dma source(%arg8 : memref<80x128xf32, #tpu.memory_space<vmem>>) target(%dma_start3A_48 : memref<80x128xf32, #tpu.memory_space<vmem_shared>>) target_semaphore(%run_scoped3A : memref<!tpu.dma_semaphore, #tpu.memory_space<semaphore_mem>>)
      %dma_wait3A = arith.constant 0 : i32
      %dma_wait3A_49 = tpu.memref_slice %arg10[%add3A_25, %dma_wait3A] : memref<10240x128xf32, #tpu.memory_space<vmem_shared>> -> memref<80x128xf32, #tpu.memory_space<vmem_shared>>
      %dma_wait3A_50 = arith.constant 0 : i32
      %dma_wait3A_51 = tpu.memref_slice %arg10[%add3A_25, %dma_wait3A_50] : memref<10240x128xf32, #tpu.memory_space<vmem_shared>> -> memref<80x128xf32, #tpu.memory_space<vmem_shared>>
      tpu.wait_dma2 semaphore(%run_scoped3A : memref<!tpu.dma_semaphore, #tpu.memory_space<semaphore_mem>>) src(%arg8 : memref<80x128xf32, #tpu.memory_space<vmem>>) dst(%dma_wait3A_51 : memref<80x128xf32, #tpu.memory_space<vmem_shared>>)
      tpu.yield
    }) : () -> ()
    %mul3A_26 = arith.constant 640 : i32
    %mul3A_27 = arith.muli %arg1, %mul3A_26 : i32
    %add3A_28 = arith.constant 400 : i32
    %add3A_29 = arith.addi %mul3A_27, %add3A_28 : i32
    "tpu.region"() ({
      %run_scoped3A = tpu.sem_alloc : memref<!tpu.dma_semaphore, #tpu.memory_space<semaphore_mem>>
      %dma_start3A = arith.constant 0 : i32
      %dma_start3A_46 = tpu.memref_slice %arg10[%add3A_29, %dma_start3A] : memref<10240x128xf32, #tpu.memory_space<vmem_shared>> -> memref<80x128xf32, #tpu.memory_space<vmem_shared>>
      %dma_start3A_47 = arith.constant 0 : i32
      %dma_start3A_48 = tpu.memref_slice %arg10[%add3A_29, %dma_start3A_47] : memref<10240x128xf32, #tpu.memory_space<vmem_shared>> -> memref<80x128xf32, #tpu.memory_space<vmem_shared>>
      tpu.enqueue_dma source(%arg8 : memref<80x128xf32, #tpu.memory_space<vmem>>) target(%dma_start3A_48 : memref<80x128xf32, #tpu.memory_space<vmem_shared>>) target_semaphore(%run_scoped3A : memref<!tpu.dma_semaphore, #tpu.memory_space<semaphore_mem>>)
      %dma_wait3A = arith.constant 0 : i32
      %dma_wait3A_49 = tpu.memref_slice %arg10[%add3A_29, %dma_wait3A] : memref<10240x128xf32, #tpu.memory_space<vmem_shared>> -> memref<80x128xf32, #tpu.memory_space<vmem_shared>>
      %dma_wait3A_50 = arith.constant 0 : i32
      %dma_wait3A_51 = tpu.memref_slice %arg10[%add3A_29, %dma_wait3A_50] : memref<10240x128xf32, #tpu.memory_space<vmem_shared>> -> memref<80x128xf32, #tpu.memory_space<vmem_shared>>
      tpu.wait_dma2 semaphore(%run_scoped3A : memref<!tpu.dma_semaphore, #tpu.memory_space<semaphore_mem>>) src(%arg8 : memref<80x128xf32, #tpu.memory_space<vmem>>) dst(%dma_wait3A_51 : memref<80x128xf32, #tpu.memory_space<vmem_shared>>)
      tpu.yield
    }) : () -> ()
    %mul3A_30 = arith.constant 640 : i32
    %mul3A_31 = arith.muli %arg1, %mul3A_30 : i32
    %add3A_32 = arith.constant 480 : i32
    %add3A_33 = arith.addi %mul3A_31, %add3A_32 : i32
    "tpu.region"() ({
      %run_scoped3A = tpu.sem_alloc : memref<!tpu.dma_semaphore, #tpu.memory_space<semaphore_mem>>
      %dma_start3A = arith.constant 0 : i32
      %dma_start3A_46 = tpu.memref_slice %arg10[%add3A_33, %dma_start3A] : memref<10240x128xf32, #tpu.memory_space<vmem_shared>> -> memref<80x128xf32, #tpu.memory_space<vmem_shared>>
      %dma_start3A_47 = arith.constant 0 : i32
      %dma_start3A_48 = tpu.memref_slice %arg10[%add3A_33, %dma_start3A_47] : memref<10240x128xf32, #tpu.memory_space<vmem_shared>> -> memref<80x128xf32, #tpu.memory_space<vmem_shared>>
      tpu.enqueue_dma source(%arg8 : memref<80x128xf32, #tpu.memory_space<vmem>>) target(%dma_start3A_48 : memref<80x128xf32, #tpu.memory_space<vmem_shared>>) target_semaphore(%run_scoped3A : memref<!tpu.dma_semaphore, #tpu.memory_space<semaphore_mem>>)
      %dma_wait3A = arith.constant 0 : i32
      %dma_wait3A_49 = tpu.memref_slice %arg10[%add3A_33, %dma_wait3A] : memref<10240x128xf32, #tpu.memory_space<vmem_shared>> -> memref<80x128xf32, #tpu.memory_space<vmem_shared>>
      %dma_wait3A_50 = arith.constant 0 : i32
      %dma_wait3A_51 = tpu.memref_slice %arg10[%add3A_33, %dma_wait3A_50] : memref<10240x128xf32, #tpu.memory_space<vmem_shared>> -> memref<80x128xf32, #tpu.memory_space<vmem_shared>>
      tpu.wait_dma2 semaphore(%run_scoped3A : memref<!tpu.dma_semaphore, #tpu.memory_space<semaphore_mem>>) src(%arg8 : memref<80x128xf32, #tpu.memory_space<vmem>>) dst(%dma_wait3A_51 : memref<80x128xf32, #tpu.memory_space<vmem_shared>>)
      tpu.yield
    }) : () -> ()
    %mul3A_34 = arith.constant 640 : i32
    %mul3A_35 = arith.muli %arg1, %mul3A_34 : i32
    %add3A_36 = arith.constant 560 : i32
    %add3A_37 = arith.addi %mul3A_35, %add3A_36 : i32
    "tpu.region"() ({
      %run_scoped3A = tpu.sem_alloc : memref<!tpu.dma_semaphore, #tpu.memory_space<semaphore_mem>>
      %dma_start3A = arith.constant 0 : i32
      %dma_start3A_46 = tpu.memref_slice %arg10[%add3A_37, %dma_start3A] : memref<10240x128xf32, #tpu.memory_space<vmem_shared>> -> memref<80x128xf32, #tpu.memory_space<vmem_shared>>
      %dma_start3A_47 = arith.constant 0 : i32
      %dma_start3A_48 = tpu.memref_slice %arg10[%add3A_37, %dma_start3A_47] : memref<10240x128xf32, #tpu.memory_space<vmem_shared>> -> memref<80x128xf32, #tpu.memory_space<vmem_shared>>
      tpu.enqueue_dma source(%arg8 : memref<80x128xf32, #tpu.memory_space<vmem>>) target(%dma_start3A_48 : memref<80x128xf32, #tpu.memory_space<vmem_shared>>) target_semaphore(%run_scoped3A : memref<!tpu.dma_semaphore, #tpu.memory_space<semaphore_mem>>)
      %dma_wait3A = arith.constant 0 : i32
      %dma_wait3A_49 = tpu.memref_slice %arg10[%add3A_37, %dma_wait3A] : memref<10240x128xf32, #tpu.memory_space<vmem_shared>> -> memref<80x128xf32, #tpu.memory_space<vmem_shared>>
      %dma_wait3A_50 = arith.constant 0 : i32
      %dma_wait3A_51 = tpu.memref_slice %arg10[%add3A_37, %dma_wait3A_50] : memref<10240x128xf32, #tpu.memory_space<vmem_shared>> -> memref<80x128xf32, #tpu.memory_space<vmem_shared>>
      tpu.wait_dma2 semaphore(%run_scoped3A : memref<!tpu.dma_semaphore, #tpu.memory_space<semaphore_mem>>) src(%arg8 : memref<80x128xf32, #tpu.memory_space<vmem>>) dst(%dma_wait3A_51 : memref<80x128xf32, #tpu.memory_space<vmem_shared>>)
      tpu.yield
    }) : () -> ()
    %barrier3A = arith.constant 0 : index
    tpu.barrier barrier_id(%barrier3A)
    %scan3A_38 = arith.constant 0 : i32
    %scan3A_39 = arith.constant 125 : i32
    %scan3A_40 = arith.addi %scan3A_38, %scan3A_39 : i32
    %scan3A_41 = arith.constant 1 : i32
    scf.for %scan3A_46 = %scan3A_38 to %scan3A_40 step %scan3A_41  : i32 {
      %dma_start3A = arith.constant 0 : i32
      %dma_start3A_47 = tpu.memref_slice %arg6[%scan3A_46, %dma_start3A] : memref<125x80xi32, #tpu.memory_space<vmem>> -> memref<1x80xi32, #tpu.memory_space<vmem>>
      %dma_start3A_48 = tpu.memref_squeeze %dma_start3A_47 : memref<1x80xi32, #tpu.memory_space<vmem>> -> memref<80xi32, #tpu.memory_space<vmem>>
      %dma_start3A_49 = arith.constant 0 : i32
      %dma_start3A_50 = arith.constant 0 : i32
      %dma_start3A_51 = tpu.memref_slice %arg2[%dma_start3A_49, %dma_start3A_50] : memref<10000x128xf32, #tpu.memory_space<hbm>> -> memref<10000x128xf32, #tpu.memory_space<hbm>>
      tpu.enqueue_indirect_dma source(%dma_start3A_51 : memref<10000x128xf32, #tpu.memory_space<hbm>>) target(%arg8 : memref<80x128xf32, #tpu.memory_space<vmem>>) offsets(%dma_start3A_48 : memref<80xi32, #tpu.memory_space<vmem>>) semaphore(%arg9 : memref<!tpu.dma_semaphore, #tpu.memory_space<semaphore_mem>>)
      %dma_wait3A = arith.constant 0 : i32
      %dma_wait3A_52 = tpu.memref_slice %arg6[%scan3A_46, %dma_wait3A] : memref<125x80xi32, #tpu.memory_space<vmem>> -> memref<1x80xi32, #tpu.memory_space<vmem>>
      %dma_wait3A_53 = tpu.memref_squeeze %dma_wait3A_52 : memref<1x80xi32, #tpu.memory_space<vmem>> -> memref<80xi32, #tpu.memory_space<vmem>>
      %dma_wait3A_54 = arith.constant 0 : i32
      %dma_wait3A_55 = arith.constant 0 : i32
      %dma_wait3A_56 = tpu.memref_slice %arg2[%dma_wait3A_54, %dma_wait3A_55] : memref<10000x128xf32, #tpu.memory_space<hbm>> -> memref<10000x128xf32, #tpu.memory_space<hbm>>
      tpu.wait_indirect_dma semaphore(%arg9 : memref<!tpu.dma_semaphore, #tpu.memory_space<semaphore_mem>>) src(%dma_wait3A_56 : memref<10000x128xf32, #tpu.memory_space<hbm>>) dst(%arg8 : memref<80x128xf32, #tpu.memory_space<vmem>>)
      "tpu.region"() ({
        %run_scoped3A = tpu.sem_alloc : memref<!tpu.dma_semaphore, #tpu.memory_space<semaphore_mem>>
        %dma_start3A_57 = arith.constant 0 : i32
        %dma_start3A_58 = tpu.memref_slice %arg7[%scan3A_46, %dma_start3A_57] : memref<125x80xi32, #tpu.memory_space<vmem>> -> memref<1x80xi32, #tpu.memory_space<vmem>>
        %dma_start3A_59 = tpu.memref_squeeze %dma_start3A_58 : memref<1x80xi32, #tpu.memory_space<vmem>> -> memref<80xi32, #tpu.memory_space<vmem>>
        %dma_start3A_60 = arith.constant 0 : i32
        %dma_start3A_61 = arith.constant 0 : i32
        %dma_start3A_62 = tpu.memref_slice %arg10[%dma_start3A_60, %dma_start3A_61] : memref<10240x128xf32, #tpu.memory_space<vmem_shared>> -> memref<10240x128xf32, #tpu.memory_space<vmem_shared>>
        tpu.enqueue_indirect_dma source(%arg8 : memref<80x128xf32, #tpu.memory_space<vmem>>) target(%dma_start3A_62 : memref<10240x128xf32, #tpu.memory_space<vmem_shared>>) offsets(%dma_start3A_59 : memref<80xi32, #tpu.memory_space<vmem>>) semaphore(%run_scoped3A : memref<!tpu.dma_semaphore, #tpu.memory_space<semaphore_mem>>) {add = true}
        %dma_wait3A_63 = arith.constant 0 : i32
        %dma_wait3A_64 = tpu.memref_slice %arg7[%scan3A_46, %dma_wait3A_63] : memref<125x80xi32, #tpu.memory_space<vmem>> -> memref<1x80xi32, #tpu.memory_space<vmem>>
        %dma_wait3A_65 = tpu.memref_squeeze %dma_wait3A_64 : memref<1x80xi32, #tpu.memory_space<vmem>> -> memref<80xi32, #tpu.memory_space<vmem>>
        %dma_wait3A_66 = arith.constant 0 : i32
        %dma_wait3A_67 = arith.constant 0 : i32
        %dma_wait3A_68 = tpu.memref_slice %arg10[%dma_wait3A_66, %dma_wait3A_67] : memref<10240x128xf32, #tpu.memory_space<vmem_shared>> -> memref<10240x128xf32, #tpu.memory_space<vmem_shared>>
        tpu.wait_indirect_dma semaphore(%run_scoped3A : memref<!tpu.dma_semaphore, #tpu.memory_space<semaphore_mem>>) src(%arg8 : memref<80x128xf32, #tpu.memory_space<vmem>>) dst(%dma_wait3A_68 : memref<10240x128xf32, #tpu.memory_space<vmem_shared>>)
        tpu.yield
      }) : () -> ()
    }
    %scan3A_42 = arith.constant 125 : i32
    %barrier3A_43 = arith.constant 0 : index
    tpu.barrier barrier_id(%barrier3A_43)
    %mul3A_44 = arith.constant 640 : i32
    %mul3A_45 = arith.muli %arg1, %mul3A_44 : i32
    "tpu.region"() ({
      %run_scoped3A = tpu.sem_alloc : memref<!tpu.dma_semaphore, #tpu.memory_space<semaphore_mem>>
      %dma_start3A = arith.constant 0 : i32
      %dma_start3A_46 = arith.constant 0 : i32
      %dma_start3A_47 = tpu.memref_slice %arg5[%arg0, %arg1, %dma_start3A, %dma_start3A_46] : memref<2x16x640x128xf32, #tpu.memory_space<hbm>> -> memref<1x1x640x128xf32, #tpu.memory_space<hbm>>
      %dma_start3A_48 = tpu.memref_squeeze %dma_start3A_47 : memref<1x1x640x128xf32, #tpu.memory_space<hbm>> -> memref<640x128xf32, #tpu.memory_space<hbm>>
      %dma_start3A_49 = arith.constant 0 : i32
      %dma_start3A_50 = tpu.memref_slice %arg10[%mul3A_45, %dma_start3A_49] : memref<10240x128xf32, #tpu.memory_space<vmem_shared>> -> memref<640x128xf32, #tpu.memory_space<vmem_shared>>
      tpu.enqueue_dma source(%dma_start3A_50 : memref<640x128xf32, #tpu.memory_space<vmem_shared>>) target(%dma_start3A_48 : memref<640x128xf32, #tpu.memory_space<hbm>>) target_semaphore(%run_scoped3A : memref<!tpu.dma_semaphore, #tpu.memory_space<semaphore_mem>>)
      %dma_wait3A = arith.constant 0 : i32
      %dma_wait3A_51 = arith.constant 0 : i32
      %dma_wait3A_52 = tpu.memref_slice %arg5[%arg0, %arg1, %dma_wait3A, %dma_wait3A_51] : memref<2x16x640x128xf32, #tpu.memory_space<hbm>> -> memref<1x1x640x128xf32, #tpu.memory_space<hbm>>
      %dma_wait3A_53 = tpu.memref_squeeze %dma_wait3A_52 : memref<1x1x640x128xf32, #tpu.memory_space<hbm>> -> memref<640x128xf32, #tpu.memory_space<hbm>>
      %dma_wait3A_54 = arith.constant 0 : i32
      %dma_wait3A_55 = tpu.memref_slice %arg10[%mul3A_45, %dma_wait3A_54] : memref<10240x128xf32, #tpu.memory_space<vmem_shared>> -> memref<640x128xf32, #tpu.memory_space<vmem_shared>>
      tpu.wait_dma2 semaphore(%run_scoped3A : memref<!tpu.dma_semaphore, #tpu.memory_space<semaphore_mem>>) src(%dma_wait3A_55 : memref<640x128xf32, #tpu.memory_space<vmem_shared>>) dst(%dma_wait3A_53 : memref<640x128xf32, #tpu.memory_space<hbm>>)
      tpu.yield
    }) : () -> ()
    return
  }
}

#map = affine_map<(d0, d1) -> (0, 0)>
#map1 = affine_map<(d0, d1) -> (0, 0, 0)>
#map2 = affine_map<(d0, d1) -> (0, 0, 0, 0)>
module attributes {stable_mosaic.version = 14 : i64} {
  func.func @_sc_scatter_rows(%arg0: i32, %arg1: i32, %arg2: memref<10000x128xf32, #tpu.memory_space<hbm>>, %arg3: memref<32x125x80xi32, #tpu.memory_space<hbm>>, %arg4: memref<32x125x80xi32, #tpu.memory_space<hbm>>, %arg5: memref<2x16x640x128xf32, #tpu.memory_space<hbm>>, %arg6: memref<125x80xi32, #tpu.memory_space<vmem>>, %arg7: memref<125x80xi32, #tpu.memory_space<vmem>>, %arg8: memref<80x128xf32, #tpu.memory_space<vmem>>, %arg9: memref<!tpu.dma_semaphore, #tpu.memory_space<semaphore_mem>>, %arg10: memref<10240x128xf32, #tpu.memory_space<vmem_shared>>) attributes {dimension_semantics = [#tpu.dimension_semantics<core_parallel>, #tpu.dimension_semantics<subcore_parallel>], iteration_bounds = array<i64: 2, 16>, scalar_prefetch = 0 : i64, scratch_operands = 5 : i64, tpu.core_type = #tpu.core_type<sc_vector_subcore>, window_params = [{transform_indices = #map}, {transform_indices = #map1}, {transform_indices = #map1}, {transform_indices = #map2}]} {
    %mul3A = arith.constant 16 : i32
    %mul3A_0 = arith.muli %arg0, %mul3A : i32
    %add3A = arith.addi %mul3A_0, %arg1 : i32
    "tpu.region"() ({
      %run_scoped3A = tpu.sem_alloc : memref<!tpu.dma_semaphore, #tpu.memory_space<semaphore_mem>>
      %dma_start3A = arith.constant 0 : i32
      %dma_start3A_46 = arith.constant 0 : i32
      %dma_start3A_47 = tpu.memref_slice %arg3[%add3A, %dma_start3A, %dma_start3A_46] : memref<32x125x80xi32, #tpu.memory_space<hbm>> -> memref<1x125x80xi32, #tpu.memory_space<hbm>>
      %dma_start3A_48 = tpu.memref_squeeze %dma_start3A_47 : memref<1x125x80xi32, #tpu.memory_space<hbm>> -> memref<125x80xi32, #tpu.memory_space<hbm>>
      %dma_start3A_49 = arith.constant 0 : i32
      %dma_start3A_50 = arith.constant 0 : i32
      %dma_start3A_51 = tpu.memref_slice %arg3[%add3A, %dma_start3A_49, %dma_start3A_50] : memref<32x125x80xi32, #tpu.memory_space<hbm>> -> memref<1x125x80xi32, #tpu.memory_space<hbm>>
      %dma_start3A_52 = tpu.memref_squeeze %dma_start3A_51 : memref<1x125x80xi32, #tpu.memory_space<hbm>> -> memref<125x80xi32, #tpu.memory_space<hbm>>
      tpu.enqueue_dma source(%dma_start3A_52 : memref<125x80xi32, #tpu.memory_space<hbm>>) target(%arg6 : memref<125x80xi32, #tpu.memory_space<vmem>>) target_semaphore(%run_scoped3A : memref<!tpu.dma_semaphore, #tpu.memory_space<semaphore_mem>>)
      %dma_wait3A = arith.constant 0 : i32
      %dma_wait3A_53 = arith.constant 0 : i32
      %dma_wait3A_54 = tpu.memref_slice %arg3[%add3A, %dma_wait3A, %dma_wait3A_53] : memref<32x125x80xi32, #tpu.memory_space<hbm>> -> memref<1x125x80xi32, #tpu.memory_space<hbm>>
      %dma_wait3A_55 = tpu.memref_squeeze %dma_wait3A_54 : memref<1x125x80xi32, #tpu.memory_space<hbm>> -> memref<125x80xi32, #tpu.memory_space<hbm>>
      %dma_wait3A_56 = arith.constant 0 : i32
      %dma_wait3A_57 = arith.constant 0 : i32
      %dma_wait3A_58 = tpu.memref_slice %arg3[%add3A, %dma_wait3A_56, %dma_wait3A_57] : memref<32x125x80xi32, #tpu.memory_space<hbm>> -> memref<1x125x80xi32, #tpu.memory_space<hbm>>
      %dma_wait3A_59 = tpu.memref_squeeze %dma_wait3A_58 : memref<1x125x80xi32, #tpu.memory_space<hbm>> -> memref<125x80xi32, #tpu.memory_space<hbm>>
      tpu.wait_dma2 semaphore(%run_scoped3A : memref<!tpu.dma_semaphore, #tpu.memory_space<semaphore_mem>>) src(%dma_wait3A_59 : memref<125x80xi32, #tpu.memory_space<hbm>>) dst(%arg6 : memref<125x80xi32, #tpu.memory_space<vmem>>)
      tpu.yield
    }) : () -> ()
    "tpu.region"() ({
      %run_scoped3A = tpu.sem_alloc : memref<!tpu.dma_semaphore, #tpu.memory_space<semaphore_mem>>
      %dma_start3A = arith.constant 0 : i32
      %dma_start3A_46 = arith.constant 0 : i32
      %dma_start3A_47 = tpu.memref_slice %arg4[%add3A, %dma_start3A, %dma_start3A_46] : memref<32x125x80xi32, #tpu.memory_space<hbm>> -> memref<1x125x80xi32, #tpu.memory_space<hbm>>
      %dma_start3A_48 = tpu.memref_squeeze %dma_start3A_47 : memref<1x125x80xi32, #tpu.memory_space<hbm>> -> memref<125x80xi32, #tpu.memory_space<hbm>>
      %dma_start3A_49 = arith.constant 0 : i32
      %dma_start3A_50 = arith.constant 0 : i32
      %dma_start3A_51 = tpu.memref_slice %arg4[%add3A, %dma_start3A_49, %dma_start3A_50] : memref<32x125x80xi32, #tpu.memory_space<hbm>> -> memref<1x125x80xi32, #tpu.memory_space<hbm>>
      %dma_start3A_52 = tpu.memref_squeeze %dma_start3A_51 : memref<1x125x80xi32, #tpu.memory_space<hbm>> -> memref<125x80xi32, #tpu.memory_space<hbm>>
      tpu.enqueue_dma source(%dma_start3A_52 : memref<125x80xi32, #tpu.memory_space<hbm>>) target(%arg7 : memref<125x80xi32, #tpu.memory_space<vmem>>) target_semaphore(%run_scoped3A : memref<!tpu.dma_semaphore, #tpu.memory_space<semaphore_mem>>)
      %dma_wait3A = arith.constant 0 : i32
      %dma_wait3A_53 = arith.constant 0 : i32
      %dma_wait3A_54 = tpu.memref_slice %arg4[%add3A, %dma_wait3A, %dma_wait3A_53] : memref<32x125x80xi32, #tpu.memory_space<hbm>> -> memref<1x125x80xi32, #tpu.memory_space<hbm>>
      %dma_wait3A_55 = tpu.memref_squeeze %dma_wait3A_54 : memref<1x125x80xi32, #tpu.memory_space<hbm>> -> memref<125x80xi32, #tpu.memory_space<hbm>>
      %dma_wait3A_56 = arith.constant 0 : i32
      %dma_wait3A_57 = arith.constant 0 : i32
      %dma_wait3A_58 = tpu.memref_slice %arg4[%add3A, %dma_wait3A_56, %dma_wait3A_57] : memref<32x125x80xi32, #tpu.memory_space<hbm>> -> memref<1x125x80xi32, #tpu.memory_space<hbm>>
      %dma_wait3A_59 = tpu.memref_squeeze %dma_wait3A_58 : memref<1x125x80xi32, #tpu.memory_space<hbm>> -> memref<125x80xi32, #tpu.memory_space<hbm>>
      tpu.wait_dma2 semaphore(%run_scoped3A : memref<!tpu.dma_semaphore, #tpu.memory_space<semaphore_mem>>) src(%dma_wait3A_59 : memref<125x80xi32, #tpu.memory_space<hbm>>) dst(%arg7 : memref<125x80xi32, #tpu.memory_space<vmem>>)
      tpu.yield
    }) : () -> ()
    %broadcast_in_dim3A = arith.constant 0.000000e+00 : f32
    %broadcast_in_dim3A_1 = vector.broadcast %broadcast_in_dim3A : f32 to vector<16xf32>
    %scan3A = arith.constant 0 : i32
    %scan3A_2 = arith.constant 80 : i32
    %scan3A_3 = arith.addi %scan3A, %scan3A_2 : i32
    %scan3A_4 = arith.constant 1 : i32
    scf.for %scan3A_46 = %scan3A to %scan3A_3 step %scan3A_4  : i32 {
      %swap3A = arith.index_cast %scan3A_46 : i32 to index
      %swap3A_47 = arith.constant 0 : index
      %swap3A_48 = tpu.vector_load %arg8[%swap3A, %swap3A_47] {strides = array<i32>} : memref<80x128xf32, #tpu.memory_space<vmem>>, vector<1x16xf32>,
      %swap3A_49 = vector.shape_cast %swap3A_48 : vector<1x16xf32> to vector<16xf32>
      %swap3A_50 = vector.shape_cast %broadcast_in_dim3A_1 : vector<16xf32> to vector<1x16xf32>
      tpu.vector_store %arg8[%swap3A, %swap3A_47], %swap3A_50 {strides = array<i32>} : memref<80x128xf32, #tpu.memory_space<vmem>>, vector<1x16xf32>,
      %swap3A_51 = arith.index_cast %scan3A_46 : i32 to index
      %swap3A_52 = arith.constant 16 : index
      %swap3A_53 = tpu.vector_load %arg8[%swap3A_51, %swap3A_52] {strides = array<i32>} : memref<80x128xf32, #tpu.memory_space<vmem>>, vector<1x16xf32>,
      %swap3A_54 = vector.shape_cast %swap3A_53 : vector<1x16xf32> to vector<16xf32>
      %swap3A_55 = vector.shape_cast %broadcast_in_dim3A_1 : vector<16xf32> to vector<1x16xf32>
      tpu.vector_store %arg8[%swap3A_51, %swap3A_52], %swap3A_55 {strides = array<i32>} : memref<80x128xf32, #tpu.memory_space<vmem>>, vector<1x16xf32>,
      %swap3A_56 = arith.index_cast %scan3A_46 : i32 to index
      %swap3A_57 = arith.constant 32 : index
      %swap3A_58 = tpu.vector_load %arg8[%swap3A_56, %swap3A_57] {strides = array<i32>} : memref<80x128xf32, #tpu.memory_space<vmem>>, vector<1x16xf32>,
      %swap3A_59 = vector.shape_cast %swap3A_58 : vector<1x16xf32> to vector<16xf32>
      %swap3A_60 = vector.shape_cast %broadcast_in_dim3A_1 : vector<16xf32> to vector<1x16xf32>
      tpu.vector_store %arg8[%swap3A_56, %swap3A_57], %swap3A_60 {strides = array<i32>} : memref<80x128xf32, #tpu.memory_space<vmem>>, vector<1x16xf32>,
      %swap3A_61 = arith.index_cast %scan3A_46 : i32 to index
      %swap3A_62 = arith.constant 48 : index
      %swap3A_63 = tpu.vector_load %arg8[%swap3A_61, %swap3A_62] {strides = array<i32>} : memref<80x128xf32, #tpu.memory_space<vmem>>, vector<1x16xf32>,
      %swap3A_64 = vector.shape_cast %swap3A_63 : vector<1x16xf32> to vector<16xf32>
      %swap3A_65 = vector.shape_cast %broadcast_in_dim3A_1 : vector<16xf32> to vector<1x16xf32>
      tpu.vector_store %arg8[%swap3A_61, %swap3A_62], %swap3A_65 {strides = array<i32>} : memref<80x128xf32, #tpu.memory_space<vmem>>, vector<1x16xf32>,
      %swap3A_66 = arith.index_cast %scan3A_46 : i32 to index
      %swap3A_67 = arith.constant 64 : index
      %swap3A_68 = tpu.vector_load %arg8[%swap3A_66, %swap3A_67] {strides = array<i32>} : memref<80x128xf32, #tpu.memory_space<vmem>>, vector<1x16xf32>,
      %swap3A_69 = vector.shape_cast %swap3A_68 : vector<1x16xf32> to vector<16xf32>
      %swap3A_70 = vector.shape_cast %broadcast_in_dim3A_1 : vector<16xf32> to vector<1x16xf32>
      tpu.vector_store %arg8[%swap3A_66, %swap3A_67], %swap3A_70 {strides = array<i32>} : memref<80x128xf32, #tpu.memory_space<vmem>>, vector<1x16xf32>,
      %swap3A_71 = arith.index_cast %scan3A_46 : i32 to index
      %swap3A_72 = arith.constant 80 : index
      %swap3A_73 = tpu.vector_load %arg8[%swap3A_71, %swap3A_72] {strides = array<i32>} : memref<80x128xf32, #tpu.memory_space<vmem>>, vector<1x16xf32>,
      %swap3A_74 = vector.shape_cast %swap3A_73 : vector<1x16xf32> to vector<16xf32>
      %swap3A_75 = vector.shape_cast %broadcast_in_dim3A_1 : vector<16xf32> to vector<1x16xf32>
      tpu.vector_store %arg8[%swap3A_71, %swap3A_72], %swap3A_75 {strides = array<i32>} : memref<80x128xf32, #tpu.memory_space<vmem>>, vector<1x16xf32>,
      %swap3A_76 = arith.index_cast %scan3A_46 : i32 to index
      %swap3A_77 = arith.constant 96 : index
      %swap3A_78 = tpu.vector_load %arg8[%swap3A_76, %swap3A_77] {strides = array<i32>} : memref<80x128xf32, #tpu.memory_space<vmem>>, vector<1x16xf32>,
      %swap3A_79 = vector.shape_cast %swap3A_78 : vector<1x16xf32> to vector<16xf32>
      %swap3A_80 = vector.shape_cast %broadcast_in_dim3A_1 : vector<16xf32> to vector<1x16xf32>
      tpu.vector_store %arg8[%swap3A_76, %swap3A_77], %swap3A_80 {strides = array<i32>} : memref<80x128xf32, #tpu.memory_space<vmem>>, vector<1x16xf32>,
      %swap3A_81 = arith.index_cast %scan3A_46 : i32 to index
      %swap3A_82 = arith.constant 112 : index
      %swap3A_83 = tpu.vector_load %arg8[%swap3A_81, %swap3A_82] {strides = array<i32>} : memref<80x128xf32, #tpu.memory_space<vmem>>, vector<1x16xf32>,
      %swap3A_84 = vector.shape_cast %swap3A_83 : vector<1x16xf32> to vector<16xf32>
      %swap3A_85 = vector.shape_cast %broadcast_in_dim3A_1 : vector<16xf32> to vector<1x16xf32>
      tpu.vector_store %arg8[%swap3A_81, %swap3A_82], %swap3A_85 {strides = array<i32>} : memref<80x128xf32, #tpu.memory_space<vmem>>, vector<1x16xf32>,
    }
    %scan3A_5 = arith.constant 80 : i32
    %mul3A_6 = arith.constant 640 : i32
    %mul3A_7 = arith.muli %arg1, %mul3A_6 : i32
    %add3A_8 = arith.constant 0 : i32
    %add3A_9 = arith.addi %mul3A_7, %add3A_8 : i32
    "tpu.region"() ({
      %run_scoped3A = tpu.sem_alloc : memref<!tpu.dma_semaphore, #tpu.memory_space<semaphore_mem>>
      %dma_start3A = arith.constant 0 : i32
      %dma_start3A_46 = tpu.memref_slice %arg10[%add3A_9, %dma_start3A] : memref<10240x128xf32, #tpu.memory_space<vmem_shared>> -> memref<80x128xf32, #tpu.memory_space<vmem_shared>>
      %dma_start3A_47 = arith.constant 0 : i32
      %dma_start3A_48 = tpu.memref_slice %arg10[%add3A_9, %dma_start3A_47] : memref<10240x128xf32, #tpu.memory_space<vmem_shared>> -> memref<80x128xf32, #tpu.memory_space<vmem_shared>>
      tpu.enqueue_dma source(%arg8 : memref<80x128xf32, #tpu.memory_space<vmem>>) target(%dma_start3A_48 : memref<80x128xf32, #tpu.memory_space<vmem_shared>>) target_semaphore(%run_scoped3A : memref<!tpu.dma_semaphore, #tpu.memory_space<semaphore_mem>>)
      %dma_wait3A = arith.constant 0 : i32
      %dma_wait3A_49 = tpu.memref_slice %arg10[%add3A_9, %dma_wait3A] : memref<10240x128xf32, #tpu.memory_space<vmem_shared>> -> memref<80x128xf32, #tpu.memory_space<vmem_shared>>
      %dma_wait3A_50 = arith.constant 0 : i32
      %dma_wait3A_51 = tpu.memref_slice %arg10[%add3A_9, %dma_wait3A_50] : memref<10240x128xf32, #tpu.memory_space<vmem_shared>> -> memref<80x128xf32, #tpu.memory_space<vmem_shared>>
      tpu.wait_dma2 semaphore(%run_scoped3A : memref<!tpu.dma_semaphore, #tpu.memory_space<semaphore_mem>>) src(%arg8 : memref<80x128xf32, #tpu.memory_space<vmem>>) dst(%dma_wait3A_51 : memref<80x128xf32, #tpu.memory_space<vmem_shared>>)
      tpu.yield
    }) : () -> ()
    %mul3A_10 = arith.constant 640 : i32
    %mul3A_11 = arith.muli %arg1, %mul3A_10 : i32
    %add3A_12 = arith.constant 80 : i32
    %add3A_13 = arith.addi %mul3A_11, %add3A_12 : i32
    "tpu.region"() ({
      %run_scoped3A = tpu.sem_alloc : memref<!tpu.dma_semaphore, #tpu.memory_space<semaphore_mem>>
      %dma_start3A = arith.constant 0 : i32
      %dma_start3A_46 = tpu.memref_slice %arg10[%add3A_13, %dma_start3A] : memref<10240x128xf32, #tpu.memory_space<vmem_shared>> -> memref<80x128xf32, #tpu.memory_space<vmem_shared>>
      %dma_start3A_47 = arith.constant 0 : i32
      %dma_start3A_48 = tpu.memref_slice %arg10[%add3A_13, %dma_start3A_47] : memref<10240x128xf32, #tpu.memory_space<vmem_shared>> -> memref<80x128xf32, #tpu.memory_space<vmem_shared>>
      tpu.enqueue_dma source(%arg8 : memref<80x128xf32, #tpu.memory_space<vmem>>) target(%dma_start3A_48 : memref<80x128xf32, #tpu.memory_space<vmem_shared>>) target_semaphore(%run_scoped3A : memref<!tpu.dma_semaphore, #tpu.memory_space<semaphore_mem>>)
      %dma_wait3A = arith.constant 0 : i32
      %dma_wait3A_49 = tpu.memref_slice %arg10[%add3A_13, %dma_wait3A] : memref<10240x128xf32, #tpu.memory_space<vmem_shared>> -> memref<80x128xf32, #tpu.memory_space<vmem_shared>>
      %dma_wait3A_50 = arith.constant 0 : i32
      %dma_wait3A_51 = tpu.memref_slice %arg10[%add3A_13, %dma_wait3A_50] : memref<10240x128xf32, #tpu.memory_space<vmem_shared>> -> memref<80x128xf32, #tpu.memory_space<vmem_shared>>
      tpu.wait_dma2 semaphore(%run_scoped3A : memref<!tpu.dma_semaphore, #tpu.memory_space<semaphore_mem>>) src(%arg8 : memref<80x128xf32, #tpu.memory_space<vmem>>) dst(%dma_wait3A_51 : memref<80x128xf32, #tpu.memory_space<vmem_shared>>)
      tpu.yield
    }) : () -> ()
    %mul3A_14 = arith.constant 640 : i32
    %mul3A_15 = arith.muli %arg1, %mul3A_14 : i32
    %add3A_16 = arith.constant 160 : i32
    %add3A_17 = arith.addi %mul3A_15, %add3A_16 : i32
    "tpu.region"() ({
      %run_scoped3A = tpu.sem_alloc : memref<!tpu.dma_semaphore, #tpu.memory_space<semaphore_mem>>
      %dma_start3A = arith.constant 0 : i32
      %dma_start3A_46 = tpu.memref_slice %arg10[%add3A_17, %dma_start3A] : memref<10240x128xf32, #tpu.memory_space<vmem_shared>> -> memref<80x128xf32, #tpu.memory_space<vmem_shared>>
      %dma_start3A_47 = arith.constant 0 : i32
      %dma_start3A_48 = tpu.memref_slice %arg10[%add3A_17, %dma_start3A_47] : memref<10240x128xf32, #tpu.memory_space<vmem_shared>> -> memref<80x128xf32, #tpu.memory_space<vmem_shared>>
      tpu.enqueue_dma source(%arg8 : memref<80x128xf32, #tpu.memory_space<vmem>>) target(%dma_start3A_48 : memref<80x128xf32, #tpu.memory_space<vmem_shared>>) target_semaphore(%run_scoped3A : memref<!tpu.dma_semaphore, #tpu.memory_space<semaphore_mem>>)
      %dma_wait3A = arith.constant 0 : i32
      %dma_wait3A_49 = tpu.memref_slice %arg10[%add3A_17, %dma_wait3A] : memref<10240x128xf32, #tpu.memory_space<vmem_shared>> -> memref<80x128xf32, #tpu.memory_space<vmem_shared>>
      %dma_wait3A_50 = arith.constant 0 : i32
      %dma_wait3A_51 = tpu.memref_slice %arg10[%add3A_17, %dma_wait3A_50] : memref<10240x128xf32, #tpu.memory_space<vmem_shared>> -> memref<80x128xf32, #tpu.memory_space<vmem_shared>>
      tpu.wait_dma2 semaphore(%run_scoped3A : memref<!tpu.dma_semaphore, #tpu.memory_space<semaphore_mem>>) src(%arg8 : memref<80x128xf32, #tpu.memory_space<vmem>>) dst(%dma_wait3A_51 : memref<80x128xf32, #tpu.memory_space<vmem_shared>>)
      tpu.yield
    }) : () -> ()
    %mul3A_18 = arith.constant 640 : i32
    %mul3A_19 = arith.muli %arg1, %mul3A_18 : i32
    %add3A_20 = arith.constant 240 : i32
    %add3A_21 = arith.addi %mul3A_19, %add3A_20 : i32
    "tpu.region"() ({
      %run_scoped3A = tpu.sem_alloc : memref<!tpu.dma_semaphore, #tpu.memory_space<semaphore_mem>>
      %dma_start3A = arith.constant 0 : i32
      %dma_start3A_46 = tpu.memref_slice %arg10[%add3A_21, %dma_start3A] : memref<10240x128xf32, #tpu.memory_space<vmem_shared>> -> memref<80x128xf32, #tpu.memory_space<vmem_shared>>
      %dma_start3A_47 = arith.constant 0 : i32
      %dma_start3A_48 = tpu.memref_slice %arg10[%add3A_21, %dma_start3A_47] : memref<10240x128xf32, #tpu.memory_space<vmem_shared>> -> memref<80x128xf32, #tpu.memory_space<vmem_shared>>
      tpu.enqueue_dma source(%arg8 : memref<80x128xf32, #tpu.memory_space<vmem>>) target(%dma_start3A_48 : memref<80x128xf32, #tpu.memory_space<vmem_shared>>) target_semaphore(%run_scoped3A : memref<!tpu.dma_semaphore, #tpu.memory_space<semaphore_mem>>)
      %dma_wait3A = arith.constant 0 : i32
      %dma_wait3A_49 = tpu.memref_slice %arg10[%add3A_21, %dma_wait3A] : memref<10240x128xf32, #tpu.memory_space<vmem_shared>> -> memref<80x128xf32, #tpu.memory_space<vmem_shared>>
      %dma_wait3A_50 = arith.constant 0 : i32
      %dma_wait3A_51 = tpu.memref_slice %arg10[%add3A_21, %dma_wait3A_50] : memref<10240x128xf32, #tpu.memory_space<vmem_shared>> -> memref<80x128xf32, #tpu.memory_space<vmem_shared>>
      tpu.wait_dma2 semaphore(%run_scoped3A : memref<!tpu.dma_semaphore, #tpu.memory_space<semaphore_mem>>) src(%arg8 : memref<80x128xf32, #tpu.memory_space<vmem>>) dst(%dma_wait3A_51 : memref<80x128xf32, #tpu.memory_space<vmem_shared>>)
      tpu.yield
    }) : () -> ()
    %mul3A_22 = arith.constant 640 : i32
    %mul3A_23 = arith.muli %arg1, %mul3A_22 : i32
    %add3A_24 = arith.constant 320 : i32
    %add3A_25 = arith.addi %mul3A_23, %add3A_24 : i32
    "tpu.region"() ({
      %run_scoped3A = tpu.sem_alloc : memref<!tpu.dma_semaphore, #tpu.memory_space<semaphore_mem>>
      %dma_start3A = arith.constant 0 : i32
      %dma_start3A_46 = tpu.memref_slice %arg10[%add3A_25, %dma_start3A] : memref<10240x128xf32, #tpu.memory_space<vmem_shared>> -> memref<80x128xf32, #tpu.memory_space<vmem_shared>>
      %dma_start3A_47 = arith.constant 0 : i32
      %dma_start3A_48 = tpu.memref_slice %arg10[%add3A_25, %dma_start3A_47] : memref<10240x128xf32, #tpu.memory_space<vmem_shared>> -> memref<80x128xf32, #tpu.memory_space<vmem_shared>>
      tpu.enqueue_dma source(%arg8 : memref<80x128xf32, #tpu.memory_space<vmem>>) target(%dma_start3A_48 : memref<80x128xf32, #tpu.memory_space<vmem_shared>>) target_semaphore(%run_scoped3A : memref<!tpu.dma_semaphore, #tpu.memory_space<semaphore_mem>>)
      %dma_wait3A = arith.constant 0 : i32
      %dma_wait3A_49 = tpu.memref_slice %arg10[%add3A_25, %dma_wait3A] : memref<10240x128xf32, #tpu.memory_space<vmem_shared>> -> memref<80x128xf32, #tpu.memory_space<vmem_shared>>
      %dma_wait3A_50 = arith.constant 0 : i32
      %dma_wait3A_51 = tpu.memref_slice %arg10[%add3A_25, %dma_wait3A_50] : memref<10240x128xf32, #tpu.memory_space<vmem_shared>> -> memref<80x128xf32, #tpu.memory_space<vmem_shared>>
      tpu.wait_dma2 semaphore(%run_scoped3A : memref<!tpu.dma_semaphore, #tpu.memory_space<semaphore_mem>>) src(%arg8 : memref<80x128xf32, #tpu.memory_space<vmem>>) dst(%dma_wait3A_51 : memref<80x128xf32, #tpu.memory_space<vmem_shared>>)
      tpu.yield
    }) : () -> ()
    %mul3A_26 = arith.constant 640 : i32
    %mul3A_27 = arith.muli %arg1, %mul3A_26 : i32
    %add3A_28 = arith.constant 400 : i32
    %add3A_29 = arith.addi %mul3A_27, %add3A_28 : i32
    "tpu.region"() ({
      %run_scoped3A = tpu.sem_alloc : memref<!tpu.dma_semaphore, #tpu.memory_space<semaphore_mem>>
      %dma_start3A = arith.constant 0 : i32
      %dma_start3A_46 = tpu.memref_slice %arg10[%add3A_29, %dma_start3A] : memref<10240x128xf32, #tpu.memory_space<vmem_shared>> -> memref<80x128xf32, #tpu.memory_space<vmem_shared>>
      %dma_start3A_47 = arith.constant 0 : i32
      %dma_start3A_48 = tpu.memref_slice %arg10[%add3A_29, %dma_start3A_47] : memref<10240x128xf32, #tpu.memory_space<vmem_shared>> -> memref<80x128xf32, #tpu.memory_space<vmem_shared>>
      tpu.enqueue_dma source(%arg8 : memref<80x128xf32, #tpu.memory_space<vmem>>) target(%dma_start3A_48 : memref<80x128xf32, #tpu.memory_space<vmem_shared>>) target_semaphore(%run_scoped3A : memref<!tpu.dma_semaphore, #tpu.memory_space<semaphore_mem>>)
      %dma_wait3A = arith.constant 0 : i32
      %dma_wait3A_49 = tpu.memref_slice %arg10[%add3A_29, %dma_wait3A] : memref<10240x128xf32, #tpu.memory_space<vmem_shared>> -> memref<80x128xf32, #tpu.memory_space<vmem_shared>>
      %dma_wait3A_50 = arith.constant 0 : i32
      %dma_wait3A_51 = tpu.memref_slice %arg10[%add3A_29, %dma_wait3A_50] : memref<10240x128xf32, #tpu.memory_space<vmem_shared>> -> memref<80x128xf32, #tpu.memory_space<vmem_shared>>
      tpu.wait_dma2 semaphore(%run_scoped3A : memref<!tpu.dma_semaphore, #tpu.memory_space<semaphore_mem>>) src(%arg8 : memref<80x128xf32, #tpu.memory_space<vmem>>) dst(%dma_wait3A_51 : memref<80x128xf32, #tpu.memory_space<vmem_shared>>)
      tpu.yield
    }) : () -> ()
    %mul3A_30 = arith.constant 640 : i32
    %mul3A_31 = arith.muli %arg1, %mul3A_30 : i32
    %add3A_32 = arith.constant 480 : i32
    %add3A_33 = arith.addi %mul3A_31, %add3A_32 : i32
    "tpu.region"() ({
      %run_scoped3A = tpu.sem_alloc : memref<!tpu.dma_semaphore, #tpu.memory_space<semaphore_mem>>
      %dma_start3A = arith.constant 0 : i32
      %dma_start3A_46 = tpu.memref_slice %arg10[%add3A_33, %dma_start3A] : memref<10240x128xf32, #tpu.memory_space<vmem_shared>> -> memref<80x128xf32, #tpu.memory_space<vmem_shared>>
      %dma_start3A_47 = arith.constant 0 : i32
      %dma_start3A_48 = tpu.memref_slice %arg10[%add3A_33, %dma_start3A_47] : memref<10240x128xf32, #tpu.memory_space<vmem_shared>> -> memref<80x128xf32, #tpu.memory_space<vmem_shared>>
      tpu.enqueue_dma source(%arg8 : memref<80x128xf32, #tpu.memory_space<vmem>>) target(%dma_start3A_48 : memref<80x128xf32, #tpu.memory_space<vmem_shared>>) target_semaphore(%run_scoped3A : memref<!tpu.dma_semaphore, #tpu.memory_space<semaphore_mem>>)
      %dma_wait3A = arith.constant 0 : i32
      %dma_wait3A_49 = tpu.memref_slice %arg10[%add3A_33, %dma_wait3A] : memref<10240x128xf32, #tpu.memory_space<vmem_shared>> -> memref<80x128xf32, #tpu.memory_space<vmem_shared>>
      %dma_wait3A_50 = arith.constant 0 : i32
      %dma_wait3A_51 = tpu.memref_slice %arg10[%add3A_33, %dma_wait3A_50] : memref<10240x128xf32, #tpu.memory_space<vmem_shared>> -> memref<80x128xf32, #tpu.memory_space<vmem_shared>>
      tpu.wait_dma2 semaphore(%run_scoped3A : memref<!tpu.dma_semaphore, #tpu.memory_space<semaphore_mem>>) src(%arg8 : memref<80x128xf32, #tpu.memory_space<vmem>>) dst(%dma_wait3A_51 : memref<80x128xf32, #tpu.memory_space<vmem_shared>>)
      tpu.yield
    }) : () -> ()
    %mul3A_34 = arith.constant 640 : i32
    %mul3A_35 = arith.muli %arg1, %mul3A_34 : i32
    %add3A_36 = arith.constant 560 : i32
    %add3A_37 = arith.addi %mul3A_35, %add3A_36 : i32
    "tpu.region"() ({
      %run_scoped3A = tpu.sem_alloc : memref<!tpu.dma_semaphore, #tpu.memory_space<semaphore_mem>>
      %dma_start3A = arith.constant 0 : i32
      %dma_start3A_46 = tpu.memref_slice %arg10[%add3A_37, %dma_start3A] : memref<10240x128xf32, #tpu.memory_space<vmem_shared>> -> memref<80x128xf32, #tpu.memory_space<vmem_shared>>
      %dma_start3A_47 = arith.constant 0 : i32
      %dma_start3A_48 = tpu.memref_slice %arg10[%add3A_37, %dma_start3A_47] : memref<10240x128xf32, #tpu.memory_space<vmem_shared>> -> memref<80x128xf32, #tpu.memory_space<vmem_shared>>
      tpu.enqueue_dma source(%arg8 : memref<80x128xf32, #tpu.memory_space<vmem>>) target(%dma_start3A_48 : memref<80x128xf32, #tpu.memory_space<vmem_shared>>) target_semaphore(%run_scoped3A : memref<!tpu.dma_semaphore, #tpu.memory_space<semaphore_mem>>)
      %dma_wait3A = arith.constant 0 : i32
      %dma_wait3A_49 = tpu.memref_slice %arg10[%add3A_37, %dma_wait3A] : memref<10240x128xf32, #tpu.memory_space<vmem_shared>> -> memref<80x128xf32, #tpu.memory_space<vmem_shared>>
      %dma_wait3A_50 = arith.constant 0 : i32
      %dma_wait3A_51 = tpu.memref_slice %arg10[%add3A_37, %dma_wait3A_50] : memref<10240x128xf32, #tpu.memory_space<vmem_shared>> -> memref<80x128xf32, #tpu.memory_space<vmem_shared>>
      tpu.wait_dma2 semaphore(%run_scoped3A : memref<!tpu.dma_semaphore, #tpu.memory_space<semaphore_mem>>) src(%arg8 : memref<80x128xf32, #tpu.memory_space<vmem>>) dst(%dma_wait3A_51 : memref<80x128xf32, #tpu.memory_space<vmem_shared>>)
      tpu.yield
    }) : () -> ()
    %barrier3A = arith.constant 0 : index
    tpu.barrier barrier_id(%barrier3A)
    %scan3A_38 = arith.constant 0 : i32
    %scan3A_39 = arith.constant 125 : i32
    %scan3A_40 = arith.addi %scan3A_38, %scan3A_39 : i32
    %scan3A_41 = arith.constant 1 : i32
    scf.for %scan3A_46 = %scan3A_38 to %scan3A_40 step %scan3A_41  : i32 {
      %dma_start3A = arith.constant 0 : i32
      %dma_start3A_47 = tpu.memref_slice %arg6[%scan3A_46, %dma_start3A] : memref<125x80xi32, #tpu.memory_space<vmem>> -> memref<1x80xi32, #tpu.memory_space<vmem>>
      %dma_start3A_48 = tpu.memref_squeeze %dma_start3A_47 : memref<1x80xi32, #tpu.memory_space<vmem>> -> memref<80xi32, #tpu.memory_space<vmem>>
      %dma_start3A_49 = arith.constant 0 : i32
      %dma_start3A_50 = arith.constant 0 : i32
      %dma_start3A_51 = tpu.memref_slice %arg2[%dma_start3A_49, %dma_start3A_50] : memref<10000x128xf32, #tpu.memory_space<hbm>> -> memref<10000x128xf32, #tpu.memory_space<hbm>>
      tpu.enqueue_indirect_dma source(%dma_start3A_51 : memref<10000x128xf32, #tpu.memory_space<hbm>>) target(%arg8 : memref<80x128xf32, #tpu.memory_space<vmem>>) offsets(%dma_start3A_48 : memref<80xi32, #tpu.memory_space<vmem>>) semaphore(%arg9 : memref<!tpu.dma_semaphore, #tpu.memory_space<semaphore_mem>>)
      %dma_wait3A = arith.constant 0 : i32
      %dma_wait3A_52 = tpu.memref_slice %arg6[%scan3A_46, %dma_wait3A] : memref<125x80xi32, #tpu.memory_space<vmem>> -> memref<1x80xi32, #tpu.memory_space<vmem>>
      %dma_wait3A_53 = tpu.memref_squeeze %dma_wait3A_52 : memref<1x80xi32, #tpu.memory_space<vmem>> -> memref<80xi32, #tpu.memory_space<vmem>>
      %dma_wait3A_54 = arith.constant 0 : i32
      %dma_wait3A_55 = arith.constant 0 : i32
      %dma_wait3A_56 = tpu.memref_slice %arg2[%dma_wait3A_54, %dma_wait3A_55] : memref<10000x128xf32, #tpu.memory_space<hbm>> -> memref<10000x128xf32, #tpu.memory_space<hbm>>
      tpu.wait_indirect_dma semaphore(%arg9 : memref<!tpu.dma_semaphore, #tpu.memory_space<semaphore_mem>>) src(%dma_wait3A_56 : memref<10000x128xf32, #tpu.memory_space<hbm>>) dst(%arg8 : memref<80x128xf32, #tpu.memory_space<vmem>>)
      "tpu.region"() ({
        %run_scoped3A = tpu.sem_alloc : memref<!tpu.dma_semaphore, #tpu.memory_space<semaphore_mem>>
        %dma_start3A_57 = arith.constant 0 : i32
        %dma_start3A_58 = tpu.memref_slice %arg7[%scan3A_46, %dma_start3A_57] : memref<125x80xi32, #tpu.memory_space<vmem>> -> memref<1x80xi32, #tpu.memory_space<vmem>>
        %dma_start3A_59 = tpu.memref_squeeze %dma_start3A_58 : memref<1x80xi32, #tpu.memory_space<vmem>> -> memref<80xi32, #tpu.memory_space<vmem>>
        %dma_start3A_60 = arith.constant 0 : i32
        %dma_start3A_61 = arith.constant 0 : i32
        %dma_start3A_62 = tpu.memref_slice %arg10[%dma_start3A_60, %dma_start3A_61] : memref<10240x128xf32, #tpu.memory_space<vmem_shared>> -> memref<10240x128xf32, #tpu.memory_space<vmem_shared>>
        tpu.enqueue_indirect_dma source(%arg8 : memref<80x128xf32, #tpu.memory_space<vmem>>) target(%dma_start3A_62 : memref<10240x128xf32, #tpu.memory_space<vmem_shared>>) offsets(%dma_start3A_59 : memref<80xi32, #tpu.memory_space<vmem>>) semaphore(%run_scoped3A : memref<!tpu.dma_semaphore, #tpu.memory_space<semaphore_mem>>) {add = true}
        %dma_wait3A_63 = arith.constant 0 : i32
        %dma_wait3A_64 = tpu.memref_slice %arg7[%scan3A_46, %dma_wait3A_63] : memref<125x80xi32, #tpu.memory_space<vmem>> -> memref<1x80xi32, #tpu.memory_space<vmem>>
        %dma_wait3A_65 = tpu.memref_squeeze %dma_wait3A_64 : memref<1x80xi32, #tpu.memory_space<vmem>> -> memref<80xi32, #tpu.memory_space<vmem>>
        %dma_wait3A_66 = arith.constant 0 : i32
        %dma_wait3A_67 = arith.constant 0 : i32
        %dma_wait3A_68 = tpu.memref_slice %arg10[%dma_wait3A_66, %dma_wait3A_67] : memref<10240x128xf32, #tpu.memory_space<vmem_shared>> -> memref<10240x128xf32, #tpu.memory_space<vmem_shared>>
        tpu.wait_indirect_dma semaphore(%run_scoped3A : memref<!tpu.dma_semaphore, #tpu.memory_space<semaphore_mem>>) src(%arg8 : memref<80x128xf32, #tpu.memory_space<vmem>>) dst(%dma_wait3A_68 : memref<10240x128xf32, #tpu.memory_space<vmem_shared>>)
        tpu.yield
      }) : () -> ()
    }
    %scan3A_42 = arith.constant 125 : i32
    %barrier3A_43 = arith.constant 0 : index
    tpu.barrier barrier_id(%barrier3A_43)
    %mul3A_44 = arith.constant 640 : i32
    %mul3A_45 = arith.muli %arg1, %mul3A_44 : i32
    "tpu.region"() ({
      %run_scoped3A = tpu.sem_alloc : memref<!tpu.dma_semaphore, #tpu.memory_space<semaphore_mem>>
      %dma_start3A = arith.constant 0 : i32
      %dma_start3A_46 = arith.constant 0 : i32
      %dma_start3A_47 = tpu.memref_slice %arg5[%arg0, %arg1, %dma_start3A, %dma_start3A_46] : memref<2x16x640x128xf32, #tpu.memory_space<hbm>> -> memref<1x1x640x128xf32, #tpu.memory_space<hbm>>
      %dma_start3A_48 = tpu.memref_squeeze %dma_start3A_47 : memref<1x1x640x128xf32, #tpu.memory_space<hbm>> -> memref<640x128xf32, #tpu.memory_space<hbm>>
      %dma_start3A_49 = arith.constant 0 : i32
      %dma_start3A_50 = tpu.memref_slice %arg10[%mul3A_45, %dma_start3A_49] : memref<10240x128xf32, #tpu.memory_space<vmem_shared>> -> memref<640x128xf32, #tpu.memory_space<vmem_shared>>
      tpu.enqueue_dma source(%dma_start3A_50 : memref<640x128xf32, #tpu.memory_space<vmem_shared>>) target(%dma_start3A_48 : memref<640x128xf32, #tpu.memory_space<hbm>>) target_semaphore(%run_scoped3A : memref<!tpu.dma_semaphore, #tpu.memory_space<semaphore_mem>>)
      %dma_wait3A = arith.constant 0 : i32
      %dma_wait3A_51 = arith.constant 0 : i32
      %dma_wait3A_52 = tpu.memref_slice %arg5[%arg0, %arg1, %dma_wait3A, %dma_wait3A_51] : memref<2x16x640x128xf32, #tpu.memory_space<hbm>> -> memref<1x1x640x128xf32, #tpu.memory_space<hbm>>
      %dma_wait3A_53 = tpu.memref_squeeze %dma_wait3A_52 : memref<1x1x640x128xf32, #tpu.memory_space<hbm>> -> memref<640x128xf32, #tpu.memory_space<hbm>>
      %dma_wait3A_54 = arith.constant 0 : i32
      %dma_wait3A_55 = tpu.memref_slice %arg10[%mul3A_45, %dma_wait3A_54] : memref<10240x128xf32, #tpu.memory_space<vmem_shared>> -> memref<640x128xf32, #tpu.memory_space<vmem_shared>>
      tpu.wait_dma2 semaphore(%run_scoped3A : memref<!tpu.dma_semaphore, #tpu.memory_space<semaphore_mem>>) src(%dma_wait3A_55 : memref<640x128xf32, #tpu.memory_space<vmem_shared>>) dst(%dma_wait3A_53 : memref<640x128xf32, #tpu.memory_space<hbm>>)
      tpu.yield
    }) : () -> ()
    return
  }
}

#map = affine_map<(d0, d1) -> (0, 0)>
#map1 = affine_map<(d0, d1) -> (0, 0, 0)>
#map2 = affine_map<(d0, d1) -> (0, 0, 0, 0)>
module attributes {stable_mosaic.version = 14 : i64} {
  func.func @_sc_scatter_rows(%arg0: i32, %arg1: i32, %arg2: memref<10000x128xf32, #tpu.memory_space<hbm>>, %arg3: memref<32x125x80xi32, #tpu.memory_space<hbm>>, %arg4: memref<32x125x80xi32, #tpu.memory_space<hbm>>, %arg5: memref<2x16x640x128xf32, #tpu.memory_space<hbm>>, %arg6: memref<125x80xi32, #tpu.memory_space<vmem>>, %arg7: memref<125x80xi32, #tpu.memory_space<vmem>>, %arg8: memref<80x128xf32, #tpu.memory_space<vmem>>, %arg9: memref<!tpu.dma_semaphore, #tpu.memory_space<semaphore_mem>>, %arg10: memref<10240x128xf32, #tpu.memory_space<vmem_shared>>) attributes {dimension_semantics = [#tpu.dimension_semantics<core_parallel>, #tpu.dimension_semantics<subcore_parallel>], iteration_bounds = array<i64: 2, 16>, scalar_prefetch = 0 : i64, scratch_operands = 5 : i64, tpu.core_type = #tpu.core_type<sc_vector_subcore>, window_params = [{transform_indices = #map}, {transform_indices = #map1}, {transform_indices = #map1}, {transform_indices = #map2}]} {
    %mul3A = arith.constant 16 : i32
    %mul3A_0 = arith.muli %arg0, %mul3A : i32
    %add3A = arith.addi %mul3A_0, %arg1 : i32
    "tpu.region"() ({
      %run_scoped3A = tpu.sem_alloc : memref<!tpu.dma_semaphore, #tpu.memory_space<semaphore_mem>>
      %dma_start3A = arith.constant 0 : i32
      %dma_start3A_46 = arith.constant 0 : i32
      %dma_start3A_47 = tpu.memref_slice %arg3[%add3A, %dma_start3A, %dma_start3A_46] : memref<32x125x80xi32, #tpu.memory_space<hbm>> -> memref<1x125x80xi32, #tpu.memory_space<hbm>>
      %dma_start3A_48 = tpu.memref_squeeze %dma_start3A_47 : memref<1x125x80xi32, #tpu.memory_space<hbm>> -> memref<125x80xi32, #tpu.memory_space<hbm>>
      %dma_start3A_49 = arith.constant 0 : i32
      %dma_start3A_50 = arith.constant 0 : i32
      %dma_start3A_51 = tpu.memref_slice %arg3[%add3A, %dma_start3A_49, %dma_start3A_50] : memref<32x125x80xi32, #tpu.memory_space<hbm>> -> memref<1x125x80xi32, #tpu.memory_space<hbm>>
      %dma_start3A_52 = tpu.memref_squeeze %dma_start3A_51 : memref<1x125x80xi32, #tpu.memory_space<hbm>> -> memref<125x80xi32, #tpu.memory_space<hbm>>
      tpu.enqueue_dma source(%dma_start3A_52 : memref<125x80xi32, #tpu.memory_space<hbm>>) target(%arg6 : memref<125x80xi32, #tpu.memory_space<vmem>>) target_semaphore(%run_scoped3A : memref<!tpu.dma_semaphore, #tpu.memory_space<semaphore_mem>>)
      %dma_wait3A = arith.constant 0 : i32
      %dma_wait3A_53 = arith.constant 0 : i32
      %dma_wait3A_54 = tpu.memref_slice %arg3[%add3A, %dma_wait3A, %dma_wait3A_53] : memref<32x125x80xi32, #tpu.memory_space<hbm>> -> memref<1x125x80xi32, #tpu.memory_space<hbm>>
      %dma_wait3A_55 = tpu.memref_squeeze %dma_wait3A_54 : memref<1x125x80xi32, #tpu.memory_space<hbm>> -> memref<125x80xi32, #tpu.memory_space<hbm>>
      %dma_wait3A_56 = arith.constant 0 : i32
      %dma_wait3A_57 = arith.constant 0 : i32
      %dma_wait3A_58 = tpu.memref_slice %arg3[%add3A, %dma_wait3A_56, %dma_wait3A_57] : memref<32x125x80xi32, #tpu.memory_space<hbm>> -> memref<1x125x80xi32, #tpu.memory_space<hbm>>
      %dma_wait3A_59 = tpu.memref_squeeze %dma_wait3A_58 : memref<1x125x80xi32, #tpu.memory_space<hbm>> -> memref<125x80xi32, #tpu.memory_space<hbm>>
      tpu.wait_dma2 semaphore(%run_scoped3A : memref<!tpu.dma_semaphore, #tpu.memory_space<semaphore_mem>>) src(%dma_wait3A_59 : memref<125x80xi32, #tpu.memory_space<hbm>>) dst(%arg6 : memref<125x80xi32, #tpu.memory_space<vmem>>)
      tpu.yield
    }) : () -> ()
    "tpu.region"() ({
      %run_scoped3A = tpu.sem_alloc : memref<!tpu.dma_semaphore, #tpu.memory_space<semaphore_mem>>
      %dma_start3A = arith.constant 0 : i32
      %dma_start3A_46 = arith.constant 0 : i32
      %dma_start3A_47 = tpu.memref_slice %arg4[%add3A, %dma_start3A, %dma_start3A_46] : memref<32x125x80xi32, #tpu.memory_space<hbm>> -> memref<1x125x80xi32, #tpu.memory_space<hbm>>
      %dma_start3A_48 = tpu.memref_squeeze %dma_start3A_47 : memref<1x125x80xi32, #tpu.memory_space<hbm>> -> memref<125x80xi32, #tpu.memory_space<hbm>>
      %dma_start3A_49 = arith.constant 0 : i32
      %dma_start3A_50 = arith.constant 0 : i32
      %dma_start3A_51 = tpu.memref_slice %arg4[%add3A, %dma_start3A_49, %dma_start3A_50] : memref<32x125x80xi32, #tpu.memory_space<hbm>> -> memref<1x125x80xi32, #tpu.memory_space<hbm>>
      %dma_start3A_52 = tpu.memref_squeeze %dma_start3A_51 : memref<1x125x80xi32, #tpu.memory_space<hbm>> -> memref<125x80xi32, #tpu.memory_space<hbm>>
      tpu.enqueue_dma source(%dma_start3A_52 : memref<125x80xi32, #tpu.memory_space<hbm>>) target(%arg7 : memref<125x80xi32, #tpu.memory_space<vmem>>) target_semaphore(%run_scoped3A : memref<!tpu.dma_semaphore, #tpu.memory_space<semaphore_mem>>)
      %dma_wait3A = arith.constant 0 : i32
      %dma_wait3A_53 = arith.constant 0 : i32
      %dma_wait3A_54 = tpu.memref_slice %arg4[%add3A, %dma_wait3A, %dma_wait3A_53] : memref<32x125x80xi32, #tpu.memory_space<hbm>> -> memref<1x125x80xi32, #tpu.memory_space<hbm>>
      %dma_wait3A_55 = tpu.memref_squeeze %dma_wait3A_54 : memref<1x125x80xi32, #tpu.memory_space<hbm>> -> memref<125x80xi32, #tpu.memory_space<hbm>>
      %dma_wait3A_56 = arith.constant 0 : i32
      %dma_wait3A_57 = arith.constant 0 : i32
      %dma_wait3A_58 = tpu.memref_slice %arg4[%add3A, %dma_wait3A_56, %dma_wait3A_57] : memref<32x125x80xi32, #tpu.memory_space<hbm>> -> memref<1x125x80xi32, #tpu.memory_space<hbm>>
      %dma_wait3A_59 = tpu.memref_squeeze %dma_wait3A_58 : memref<1x125x80xi32, #tpu.memory_space<hbm>> -> memref<125x80xi32, #tpu.memory_space<hbm>>
      tpu.wait_dma2 semaphore(%run_scoped3A : memref<!tpu.dma_semaphore, #tpu.memory_space<semaphore_mem>>) src(%dma_wait3A_59 : memref<125x80xi32, #tpu.memory_space<hbm>>) dst(%arg7 : memref<125x80xi32, #tpu.memory_space<vmem>>)
      tpu.yield
    }) : () -> ()
    %broadcast_in_dim3A = arith.constant 0.000000e+00 : f32
    %broadcast_in_dim3A_1 = vector.broadcast %broadcast_in_dim3A : f32 to vector<16xf32>
    %scan3A = arith.constant 0 : i32
    %scan3A_2 = arith.constant 80 : i32
    %scan3A_3 = arith.addi %scan3A, %scan3A_2 : i32
    %scan3A_4 = arith.constant 1 : i32
    scf.for %scan3A_46 = %scan3A to %scan3A_3 step %scan3A_4  : i32 {
      %swap3A = arith.index_cast %scan3A_46 : i32 to index
      %swap3A_47 = arith.constant 0 : index
      %swap3A_48 = tpu.vector_load %arg8[%swap3A, %swap3A_47] {strides = array<i32>} : memref<80x128xf32, #tpu.memory_space<vmem>>, vector<1x16xf32>,
      %swap3A_49 = vector.shape_cast %swap3A_48 : vector<1x16xf32> to vector<16xf32>
      %swap3A_50 = vector.shape_cast %broadcast_in_dim3A_1 : vector<16xf32> to vector<1x16xf32>
      tpu.vector_store %arg8[%swap3A, %swap3A_47], %swap3A_50 {strides = array<i32>} : memref<80x128xf32, #tpu.memory_space<vmem>>, vector<1x16xf32>,
      %swap3A_51 = arith.index_cast %scan3A_46 : i32 to index
      %swap3A_52 = arith.constant 16 : index
      %swap3A_53 = tpu.vector_load %arg8[%swap3A_51, %swap3A_52] {strides = array<i32>} : memref<80x128xf32, #tpu.memory_space<vmem>>, vector<1x16xf32>,
      %swap3A_54 = vector.shape_cast %swap3A_53 : vector<1x16xf32> to vector<16xf32>
      %swap3A_55 = vector.shape_cast %broadcast_in_dim3A_1 : vector<16xf32> to vector<1x16xf32>
      tpu.vector_store %arg8[%swap3A_51, %swap3A_52], %swap3A_55 {strides = array<i32>} : memref<80x128xf32, #tpu.memory_space<vmem>>, vector<1x16xf32>,
      %swap3A_56 = arith.index_cast %scan3A_46 : i32 to index
      %swap3A_57 = arith.constant 32 : index
      %swap3A_58 = tpu.vector_load %arg8[%swap3A_56, %swap3A_57] {strides = array<i32>} : memref<80x128xf32, #tpu.memory_space<vmem>>, vector<1x16xf32>,
      %swap3A_59 = vector.shape_cast %swap3A_58 : vector<1x16xf32> to vector<16xf32>
      %swap3A_60 = vector.shape_cast %broadcast_in_dim3A_1 : vector<16xf32> to vector<1x16xf32>
      tpu.vector_store %arg8[%swap3A_56, %swap3A_57], %swap3A_60 {strides = array<i32>} : memref<80x128xf32, #tpu.memory_space<vmem>>, vector<1x16xf32>,
      %swap3A_61 = arith.index_cast %scan3A_46 : i32 to index
      %swap3A_62 = arith.constant 48 : index
      %swap3A_63 = tpu.vector_load %arg8[%swap3A_61, %swap3A_62] {strides = array<i32>} : memref<80x128xf32, #tpu.memory_space<vmem>>, vector<1x16xf32>,
      %swap3A_64 = vector.shape_cast %swap3A_63 : vector<1x16xf32> to vector<16xf32>
      %swap3A_65 = vector.shape_cast %broadcast_in_dim3A_1 : vector<16xf32> to vector<1x16xf32>
      tpu.vector_store %arg8[%swap3A_61, %swap3A_62], %swap3A_65 {strides = array<i32>} : memref<80x128xf32, #tpu.memory_space<vmem>>, vector<1x16xf32>,
      %swap3A_66 = arith.index_cast %scan3A_46 : i32 to index
      %swap3A_67 = arith.constant 64 : index
      %swap3A_68 = tpu.vector_load %arg8[%swap3A_66, %swap3A_67] {strides = array<i32>} : memref<80x128xf32, #tpu.memory_space<vmem>>, vector<1x16xf32>,
      %swap3A_69 = vector.shape_cast %swap3A_68 : vector<1x16xf32> to vector<16xf32>
      %swap3A_70 = vector.shape_cast %broadcast_in_dim3A_1 : vector<16xf32> to vector<1x16xf32>
      tpu.vector_store %arg8[%swap3A_66, %swap3A_67], %swap3A_70 {strides = array<i32>} : memref<80x128xf32, #tpu.memory_space<vmem>>, vector<1x16xf32>,
      %swap3A_71 = arith.index_cast %scan3A_46 : i32 to index
      %swap3A_72 = arith.constant 80 : index
      %swap3A_73 = tpu.vector_load %arg8[%swap3A_71, %swap3A_72] {strides = array<i32>} : memref<80x128xf32, #tpu.memory_space<vmem>>, vector<1x16xf32>,
      %swap3A_74 = vector.shape_cast %swap3A_73 : vector<1x16xf32> to vector<16xf32>
      %swap3A_75 = vector.shape_cast %broadcast_in_dim3A_1 : vector<16xf32> to vector<1x16xf32>
      tpu.vector_store %arg8[%swap3A_71, %swap3A_72], %swap3A_75 {strides = array<i32>} : memref<80x128xf32, #tpu.memory_space<vmem>>, vector<1x16xf32>,
      %swap3A_76 = arith.index_cast %scan3A_46 : i32 to index
      %swap3A_77 = arith.constant 96 : index
      %swap3A_78 = tpu.vector_load %arg8[%swap3A_76, %swap3A_77] {strides = array<i32>} : memref<80x128xf32, #tpu.memory_space<vmem>>, vector<1x16xf32>,
      %swap3A_79 = vector.shape_cast %swap3A_78 : vector<1x16xf32> to vector<16xf32>
      %swap3A_80 = vector.shape_cast %broadcast_in_dim3A_1 : vector<16xf32> to vector<1x16xf32>
      tpu.vector_store %arg8[%swap3A_76, %swap3A_77], %swap3A_80 {strides = array<i32>} : memref<80x128xf32, #tpu.memory_space<vmem>>, vector<1x16xf32>,
      %swap3A_81 = arith.index_cast %scan3A_46 : i32 to index
      %swap3A_82 = arith.constant 112 : index
      %swap3A_83 = tpu.vector_load %arg8[%swap3A_81, %swap3A_82] {strides = array<i32>} : memref<80x128xf32, #tpu.memory_space<vmem>>, vector<1x16xf32>,
      %swap3A_84 = vector.shape_cast %swap3A_83 : vector<1x16xf32> to vector<16xf32>
      %swap3A_85 = vector.shape_cast %broadcast_in_dim3A_1 : vector<16xf32> to vector<1x16xf32>
      tpu.vector_store %arg8[%swap3A_81, %swap3A_82], %swap3A_85 {strides = array<i32>} : memref<80x128xf32, #tpu.memory_space<vmem>>, vector<1x16xf32>,
    }
    %scan3A_5 = arith.constant 80 : i32
    %mul3A_6 = arith.constant 640 : i32
    %mul3A_7 = arith.muli %arg1, %mul3A_6 : i32
    %add3A_8 = arith.constant 0 : i32
    %add3A_9 = arith.addi %mul3A_7, %add3A_8 : i32
    "tpu.region"() ({
      %run_scoped3A = tpu.sem_alloc : memref<!tpu.dma_semaphore, #tpu.memory_space<semaphore_mem>>
      %dma_start3A = arith.constant 0 : i32
      %dma_start3A_46 = tpu.memref_slice %arg10[%add3A_9, %dma_start3A] : memref<10240x128xf32, #tpu.memory_space<vmem_shared>> -> memref<80x128xf32, #tpu.memory_space<vmem_shared>>
      %dma_start3A_47 = arith.constant 0 : i32
      %dma_start3A_48 = tpu.memref_slice %arg10[%add3A_9, %dma_start3A_47] : memref<10240x128xf32, #tpu.memory_space<vmem_shared>> -> memref<80x128xf32, #tpu.memory_space<vmem_shared>>
      tpu.enqueue_dma source(%arg8 : memref<80x128xf32, #tpu.memory_space<vmem>>) target(%dma_start3A_48 : memref<80x128xf32, #tpu.memory_space<vmem_shared>>) target_semaphore(%run_scoped3A : memref<!tpu.dma_semaphore, #tpu.memory_space<semaphore_mem>>)
      %dma_wait3A = arith.constant 0 : i32
      %dma_wait3A_49 = tpu.memref_slice %arg10[%add3A_9, %dma_wait3A] : memref<10240x128xf32, #tpu.memory_space<vmem_shared>> -> memref<80x128xf32, #tpu.memory_space<vmem_shared>>
      %dma_wait3A_50 = arith.constant 0 : i32
      %dma_wait3A_51 = tpu.memref_slice %arg10[%add3A_9, %dma_wait3A_50] : memref<10240x128xf32, #tpu.memory_space<vmem_shared>> -> memref<80x128xf32, #tpu.memory_space<vmem_shared>>
      tpu.wait_dma2 semaphore(%run_scoped3A : memref<!tpu.dma_semaphore, #tpu.memory_space<semaphore_mem>>) src(%arg8 : memref<80x128xf32, #tpu.memory_space<vmem>>) dst(%dma_wait3A_51 : memref<80x128xf32, #tpu.memory_space<vmem_shared>>)
      tpu.yield
    }) : () -> ()
    %mul3A_10 = arith.constant 640 : i32
    %mul3A_11 = arith.muli %arg1, %mul3A_10 : i32
    %add3A_12 = arith.constant 80 : i32
    %add3A_13 = arith.addi %mul3A_11, %add3A_12 : i32
    "tpu.region"() ({
      %run_scoped3A = tpu.sem_alloc : memref<!tpu.dma_semaphore, #tpu.memory_space<semaphore_mem>>
      %dma_start3A = arith.constant 0 : i32
      %dma_start3A_46 = tpu.memref_slice %arg10[%add3A_13, %dma_start3A] : memref<10240x128xf32, #tpu.memory_space<vmem_shared>> -> memref<80x128xf32, #tpu.memory_space<vmem_shared>>
      %dma_start3A_47 = arith.constant 0 : i32
      %dma_start3A_48 = tpu.memref_slice %arg10[%add3A_13, %dma_start3A_47] : memref<10240x128xf32, #tpu.memory_space<vmem_shared>> -> memref<80x128xf32, #tpu.memory_space<vmem_shared>>
      tpu.enqueue_dma source(%arg8 : memref<80x128xf32, #tpu.memory_space<vmem>>) target(%dma_start3A_48 : memref<80x128xf32, #tpu.memory_space<vmem_shared>>) target_semaphore(%run_scoped3A : memref<!tpu.dma_semaphore, #tpu.memory_space<semaphore_mem>>)
      %dma_wait3A = arith.constant 0 : i32
      %dma_wait3A_49 = tpu.memref_slice %arg10[%add3A_13, %dma_wait3A] : memref<10240x128xf32, #tpu.memory_space<vmem_shared>> -> memref<80x128xf32, #tpu.memory_space<vmem_shared>>
      %dma_wait3A_50 = arith.constant 0 : i32
      %dma_wait3A_51 = tpu.memref_slice %arg10[%add3A_13, %dma_wait3A_50] : memref<10240x128xf32, #tpu.memory_space<vmem_shared>> -> memref<80x128xf32, #tpu.memory_space<vmem_shared>>
      tpu.wait_dma2 semaphore(%run_scoped3A : memref<!tpu.dma_semaphore, #tpu.memory_space<semaphore_mem>>) src(%arg8 : memref<80x128xf32, #tpu.memory_space<vmem>>) dst(%dma_wait3A_51 : memref<80x128xf32, #tpu.memory_space<vmem_shared>>)
      tpu.yield
    }) : () -> ()
    %mul3A_14 = arith.constant 640 : i32
    %mul3A_15 = arith.muli %arg1, %mul3A_14 : i32
    %add3A_16 = arith.constant 160 : i32
    %add3A_17 = arith.addi %mul3A_15, %add3A_16 : i32
    "tpu.region"() ({
      %run_scoped3A = tpu.sem_alloc : memref<!tpu.dma_semaphore, #tpu.memory_space<semaphore_mem>>
      %dma_start3A = arith.constant 0 : i32
      %dma_start3A_46 = tpu.memref_slice %arg10[%add3A_17, %dma_start3A] : memref<10240x128xf32, #tpu.memory_space<vmem_shared>> -> memref<80x128xf32, #tpu.memory_space<vmem_shared>>
      %dma_start3A_47 = arith.constant 0 : i32
      %dma_start3A_48 = tpu.memref_slice %arg10[%add3A_17, %dma_start3A_47] : memref<10240x128xf32, #tpu.memory_space<vmem_shared>> -> memref<80x128xf32, #tpu.memory_space<vmem_shared>>
      tpu.enqueue_dma source(%arg8 : memref<80x128xf32, #tpu.memory_space<vmem>>) target(%dma_start3A_48 : memref<80x128xf32, #tpu.memory_space<vmem_shared>>) target_semaphore(%run_scoped3A : memref<!tpu.dma_semaphore, #tpu.memory_space<semaphore_mem>>)
      %dma_wait3A = arith.constant 0 : i32
      %dma_wait3A_49 = tpu.memref_slice %arg10[%add3A_17, %dma_wait3A] : memref<10240x128xf32, #tpu.memory_space<vmem_shared>> -> memref<80x128xf32, #tpu.memory_space<vmem_shared>>
      %dma_wait3A_50 = arith.constant 0 : i32
      %dma_wait3A_51 = tpu.memref_slice %arg10[%add3A_17, %dma_wait3A_50] : memref<10240x128xf32, #tpu.memory_space<vmem_shared>> -> memref<80x128xf32, #tpu.memory_space<vmem_shared>>
      tpu.wait_dma2 semaphore(%run_scoped3A : memref<!tpu.dma_semaphore, #tpu.memory_space<semaphore_mem>>) src(%arg8 : memref<80x128xf32, #tpu.memory_space<vmem>>) dst(%dma_wait3A_51 : memref<80x128xf32, #tpu.memory_space<vmem_shared>>)
      tpu.yield
    }) : () -> ()
    %mul3A_18 = arith.constant 640 : i32
    %mul3A_19 = arith.muli %arg1, %mul3A_18 : i32
    %add3A_20 = arith.constant 240 : i32
    %add3A_21 = arith.addi %mul3A_19, %add3A_20 : i32
    "tpu.region"() ({
      %run_scoped3A = tpu.sem_alloc : memref<!tpu.dma_semaphore, #tpu.memory_space<semaphore_mem>>
      %dma_start3A = arith.constant 0 : i32
      %dma_start3A_46 = tpu.memref_slice %arg10[%add3A_21, %dma_start3A] : memref<10240x128xf32, #tpu.memory_space<vmem_shared>> -> memref<80x128xf32, #tpu.memory_space<vmem_shared>>
      %dma_start3A_47 = arith.constant 0 : i32
      %dma_start3A_48 = tpu.memref_slice %arg10[%add3A_21, %dma_start3A_47] : memref<10240x128xf32, #tpu.memory_space<vmem_shared>> -> memref<80x128xf32, #tpu.memory_space<vmem_shared>>
      tpu.enqueue_dma source(%arg8 : memref<80x128xf32, #tpu.memory_space<vmem>>) target(%dma_start3A_48 : memref<80x128xf32, #tpu.memory_space<vmem_shared>>) target_semaphore(%run_scoped3A : memref<!tpu.dma_semaphore, #tpu.memory_space<semaphore_mem>>)
      %dma_wait3A = arith.constant 0 : i32
      %dma_wait3A_49 = tpu.memref_slice %arg10[%add3A_21, %dma_wait3A] : memref<10240x128xf32, #tpu.memory_space<vmem_shared>> -> memref<80x128xf32, #tpu.memory_space<vmem_shared>>
      %dma_wait3A_50 = arith.constant 0 : i32
      %dma_wait3A_51 = tpu.memref_slice %arg10[%add3A_21, %dma_wait3A_50] : memref<10240x128xf32, #tpu.memory_space<vmem_shared>> -> memref<80x128xf32, #tpu.memory_space<vmem_shared>>
      tpu.wait_dma2 semaphore(%run_scoped3A : memref<!tpu.dma_semaphore, #tpu.memory_space<semaphore_mem>>) src(%arg8 : memref<80x128xf32, #tpu.memory_space<vmem>>) dst(%dma_wait3A_51 : memref<80x128xf32, #tpu.memory_space<vmem_shared>>)
      tpu.yield
    }) : () -> ()
    %mul3A_22 = arith.constant 640 : i32
    %mul3A_23 = arith.muli %arg1, %mul3A_22 : i32
    %add3A_24 = arith.constant 320 : i32
    %add3A_25 = arith.addi %mul3A_23, %add3A_24 : i32
    "tpu.region"() ({
      %run_scoped3A = tpu.sem_alloc : memref<!tpu.dma_semaphore, #tpu.memory_space<semaphore_mem>>
      %dma_start3A = arith.constant 0 : i32
      %dma_start3A_46 = tpu.memref_slice %arg10[%add3A_25, %dma_start3A] : memref<10240x128xf32, #tpu.memory_space<vmem_shared>> -> memref<80x128xf32, #tpu.memory_space<vmem_shared>>
      %dma_start3A_47 = arith.constant 0 : i32
      %dma_start3A_48 = tpu.memref_slice %arg10[%add3A_25, %dma_start3A_47] : memref<10240x128xf32, #tpu.memory_space<vmem_shared>> -> memref<80x128xf32, #tpu.memory_space<vmem_shared>>
      tpu.enqueue_dma source(%arg8 : memref<80x128xf32, #tpu.memory_space<vmem>>) target(%dma_start3A_48 : memref<80x128xf32, #tpu.memory_space<vmem_shared>>) target_semaphore(%run_scoped3A : memref<!tpu.dma_semaphore, #tpu.memory_space<semaphore_mem>>)
      %dma_wait3A = arith.constant 0 : i32
      %dma_wait3A_49 = tpu.memref_slice %arg10[%add3A_25, %dma_wait3A] : memref<10240x128xf32, #tpu.memory_space<vmem_shared>> -> memref<80x128xf32, #tpu.memory_space<vmem_shared>>
      %dma_wait3A_50 = arith.constant 0 : i32
      %dma_wait3A_51 = tpu.memref_slice %arg10[%add3A_25, %dma_wait3A_50] : memref<10240x128xf32, #tpu.memory_space<vmem_shared>> -> memref<80x128xf32, #tpu.memory_space<vmem_shared>>
      tpu.wait_dma2 semaphore(%run_scoped3A : memref<!tpu.dma_semaphore, #tpu.memory_space<semaphore_mem>>) src(%arg8 : memref<80x128xf32, #tpu.memory_space<vmem>>) dst(%dma_wait3A_51 : memref<80x128xf32, #tpu.memory_space<vmem_shared>>)
      tpu.yield
    }) : () -> ()
    %mul3A_26 = arith.constant 640 : i32
    %mul3A_27 = arith.muli %arg1, %mul3A_26 : i32
    %add3A_28 = arith.constant 400 : i32
    %add3A_29 = arith.addi %mul3A_27, %add3A_28 : i32
    "tpu.region"() ({
      %run_scoped3A = tpu.sem_alloc : memref<!tpu.dma_semaphore, #tpu.memory_space<semaphore_mem>>
      %dma_start3A = arith.constant 0 : i32
      %dma_start3A_46 = tpu.memref_slice %arg10[%add3A_29, %dma_start3A] : memref<10240x128xf32, #tpu.memory_space<vmem_shared>> -> memref<80x128xf32, #tpu.memory_space<vmem_shared>>
      %dma_start3A_47 = arith.constant 0 : i32
      %dma_start3A_48 = tpu.memref_slice %arg10[%add3A_29, %dma_start3A_47] : memref<10240x128xf32, #tpu.memory_space<vmem_shared>> -> memref<80x128xf32, #tpu.memory_space<vmem_shared>>
      tpu.enqueue_dma source(%arg8 : memref<80x128xf32, #tpu.memory_space<vmem>>) target(%dma_start3A_48 : memref<80x128xf32, #tpu.memory_space<vmem_shared>>) target_semaphore(%run_scoped3A : memref<!tpu.dma_semaphore, #tpu.memory_space<semaphore_mem>>)
      %dma_wait3A = arith.constant 0 : i32
      %dma_wait3A_49 = tpu.memref_slice %arg10[%add3A_29, %dma_wait3A] : memref<10240x128xf32, #tpu.memory_space<vmem_shared>> -> memref<80x128xf32, #tpu.memory_space<vmem_shared>>
      %dma_wait3A_50 = arith.constant 0 : i32
      %dma_wait3A_51 = tpu.memref_slice %arg10[%add3A_29, %dma_wait3A_50] : memref<10240x128xf32, #tpu.memory_space<vmem_shared>> -> memref<80x128xf32, #tpu.memory_space<vmem_shared>>
      tpu.wait_dma2 semaphore(%run_scoped3A : memref<!tpu.dma_semaphore, #tpu.memory_space<semaphore_mem>>) src(%arg8 : memref<80x128xf32, #tpu.memory_space<vmem>>) dst(%dma_wait3A_51 : memref<80x128xf32, #tpu.memory_space<vmem_shared>>)
      tpu.yield
    }) : () -> ()
    %mul3A_30 = arith.constant 640 : i32
    %mul3A_31 = arith.muli %arg1, %mul3A_30 : i32
    %add3A_32 = arith.constant 480 : i32
    %add3A_33 = arith.addi %mul3A_31, %add3A_32 : i32
    "tpu.region"() ({
      %run_scoped3A = tpu.sem_alloc : memref<!tpu.dma_semaphore, #tpu.memory_space<semaphore_mem>>
      %dma_start3A = arith.constant 0 : i32
      %dma_start3A_46 = tpu.memref_slice %arg10[%add3A_33, %dma_start3A] : memref<10240x128xf32, #tpu.memory_space<vmem_shared>> -> memref<80x128xf32, #tpu.memory_space<vmem_shared>>
      %dma_start3A_47 = arith.constant 0 : i32
      %dma_start3A_48 = tpu.memref_slice %arg10[%add3A_33, %dma_start3A_47] : memref<10240x128xf32, #tpu.memory_space<vmem_shared>> -> memref<80x128xf32, #tpu.memory_space<vmem_shared>>
      tpu.enqueue_dma source(%arg8 : memref<80x128xf32, #tpu.memory_space<vmem>>) target(%dma_start3A_48 : memref<80x128xf32, #tpu.memory_space<vmem_shared>>) target_semaphore(%run_scoped3A : memref<!tpu.dma_semaphore, #tpu.memory_space<semaphore_mem>>)
      %dma_wait3A = arith.constant 0 : i32
      %dma_wait3A_49 = tpu.memref_slice %arg10[%add3A_33, %dma_wait3A] : memref<10240x128xf32, #tpu.memory_space<vmem_shared>> -> memref<80x128xf32, #tpu.memory_space<vmem_shared>>
      %dma_wait3A_50 = arith.constant 0 : i32
      %dma_wait3A_51 = tpu.memref_slice %arg10[%add3A_33, %dma_wait3A_50] : memref<10240x128xf32, #tpu.memory_space<vmem_shared>> -> memref<80x128xf32, #tpu.memory_space<vmem_shared>>
      tpu.wait_dma2 semaphore(%run_scoped3A : memref<!tpu.dma_semaphore, #tpu.memory_space<semaphore_mem>>) src(%arg8 : memref<80x128xf32, #tpu.memory_space<vmem>>) dst(%dma_wait3A_51 : memref<80x128xf32, #tpu.memory_space<vmem_shared>>)
      tpu.yield
    }) : () -> ()
    %mul3A_34 = arith.constant 640 : i32
    %mul3A_35 = arith.muli %arg1, %mul3A_34 : i32
    %add3A_36 = arith.constant 560 : i32
    %add3A_37 = arith.addi %mul3A_35, %add3A_36 : i32
    "tpu.region"() ({
      %run_scoped3A = tpu.sem_alloc : memref<!tpu.dma_semaphore, #tpu.memory_space<semaphore_mem>>
      %dma_start3A = arith.constant 0 : i32
      %dma_start3A_46 = tpu.memref_slice %arg10[%add3A_37, %dma_start3A] : memref<10240x128xf32, #tpu.memory_space<vmem_shared>> -> memref<80x128xf32, #tpu.memory_space<vmem_shared>>
      %dma_start3A_47 = arith.constant 0 : i32
      %dma_start3A_48 = tpu.memref_slice %arg10[%add3A_37, %dma_start3A_47] : memref<10240x128xf32, #tpu.memory_space<vmem_shared>> -> memref<80x128xf32, #tpu.memory_space<vmem_shared>>
      tpu.enqueue_dma source(%arg8 : memref<80x128xf32, #tpu.memory_space<vmem>>) target(%dma_start3A_48 : memref<80x128xf32, #tpu.memory_space<vmem_shared>>) target_semaphore(%run_scoped3A : memref<!tpu.dma_semaphore, #tpu.memory_space<semaphore_mem>>)
      %dma_wait3A = arith.constant 0 : i32
      %dma_wait3A_49 = tpu.memref_slice %arg10[%add3A_37, %dma_wait3A] : memref<10240x128xf32, #tpu.memory_space<vmem_shared>> -> memref<80x128xf32, #tpu.memory_space<vmem_shared>>
      %dma_wait3A_50 = arith.constant 0 : i32
      %dma_wait3A_51 = tpu.memref_slice %arg10[%add3A_37, %dma_wait3A_50] : memref<10240x128xf32, #tpu.memory_space<vmem_shared>> -> memref<80x128xf32, #tpu.memory_space<vmem_shared>>
      tpu.wait_dma2 semaphore(%run_scoped3A : memref<!tpu.dma_semaphore, #tpu.memory_space<semaphore_mem>>) src(%arg8 : memref<80x128xf32, #tpu.memory_space<vmem>>) dst(%dma_wait3A_51 : memref<80x128xf32, #tpu.memory_space<vmem_shared>>)
      tpu.yield
    }) : () -> ()
    %barrier3A = arith.constant 0 : index
    tpu.barrier barrier_id(%barrier3A)
    %scan3A_38 = arith.constant 0 : i32
    %scan3A_39 = arith.constant 125 : i32
    %scan3A_40 = arith.addi %scan3A_38, %scan3A_39 : i32
    %scan3A_41 = arith.constant 1 : i32
    scf.for %scan3A_46 = %scan3A_38 to %scan3A_40 step %scan3A_41  : i32 {
      %dma_start3A = arith.constant 0 : i32
      %dma_start3A_47 = tpu.memref_slice %arg6[%scan3A_46, %dma_start3A] : memref<125x80xi32, #tpu.memory_space<vmem>> -> memref<1x80xi32, #tpu.memory_space<vmem>>
      %dma_start3A_48 = tpu.memref_squeeze %dma_start3A_47 : memref<1x80xi32, #tpu.memory_space<vmem>> -> memref<80xi32, #tpu.memory_space<vmem>>
      %dma_start3A_49 = arith.constant 0 : i32
      %dma_start3A_50 = arith.constant 0 : i32
      %dma_start3A_51 = tpu.memref_slice %arg2[%dma_start3A_49, %dma_start3A_50] : memref<10000x128xf32, #tpu.memory_space<hbm>> -> memref<10000x128xf32, #tpu.memory_space<hbm>>
      tpu.enqueue_indirect_dma source(%dma_start3A_51 : memref<10000x128xf32, #tpu.memory_space<hbm>>) target(%arg8 : memref<80x128xf32, #tpu.memory_space<vmem>>) offsets(%dma_start3A_48 : memref<80xi32, #tpu.memory_space<vmem>>) semaphore(%arg9 : memref<!tpu.dma_semaphore, #tpu.memory_space<semaphore_mem>>)
      %dma_wait3A = arith.constant 0 : i32
      %dma_wait3A_52 = tpu.memref_slice %arg6[%scan3A_46, %dma_wait3A] : memref<125x80xi32, #tpu.memory_space<vmem>> -> memref<1x80xi32, #tpu.memory_space<vmem>>
      %dma_wait3A_53 = tpu.memref_squeeze %dma_wait3A_52 : memref<1x80xi32, #tpu.memory_space<vmem>> -> memref<80xi32, #tpu.memory_space<vmem>>
      %dma_wait3A_54 = arith.constant 0 : i32
      %dma_wait3A_55 = arith.constant 0 : i32
      %dma_wait3A_56 = tpu.memref_slice %arg2[%dma_wait3A_54, %dma_wait3A_55] : memref<10000x128xf32, #tpu.memory_space<hbm>> -> memref<10000x128xf32, #tpu.memory_space<hbm>>
      tpu.wait_indirect_dma semaphore(%arg9 : memref<!tpu.dma_semaphore, #tpu.memory_space<semaphore_mem>>) src(%dma_wait3A_56 : memref<10000x128xf32, #tpu.memory_space<hbm>>) dst(%arg8 : memref<80x128xf32, #tpu.memory_space<vmem>>)
      "tpu.region"() ({
        %run_scoped3A = tpu.sem_alloc : memref<!tpu.dma_semaphore, #tpu.memory_space<semaphore_mem>>
        %dma_start3A_57 = arith.constant 0 : i32
        %dma_start3A_58 = tpu.memref_slice %arg7[%scan3A_46, %dma_start3A_57] : memref<125x80xi32, #tpu.memory_space<vmem>> -> memref<1x80xi32, #tpu.memory_space<vmem>>
        %dma_start3A_59 = tpu.memref_squeeze %dma_start3A_58 : memref<1x80xi32, #tpu.memory_space<vmem>> -> memref<80xi32, #tpu.memory_space<vmem>>
        %dma_start3A_60 = arith.constant 0 : i32
        %dma_start3A_61 = arith.constant 0 : i32
        %dma_start3A_62 = tpu.memref_slice %arg10[%dma_start3A_60, %dma_start3A_61] : memref<10240x128xf32, #tpu.memory_space<vmem_shared>> -> memref<10240x128xf32, #tpu.memory_space<vmem_shared>>
        tpu.enqueue_indirect_dma source(%arg8 : memref<80x128xf32, #tpu.memory_space<vmem>>) target(%dma_start3A_62 : memref<10240x128xf32, #tpu.memory_space<vmem_shared>>) offsets(%dma_start3A_59 : memref<80xi32, #tpu.memory_space<vmem>>) semaphore(%run_scoped3A : memref<!tpu.dma_semaphore, #tpu.memory_space<semaphore_mem>>) {add = true}
        %dma_wait3A_63 = arith.constant 0 : i32
        %dma_wait3A_64 = tpu.memref_slice %arg7[%scan3A_46, %dma_wait3A_63] : memref<125x80xi32, #tpu.memory_space<vmem>> -> memref<1x80xi32, #tpu.memory_space<vmem>>
        %dma_wait3A_65 = tpu.memref_squeeze %dma_wait3A_64 : memref<1x80xi32, #tpu.memory_space<vmem>> -> memref<80xi32, #tpu.memory_space<vmem>>
        %dma_wait3A_66 = arith.constant 0 : i32
        %dma_wait3A_67 = arith.constant 0 : i32
        %dma_wait3A_68 = tpu.memref_slice %arg10[%dma_wait3A_66, %dma_wait3A_67] : memref<10240x128xf32, #tpu.memory_space<vmem_shared>> -> memref<10240x128xf32, #tpu.memory_space<vmem_shared>>
        tpu.wait_indirect_dma semaphore(%run_scoped3A : memref<!tpu.dma_semaphore, #tpu.memory_space<semaphore_mem>>) src(%arg8 : memref<80x128xf32, #tpu.memory_space<vmem>>) dst(%dma_wait3A_68 : memref<10240x128xf32, #tpu.memory_space<vmem_shared>>)
        tpu.yield
      }) : () -> ()
    }
    %scan3A_42 = arith.constant 125 : i32
    %barrier3A_43 = arith.constant 0 : index
    tpu.barrier barrier_id(%barrier3A_43)
    %mul3A_44 = arith.constant 640 : i32
    %mul3A_45 = arith.muli %arg1, %mul3A_44 : i32
    "tpu.region"() ({
      %run_scoped3A = tpu.sem_alloc : memref<!tpu.dma_semaphore, #tpu.memory_space<semaphore_mem>>
      %dma_start3A = arith.constant 0 : i32
      %dma_start3A_46 = arith.constant 0 : i32
      %dma_start3A_47 = tpu.memref_slice %arg5[%arg0, %arg1, %dma_start3A, %dma_start3A_46] : memref<2x16x640x128xf32, #tpu.memory_space<hbm>> -> memref<1x1x640x128xf32, #tpu.memory_space<hbm>>
      %dma_start3A_48 = tpu.memref_squeeze %dma_start3A_47 : memref<1x1x640x128xf32, #tpu.memory_space<hbm>> -> memref<640x128xf32, #tpu.memory_space<hbm>>
      %dma_start3A_49 = arith.constant 0 : i32
      %dma_start3A_50 = tpu.memref_slice %arg10[%mul3A_45, %dma_start3A_49] : memref<10240x128xf32, #tpu.memory_space<vmem_shared>> -> memref<640x128xf32, #tpu.memory_space<vmem_shared>>
      tpu.enqueue_dma source(%dma_start3A_50 : memref<640x128xf32, #tpu.memory_space<vmem_shared>>) target(%dma_start3A_48 : memref<640x128xf32, #tpu.memory_space<hbm>>) target_semaphore(%run_scoped3A : memref<!tpu.dma_semaphore, #tpu.memory_space<semaphore_mem>>)
      %dma_wait3A = arith.constant 0 : i32
      %dma_wait3A_51 = arith.constant 0 : i32
      %dma_wait3A_52 = tpu.memref_slice %arg5[%arg0, %arg1, %dma_wait3A, %dma_wait3A_51] : memref<2x16x640x128xf32, #tpu.memory_space<hbm>> -> memref<1x1x640x128xf32, #tpu.memory_space<hbm>>
      %dma_wait3A_53 = tpu.memref_squeeze %dma_wait3A_52 : memref<1x1x640x128xf32, #tpu.memory_space<hbm>> -> memref<640x128xf32, #tpu.memory_space<hbm>>
      %dma_wait3A_54 = arith.constant 0 : i32
      %dma_wait3A_55 = tpu.memref_slice %arg10[%mul3A_45, %dma_wait3A_54] : memref<10240x128xf32, #tpu.memory_space<vmem_shared>> -> memref<640x128xf32, #tpu.memory_space<vmem_shared>>
      tpu.wait_dma2 semaphore(%run_scoped3A : memref<!tpu.dma_semaphore, #tpu.memory_space<semaphore_mem>>) src(%dma_wait3A_55 : memref<640x128xf32, #tpu.memory_space<vmem_shared>>) dst(%dma_wait3A_53 : memref<640x128xf32, #tpu.memory_space<hbm>>)
      tpu.yield
    }) : () -> ()
    return
  }
}

module attributes {stable_mosaic.version = 14 : i64} {
  func.func @_mid_body(%arg0: i32, %arg1: memref<2x1000x128xf32, #tpu.memory_space<vmem>>, %arg2: memref<1000x1xf32, #tpu.memory_space<vmem>>, %arg3: memref<1000x128xf32, #tpu.memory_space<vmem>>, %arg4: memref<1000x128xf32, #tpu.memory_space<vmem>>) attributes {dimension_semantics = [#tpu.dimension_semantics<arbitrary>], iteration_bounds = array<i64: 10>, scalar_prefetch = 0 : i64, scratch_operands = 0 : i64, tpu.core_type = #tpu.core_type<tc>, window_params = [{transform_indices = @transform_0, window_bounds = array<i64: 2, 1000, 128>}, {transform_indices = @transform_1, window_bounds = array<i64: 1000, 1>}, {transform_indices = @transform_2, window_bounds = array<i64: 1000, 128>}, {transform_indices = @transform_3, window_bounds = array<i64: 1000, 128>}]} {
    %get3A = arith.constant 0 : index
    %get3A_0 = arith.constant 0 : index
    %get3A_1 = vector.load %arg2[%get3A, %get3A_0] : memref<1000x1xf32, #tpu.memory_space<vmem>>, vector<1000x1xf32>
    %get3A_2 = arith.constant 0 : index
    %get3A_3 = arith.constant 0 : index
    %get3A_4 = arith.constant 0 : index
    %get3A_5 = vector.load %arg1[%get3A_2, %get3A_3, %get3A_4] : memref<2x1000x128xf32, #tpu.memory_space<vmem>>, vector<1x1000x128xf32>
    %get3A_6 = vector.shape_cast %get3A_5 : vector<1x1000x128xf32> to vector<1000x128xf32>
    %get3A_7 = arith.constant 1 : index
    %get3A_8 = arith.constant 0 : index
    %get3A_9 = arith.constant 0 : index
    %get3A_10 = vector.load %arg1[%get3A_7, %get3A_8, %get3A_9] : memref<2x1000x128xf32, #tpu.memory_space<vmem>>, vector<1x1000x128xf32>
    %get3A_11 = vector.shape_cast %get3A_10 : vector<1x1000x128xf32> to vector<1000x128xf32>
    %add3A = arith.addf %get3A_6, %get3A_11 : vector<1000x128xf32>
    %mul3A = vector.broadcast %get3A_1 : vector<1000x1xf32> to vector<1000x128xf32>
    %mul3A_12 = arith.mulf %mul3A, %add3A : vector<1000x128xf32>
    %neg3A = arith.constant 0.000000e+00 : f32
    %neg3A_13 = vector.broadcast %neg3A : f32 to vector<1000x128xf32>
    %neg3A_14 = arith.subf %neg3A_13, %mul3A_12 : vector<1000x128xf32>
    %swap3A = arith.constant 0 : index
    %swap3A_15 = arith.constant 0 : index
    %swap3A_16 = vector.load %arg3[%swap3A, %swap3A_15] : memref<1000x128xf32, #tpu.memory_space<vmem>>, vector<1000x128xf32>
    tpu.vector_store %arg3[%swap3A, %swap3A_15], %neg3A_14 {strides = array<i32>} : memref<1000x128xf32, #tpu.memory_space<vmem>>, vector<1000x128xf32>,
    %mul3A_17 = vector.broadcast %get3A_1 : vector<1000x1xf32> to vector<1000x128xf32>
    %mul3A_18 = arith.mulf %mul3A_17, %neg3A_14 : vector<1000x128xf32>
    %swap3A_19 = arith.constant 0 : index
    %swap3A_20 = arith.constant 0 : index
    %swap3A_21 = vector.load %arg4[%swap3A_19, %swap3A_20] : memref<1000x128xf32, #tpu.memory_space<vmem>>, vector<1000x128xf32>
    tpu.vector_store %arg4[%swap3A_19, %swap3A_20], %mul3A_18 {strides = array<i32>} : memref<1000x128xf32, #tpu.memory_space<vmem>>, vector<1000x128xf32>,
    return
  }
  func.func @transform_0(%arg0: i32) -> (i32, i32, i32) {
    %c0_i32 = arith.constant 0 : i32
    %c0_i32_0 = arith.constant 0 : i32
    %c0_i32_1 = arith.constant 0 : i32
    return %c0_i32, %arg0, %c0_i32_0 : i32, i32, i32
  }
  func.func @transform_1(%arg0: i32) -> (i32, i32) {
    %c0_i32 = arith.constant 0 : i32
    %c0_i32_0 = arith.constant 0 : i32
    return %arg0, %c0_i32 : i32, i32
  }
  func.func @transform_2(%arg0: i32) -> (i32, i32) {
    %c0_i32 = arith.constant 0 : i32
    %c0_i32_0 = arith.constant 0 : i32
    return %arg0, %c0_i32 : i32, i32
  }
  func.func @transform_3(%arg0: i32) -> (i32, i32) {
    %c0_i32 = arith.constant 0 : i32
    %c0_i32_0 = arith.constant 0 : i32
    return %arg0, %c0_i32 : i32, i32
  }
}

module attributes {stable_mosaic.version = 14 : i64} {
  func.func @_prep_body(%arg0: i32, %arg1: memref<2x1000x128xf32, #tpu.memory_space<vmem>>, %arg2: memref<1000x128xf32, #tpu.memory_space<vmem>>, %arg3: memref<1000x1xf32, #tpu.memory_space<vmem>>, %arg4: memref<1000x128xf32, #tpu.memory_space<vmem>>) attributes {dimension_semantics = [#tpu.dimension_semantics<arbitrary>], iteration_bounds = array<i64: 10>, scalar_prefetch = 0 : i64, scratch_operands = 0 : i64, tpu.core_type = #tpu.core_type<tc>, window_params = [{transform_indices = @transform_0, window_bounds = array<i64: 2, 1000, 128>}, {transform_indices = @transform_1, window_bounds = array<i64: 1000, 128>}, {transform_indices = @transform_2, window_bounds = array<i64: 1000, 1>}, {transform_indices = @transform_3, window_bounds = array<i64: 1000, 128>}]} {
    %get3A = arith.constant 0 : index
    %get3A_0 = arith.constant 0 : index
    %get3A_1 = arith.constant 0 : index
    %get3A_2 = vector.load %arg1[%get3A, %get3A_0, %get3A_1] : memref<2x1000x128xf32, #tpu.memory_space<vmem>>, vector<1x1000x1xf32>
    %get3A_3 = vector.shape_cast %get3A_2 : vector<1x1000x1xf32> to vector<1000x1xf32>
    %get3A_4 = arith.constant 1 : index
    %get3A_5 = arith.constant 0 : index
    %get3A_6 = arith.constant 0 : index
    %get3A_7 = vector.load %arg1[%get3A_4, %get3A_5, %get3A_6] : memref<2x1000x128xf32, #tpu.memory_space<vmem>>, vector<1x1000x1xf32>
    %get3A_8 = vector.shape_cast %get3A_7 : vector<1x1000x1xf32> to vector<1000x1xf32>
    %add3A = arith.addf %get3A_3, %get3A_8 : vector<1000x1xf32>
    %gt3A = arith.constant 0.000000e+00 : f32
    %gt3A_9 = vector.broadcast %gt3A : f32 to vector<1000x1xf32>
    %gt3A_10 = arith.cmpf ogt, %add3A, %gt3A_9 : vector<1000x1xf32>
    %gt3A_11 = arith.constant 0.000000e+00 : f32
    %gt3A_12 = vector.broadcast %gt3A_11 : f32 to vector<1000x1xf32>
    %gt3A_13 = arith.cmpf ogt, %add3A, %gt3A_12 : vector<1000x1xf32>
    %jit3A = arith.constant 1.000000e+00 : f32
    %broadcast_in_dim3A = vector.broadcast %jit3A : f32 to vector<1000x1xf32>
    %select_n3A = arith.select %gt3A_13, %add3A, %broadcast_in_dim3A : vector<1000x1xi1>, vector<1000x1xf32>
    %rsqrt3A = math.rsqrt %select_n3A : vector<1000x1xf32>
    %jit3A_14 = arith.constant 0.000000e+00 : f32
    %broadcast_in_dim3A_15 = vector.broadcast %jit3A_14 : f32 to vector<1000x1xf32>
    %select_n3A_16 = arith.select %gt3A_10, %rsqrt3A, %broadcast_in_dim3A_15 : vector<1000x1xi1>, vector<1000x1xf32>
    %swap3A = arith.constant 0 : index
    %swap3A_17 = arith.constant 0 : index
    %swap3A_18 = vector.load %arg3[%swap3A, %swap3A_17] : memref<1000x1xf32, #tpu.memory_space<vmem>>, vector<1000x1xf32>
    tpu.vector_store %arg3[%swap3A, %swap3A_17], %select_n3A_16 {strides = array<i32>} : memref<1000x1xf32, #tpu.memory_space<vmem>>, vector<1000x1xf32>,
    %get3A_19 = arith.constant 0 : index
    %get3A_20 = arith.constant 0 : index
    %get3A_21 = vector.load %arg2[%get3A_19, %get3A_20] : memref<1000x128xf32, #tpu.memory_space<vmem>>, vector<1000x128xf32>
    %mul3A = vector.broadcast %select_n3A_16 : vector<1000x1xf32> to vector<1000x128xf32>
    %mul3A_22 = arith.mulf %get3A_21, %mul3A : vector<1000x128xf32>
    %swap3A_23 = arith.constant 0 : index
    %swap3A_24 = arith.constant 0 : index
    %swap3A_25 = vector.load %arg4[%swap3A_23, %swap3A_24] : memref<1000x128xf32, #tpu.memory_space<vmem>>, vector<1000x128xf32>
    tpu.vector_store %arg4[%swap3A_23, %swap3A_24], %mul3A_22 {strides = array<i32>} : memref<1000x128xf32, #tpu.memory_space<vmem>>, vector<1000x128xf32>,
    return
  }
  func.func @transform_0(%arg0: i32) -> (i32, i32, i32) {
    %c0_i32 = arith.constant 0 : i32
    %c0_i32_0 = arith.constant 0 : i32
    %c0_i32_1 = arith.constant 0 : i32
    return %c0_i32, %arg0, %c0_i32_0 : i32, i32, i32
  }
  func.func @transform_1(%arg0: i32) -> (i32, i32) {
    %c0_i32 = arith.constant 0 : i32
    %c0_i32_0 = arith.constant 0 : i32
    return %arg0, %c0_i32 : i32, i32
  }
  func.func @transform_2(%arg0: i32) -> (i32, i32) {
    %c0_i32 = arith.constant 0 : i32
    %c0_i32_0 = arith.constant 0 : i32
    return %arg0, %c0_i32 : i32, i32
  }
  func.func @transform_3(%arg0: i32) -> (i32, i32) {
    %c0_i32 = arith.constant 0 : i32
    %c0_i32_0 = arith.constant 0 : i32
    return %arg0, %c0_i32 : i32, i32
  }
}

module attributes {stable_mosaic.version = 14 : i64} {
  func.func @_fin_body(%arg0: i32, %arg1: memref<2x1000x128xf32, #tpu.memory_space<vmem>>, %arg2: memref<1000x128xf32, #tpu.memory_space<vmem>>, %arg3: memref<1000x128xf32, #tpu.memory_space<vmem>>, %arg4: memref<1000x1xf32, #tpu.memory_space<vmem>>, %arg5: memref<3x128x128xf32, #tpu.memory_space<vmem>>, %arg6: memref<1x128xf32, #tpu.memory_space<vmem>>, %arg7: memref<1000x128xf32, #tpu.memory_space<vmem>>, %arg8: memref<1000x128xf32, #tpu.memory_space<vmem>>) attributes {dimension_semantics = [#tpu.dimension_semantics<arbitrary>], iteration_bounds = array<i64: 10>, scalar_prefetch = 0 : i64, scratch_operands = 0 : i64, tpu.core_type = #tpu.core_type<tc>, window_params = [{transform_indices = @transform_0, window_bounds = array<i64: 2, 1000, 128>}, {transform_indices = @transform_1, window_bounds = array<i64: 1000, 128>}, {transform_indices = @transform_2, window_bounds = array<i64: 1000, 128>}, {transform_indices = @transform_3, window_bounds = array<i64: 1000, 1>}, {pipeline_mode = #tpu.pipeline_mode<synchronous>, transform_indices = @transform_4, window_bounds = array<i64: 3, 128, 128>}, {pipeline_mode = #tpu.pipeline_mode<synchronous>, transform_indices = @transform_5, window_bounds = array<i64: 1, 128>}, {transform_indices = @transform_6, window_bounds = array<i64: 1000, 128>}, {transform_indices = @transform_7, window_bounds = array<i64: 1000, 128>}]} {
    %get3A = arith.constant 0 : index
    %get3A_0 = arith.constant 0 : index
    %get3A_1 = vector.load %arg4[%get3A, %get3A_0] : memref<1000x1xf32, #tpu.memory_space<vmem>>, vector<1000x1xf32>
    %get3A_2 = arith.constant 0 : index
    %get3A_3 = arith.constant 0 : index
    %get3A_4 = vector.load %arg2[%get3A_2, %get3A_3] : memref<1000x128xf32, #tpu.memory_space<vmem>>, vector<1000x128xf32>
    %mul3A = arith.constant -2.000000e+00 : f32
    %mul3A_5 = vector.broadcast %mul3A : f32 to vector<1000x1xf32>
    %mul3A_6 = arith.mulf %mul3A_5, %get3A_1 : vector<1000x1xf32>
    %get3A_7 = arith.constant 0 : index
    %get3A_8 = arith.constant 0 : index
    %get3A_9 = arith.constant 0 : index
    %get3A_10 = vector.load %arg1[%get3A_7, %get3A_8, %get3A_9] : memref<2x1000x128xf32, #tpu.memory_space<vmem>>, vector<1x1000x128xf32>
    %get3A_11 = vector.shape_cast %get3A_10 : vector<1x1000x128xf32> to vector<1000x128xf32>
    %get3A_12 = arith.constant 1 : index
    %get3A_13 = arith.constant 0 : index
    %get3A_14 = arith.constant 0 : index
    %get3A_15 = vector.load %arg1[%get3A_12, %get3A_13, %get3A_14] : memref<2x1000x128xf32, #tpu.memory_space<vmem>>, vector<1x1000x128xf32>
    %get3A_16 = vector.shape_cast %get3A_15 : vector<1x1000x128xf32> to vector<1000x128xf32>
    %add3A = arith.addf %get3A_11, %get3A_16 : vector<1000x128xf32>
    %mul3A_17 = vector.broadcast %mul3A_6 : vector<1000x1xf32> to vector<1000x128xf32>
    %mul3A_18 = arith.mulf %mul3A_17, %add3A : vector<1000x128xf32>
    %sub3A = arith.subf %mul3A_18, %get3A_4 : vector<1000x128xf32>
    %get3A_19 = arith.constant 0 : index
    %get3A_20 = arith.constant 0 : index
    %get3A_21 = arith.constant 0 : index
    %get3A_22 = vector.load %arg5[%get3A_19, %get3A_20, %get3A_21] : memref<3x128x128xf32, #tpu.memory_space<vmem>>, vector<1x128x128xf32>
    %get3A_23 = vector.shape_cast %get3A_22 : vector<1x128x128xf32> to vector<128x128xf32>
    %dot_general3A = arith.constant dense<0.000000e+00> : vector<1000x128xf32>
    %dot_general3A_24 = tpu.matmul %get3A_4, %get3A_23, %dot_general3A {dimension_numbers = #tpu.dot_dimension_numbers<[1], [0], [0], [1], [0, 0, 1, 1], [], []>, transpose_lhs_hint = false} : vector<1000x128xf32>, vector<128x128xf32>, vector<1000x128xf32> -> vector<1000x128xf32>
    %get3A_25 = arith.constant 0 : index
    %get3A_26 = arith.constant 0 : index
    %get3A_27 = vector.load %arg3[%get3A_25, %get3A_26] : memref<1000x128xf32, #tpu.memory_space<vmem>>, vector<1000x128xf32>
    %get3A_28 = arith.constant 1 : index
    %get3A_29 = arith.constant 0 : index
    %get3A_30 = arith.constant 0 : index
    %get3A_31 = vector.load %arg5[%get3A_28, %get3A_29, %get3A_30] : memref<3x128x128xf32, #tpu.memory_space<vmem>>, vector<1x128x128xf32>
    %get3A_32 = vector.shape_cast %get3A_31 : vector<1x128x128xf32> to vector<128x128xf32>
    %dot_general3A_33 = arith.constant dense<0.000000e+00> : vector<1000x128xf32>
    %dot_general3A_34 = tpu.matmul %get3A_27, %get3A_32, %dot_general3A_33 {dimension_numbers = #tpu.dot_dimension_numbers<[1], [0], [0], [1], [0, 0, 1, 1], [], []>, transpose_lhs_hint = false} : vector<1000x128xf32>, vector<128x128xf32>, vector<1000x128xf32> -> vector<1000x128xf32>
    %add3A_35 = arith.addf %dot_general3A_24, %dot_general3A_34 : vector<1000x128xf32>
    %get3A_36 = arith.constant 2 : index
    %get3A_37 = arith.constant 0 : index
    %get3A_38 = arith.constant 0 : index
    %get3A_39 = vector.load %arg5[%get3A_36, %get3A_37, %get3A_38] : memref<3x128x128xf32, #tpu.memory_space<vmem>>, vector<1x128x128xf32>
    %get3A_40 = vector.shape_cast %get3A_39 : vector<1x128x128xf32> to vector<128x128xf32>
    %dot_general3A_41 = arith.constant dense<0.000000e+00> : vector<1000x128xf32>
    %dot_general3A_42 = tpu.matmul %sub3A, %get3A_40, %dot_general3A_41 {dimension_numbers = #tpu.dot_dimension_numbers<[1], [0], [0], [1], [0, 0, 1, 1], [], []>, transpose_lhs_hint = false} : vector<1000x128xf32>, vector<128x128xf32>, vector<1000x128xf32> -> vector<1000x128xf32>
    %add3A_43 = arith.addf %add3A_35, %dot_general3A_42 : vector<1000x128xf32>
    %get3A_44 = arith.constant 0 : index
    %get3A_45 = arith.constant 0 : index
    %get3A_46 = vector.load %arg6[%get3A_44, %get3A_45] : memref<1x128xf32, #tpu.memory_space<vmem>>, vector<1x128xf32>
    %add3A_47 = vector.broadcast %get3A_46 : vector<1x128xf32> to vector<1000x128xf32>
    %add3A_48 = arith.addf %add3A_43, %add3A_47 : vector<1000x128xf32>
    %max3A = arith.constant 0.000000e+00 : f32
    %max3A_49 = vector.broadcast %max3A : f32 to vector<1000x128xf32>
    %max3A_50 = arith.maximumf %add3A_48, %max3A_49 : vector<1000x128xf32>
    %swap3A = arith.constant 0 : index
    %swap3A_51 = arith.constant 0 : index
    %swap3A_52 = vector.load %arg7[%swap3A, %swap3A_51] : memref<1000x128xf32, #tpu.memory_space<vmem>>, vector<1000x128xf32>
    tpu.vector_store %arg7[%swap3A, %swap3A_51], %max3A_50 {strides = array<i32>} : memref<1000x128xf32, #tpu.memory_space<vmem>>, vector<1000x128xf32>,
    %mul3A_53 = vector.broadcast %get3A_1 : vector<1000x1xf32> to vector<1000x128xf32>
    %mul3A_54 = arith.mulf %mul3A_53, %max3A_50 : vector<1000x128xf32>
    %swap3A_55 = arith.constant 0 : index
    %swap3A_56 = arith.constant 0 : index
    %swap3A_57 = vector.load %arg8[%swap3A_55, %swap3A_56] : memref<1000x128xf32, #tpu.memory_space<vmem>>, vector<1000x128xf32>
    tpu.vector_store %arg8[%swap3A_55, %swap3A_56], %mul3A_54 {strides = array<i32>} : memref<1000x128xf32, #tpu.memory_space<vmem>>, vector<1000x128xf32>,
    return
  }
  func.func @transform_0(%arg0: i32) -> (i32, i32, i32) {
    %c0_i32 = arith.constant 0 : i32
    %c0_i32_0 = arith.constant 0 : i32
    %c0_i32_1 = arith.constant 0 : i32
    return %c0_i32, %arg0, %c0_i32_0 : i32, i32, i32
  }
  func.func @transform_1(%arg0: i32) -> (i32, i32) {
    %c0_i32 = arith.constant 0 : i32
    %c0_i32_0 = arith.constant 0 : i32
    return %arg0, %c0_i32 : i32, i32
  }
  func.func @transform_2(%arg0: i32) -> (i32, i32) {
    %c0_i32 = arith.constant 0 : i32
    %c0_i32_0 = arith.constant 0 : i32
    return %arg0, %c0_i32 : i32, i32
  }
  func.func @transform_3(%arg0: i32) -> (i32, i32) {
    %c0_i32 = arith.constant 0 : i32
    %c0_i32_0 = arith.constant 0 : i32
    return %arg0, %c0_i32 : i32, i32
  }
  func.func @transform_4(%arg0: i32) -> (i32, i32, i32) {
    %c0_i32 = arith.constant 0 : i32
    %c0_i32_0 = arith.constant 0 : i32
    %c0_i32_1 = arith.constant 0 : i32
    %c0_i32_2 = arith.constant 0 : i32
    return %c0_i32, %c0_i32_0, %c0_i32_1 : i32, i32, i32
  }
  func.func @transform_5(%arg0: i32) -> (i32, i32) {
    %c0_i32 = arith.constant 0 : i32
    %c0_i32_0 = arith.constant 0 : i32
    %c0_i32_1 = arith.constant 0 : i32
    return %c0_i32, %c0_i32_0 : i32, i32
  }
  func.func @transform_6(%arg0: i32) -> (i32, i32) {
    %c0_i32 = arith.constant 0 : i32
    %c0_i32_0 = arith.constant 0 : i32
    return %arg0, %c0_i32 : i32, i32
  }
  func.func @transform_7(%arg0: i32) -> (i32, i32) {
    %c0_i32 = arith.constant 0 : i32
    %c0_i32_0 = arith.constant 0 : i32
    return %arg0, %c0_i32 : i32, i32
  }
}

module attributes {stable_mosaic.version = 14 : i64} {
  func.func @_fin_body(%arg0: i32, %arg1: memref<2x1000x128xf32, #tpu.memory_space<vmem>>, %arg2: memref<1000x128xf32, #tpu.memory_space<vmem>>, %arg3: memref<1000x128xf32, #tpu.memory_space<vmem>>, %arg4: memref<1000x1xf32, #tpu.memory_space<vmem>>, %arg5: memref<3x128x128xf32, #tpu.memory_space<vmem>>, %arg6: memref<1x128xf32, #tpu.memory_space<vmem>>, %arg7: memref<1000x128xf32, #tpu.memory_space<vmem>>) attributes {dimension_semantics = [#tpu.dimension_semantics<arbitrary>], iteration_bounds = array<i64: 10>, scalar_prefetch = 0 : i64, scratch_operands = 0 : i64, tpu.core_type = #tpu.core_type<tc>, window_params = [{transform_indices = @transform_0, window_bounds = array<i64: 2, 1000, 128>}, {transform_indices = @transform_1, window_bounds = array<i64: 1000, 128>}, {transform_indices = @transform_2, window_bounds = array<i64: 1000, 128>}, {transform_indices = @transform_3, window_bounds = array<i64: 1000, 1>}, {pipeline_mode = #tpu.pipeline_mode<synchronous>, transform_indices = @transform_4, window_bounds = array<i64: 3, 128, 128>}, {pipeline_mode = #tpu.pipeline_mode<synchronous>, transform_indices = @transform_5, window_bounds = array<i64: 1, 128>}, {transform_indices = @transform_6, window_bounds = array<i64: 1000, 128>}]} {
    %get3A = arith.constant 0 : index
    %get3A_0 = arith.constant 0 : index
    %get3A_1 = vector.load %arg4[%get3A, %get3A_0] : memref<1000x1xf32, #tpu.memory_space<vmem>>, vector<1000x1xf32>
    %get3A_2 = arith.constant 0 : index
    %get3A_3 = arith.constant 0 : index
    %get3A_4 = vector.load %arg2[%get3A_2, %get3A_3] : memref<1000x128xf32, #tpu.memory_space<vmem>>, vector<1000x128xf32>
    %mul3A = arith.constant -2.000000e+00 : f32
    %mul3A_5 = vector.broadcast %mul3A : f32 to vector<1000x1xf32>
    %mul3A_6 = arith.mulf %mul3A_5, %get3A_1 : vector<1000x1xf32>
    %get3A_7 = arith.constant 0 : index
    %get3A_8 = arith.constant 0 : index
    %get3A_9 = arith.constant 0 : index
    %get3A_10 = vector.load %arg1[%get3A_7, %get3A_8, %get3A_9] : memref<2x1000x128xf32, #tpu.memory_space<vmem>>, vector<1x1000x128xf32>
    %get3A_11 = vector.shape_cast %get3A_10 : vector<1x1000x128xf32> to vector<1000x128xf32>
    %get3A_12 = arith.constant 1 : index
    %get3A_13 = arith.constant 0 : index
    %get3A_14 = arith.constant 0 : index
    %get3A_15 = vector.load %arg1[%get3A_12, %get3A_13, %get3A_14] : memref<2x1000x128xf32, #tpu.memory_space<vmem>>, vector<1x1000x128xf32>
    %get3A_16 = vector.shape_cast %get3A_15 : vector<1x1000x128xf32> to vector<1000x128xf32>
    %add3A = arith.addf %get3A_11, %get3A_16 : vector<1000x128xf32>
    %mul3A_17 = vector.broadcast %mul3A_6 : vector<1000x1xf32> to vector<1000x128xf32>
    %mul3A_18 = arith.mulf %mul3A_17, %add3A : vector<1000x128xf32>
    %sub3A = arith.subf %mul3A_18, %get3A_4 : vector<1000x128xf32>
    %get3A_19 = arith.constant 0 : index
    %get3A_20 = arith.constant 0 : index
    %get3A_21 = arith.constant 0 : index
    %get3A_22 = vector.load %arg5[%get3A_19, %get3A_20, %get3A_21] : memref<3x128x128xf32, #tpu.memory_space<vmem>>, vector<1x128x128xf32>
    %get3A_23 = vector.shape_cast %get3A_22 : vector<1x128x128xf32> to vector<128x128xf32>
    %dot_general3A = arith.constant dense<0.000000e+00> : vector<1000x128xf32>
    %dot_general3A_24 = tpu.matmul %get3A_4, %get3A_23, %dot_general3A {dimension_numbers = #tpu.dot_dimension_numbers<[1], [0], [0], [1], [0, 0, 1, 1], [], []>, transpose_lhs_hint = false} : vector<1000x128xf32>, vector<128x128xf32>, vector<1000x128xf32> -> vector<1000x128xf32>
    %get3A_25 = arith.constant 0 : index
    %get3A_26 = arith.constant 0 : index
    %get3A_27 = vector.load %arg3[%get3A_25, %get3A_26] : memref<1000x128xf32, #tpu.memory_space<vmem>>, vector<1000x128xf32>
    %get3A_28 = arith.constant 1 : index
    %get3A_29 = arith.constant 0 : index
    %get3A_30 = arith.constant 0 : index
    %get3A_31 = vector.load %arg5[%get3A_28, %get3A_29, %get3A_30] : memref<3x128x128xf32, #tpu.memory_space<vmem>>, vector<1x128x128xf32>
    %get3A_32 = vector.shape_cast %get3A_31 : vector<1x128x128xf32> to vector<128x128xf32>
    %dot_general3A_33 = arith.constant dense<0.000000e+00> : vector<1000x128xf32>
    %dot_general3A_34 = tpu.matmul %get3A_27, %get3A_32, %dot_general3A_33 {dimension_numbers = #tpu.dot_dimension_numbers<[1], [0], [0], [1], [0, 0, 1, 1], [], []>, transpose_lhs_hint = false} : vector<1000x128xf32>, vector<128x128xf32>, vector<1000x128xf32> -> vector<1000x128xf32>
    %add3A_35 = arith.addf %dot_general3A_24, %dot_general3A_34 : vector<1000x128xf32>
    %get3A_36 = arith.constant 2 : index
    %get3A_37 = arith.constant 0 : index
    %get3A_38 = arith.constant 0 : index
    %get3A_39 = vector.load %arg5[%get3A_36, %get3A_37, %get3A_38] : memref<3x128x128xf32, #tpu.memory_space<vmem>>, vector<1x128x128xf32>
    %get3A_40 = vector.shape_cast %get3A_39 : vector<1x128x128xf32> to vector<128x128xf32>
    %dot_general3A_41 = arith.constant dense<0.000000e+00> : vector<1000x128xf32>
    %dot_general3A_42 = tpu.matmul %sub3A, %get3A_40, %dot_general3A_41 {dimension_numbers = #tpu.dot_dimension_numbers<[1], [0], [0], [1], [0, 0, 1, 1], [], []>, transpose_lhs_hint = false} : vector<1000x128xf32>, vector<128x128xf32>, vector<1000x128xf32> -> vector<1000x128xf32>
    %add3A_43 = arith.addf %add3A_35, %dot_general3A_42 : vector<1000x128xf32>
    %get3A_44 = arith.constant 0 : index
    %get3A_45 = arith.constant 0 : index
    %get3A_46 = vector.load %arg6[%get3A_44, %get3A_45] : memref<1x128xf32, #tpu.memory_space<vmem>>, vector<1x128xf32>
    %add3A_47 = vector.broadcast %get3A_46 : vector<1x128xf32> to vector<1000x128xf32>
    %add3A_48 = arith.addf %add3A_43, %add3A_47 : vector<1000x128xf32>
    %swap3A = arith.constant 0 : index
    %swap3A_49 = arith.constant 0 : index
    %swap3A_50 = vector.load %arg7[%swap3A, %swap3A_49] : memref<1000x128xf32, #tpu.memory_space<vmem>>, vector<1000x128xf32>
    tpu.vector_store %arg7[%swap3A, %swap3A_49], %add3A_48 {strides = array<i32>} : memref<1000x128xf32, #tpu.memory_space<vmem>>, vector<1000x128xf32>,
    return
  }
  func.func @transform_0(%arg0: i32) -> (i32, i32, i32) {
    %c0_i32 = arith.constant 0 : i32
    %c0_i32_0 = arith.constant 0 : i32
    %c0_i32_1 = arith.constant 0 : i32
    return %c0_i32, %arg0, %c0_i32_0 : i32, i32, i32
  }
  func.func @transform_1(%arg0: i32) -> (i32, i32) {
    %c0_i32 = arith.constant 0 : i32
    %c0_i32_0 = arith.constant 0 : i32
    return %arg0, %c0_i32 : i32, i32
  }
  func.func @transform_2(%arg0: i32) -> (i32, i32) {
    %c0_i32 = arith.constant 0 : i32
    %c0_i32_0 = arith.constant 0 : i32
    return %arg0, %c0_i32 : i32, i32
  }
  func.func @transform_3(%arg0: i32) -> (i32, i32) {
    %c0_i32 = arith.constant 0 : i32
    %c0_i32_0 = arith.constant 0 : i32
    return %arg0, %c0_i32 : i32, i32
  }
  func.func @transform_4(%arg0: i32) -> (i32, i32, i32) {
    %c0_i32 = arith.constant 0 : i32
    %c0_i32_0 = arith.constant 0 : i32
    %c0_i32_1 = arith.constant 0 : i32
    %c0_i32_2 = arith.constant 0 : i32
    return %c0_i32, %c0_i32_0, %c0_i32_1 : i32, i32, i32
  }
  func.func @transform_5(%arg0: i32) -> (i32, i32) {
    %c0_i32 = arith.constant 0 : i32
    %c0_i32_0 = arith.constant 0 : i32
    %c0_i32_1 = arith.constant 0 : i32
    return %c0_i32, %c0_i32_0 : i32, i32
  }
  func.func @transform_6(%arg0: i32) -> (i32, i32) {
    %c0_i32 = arith.constant 0 : i32
    %c0_i32_0 = arith.constant 0 : i32
    return %arg0, %c0_i32 : i32, i32
  }
}

</mosaic_0001>

<sc_bundles>
// kernel: kernel.16.cloned.1.call-start
scs
__scs_entry_jumppad:
0x0: {  	(pc) =	sbr.rel $0x88, $3  }
0x1: {  	(tag) =	ssettag $0x0;
	lr =	simm.s32 $0x1  }
0x2: {  	[smem:$0x3F99] =	sst lr;
	_ =	strace $0xD0000000  }
0x3: {  	_ = 	snop  }
0x4: {  	_ = 	snop  }
0x5: {  	_ = 	snop  }
0x6: {  	_ = 	snop  }
0x7: {  	_ = 	snop  }
__scs_overlays_trampoline_lowered:
0x8: {  	[smem:$0x3FA8] =	sst s0  }
0x9: {  	[smem:$0x3FA9] =	sst s1  }
0xa: {  	[smem:$0x3FAA] =	sst s2  }
0xb: {  	[smem:$0x3FAB] =	sst s3  }
0xc: {  	[smem:$0x3FAC] =	sst s4  }
0xd: {  	[smem:$0x3FAD] =	sst s5  }
0xe: {  	[smem:$0x3FAE] =	sst s6  }
0xf: {  	[smem:$0x3FAF] =	sst s7  }
0x10: {  	[smem:$0x3FB0] =	sst s8  }
0x11: {  	[smem:$0x3FB1] =	sst s9;
	s0 =	simm.s32 @!p0 $0x0  }
0x12: {  	s1 =	sld [smem:$0x3F97];
	s0 =	simm.s32 @p0 $0x1  }
0x13: {  	[smem:$0x3FB2] =	sst s0;
	s0 =	simm.s32 @!p1 $0x0  }
0x14: {  	s2 =	sld [smem:$0x3F96];
	s0 =	simm.s32 @p1 $0x1  }
0x15: {  	[smem:$0x3FB3] =	sst s0;
	s0 =	simm.s32 @!p2 $0x0  }
0x16: {  	s3 =	sld [smem:$0x3FDB];
	s0 =	simm.s32 @p2 $0x1  }
0x17: {  	s4 =	simm.s32 $0x1BF5;
	[smem:$0x3FB5] =	sst s0  }
0x18: {  	s0 =	sld [smem:$0x3F98];
	_ =	swait.ge [sflag:s4], $0x0  }
0x19: {  	s7 =	sld [smem:$0x3F99]  }
0x1a: {  	s8 =	sadd.s32 $0xFFFFE003, lr  }
0x1b: {  	s9 =	sadd.s32 $0xFFFFFEF7, lr;
	s5 =	simm.s32 $0xFFFFFFFF;
	p2 =	slt.u32 s8, $0xFFFFF086  }
0x1c: {  	p1 =	slt.u32 s9, $0xF7A;
	s5 =	simm.s32 @!p2 $0x0  }
0x1d: {  	s5 =	simm.s32 @p1 $0x1;
	p0 =	seq.s32 s7, s2  }
0x1e: {  	s7 =	smul.u32 @!p0 $0xF7A, s2;
	p2 =	seq.s32 @!p0 s5, $0x0  }
0x1f: {  	s9 =	smul.u32 $0xF7A, s1;
	s8 =	simm.s32 @!p0 $0x1BF5;
	p2 =	por !p2, p0  }
0x20: {  	[sflag:s8] =	ssyncset.s32 @!p0 $0xFFFFF086;
	s6 =	sadd.s32 @!p0 s3, s7;
	s7 =	simm.s32 @!p0 $0x108  }
0x21: {  	s3 =	sadd.s32 s3, s9;
	s6 =	sadd.s32 @!p0 $0x88, s6;
	s7 =	simm.s32 @p2 $0x1082  }
0x22: {  	[simem:s7], [sflag:s8] =	dma.local @!p0 [hbm:s6], $0xF7A  }
0x23: {  	s9 =	sor.u32 $0xD0000000, s2;
	s6 =	simm.s32 $0x108;
	_ =	swait.ge @!p0 [sflag:s8], $0x0  }
0x24: {  	s3 =	sadd.s32 $0x88, s3;
	s6 =	simm.s32 @!p1 $0x1082;
	[sflag:s4] =	ssyncset.s32 $0xFFFFF086  }
0x25: {  	[simem:s6], [sflag:s4] =	dma.local [hbm:s3], $0xF7A  }
0x26: {  	[smem:$0x3F99] =	sst s1;
	(tag) =	ssettag s2;
	_ =	strace s9  }
0x27: {  	s1 =	sld [smem:$0x3FA9]  }
0x28: {  	s2 =	sld [smem:$0x3FAA]  }
0x29: {  	s4 =	sld [smem:$0x3FAC]  }
0x2a: {  	p0 =	seq.s32 s5, $0x0;
	s5 =	sld [smem:$0x3FAD]  }
0x2b: {  	s6 =	sld [smem:$0x3FAE]  }
0x2c: {  	s7 =	sld [smem:$0x3FAF]  }
0x2d: {  	s3 =	simm.s32 $0x108;
	s8 =	sld [smem:$0x3FB0]  }
0x2e: {  	s3 =	simm.s32 @!p0 $0x1082;
	s9 =	sld [smem:$0x3FB1]  }
0x2f: {  	lr =	sadd.s32 s0, s3;
	s0 =	sld [smem:$0x3FA8]  }
0x30: {  	s3 =	sld [smem:$0x3FAB]  }
0x31: {  	[smem:$0x3FB4] =	sst s10  }
0x32: {  	s10 =	sld [smem:$0x3FB2];
	_ =	sdelay $0x3  }
0x33: {  	p0 =	seq.s32 s10, $0x1;
	s10 =	sld [smem:$0x3FB4];
	_ =	sdelay $0x3  }
0x34: {  	[smem:$0x3FB4] =	sst s10  }
0x35: {  	s10 =	sld [smem:$0x3FB3];
	_ =	sdelay $0x3  }
0x36: {  	p1 =	seq.s32 s10, $0x1;
	s10 =	sld [smem:$0x3FB4];
	_ =	sdelay $0x3  }
0x37: {  	[smem:$0x3FB4] =	sst s10  }
0x38: {  	s10 =	sld [smem:$0x3FB5]  }
0x39: {  	_ = 	snop;
	(pc) =	sbr.ind lr, $3  }
0x3a: {  	_ = 	snop  }
0x3b: {  	_ = 	snop  }
0x3c: {  	p2 =	seq.s32 s10, $0x1;
	s10 =	sld [smem:$0x3FB4]  }
0x3d: {  	_ =	shalt  }
0x3e: {  	_ =	shalt  }
0x3f: {  	_ =	shalt  }
0x40: {  	_ =	shalt  }
0x41: {  	_ =	shalt  }
0x42: {  	_ =	shalt  }
0x43: {  	_ =	shalt  }
0x44: {  	_ =	shalt  }
0x45: {  	_ =	shalt  }
0x46: {  	_ =	shalt  }
0x47: {  	_ =	shalt  }
0x48: {  	_ =	shalt  }
0x49: {  	_ =	shalt  }
0x4a: {  	_ =	shalt  }
0x4b: {  	_ =	shalt  }
0x4c: {  	_ =	shalt  }
0x4d: {  	_ =	shalt  }
0x4e: {  	_ =	shalt  }
0x4f: {  	_ =	shalt  }
0x50: {  	_ =	shalt  }
0x51: {  	_ =	shalt  }
0x52: {  	_ =	shalt  }
0x53: {  	_ =	shalt  }
0x54: {  	_ =	shalt  }
0x55: {  	_ =	shalt  }
0x56: {  	_ =	shalt  }
0x57: {  	_ =	shalt  }
0x58: {  	_ =	shalt  }
0x59: {  	_ =	shalt  }
0x5a: {  	_ =	shalt  }
0x5b: {  	_ =	shalt  }
0x5c: {  	_ =	shalt  }
0x5d: {  	_ =	shalt  }
0x5e: {  	_ =	shalt  }
0x5f: {  	_ =	shalt  }
0x60: {  	_ =	shalt  }
0x61: {  	_ =	shalt  }
0x62: {  	_ =	shalt  }
0x63: {  	_ =	shalt  }
0x64: {  	_ =	shalt  }
0x65: {  	_ =	shalt  }
0x66: {  	_ =	shalt  }
0x67: {  	_ =	shalt  }
0x68: {  	_ =	shalt  }
0x69: {  	_ =	shalt  }
0x6a: {  	_ =	shalt  }
0x6b: {  	_ =	shalt  }
0x6c: {  	_ =	shalt  }
0x6d: {  	_ =	shalt  }
0x6e: {  	_ =	shalt  }
0x6f: {  	_ =	shalt  }
0x70: {  	_ =	shalt  }
0x71: {  	_ =	shalt  }
0x72: {  	_ =	shalt  }
0x73: {  	_ =	shalt  }
0x74: {  	_ =	shalt  }
0x75: {  	_ =	shalt  }
0x76: {  	_ =	shalt  }
0x77: {  	_ =	shalt  }
0x78: {  	_ =	shalt  }
0x79: {  	_ =	shalt  }
0x7a: {  	_ =	shalt  }
0x7b: {  	_ =	shalt  }
0x7c: {  	_ =	shalt  }
0x7d: {  	_ =	shalt  }
0x7e: {  	_ =	shalt  }
0x7f: {  	_ =	shalt  }
0x80: {  	_ =	shalt  }
0x81: {  	_ =	shalt  }
0x82: {  	_ =	shalt  }
0x83: {  	_ =	shalt  }
0x84: {  	_ =	shalt  }
0x85: {  	_ =	shalt  }
0x86: {  	_ =	shalt  }
0x87: {  	_ =	shalt  }
.Lfunc_end0:
.L_simem_size_0:
called_computation_lowered:
.L_overlay_start_0:
0x88: {  	s2 =	sld [smem:$0x3FD9]  }
0x89: {  	s3 =	sld [smem:$0x3FFE];
	_ =	sdelay $0x1  }
0x8a: {  	s1 =	srdreg.scid  }
0x8b: {  	s0 =	sand.u32 $0x1, s1  }
0x8c: {  	s16 =	sshll.u32 s0, $0xA;
	s2 =	sadd.s32 s3, s2  }
0x8d: {  	s2 =	sadd.s32 s2, s16  }
0x8e: {  	[smem:$0x3FC0] =	sst s2  }
0x8f: {  	_ = 	snop  }
0x90: {  	(tm) =	ssettm $0x1  }
0x91: {  	s17 =	sld [smem:$0x3FFB];
	_ =	sdelay $0x3  }
0x92: {  	_ =	strace s17  }
0x93: {  	s2 =	sld [smem:$0x3FFC];
	_ =	sdelay $0x3  }
0x94: {  	_ =	strace s2  }
0x95: {  	s2 =	sld [smem:$0x3FFD];
	_ =	sdelay $0x3  }
0x96: {  	_ =	strace s2  }
0x97: {  	_ =	strace $0x8FFFFFFF  }
0x98: {  	s18 =	sld [smem:$0x3FDB];
	_ =	sdelay $0x1  }
0x99: {  	s19 =	simm.s32 $_scs_section_size  }
0x9a: {  	s4 =	simm.s32 $_size__tile_overlayer_lowered;
	s5 =	simm.s32 $_tile_overlayer_lowered  }
0x9b: {  	s22 =	simm.s32 $0x1BFF;
	s21 =	sshll.u32 s5, $0x1;
	s2 =	sadd.s32 s19, s18  }
0x9c: {  	s6 =	simm.s32 $0x0;
	s20 =	sshll.u32 s4, $0x1;
	s4 =	sadd.s32 s21, s2  }
0x9d: {  	[timem:s6], [sflag:s22] =	dma.local [hbm:s4], s20  }
0x9e: {  	_ =	swait.ge [sflag:s22], s20  }
0x9f: {  	s3 =	ssub.s32 $0x0, s20;
	[sflag:s22] =	ssyncset.done $0x0  }
0xa0: {  	[sflag:s22] =	ssyncadd.s32 s3;
	_ =	sdelay $0x1  }
0xa1: {  	s23 =	simm.s32 $0x1B8B  }
0xa2: {  	_ =	swait.ge [sflag:s23], $0x1  }
0xa3: {  	[sflag:s23] =	ssyncset.done $0x0  }
0xa4: {  	s25 =	simm.s32 $0x1B8E;
	s24 =	sld [smem:$0x3FFE];
	[sflag:s23] =	ssyncadd.s32 $0xFFFFFFFF  }
0xa5: {  	s26 =	simm.s32 $execute0_lowered;
	[smem:$0x3FD2] =	sst s25  }
0xa6: {  	s4 =	sshll.u32 s26, $0x1;
	_ =	strace $0x80000046;
	[dreg:$0x1] =	wrdreg $0xFFFFFFFF  }
0xa7: {  	s28 =	simm.s32 $_size_execute0_lowered;
	s2 =	sadd.s32 s2, s4;
	[dreg:$0x0] =	wrdreg $0x0  }
0xa8: {  	s4 =	sshll.u32 s28, $0x1;
	[dreg:$0x2] =	wrdreg s2  }
0xa9: {  	[dreg:$0x3] =	wrdreg s4  }
0xaa: {  	[dreg:$0x4] =	wrdreg $0xC0  }
0xab: {  	_ =	task [dreg:s6], $0x5FFFF  }
0xac: {  	[dreg:$0x1] =	wrdreg $0xFFFFFFFF  }
0xad: {  	[dreg:$0x0] =	wrdreg $0x60  }
0xae: {  	[dreg:$0x2] =	wrdreg s24  }
0xaf: {  	[dreg:$0x3] =	wrdreg $0x68000  }
0xb0: {  	[dreg:$0x4] =	wrdreg $0x9  }
0xb1: {  	_ =	task.clear_ibuf [dreg:s6], $0x5FFFF;
	_ =	strace $0x90000046  }
0xb2: {  	s29 =	simm.s32 $0x9;
	_ =	strace $0x80000048  }
0xb3: {  	_ =	swait.ge [sflag:s29], $0x1  }
0xb4: {  	[sflag:s29] =	ssyncadd.s32 $0xFFFFFFFF  }
0xb5: {  	_ =	strace $0x90000048  }
0xb6: {  	_ =	sfence  }
0xb7: {  	s30 =	sld [smem:$0x0];
	_ =	sdelay $0x2  }
0xb8: {  	s31 =	sshll.u32 s1, $0xD;
	s1 =	sshrl.u32 s1, $0x2  }
0xb9: {  	s3 =	sand.u32 $0x4000, s31;
	s1 =	sadd.s32 s1, s30  }
0xba: {  	s0 =	sor.u32 s3, s0;
	s1 =	sshll.u32 s1, $0x11  }
0xbb: {  	s0 =	sor.u32 s1, s0  }
0xbc: {  	s0 =	sadd.s32 $0x8F2B, s0  }
0xbd: {  	[sflag:s0] =	ssyncadd.remote.s32 $0x1  }
0xbe: {  	_ =	sfence.sel $0xFFFF  }
0xbf: {  	[dreg:$0x0] =	wrdreg $0xFFFFFFFF;
	(pc) =	sbr.abs _section_cstart, $3  }
0xc0: {  	[dreg:$0x1] =	wrdreg $0xFFFFFFFF  }
0xc1: {  	_ =	task.clear_ibuf [dreg:s6], $0x2FFFF;
	_ =	strace $0x9FFFFFFF  }
0xc2: {  	(tm) =	ssettm $0x7FFFFFFF  }
0xc3: {  	_ =	shalt  }
tec
execute0_lowered:
.L_overlay_start_1:
0x0: {  	(tag) =	ssettag $0x1  }
0x1: {  	s4 =	rddreg [dreg:$0x0]  }
0x2: {  	s2 =	rddreg [dreg:$0x1]  }
0x3: {  	s0 =	srdreg.scid;
	s1 =	rddreg [dreg:$0x2];
	s3 =	simm.s32 $0x0  }
0x4: {  	s15 =	simm.s32 $0x1;
	s16 =	simm.s32 $0x4000;
	s5 =	sand.u32 $0x1, s0  }
0x5: {  	s17 =	simm.s32 $0x50;
	s0 =	stileid.u32;
	s6 =	smul.u32 $0x140000, s5  }
0x6: {  	s20 =	simm.s32 $0x0;
	[smem:$0x7FF] =	sst s3;
	s7 =	smul.u32 $0x14000, s0  }
0x7: {  	s26 =	sshll.u32 s0, $0xB;
	s8 =	smul.u32 $0x50000, s0;
	_ =	strace $0x80000047  }
0x8: {  	s28 =	ssub.s32 $0x2, s5;
	s29 =	sshll.u32 s5, $0xF;
	s18 =	sshll.u32 s0, $0x6  }
0x9: {  	s31 =	sshrl.u32 s28, $0x1;
	s18 =	sor.u32 $0x1C01, s18;
	s6 =	sadd.s32 s7, s6  }
0xa: {  	s7 =	sadd.s32 s26, s4;
	s30 =	sshrl.u32 s8, $0x2;
	s14 =	ssub.s32 s28, s31  }
0xb: {  	s6 =	sshrl.u32 s6, $0x3;
	s7 =	sadd.s32 s29, s7;
	s14 =	smax.u32 s14, $0x1  }
0xc: {  	s13 =	sadd.s32 s6, s4;
	s4 =	sadd.s32 s30, s2;
	s5 =	sadd.s32 $0x5200, s7  }
0xd: {  	s6 =	sadd.s32 $0x2800, s4;
	s7 =	sadd.s32 $0x5000, s4;
	s8 =	sadd.s32 $0x7800, s4  }
0xe: {  	s9 =	sadd.s32 $0xA000, s4;
	s10 =	sadd.s32 $0xC800, s4;
	s11 =	sadd.s32 $0xF000, s4  }
0xf: {  	v0 =	vimm.f32 $0.0e+00;
	v1 =	vimm.f32 $1.000000000e+00;
	s12 =	sadd.s32 $0x11800, s4;
	s13 =	sadd.s32 $0x15200, s13;
	s19 =	sshrl.u32 s4, $0x3  }
.LBB2_1:
0x10: {  	[tilespmem:s3], [sflag:$0x1] =	stream.linear.gather [hbm4b:s5+s3], $0x3E80, $0x38;
	[tilespmem:$0x1A800] =	vst v63  }
0x11: {  	_ =	swait.ge [sflag:s15], $0x3E80  }
0x12: {  	[sflag:s15] =	ssyncset.done $0x0  }
0x13: {  	s21 =	simm.s32 $0x0;
	s22 =	simm.s32 $0x200;
	[sflag:s15] =	ssyncadd.s32 $0xFFFFC180  }
.LBB2_2:
0x14: {  	p0 =	sne.s32 s22, $0x9E00;
	[tilespmem:s21+$0x4070] =	vst v0  }
0x15: {  	[tilespmem:s21+$0x4000] =	vst v0  }
0x16: {  	[tilespmem:s21+$0x4010] =	vst v0  }
.Ltmp0:
0x17: {  	[tilespmem:s21+$0x4020] =	vst v0;
	(pc) =	sbr.rel @p0 .LBB2_2-.Ltmp0, $4  }
0x18: {  	[tilespmem:s21+$0x4030] =	vst v0  }
0x19: {  	[tilespmem:s21+$0x4040] =	vst v0  }
0x1a: {  	[tilespmem:s21+$0x4050] =	vst v0  }
0x1b: {  	[tilespmem:s21+$0x4060] =	vst v0;
	s21 =	sshra.s32 s22, $0x2;
	s22 =	sadd.s32 $0x200, s22  }
0x1c: {  	[tilespmem:s21+$0x4070] =	vst v0  }
0x1d: {  	[tilespmem:s21+$0x4000] =	vst v0  }
0x1e: {  	[tilespmem:s21+$0x4010] =	vst v0  }
0x1f: {  	[tilespmem:s21+$0x4020] =	vst v0  }
0x20: {  	[tilespmem:s21+$0x4030] =	vst v0  }
0x21: {  	[tilespmem:s21+$0x4040] =	vst v0  }
0x22: {  	[tilespmem:s21+$0x4050] =	vst v0  }
0x23: {  	[tilespmem:s21+$0x4060] =	vst v0  }
0x24: {  	[spmem:s4] =	stream.linear.scatter [tilespmem:s16], [sflag:$0x1], $0x2800, $0x38;
	[tilespmem:$0x1A800] =	vst v63  }
0x25: {  	_ =	swait.ge [sflag:s15], $0x2800  }
0x26: {  	[sflag:s15] =	ssyncset.done $0x0  }
0x27: {  	[sflag:s15] =	ssyncadd.s32 $0xFFFFD800  }
0x28: {  	[spmem:s6] =	stream.linear.scatter [tilespmem:s16], [sflag:$0x1], $0x2800, $0x38;
	[tilespmem:$0x1A800] =	vst v63  }
0x29: {  	_ =	swait.ge [sflag:s15], $0x2800  }
0x2a: {  	[sflag:s15] =	ssyncset.done $0x0  }
0x2b: {  	[sflag:s15] =	ssyncadd.s32 $0xFFFFD800  }
0x2c: {  	[spmem:s7] =	stream.linear.scatter [tilespmem:s16], [sflag:$0x1], $0x2800, $0x38;
	[tilespmem:$0x1A800] =	vst v63  }
0x2d: {  	_ =	swait.ge [sflag:s15], $0x2800  }
0x2e: {  	[sflag:s15] =	ssyncset.done $0x0  }
0x2f: {  	[sflag:s15] =	ssyncadd.s32 $0xFFFFD800  }
0x30: {  	[spmem:s8] =	stream.linear.scatter [tilespmem:s16], [sflag:$0x1], $0x2800, $0x38;
	[tilespmem:$0x1A800] =	vst v63  }
0x31: {  	_ =	swait.ge [sflag:s15], $0x2800  }
0x32: {  	[sflag:s15] =	ssyncset.done $0x0  }
0x33: {  	[sflag:s15] =	ssyncadd.s32 $0xFFFFD800  }
0x34: {  	[spmem:s9] =	stream.linear.scatter [tilespmem:s16], [sflag:$0x1], $0x2800, $0x38;
	[tilespmem:$0x1A800] =	vst v63  }
0x35: {  	_ =	swait.ge [sflag:s15], $0x2800  }
0x36: {  	[sflag:s15] =	ssyncset.done $0x0  }
0x37: {  	[sflag:s15] =	ssyncadd.s32 $0xFFFFD800  }
0x38: {  	[spmem:s10] =	stream.linear.scatter [tilespmem:s16], [sflag:$0x1], $0x2800, $0x38;
	[tilespmem:$0x1A800] =	vst v63  }
0x39: {  	_ =	swait.ge [sflag:s15], $0x2800  }
0x3a: {  	[sflag:s15] =	ssyncset.done $0x0  }
0x3b: {  	[sflag:s15] =	ssyncadd.s32 $0xFFFFD800  }
0x3c: {  	[spmem:s11] =	stream.linear.scatter [tilespmem:s16], [sflag:$0x1], $0x2800, $0x38;
	[tilespmem:$0x1A800] =	vst v63  }
0x3d: {  	_ =	swait.ge [sflag:s15], $0x2800  }
0x3e: {  	[sflag:s15] =	ssyncset.done $0x0  }
0x3f: {  	[sflag:s15] =	ssyncadd.s32 $0xFFFFD800  }
0x40: {  	[spmem:s12] =	stream.linear.scatter [tilespmem:s16], [sflag:$0x1], $0x2800, $0x38;
	[tilespmem:$0x1A800] =	vst v63  }
0x41: {  	_ =	swait.ge [sflag:s15], $0x2800  }
0x42: {  	[sflag:s15] =	ssyncset.done $0x0  }
0x43: {  	[sflag:s15] =	ssyncadd.s32 $0xFFFFD800  }
0x44: {  	s21 =	simm.s32 $0x0;
	s22 =	simm.s32 $0x200;
	[bflag:$0x0] =	sbarrier.arrive $0xFFFF  }
.LBB2_4:
0x45: {  	p0 =	sne.s32 s22, $0x9E00;
	[tilespmem:s21+$0x4070] =	vst v1  }
0x46: {  	[tilespmem:s21+$0x4000] =	vst v1  }
0x47: {  	[tilespmem:s21+$0x4010] =	vst v1  }
.Ltmp1:
0x48: {  	[tilespmem:s21+$0x4020] =	vst v1;
	(pc) =	sbr.rel @p0 .LBB2_4-.Ltmp1, $4  }
0x49: {  	[tilespmem:s21+$0x4030] =	vst v1  }
0x4a: {  	[tilespmem:s21+$0x4040] =	vst v1  }
0x4b: {  	[tilespmem:s21+$0x4050] =	vst v1  }
0x4c: {  	[tilespmem:s21+$0x4060] =	vst v1;
	s21 =	sshra.s32 s22, $0x2;
	s22 =	sadd.s32 $0x200, s22  }
0x4d: {  	[tilespmem:s21+$0x4070] =	vst v1  }
0x4e: {  	[tilespmem:s21+$0x4000] =	vst v1  }
0x4f: {  	[tilespmem:s21+$0x4010] =	vst v1  }
0x50: {  	[tilespmem:s21+$0x4020] =	vst v1  }
0x51: {  	[tilespmem:s21+$0x4030] =	vst v1  }
0x52: {  	[tilespmem:s21+$0x4040] =	vst v1  }
0x53: {  	[tilespmem:s21+$0x4050] =	vst v1  }
0x54: {  	[tilespmem:s21+$0x4060] =	vst v1;
	s31 =	simm.s32 $0x0  }
0x55: {  	[spmem:s2] =	stream.indirect.scatter.add.f32 [tilespmem:s16], [sflag:$0x1], $0x80, s31, s17, $0xb8;
	[tilespmem:$0x1A800] =	vst v63  }
0x56: {  	_ =	swait.ge [sflag:s15], $0x2800  }
0x57: {  	s21 =	simm.s32 $0x200;
	[sflag:s15] =	ssyncset.done $0x0  }
.LBB2_6:
0x58: {  	s22 =	sshra.s32 s21, $0x2;
	[sflag:s15] =	ssyncadd.s32 $0xFFFFD800;
	p0 =	sne.s32 s21, $0xF800  }
0x59: {  	[spmem:s2] =	stream.indirect.scatter.add.f32 [tilespmem:s16], [sflag:$0x1], $0x80, s22, s17, $0xb8;
	[tilespmem:$0x1A800] =	vst v63  }
.Ltmp2:
0x5a: {  	_ = 	snop;
	(pc) =	sbr.rel @p0 .LBB2_6-.Ltmp2, $4  }
0x5b: {  	_ = 	snop  }
0x5c: {  	s21 =	sadd.s32 $0x200, s21  }
0x5d: {  	_ =	swait.ge [sflag:s15], $0x2800  }
0x5e: {  	[sflag:s15] =	ssyncset.done $0x0  }
0x5f: {  	s20 =	sadd.s32 $0x1, s20  }
0x60: {  	[sflag:s15] =	ssyncadd.s32 $0xFFFFD800;
	p0 =	sne.s32 s20, s14  }
.Ltmp3:
0x61: {  	[bflag:$0x0] =	sbarrier.arrive $0xFFFF;
	(pc) =	sbr.rel @p0 .LBB2_1-.Ltmp3, $4  }
0x62: {  	[hbm:s13], [sflag:s18] =	dma.local [spmem:s19], $0x2800  }
0x63: {  	_ =	swait.ge [sflag:s15], $0x2800  }
0x64: {  	[sflag:s15] =	ssyncset.done $0x0  }
0x65: {  	[sflag:s15] =	ssyncadd.s32 $0xFFFFD800  }
0x66: {  	_ =	sfence.sel $0x180000  }
0x67: {  	[bflag:$0x0] =	sbarrier.arrive $0xFFFF  }
0x68: {  	p0 =	sne.s32 s0, $0x0;
	_ =	strace $0x90000047  }
0x69: {  	s0 =	sadd.s32 @!p0 $0x100000, s1;
	[bflag:$0x2] =	sbarrier.arrive $0xFFFF  }
0x6a: {  	[sflag:s0] =	ssyncadd.tile.s32 @!p0 $0x1;
	_ =	shalt  }
.Lfunc_end2:
_tile_overlayer_lowered:
.L_overlay_start_2:
0x6b: {  	(tag) =	ssettag $0x2  }
0x6c: {  	s0 =	rddreg [dreg:$0x0];
	s2 =	stileid.u32  }
0x6d: {  	s1 =	rddreg [dreg:$0x1];
	p0 =	sne.s32 s2, $0x0  }
0x6e: {  	s3 =	rddreg [dreg:$0x2];
	[bflag:$0x3] =	sbarrier.arrive $0xFFFF;
	s2 =	simm.s32 @!p0 $0x1C01  }
0x6f: {  	[timem:s3], [sflag:s2] =	dma.local @!p0 [hbm:s0], s1  }
0x70: {  	s0 =	simm.s32 @!p0 $0x1  }
0x71: {  	_ =	swait.ge @!p0 [sflag:s0], s1  }
0x72: {  	s1 =	ssub.s32 @!p0 $0x0, s1;
	[sflag:s0] =	ssyncset.done @!p0 $0x0  }
0x73: {  	[sflag:s0] =	ssyncadd.s32 @!p0 s1  }
0x74: {  	[bflag:$0x3] =	sbarrier.arrive $0xFFFF  }
0x75: {  	_ =	shalt  }

// kernel: kernel.19.cloned.1.call-start
scs
__scs_entry_jumppad:
0x0: {  	(pc) =	sbr.rel $0x88, $3  }
0x1: {  	(tag) =	ssettag $0x0;
	lr =	simm.s32 $0x1  }
0x2: {  	[smem:$0x3F99] =	sst lr;
	_ =	strace $0xD0000000  }
0x3: {  	_ = 	snop  }
0x4: {  	_ = 	snop  }
0x5: {  	_ = 	snop  }
0x6: {  	_ = 	snop  }
0x7: {  	_ = 	snop  }
__scs_overlays_trampoline_lowered:
0x8: {  	[smem:$0x3FA8] =	sst s0  }
0x9: {  	[smem:$0x3FA9] =	sst s1  }
0xa: {  	[smem:$0x3FAA] =	sst s2  }
0xb: {  	[smem:$0x3FAB] =	sst s3  }
0xc: {  	[smem:$0x3FAC] =	sst s4  }
0xd: {  	[smem:$0x3FAD] =	sst s5  }
0xe: {  	[smem:$0x3FAE] =	sst s6  }
0xf: {  	[smem:$0x3FAF] =	sst s7  }
0x10: {  	[smem:$0x3FB0] =	sst s8  }
0x11: {  	[smem:$0x3FB1] =	sst s9;
	s0 =	simm.s32 @!p0 $0x0  }
0x12: {  	s1 =	sld [smem:$0x3F97];
	s0 =	simm.s32 @p0 $0x1  }
0x13: {  	[smem:$0x3FB2] =	sst s0;
	s0 =	simm.s32 @!p1 $0x0  }
0x14: {  	s2 =	sld [smem:$0x3F96];
	s0 =	simm.s32 @p1 $0x1  }
0x15: {  	[smem:$0x3FB3] =	sst s0;
	s0 =	simm.s32 @!p2 $0x0  }
0x16: {  	s3 =	sld [smem:$0x3FDB];
	s0 =	simm.s32 @p2 $0x1  }
0x17: {  	s4 =	simm.s32 $0x1BF5;
	[smem:$0x3FB5] =	sst s0  }
0x18: {  	s0 =	sld [smem:$0x3F98];
	_ =	swait.ge [sflag:s4], $0x0  }
0x19: {  	s7 =	sld [smem:$0x3F99]  }
0x1a: {  	s8 =	sadd.s32 $0xFFFFE003, lr  }
0x1b: {  	s9 =	sadd.s32 $0xFFFFFEF7, lr;
	s5 =	simm.s32 $0xFFFFFFFF;
	p2 =	slt.u32 s8, $0xFFFFF086  }
0x1c: {  	p1 =	slt.u32 s9, $0xF7A;
	s5 =	simm.s32 @!p2 $0x0  }
0x1d: {  	s5 =	simm.s32 @p1 $0x1;
	p0 =	seq.s32 s7, s2  }
0x1e: {  	s7 =	smul.u32 @!p0 $0xF7A, s2;
	p2 =	seq.s32 @!p0 s5, $0x0  }
0x1f: {  	s9 =	smul.u32 $0xF7A, s1;
	s8 =	simm.s32 @!p0 $0x1BF5;
	p2 =	por !p2, p0  }
0x20: {  	[sflag:s8] =	ssyncset.s32 @!p0 $0xFFFFF086;
	s6 =	sadd.s32 @!p0 s3, s7;
	s7 =	simm.s32 @!p0 $0x108  }
0x21: {  	s3 =	sadd.s32 s3, s9;
	s6 =	sadd.s32 @!p0 $0x88, s6;
	s7 =	simm.s32 @p2 $0x1082  }
0x22: {  	[simem:s7], [sflag:s8] =	dma.local @!p0 [hbm:s6], $0xF7A  }
0x23: {  	s9 =	sor.u32 $0xD0000000, s2;
	s6 =	simm.s32 $0x108;
	_ =	swait.ge @!p0 [sflag:s8], $0x0  }
0x24: {  	s3 =	sadd.s32 $0x88, s3;
	s6 =	simm.s32 @!p1 $0x1082;
	[sflag:s4] =	ssyncset.s32 $0xFFFFF086  }
0x25: {  	[simem:s6], [sflag:s4] =	dma.local [hbm:s3], $0xF7A  }
0x26: {  	[smem:$0x3F99] =	sst s1;
	(tag) =	ssettag s2;
	_ =	strace s9  }
0x27: {  	s1 =	sld [smem:$0x3FA9]  }
0x28: {  	s2 =	sld [smem:$0x3FAA]  }
0x29: {  	s4 =	sld [smem:$0x3FAC]  }
0x2a: {  	p0 =	seq.s32 s5, $0x0;
	s5 =	sld [smem:$0x3FAD]  }
0x2b: {  	s6 =	sld [smem:$0x3FAE]  }
0x2c: {  	s7 =	sld [smem:$0x3FAF]  }
0x2d: {  	s3 =	simm.s32 $0x108;
	s8 =	sld [smem:$0x3FB0]  }
0x2e: {  	s3 =	simm.s32 @!p0 $0x1082;
	s9 =	sld [smem:$0x3FB1]  }
0x2f: {  	lr =	sadd.s32 s0, s3;
	s0 =	sld [smem:$0x3FA8]  }
0x30: {  	s3 =	sld [smem:$0x3FAB]  }
0x31: {  	[smem:$0x3FB4] =	sst s10  }
0x32: {  	s10 =	sld [smem:$0x3FB2];
	_ =	sdelay $0x3  }
0x33: {  	p0 =	seq.s32 s10, $0x1;
	s10 =	sld [smem:$0x3FB4];
	_ =	sdelay $0x3  }
0x34: {  	[smem:$0x3FB4] =	sst s10  }
0x35: {  	s10 =	sld [smem:$0x3FB3];
	_ =	sdelay $0x3  }
0x36: {  	p1 =	seq.s32 s10, $0x1;
	s10 =	sld [smem:$0x3FB4];
	_ =	sdelay $0x3  }
0x37: {  	[smem:$0x3FB4] =	sst s10  }
0x38: {  	s10 =	sld [smem:$0x3FB5]  }
0x39: {  	_ = 	snop;
	(pc) =	sbr.ind lr, $3  }
0x3a: {  	_ = 	snop  }
0x3b: {  	_ = 	snop  }
0x3c: {  	p2 =	seq.s32 s10, $0x1;
	s10 =	sld [smem:$0x3FB4]  }
0x3d: {  	_ =	shalt  }
0x3e: {  	_ =	shalt  }
0x3f: {  	_ =	shalt  }
0x40: {  	_ =	shalt  }
0x41: {  	_ =	shalt  }
0x42: {  	_ =	shalt  }
0x43: {  	_ =	shalt  }
0x44: {  	_ =	shalt  }
0x45: {  	_ =	shalt  }
0x46: {  	_ =	shalt  }
0x47: {  	_ =	shalt  }
0x48: {  	_ =	shalt  }
0x49: {  	_ =	shalt  }
0x4a: {  	_ =	shalt  }
0x4b: {  	_ =	shalt  }
0x4c: {  	_ =	shalt  }
0x4d: {  	_ =	shalt  }
0x4e: {  	_ =	shalt  }
0x4f: {  	_ =	shalt  }
0x50: {  	_ =	shalt  }
0x51: {  	_ =	shalt  }
0x52: {  	_ =	shalt  }
0x53: {  	_ =	shalt  }
0x54: {  	_ =	shalt  }
0x55: {  	_ =	shalt  }
0x56: {  	_ =	shalt  }
0x57: {  	_ =	shalt  }
0x58: {  	_ =	shalt  }
0x59: {  	_ =	shalt  }
0x5a: {  	_ =	shalt  }
0x5b: {  	_ =	shalt  }
0x5c: {  	_ =	shalt  }
0x5d: {  	_ =	shalt  }
0x5e: {  	_ =	shalt  }
0x5f: {  	_ =	shalt  }
0x60: {  	_ =	shalt  }
0x61: {  	_ =	shalt  }
0x62: {  	_ =	shalt  }
0x63: {  	_ =	shalt  }
0x64: {  	_ =	shalt  }
0x65: {  	_ =	shalt  }
0x66: {  	_ =	shalt  }
0x67: {  	_ =	shalt  }
0x68: {  	_ =	shalt  }
0x69: {  	_ =	shalt  }
0x6a: {  	_ =	shalt  }
0x6b: {  	_ =	shalt  }
0x6c: {  	_ =	shalt  }
0x6d: {  	_ =	shalt  }
0x6e: {  	_ =	shalt  }
0x6f: {  	_ =	shalt  }
0x70: {  	_ =	shalt  }
0x71: {  	_ =	shalt  }
0x72: {  	_ =	shalt  }
0x73: {  	_ =	shalt  }
0x74: {  	_ =	shalt  }
0x75: {  	_ =	shalt  }
0x76: {  	_ =	shalt  }
0x77: {  	_ =	shalt  }
0x78: {  	_ =	shalt  }
0x79: {  	_ =	shalt  }
0x7a: {  	_ =	shalt  }
0x7b: {  	_ =	shalt  }
0x7c: {  	_ =	shalt  }
0x7d: {  	_ =	shalt  }
0x7e: {  	_ =	shalt  }
0x7f: {  	_ =	shalt  }
0x80: {  	_ =	shalt  }
0x81: {  	_ =	shalt  }
0x82: {  	_ =	shalt  }
0x83: {  	_ =	shalt  }
0x84: {  	_ =	shalt  }
0x85: {  	_ =	shalt  }
0x86: {  	_ =	shalt  }
0x87: {  	_ =	shalt  }
.Lfunc_end0:
.L_simem_size_0:
called_computation.1_lowered:
.L_overlay_start_0:
0x88: {  	s2 =	sld [smem:$0x3FD9]  }
0x89: {  	s3 =	sld [smem:$0x3FFE];
	_ =	sdelay $0x1  }
0x8a: {  	s1 =	srdreg.scid  }
0x8b: {  	s0 =	sand.u32 $0x1, s1  }
0x8c: {  	s17 =	sshll.u32 s0, $0xA;
	s2 =	sadd.s32 s3, s2  }
0x8d: {  	s2 =	sadd.s32 s2, s17  }
0x8e: {  	[smem:$0x3FC0] =	sst s2  }
0x8f: {  	_ = 	snop  }
0x90: {  	s2 =	sld [smem:$0x3FD0];
	(tm) =	ssettm $0x1  }
0x91: {  	s18 =	sld [smem:$0x3FFB];
	_ =	sdelay $0x3  }
0x92: {  	_ =	strace s18  }
0x93: {  	s3 =	sld [smem:$0x3FFC];
	_ =	sdelay $0x3  }
0x94: {  	_ =	strace s3  }
0x95: {  	s3 =	sld [smem:$0x3FFD];
	_ =	sdelay $0x3  }
0x96: {  	_ =	strace s3  }
0x97: {  	_ =	strace $0x8FFFFFFF  }
0x98: {  	s19 =	sld [smem:$0x3FDB];
	_ =	sdelay $0x1  }
0x99: {  	s4 =	simm.s32 $_scs_section_size  }
0x9a: {  	s5 =	simm.s32 $_size__tile_overlayer_lowered;
	s6 =	simm.s32 $_tile_overlayer_lowered  }
0x9b: {  	s22 =	simm.s32 $0x1BFF;
	s21 =	sshll.u32 s6, $0x1;
	s3 =	sadd.s32 s4, s19  }
0x9c: {  	s7 =	simm.s32 $0x0;
	s20 =	sshll.u32 s5, $0x1;
	s5 =	sadd.s32 s21, s3  }
0x9d: {  	[timem:s7], [sflag:s22] =	dma.local [hbm:s5], s20  }
0x9e: {  	_ =	swait.ge [sflag:s22], s20  }
0x9f: {  	s4 =	ssub.s32 $0x0, s20;
	[sflag:s22] =	ssyncset.done $0x0  }
0xa0: {  	[sflag:s22] =	ssyncadd.s32 s4;
	_ =	sdelay $0x1  }
0xa1: {  	s23 =	simm.s32 $0x1B8B  }
0xa2: {  	_ =	swait.ge [sflag:s23], $0x1  }
0xa3: {  	[sflag:s23] =	ssyncset.done $0x0  }
0xa4: {  	s25 =	simm.s32 $0x1B8E;
	s24 =	sld [smem:$0x3FFE];
	[sflag:s23] =	ssyncadd.s32 $0xFFFFFFFF  }
0xa5: {  	s26 =	simm.s32 $execute0_lowered;
	[smem:$0x3FD2] =	sst s25  }
0xa6: {  	s5 =	sshll.u32 s26, $0x1;
	_ =	strace $0x80000049;
	[dreg:$0x1] =	wrdreg $0xFFFFFFFF  }
0xa7: {  	s28 =	simm.s32 $_size_execute0_lowered;
	s3 =	sadd.s32 s3, s5;
	[dreg:$0x0] =	wrdreg $0x0  }
0xa8: {  	s5 =	sshll.u32 s28, $0x1;
	[dreg:$0x2] =	wrdreg s3  }
0xa9: {  	[dreg:$0x3] =	wrdreg s5  }
0xaa: {  	[dreg:$0x4] =	wrdreg $0xC0  }
0xab: {  	_ =	task [dreg:s7], $0x5FFFF  }
0xac: {  	[dreg:$0x1] =	wrdreg $0xFFFFFFFF  }
0xad: {  	[dreg:$0x0] =	wrdreg $0x60  }
0xae: {  	[dreg:$0x2] =	wrdreg s2  }
0xaf: {  	[dreg:$0x3] =	wrdreg s24  }
0xb0: {  	[dreg:$0x4] =	wrdreg $0xA8000  }
0xb1: {  	[dreg:$0x5] =	wrdreg $0x9  }
0xb2: {  	_ =	task.clear_ibuf [dreg:s7], $0x6FFFF;
	_ =	strace $0x90000049  }
0xb3: {  	s29 =	simm.s32 $0x9;
	_ =	strace $0x8000004B  }
0xb4: {  	_ =	swait.ge [sflag:s29], $0x1  }
0xb5: {  	[sflag:s29] =	ssyncadd.s32 $0xFFFFFFFF  }
0xb6: {  	_ =	strace $0x9000004B  }
0xb7: {  	_ =	sfence  }
0xb8: {  	s30 =	sld [smem:$0x0];
	_ =	sdelay $0x2  }
0xb9: {  	s31 =	sshll.u32 s1, $0xD;
	s1 =	sshrl.u32 s1, $0x2  }
0xba: {  	s3 =	sand.u32 $0x4000, s31;
	s1 =	sadd.s32 s1, s30  }
0xbb: {  	s0 =	sor.u32 s3, s0;
	s1 =	sshll.u32 s1, $0x11  }
0xbc: {  	s0 =	sor.u32 s1, s0  }
0xbd: {  	s0 =	sadd.s32 $0x8F2B, s0  }
0xbe: {  	[sflag:s0] =	ssyncadd.remote.s32 $0x1  }
0xbf: {  	_ =	sfence.sel $0xFFFF  }
0xc0: {  	[dreg:$0x0] =	wrdreg $0xFFFFFFFF;
	(pc) =	sbr.abs _section_cstart, $3  }
0xc1: {  	[dreg:$0x1] =	wrdreg $0xFFFFFFFF  }
0xc2: {  	_ =	task.clear_ibuf [dreg:s7], $0x2FFFF;
	_ =	strace $0x9FFFFFFF  }
0xc3: {  	(tm) =	ssettm $0x7FFFFFFF  }
tec
execute0_lowered:
.L_overlay_start_1:
0x0: {  	(tag) =	ssettag $0x1  }
0x1: {  	s1 =	rddreg [dreg:$0x0]  }
0x2: {  	s5 =	rddreg [dreg:$0x1]  }
0x3: {  	s2 =	rddreg [dreg:$0x2]  }
0x4: {  	s0 =	rddreg [dreg:$0x3];
	s4 =	simm.s32 $0x0;
	s3 =	srdreg.scid  }
0x5: {  	s17 =	simm.s32 $0x2;
	s18 =	simm.s32 $0x4000;
	s19 =	simm.s32 $0x8000  }
0x6: {  	s20 =	simm.s32 $0x50;
	s21 =	simm.s32 $0x1;
	s24 =	simm.s32 $0x0  }
0x7: {  	[smem:$0x7FF] =	sst s4;
	s6 =	sand.u32 $0x1, s3;
	s3 =	stileid.u32  }
0x8: {  	s7 =	smul.u32 $0x140000, s6;
	s8 =	sshll.u32 s6, $0xF;
	s9 =	sshll.u32 s3, $0xB  }
0x9: {  	s10 =	smul.u32 $0x14000, s3;
	_ =	strace $0x8000004A;
	s6 =	ssub.s32 $0x2, s6  }
0xa: {  	s29 =	smul.u32 $0x50000, s3;
	s22 =	sshll.u32 s3, $0x6;
	s8 =	sor.u32 s9, s8  }
0xb: {  	s30 =	sshrl.u32 s6, $0x1;
	s22 =	sor.u32 $0x1C02, s22;
	s7 =	sadd.s32 s10, s7  }
0xc: {  	s8 =	sadd.s32 s8, s5;
	s16 =	ssub.s32 s6, s30;
	s31 =	sshrl.u32 s29, $0x2  }
0xd: {  	s7 =	sshrl.u32 s7, $0x3;
	s6 =	sadd.s32 $0x65200, s8;
	s16 =	smax.u32 s16, $0x1  }
0xe: {  	s15 =	sadd.s32 s7, s5;
	s5 =	sadd.s32 $0x5200, s8;
	s7 =	sadd.s32 s31, s2  }
0xf: {  	s8 =	sadd.s32 $0x2800, s7;
	s9 =	sadd.s32 $0x5000, s7;
	s10 =	sadd.s32 $0x7800, s7  }
0x10: {  	s11 =	sadd.s32 $0xA000, s7;
	s12 =	sadd.s32 $0xC800, s7;
	s13 =	sadd.s32 $0xF000, s7  }
0x11: {  	v0 =	vimm.f32 $0.0e+00;
	s14 =	sadd.s32 $0x11800, s7;
	s15 =	sadd.s32 $0x75200, s15;
	s23 =	sshrl.u32 s7, $0x3  }
.LBB2_1:
0x12: {  	[tilespmem:s4], [sflag:$0x2] =	stream.linear.gather [hbm4b:s5+s4], $0x3E80, $0x38;
	[tilespmem:$0x1E800] =	vst v63  }
0x13: {  	_ =	swait.ge [sflag:s17], $0x3E80  }
0x14: {  	[sflag:s17] =	ssyncset.done $0x0  }
0x15: {  	[sflag:s17] =	ssyncadd.s32 $0xFFFFC180  }
0x16: {  	[tilespmem:s18], [sflag:$0x2] =	stream.linear.gather [hbm4b:s6+s4], $0x3E80, $0x38;
	[tilespmem:$0x1E800] =	vst v63  }
0x17: {  	_ =	swait.ge [sflag:s17], $0x3E80  }
0x18: {  	[sflag:s17] =	ssyncset.done $0x0  }
0x19: {  	s25 =	simm.s32 $0x0;
	s26 =	simm.s32 $0x200;
	[sflag:s17] =	ssyncadd.s32 $0xFFFFC180  }
.LBB2_2:
0x1a: {  	p0 =	sne.s32 s26, $0x9E00;
	[tilespmem:s25+$0x8070] =	vst v0  }
0x1b: {  	[tilespmem:s25+$0x8000] =	vst v0  }
0x1c: {  	[tilespmem:s25+$0x8010] =	vst v0  }
.Ltmp0:
0x1d: {  	[tilespmem:s25+$0x8020] =	vst v0;
	(pc) =	sbr.rel @p0 .LBB2_2-.Ltmp0, $4  }
0x1e: {  	[tilespmem:s25+$0x8030] =	vst v0  }
0x1f: {  	[tilespmem:s25+$0x8040] =	vst v0  }
0x20: {  	[tilespmem:s25+$0x8050] =	vst v0  }
0x21: {  	[tilespmem:s25+$0x8060] =	vst v0;
	s25 =	sshra.s32 s26, $0x2;
	s26 =	sadd.s32 $0x200, s26  }
0x22: {  	[tilespmem:s25+$0x8070] =	vst v0  }
0x23: {  	[tilespmem:s25+$0x8000] =	vst v0  }
0x24: {  	[tilespmem:s25+$0x8010] =	vst v0  }
0x25: {  	[tilespmem:s25+$0x8020] =	vst v0  }
0x26: {  	[tilespmem:s25+$0x8030] =	vst v0  }
0x27: {  	[tilespmem:s25+$0x8040] =	vst v0  }
0x28: {  	[tilespmem:s25+$0x8050] =	vst v0  }
0x29: {  	[tilespmem:s25+$0x8060] =	vst v0  }
0x2a: {  	[spmem:s7] =	stream.linear.scatter [tilespmem:s19], [sflag:$0x2], $0x2800, $0x38;
	[tilespmem:$0x1E800] =	vst v63  }
0x2b: {  	_ =	swait.ge [sflag:s17], $0x2800  }
0x2c: {  	[sflag:s17] =	ssyncset.done $0x0  }
0x2d: {  	[sflag:s17] =	ssyncadd.s32 $0xFFFFD800  }
0x2e: {  	[spmem:s8] =	stream.linear.scatter [tilespmem:s19], [sflag:$0x2], $0x2800, $0x38;
	[tilespmem:$0x1E800] =	vst v63  }
0x2f: {  	_ =	swait.ge [sflag:s17], $0x2800  }
0x30: {  	[sflag:s17] =	ssyncset.done $0x0  }
0x31: {  	[sflag:s17] =	ssyncadd.s32 $0xFFFFD800  }
0x32: {  	[spmem:s9] =	stream.linear.scatter [tilespmem:s19], [sflag:$0x2], $0x2800, $0x38;
	[tilespmem:$0x1E800] =	vst v63  }
0x33: {  	_ =	swait.ge [sflag:s17], $0x2800  }
0x34: {  	[sflag:s17] =	ssyncset.done $0x0  }
0x35: {  	[sflag:s17] =	ssyncadd.s32 $0xFFFFD800  }
0x36: {  	[spmem:s10] =	stream.linear.scatter [tilespmem:s19], [sflag:$0x2], $0x2800, $0x38;
	[tilespmem:$0x1E800] =	vst v63  }
0x37: {  	_ =	swait.ge [sflag:s17], $0x2800  }
0x38: {  	[sflag:s17] =	ssyncset.done $0x0  }
0x39: {  	[sflag:s17] =	ssyncadd.s32 $0xFFFFD800  }
0x3a: {  	[spmem:s11] =	stream.linear.scatter [tilespmem:s19], [sflag:$0x2], $0x2800, $0x38;
	[tilespmem:$0x1E800] =	vst v63  }
0x3b: {  	_ =	swait.ge [sflag:s17], $0x2800  }
0x3c: {  	[sflag:s17] =	ssyncset.done $0x0  }
0x3d: {  	[sflag:s17] =	ssyncadd.s32 $0xFFFFD800  }
0x3e: {  	[spmem:s12] =	stream.linear.scatter [tilespmem:s19], [sflag:$0x2], $0x2800, $0x38;
	[tilespmem:$0x1E800] =	vst v63  }
0x3f: {  	_ =	swait.ge [sflag:s17], $0x2800  }
0x40: {  	[sflag:s17] =	ssyncset.done $0x0  }
0x41: {  	[sflag:s17] =	ssyncadd.s32 $0xFFFFD800  }
0x42: {  	[spmem:s13] =	stream.linear.scatter [tilespmem:s19], [sflag:$0x2], $0x2800, $0x38;
	[tilespmem:$0x1E800] =	vst v63  }
0x43: {  	_ =	swait.ge [sflag:s17], $0x2800  }
0x44: {  	[sflag:s17] =	ssyncset.done $0x0  }
0x45: {  	[sflag:s17] =	ssyncadd.s32 $0xFFFFD800  }
0x46: {  	[spmem:s14] =	stream.linear.scatter [tilespmem:s19], [sflag:$0x2], $0x2800, $0x38;
	[tilespmem:$0x1E800] =	vst v63  }
0x47: {  	_ =	swait.ge [sflag:s17], $0x2800  }
0x48: {  	[sflag:s17] =	ssyncset.done $0x0  }
0x49: {  	[sflag:s17] =	ssyncadd.s32 $0xFFFFD800  }
0x4a: {  	s30 =	simm.s32 $0x0;
	[bflag:$0x0] =	sbarrier.arrive $0xFFFF  }
0x4b: {  	[tilespmem:s19], [sflag:$0x1] =	stream.indirect.gather [hbm4b:s1+s20], $0x80, s30, s20, $0xb8;
	[tilespmem:$0x1E800] =	vst v63  }
0x4c: {  	_ =	swait.ge [sflag:s21], $0x2800  }
0x4d: {  	[sflag:s21] =	ssyncset.done $0x0  }
0x4e: {  	s31 =	simm.s32 $0x4000;
	[sflag:s21] =	ssyncadd.s32 $0xFFFFD800  }
0x4f: {  	[spmem:s2] =	stream.indirect.scatter.add.f32 [tilespmem:s19], [sflag:$0x2], $0x80, s31, s20, $0xb8;
	[tilespmem:$0x1E800] =	vst v63  }
0x50: {  	_ =	swait.ge [sflag:s17], $0x2800  }
0x51: {  	s25 =	simm.s32 $0x200;
	s26 =	simm.s32 $0x400;
	[sflag:s17] =	ssyncset.done $0x0  }
.LBB2_4:
0x52: {  	s28 =	sshra.s32 s25, $0x2  }
0x53: {  	[sflag:s17] =	ssyncadd.s32 $0xFFFFD800;
	s25 =	smov.u32 s26;
	s29 =	sadd.s32 $0x200, s26  }
0x54: {  	[tilespmem:s19], [sflag:$0x1] =	stream.indirect.gather [hbm4b:s1+s20], $0x80, s28, s20, $0xb8;
	[tilespmem:$0x1E800] =	vst v63  }
0x55: {  	p0 =	sne.s32 s26, $0xF800;
	_ =	swait.ge [sflag:s21], $0x2800  }
.Ltmp1:
0x56: {  	[sflag:s21] =	ssyncset.done $0x0;
	(pc) =	sbr.rel @p0 .LBB2_4-.Ltmp1, $4  }
0x57: {  	s26 =	sadd.s32 $0x4000, s28;
	[sflag:s21] =	ssyncadd.s32 $0xFFFFD800  }
0x58: {  	[spmem:s2] =	stream.indirect.scatter.add.f32 [tilespmem:s19], [sflag:$0x2], $0x80, s26, s20, $0xb8;
	[tilespmem:$0x1E800] =	vst v63  }
0x59: {  	_ =	swait.ge [sflag:s17], $0x2800  }
0x5a: {  	s26 =	smov.u32 s29;
	[sflag:s17] =	ssyncset.done $0x0  }
0x5b: {  	s25 =	sshra.s32 s25, $0x2;
	[sflag:s17] =	ssyncadd.s32 $0xFFFFD800  }
0x5c: {  	[tilespmem:s19], [sflag:$0x1] =	stream.indirect.gather [hbm4b:s1+s20], $0x80, s25, s20, $0xb8;
	[tilespmem:$0x1E800] =	vst v63  }
0x5d: {  	_ =	swait.ge [sflag:s21], $0x2800  }
0x5e: {  	[sflag:s21] =	ssyncset.done $0x0  }
0x5f: {  	s25 =	sadd.s32 $0x4000, s25;
	[sflag:s21] =	ssyncadd.s32 $0xFFFFD800  }
0x60: {  	[spmem:s2] =	stream.indirect.scatter.add.f32 [tilespmem:s19], [sflag:$0x2], $0x80, s25, s20, $0xb8;
	[tilespmem:$0x1E800] =	vst v63  }
0x61: {  	_ =	swait.ge [sflag:s17], $0x2800  }
0x62: {  	s24 =	sadd.s32 $0x1, s24;
	[sflag:s17] =	ssyncset.done $0x0  }
0x63: {  	p0 =	sne.s32 s24, s16;
	[sflag:s17] =	ssyncadd.s32 $0xFFFFD800  }
.Ltmp2:
0x64: {  	[bflag:$0x0] =	sbarrier.arrive $0xFFFF;
	(pc) =	sbr.rel @p0 .LBB2_1-.Ltmp2, $4  }
0x65: {  	[hbm:s15], [sflag:s22] =	dma.local [spmem:s23], $0x2800  }
0x66: {  	_ =	swait.ge [sflag:s17], $0x2800  }
0x67: {  	[sflag:s17] =	ssyncset.done $0x0  }
0x68: {  	[sflag:s17] =	ssyncadd.s32 $0xFFFFD800  }
0x69: {  	_ =	sfence.sel $0x180000  }
0x6a: {  	[bflag:$0x0] =	sbarrier.arrive $0xFFFF  }
0x6b: {  	p0 =	sne.s32 s3, $0x0;
	_ =	strace $0x9000004A  }
0x6c: {  	s0 =	sadd.s32 @!p0 $0x100000, s0;
	[bflag:$0x2] =	sbarrier.arrive $0xFFFF  }
0x6d: {  	[sflag:s0] =	ssyncadd.tile.s32 @!p0 $0x1;
	_ =	shalt  }
.Lfunc_end2:
_tile_overlayer_lowered:
.L_overlay_start_2:
0x6e: {  	(tag) =	ssettag $0x2  }
0x6f: {  	s0 =	rddreg [dreg:$0x0];
	s2 =	stileid.u32  }
0x70: {  	s1 =	rddreg [dreg:$0x1];
	p0 =	sne.s32 s2, $0x0  }
0x71: {  	s3 =	rddreg [dreg:$0x2];
	[bflag:$0x3] =	sbarrier.arrive $0xFFFF;
	s2 =	simm.s32 @!p0 $0x1C02  }
0x72: {  	[timem:s3], [sflag:s2] =	dma.local @!p0 [hbm:s0], s1  }
0x73: {  	s0 =	simm.s32 @!p0 $0x2  }
0x74: {  	_ =	swait.ge @!p0 [sflag:s0], s1  }
0x75: {  	s1 =	ssub.s32 @!p0 $0x0, s1;
	[sflag:s0] =	ssyncset.done @!p0 $0x0  }
0x76: {  	[sflag:s0] =	ssyncadd.s32 @!p0 s1  }
0x77: {  	[bflag:$0x3] =	sbarrier.arrive $0xFFFF  }
0x78: {  	_ =	shalt  }

// kernel: kernel.22.cloned.1.call-start
scs
__scs_entry_jumppad:
0x0: {  	(pc) =	sbr.rel $0x88, $3  }
0x1: {  	(tag) =	ssettag $0x0;
	lr =	simm.s32 $0x1  }
0x2: {  	[smem:$0x3F99] =	sst lr;
	_ =	strace $0xD0000000  }
0x3: {  	_ = 	snop  }
0x4: {  	_ = 	snop  }
0x5: {  	_ = 	snop  }
0x6: {  	_ = 	snop  }
0x7: {  	_ = 	snop  }
__scs_overlays_trampoline_lowered:
0x8: {  	[smem:$0x3FA8] =	sst s0  }
0x9: {  	[smem:$0x3FA9] =	sst s1  }
0xa: {  	[smem:$0x3FAA] =	sst s2  }
0xb: {  	[smem:$0x3FAB] =	sst s3  }
0xc: {  	[smem:$0x3FAC] =	sst s4  }
0xd: {  	[smem:$0x3FAD] =	sst s5  }
0xe: {  	[smem:$0x3FAE] =	sst s6  }
0xf: {  	[smem:$0x3FAF] =	sst s7  }
0x10: {  	[smem:$0x3FB0] =	sst s8  }
0x11: {  	[smem:$0x3FB1] =	sst s9;
	s0 =	simm.s32 @!p0 $0x0  }
0x12: {  	s1 =	sld [smem:$0x3F97];
	s0 =	simm.s32 @p0 $0x1  }
0x13: {  	[smem:$0x3FB2] =	sst s0;
	s0 =	simm.s32 @!p1 $0x0  }
0x14: {  	s2 =	sld [smem:$0x3F96];
	s0 =	simm.s32 @p1 $0x1  }
0x15: {  	[smem:$0x3FB3] =	sst s0;
	s0 =	simm.s32 @!p2 $0x0  }
0x16: {  	s3 =	sld [smem:$0x3FDB];
	s0 =	simm.s32 @p2 $0x1  }
0x17: {  	s4 =	simm.s32 $0x1BF5;
	[smem:$0x3FB5] =	sst s0  }
0x18: {  	s0 =	sld [smem:$0x3F98];
	_ =	swait.ge [sflag:s4], $0x0  }
0x19: {  	s7 =	sld [smem:$0x3F99]  }
0x1a: {  	s8 =	sadd.s32 $0xFFFFE003, lr  }
0x1b: {  	s9 =	sadd.s32 $0xFFFFFEF7, lr;
	s5 =	simm.s32 $0xFFFFFFFF;
	p2 =	slt.u32 s8, $0xFFFFF086  }
0x1c: {  	p1 =	slt.u32 s9, $0xF7A;
	s5 =	simm.s32 @!p2 $0x0  }
0x1d: {  	s5 =	simm.s32 @p1 $0x1;
	p0 =	seq.s32 s7, s2  }
0x1e: {  	s7 =	smul.u32 @!p0 $0xF7A, s2;
	p2 =	seq.s32 @!p0 s5, $0x0  }
0x1f: {  	s9 =	smul.u32 $0xF7A, s1;
	s8 =	simm.s32 @!p0 $0x1BF5;
	p2 =	por !p2, p0  }
0x20: {  	[sflag:s8] =	ssyncset.s32 @!p0 $0xFFFFF086;
	s6 =	sadd.s32 @!p0 s3, s7;
	s7 =	simm.s32 @!p0 $0x108  }
0x21: {  	s3 =	sadd.s32 s3, s9;
	s6 =	sadd.s32 @!p0 $0x88, s6;
	s7 =	simm.s32 @p2 $0x1082  }
0x22: {  	[simem:s7], [sflag:s8] =	dma.local @!p0 [hbm:s6], $0xF7A  }
0x23: {  	s9 =	sor.u32 $0xD0000000, s2;
	s6 =	simm.s32 $0x108;
	_ =	swait.ge @!p0 [sflag:s8], $0x0  }
0x24: {  	s3 =	sadd.s32 $0x88, s3;
	s6 =	simm.s32 @!p1 $0x1082;
	[sflag:s4] =	ssyncset.s32 $0xFFFFF086  }
0x25: {  	[simem:s6], [sflag:s4] =	dma.local [hbm:s3], $0xF7A  }
0x26: {  	[smem:$0x3F99] =	sst s1;
	(tag) =	ssettag s2;
	_ =	strace s9  }
0x27: {  	s1 =	sld [smem:$0x3FA9]  }
0x28: {  	s2 =	sld [smem:$0x3FAA]  }
0x29: {  	s4 =	sld [smem:$0x3FAC]  }
0x2a: {  	p0 =	seq.s32 s5, $0x0;
	s5 =	sld [smem:$0x3FAD]  }
0x2b: {  	s6 =	sld [smem:$0x3FAE]  }
0x2c: {  	s7 =	sld [smem:$0x3FAF]  }
0x2d: {  	s3 =	simm.s32 $0x108;
	s8 =	sld [smem:$0x3FB0]  }
0x2e: {  	s3 =	simm.s32 @!p0 $0x1082;
	s9 =	sld [smem:$0x3FB1]  }
0x2f: {  	lr =	sadd.s32 s0, s3;
	s0 =	sld [smem:$0x3FA8]  }
0x30: {  	s3 =	sld [smem:$0x3FAB]  }
0x31: {  	[smem:$0x3FB4] =	sst s10  }
0x32: {  	s10 =	sld [smem:$0x3FB2];
	_ =	sdelay $0x3  }
0x33: {  	p0 =	seq.s32 s10, $0x1;
	s10 =	sld [smem:$0x3FB4];
	_ =	sdelay $0x3  }
0x34: {  	[smem:$0x3FB4] =	sst s10  }
0x35: {  	s10 =	sld [smem:$0x3FB3];
	_ =	sdelay $0x3  }
0x36: {  	p1 =	seq.s32 s10, $0x1;
	s10 =	sld [smem:$0x3FB4];
	_ =	sdelay $0x3  }
0x37: {  	[smem:$0x3FB4] =	sst s10  }
0x38: {  	s10 =	sld [smem:$0x3FB5]  }
0x39: {  	_ = 	snop;
	(pc) =	sbr.ind lr, $3  }
0x3a: {  	_ = 	snop  }
0x3b: {  	_ = 	snop  }
0x3c: {  	p2 =	seq.s32 s10, $0x1;
	s10 =	sld [smem:$0x3FB4]  }
0x3d: {  	_ =	shalt  }
0x3e: {  	_ =	shalt  }
0x3f: {  	_ =	shalt  }
0x40: {  	_ =	shalt  }
0x41: {  	_ =	shalt  }
0x42: {  	_ =	shalt  }
0x43: {  	_ =	shalt  }
0x44: {  	_ =	shalt  }
0x45: {  	_ =	shalt  }
0x46: {  	_ =	shalt  }
0x47: {  	_ =	shalt  }
0x48: {  	_ =	shalt  }
0x49: {  	_ =	shalt  }
0x4a: {  	_ =	shalt  }
0x4b: {  	_ =	shalt  }
0x4c: {  	_ =	shalt  }
0x4d: {  	_ =	shalt  }
0x4e: {  	_ =	shalt  }
0x4f: {  	_ =	shalt  }
0x50: {  	_ =	shalt  }
0x51: {  	_ =	shalt  }
0x52: {  	_ =	shalt  }
0x53: {  	_ =	shalt  }
0x54: {  	_ =	shalt  }
0x55: {  	_ =	shalt  }
0x56: {  	_ =	shalt  }
0x57: {  	_ =	shalt  }
0x58: {  	_ =	shalt  }
0x59: {  	_ =	shalt  }
0x5a: {  	_ =	shalt  }
0x5b: {  	_ =	shalt  }
0x5c: {  	_ =	shalt  }
0x5d: {  	_ =	shalt  }
0x5e: {  	_ =	shalt  }
0x5f: {  	_ =	shalt  }
0x60: {  	_ =	shalt  }
0x61: {  	_ =	shalt  }
0x62: {  	_ =	shalt  }
0x63: {  	_ =	shalt  }
0x64: {  	_ =	shalt  }
0x65: {  	_ =	shalt  }
0x66: {  	_ =	shalt  }
0x67: {  	_ =	shalt  }
0x68: {  	_ =	shalt  }
0x69: {  	_ =	shalt  }
0x6a: {  	_ =	shalt  }
0x6b: {  	_ =	shalt  }
0x6c: {  	_ =	shalt  }
0x6d: {  	_ =	shalt  }
0x6e: {  	_ =	shalt  }
0x6f: {  	_ =	shalt  }
0x70: {  	_ =	shalt  }
0x71: {  	_ =	shalt  }
0x72: {  	_ =	shalt  }
0x73: {  	_ =	shalt  }
0x74: {  	_ =	shalt  }
0x75: {  	_ =	shalt  }
0x76: {  	_ =	shalt  }
0x77: {  	_ =	shalt  }
0x78: {  	_ =	shalt  }
0x79: {  	_ =	shalt  }
0x7a: {  	_ =	shalt  }
0x7b: {  	_ =	shalt  }
0x7c: {  	_ =	shalt  }
0x7d: {  	_ =	shalt  }
0x7e: {  	_ =	shalt  }
0x7f: {  	_ =	shalt  }
0x80: {  	_ =	shalt  }
0x81: {  	_ =	shalt  }
0x82: {  	_ =	shalt  }
0x83: {  	_ =	shalt  }
0x84: {  	_ =	shalt  }
0x85: {  	_ =	shalt  }
0x86: {  	_ =	shalt  }
0x87: {  	_ =	shalt  }
.Lfunc_end0:
.L_simem_size_0:
called_computation.2_lowered:
.L_overlay_start_0:
0x88: {  	s2 =	sld [smem:$0x3FD9]  }
0x89: {  	s3 =	sld [smem:$0x3FFE];
	_ =	sdelay $0x1  }
0x8a: {  	s1 =	srdreg.scid  }
0x8b: {  	s0 =	sand.u32 $0x1, s1  }
0x8c: {  	s17 =	sshll.u32 s0, $0xA;
	s2 =	sadd.s32 s3, s2  }
0x8d: {  	s2 =	sadd.s32 s2, s17  }
0x8e: {  	[smem:$0x3FC0] =	sst s2  }
0x8f: {  	_ = 	snop  }
0x90: {  	s2 =	sld [smem:$0x3FD0];
	(tm) =	ssettm $0x1  }
0x91: {  	s18 =	sld [smem:$0x3FFB];
	_ =	sdelay $0x3  }
0x92: {  	_ =	strace s18  }
0x93: {  	s3 =	sld [smem:$0x3FFC];
	_ =	sdelay $0x3  }
0x94: {  	_ =	strace s3  }
0x95: {  	s3 =	sld [smem:$0x3FFD];
	_ =	sdelay $0x3  }
0x96: {  	_ =	strace s3  }
0x97: {  	_ =	strace $0x8FFFFFFF  }
0x98: {  	s19 =	sld [smem:$0x3FDB];
	_ =	sdelay $0x1  }
0x99: {  	s4 =	simm.s32 $_scs_section_size  }
0x9a: {  	s5 =	simm.s32 $_size__tile_overlayer_lowered;
	s6 =	simm.s32 $_tile_overlayer_lowered  }
0x9b: {  	s22 =	simm.s32 $0x1BFF;
	s21 =	sshll.u32 s6, $0x1;
	s3 =	sadd.s32 s4, s19  }
0x9c: {  	s7 =	simm.s32 $0x0;
	s20 =	sshll.u32 s5, $0x1;
	s5 =	sadd.s32 s21, s3  }
0x9d: {  	[timem:s7], [sflag:s22] =	dma.local [hbm:s5], s20  }
0x9e: {  	_ =	swait.ge [sflag:s22], s20  }
0x9f: {  	s4 =	ssub.s32 $0x0, s20;
	[sflag:s22] =	ssyncset.done $0x0  }
0xa0: {  	[sflag:s22] =	ssyncadd.s32 s4;
	_ =	sdelay $0x1  }
0xa1: {  	s23 =	simm.s32 $0x1B8B  }
0xa2: {  	_ =	swait.ge [sflag:s23], $0x1  }
0xa3: {  	[sflag:s23] =	ssyncset.done $0x0  }
0xa4: {  	s25 =	simm.s32 $0x1B8E;
	s24 =	sld [smem:$0x3FFE];
	[sflag:s23] =	ssyncadd.s32 $0xFFFFFFFF  }
0xa5: {  	s26 =	simm.s32 $execute0_lowered;
	[smem:$0x3FD2] =	sst s25  }
0xa6: {  	s5 =	sshll.u32 s26, $0x1;
	_ =	strace $0x8000004C;
	[dreg:$0x1] =	wrdreg $0xFFFFFFFF  }
0xa7: {  	s28 =	simm.s32 $_size_execute0_lowered;
	s3 =	sadd.s32 s3, s5;
	[dreg:$0x0] =	wrdreg $0x0  }
0xa8: {  	s5 =	sshll.u32 s28, $0x1;
	[dreg:$0x2] =	wrdreg s3  }
0xa9: {  	[dreg:$0x3] =	wrdreg s5  }
0xaa: {  	[dreg:$0x4] =	wrdreg $0xC0  }
0xab: {  	_ =	task [dreg:s7], $0x5FFFF  }
0xac: {  	[dreg:$0x1] =	wrdreg $0xFFFFFFFF  }
0xad: {  	[dreg:$0x0] =	wrdreg $0x60  }
0xae: {  	[dreg:$0x2] =	wrdreg s2  }
0xaf: {  	[dreg:$0x3] =	wrdreg s24  }
0xb0: {  	[dreg:$0x4] =	wrdreg $0xA8000  }
0xb1: {  	[dreg:$0x5] =	wrdreg $0x9  }
0xb2: {  	_ =	task.clear_ibuf [dreg:s7], $0x6FFFF;
	_ =	strace $0x9000004C  }
0xb3: {  	s29 =	simm.s32 $0x9;
	_ =	strace $0x8000004E  }
0xb4: {  	_ =	swait.ge [sflag:s29], $0x1  }
0xb5: {  	[sflag:s29] =	ssyncadd.s32 $0xFFFFFFFF  }
0xb6: {  	_ =	strace $0x9000004E  }
0xb7: {  	_ =	sfence  }
0xb8: {  	s30 =	sld [smem:$0x0];
	_ =	sdelay $0x2  }
0xb9: {  	s31 =	sshll.u32 s1, $0xD;
	s1 =	sshrl.u32 s1, $0x2  }
0xba: {  	s3 =	sand.u32 $0x4000, s31;
	s1 =	sadd.s32 s1, s30  }
0xbb: {  	s0 =	sor.u32 s3, s0;
	s1 =	sshll.u32 s1, $0x11  }
0xbc: {  	s0 =	sor.u32 s1, s0  }
0xbd: {  	s0 =	sadd.s32 $0x8F2B, s0  }
0xbe: {  	[sflag:s0] =	ssyncadd.remote.s32 $0x1  }
0xbf: {  	_ =	sfence.sel $0xFFFF  }
0xc0: {  	[dreg:$0x0] =	wrdreg $0xFFFFFFFF;
	(pc) =	sbr.abs _section_cstart, $3  }
0xc1: {  	[dreg:$0x1] =	wrdreg $0xFFFFFFFF  }
0xc2: {  	_ =	task.clear_ibuf [dreg:s7], $0x2FFFF;
	_ =	strace $0x9FFFFFFF  }
0xc3: {  	(tm) =	ssettm $0x7FFFFFFF  }
tec
execute0_lowered:
.L_overlay_start_1:
0x0: {  	(tag) =	ssettag $0x1  }
0x1: {  	s1 =	rddreg [dreg:$0x0]  }
0x2: {  	s5 =	rddreg [dreg:$0x1]  }
0x3: {  	s2 =	rddreg [dreg:$0x2]  }
0x4: {  	s0 =	rddreg [dreg:$0x3];
	s4 =	simm.s32 $0x0;
	s3 =	srdreg.scid  }
0x5: {  	s17 =	simm.s32 $0x2;
	s18 =	simm.s32 $0x4000;
	s19 =	simm.s32 $0x8000  }
0x6: {  	s20 =	simm.s32 $0x50;
	s21 =	simm.s32 $0x1;
	s24 =	simm.s32 $0x0  }
0x7: {  	[smem:$0x7FF] =	sst s4;
	s6 =	sand.u32 $0x1, s3;
	s3 =	stileid.u32  }
0x8: {  	s7 =	smul.u32 $0x140000, s6;
	s8 =	sshll.u32 s6, $0xF;
	s9 =	sshll.u32 s3, $0xB  }
0x9: {  	s10 =	smul.u32 $0x14000, s3;
	_ =	strace $0x8000004D;
	s6 =	ssub.s32 $0x2, s6  }
0xa: {  	s29 =	smul.u32 $0x50000, s3;
	s22 =	sshll.u32 s3, $0x6;
	s8 =	sor.u32 s9, s8  }
0xb: {  	s30 =	sshrl.u32 s6, $0x1;
	s22 =	sor.u32 $0x1C02, s22;
	s7 =	sadd.s32 s10, s7  }
0xc: {  	s8 =	sadd.s32 s8, s5;
	s16 =	ssub.s32 s6, s30;
	s31 =	sshrl.u32 s29, $0x2  }
0xd: {  	s7 =	sshrl.u32 s7, $0x3;
	s6 =	sadd.s32 $0x65200, s8;
	s16 =	smax.u32 s16, $0x1  }
0xe: {  	s15 =	sadd.s32 s7, s5;
	s5 =	sadd.s32 $0x5200, s8;
	s7 =	sadd.s32 s31, s2  }
0xf: {  	s8 =	sadd.s32 $0x2800, s7;
	s9 =	sadd.s32 $0x5000, s7;
	s10 =	sadd.s32 $0x7800, s7  }
0x10: {  	s11 =	sadd.s32 $0xA000, s7;
	s12 =	sadd.s32 $0xC800, s7;
	s13 =	sadd.s32 $0xF000, s7  }
0x11: {  	v0 =	vimm.f32 $0.0e+00;
	s14 =	sadd.s32 $0x11800, s7;
	s15 =	sadd.s32 $0x75200, s15;
	s23 =	sshrl.u32 s7, $0x3  }
.LBB2_1:
0x12: {  	[tilespmem:s4], [sflag:$0x2] =	stream.linear.gather [hbm4b:s5+s4], $0x3E80, $0x38;
	[tilespmem:$0x1E800] =	vst v63  }
0x13: {  	_ =	swait.ge [sflag:s17], $0x3E80  }
0x14: {  	[sflag:s17] =	ssyncset.done $0x0  }
0x15: {  	[sflag:s17] =	ssyncadd.s32 $0xFFFFC180  }
0x16: {  	[tilespmem:s18], [sflag:$0x2] =	stream.linear.gather [hbm4b:s6+s4], $0x3E80, $0x38;
	[tilespmem:$0x1E800] =	vst v63  }
0x17: {  	_ =	swait.ge [sflag:s17], $0x3E80  }
0x18: {  	[sflag:s17] =	ssyncset.done $0x0  }
0x19: {  	s25 =	simm.s32 $0x0;
	s26 =	simm.s32 $0x200;
	[sflag:s17] =	ssyncadd.s32 $0xFFFFC180  }
.LBB2_2:
0x1a: {  	p0 =	sne.s32 s26, $0x9E00;
	[tilespmem:s25+$0x8070] =	vst v0  }
0x1b: {  	[tilespmem:s25+$0x8000] =	vst v0  }
0x1c: {  	[tilespmem:s25+$0x8010] =	vst v0  }
.Ltmp0:
0x1d: {  	[tilespmem:s25+$0x8020] =	vst v0;
	(pc) =	sbr.rel @p0 .LBB2_2-.Ltmp0, $4  }
0x1e: {  	[tilespmem:s25+$0x8030] =	vst v0  }
0x1f: {  	[tilespmem:s25+$0x8040] =	vst v0  }
0x20: {  	[tilespmem:s25+$0x8050] =	vst v0  }
0x21: {  	[tilespmem:s25+$0x8060] =	vst v0;
	s25 =	sshra.s32 s26, $0x2;
	s26 =	sadd.s32 $0x200, s26  }
0x22: {  	[tilespmem:s25+$0x8070] =	vst v0  }
0x23: {  	[tilespmem:s25+$0x8000] =	vst v0  }
0x24: {  	[tilespmem:s25+$0x8010] =	vst v0  }
0x25: {  	[tilespmem:s25+$0x8020] =	vst v0  }
0x26: {  	[tilespmem:s25+$0x8030] =	vst v0  }
0x27: {  	[tilespmem:s25+$0x8040] =	vst v0  }
0x28: {  	[tilespmem:s25+$0x8050] =	vst v0  }
0x29: {  	[tilespmem:s25+$0x8060] =	vst v0  }
0x2a: {  	[spmem:s7] =	stream.linear.scatter [tilespmem:s19], [sflag:$0x2], $0x2800, $0x38;
	[tilespmem:$0x1E800] =	vst v63  }
0x2b: {  	_ =	swait.ge [sflag:s17], $0x2800  }
0x2c: {  	[sflag:s17] =	ssyncset.done $0x0  }
0x2d: {  	[sflag:s17] =	ssyncadd.s32 $0xFFFFD800  }
0x2e: {  	[spmem:s8] =	stream.linear.scatter [tilespmem:s19], [sflag:$0x2], $0x2800, $0x38;
	[tilespmem:$0x1E800] =	vst v63  }
0x2f: {  	_ =	swait.ge [sflag:s17], $0x2800  }
0x30: {  	[sflag:s17] =	ssyncset.done $0x0  }
0x31: {  	[sflag:s17] =	ssyncadd.s32 $0xFFFFD800  }
0x32: {  	[spmem:s9] =	stream.linear.scatter [tilespmem:s19], [sflag:$0x2], $0x2800, $0x38;
	[tilespmem:$0x1E800] =	vst v63  }
0x33: {  	_ =	swait.ge [sflag:s17], $0x2800  }
0x34: {  	[sflag:s17] =	ssyncset.done $0x0  }
0x35: {  	[sflag:s17] =	ssyncadd.s32 $0xFFFFD800  }
0x36: {  	[spmem:s10] =	stream.linear.scatter [tilespmem:s19], [sflag:$0x2], $0x2800, $0x38;
	[tilespmem:$0x1E800] =	vst v63  }
0x37: {  	_ =	swait.ge [sflag:s17], $0x2800  }
0x38: {  	[sflag:s17] =	ssyncset.done $0x0  }
0x39: {  	[sflag:s17] =	ssyncadd.s32 $0xFFFFD800  }
0x3a: {  	[spmem:s11] =	stream.linear.scatter [tilespmem:s19], [sflag:$0x2], $0x2800, $0x38;
	[tilespmem:$0x1E800] =	vst v63  }
0x3b: {  	_ =	swait.ge [sflag:s17], $0x2800  }
0x3c: {  	[sflag:s17] =	ssyncset.done $0x0  }
0x3d: {  	[sflag:s17] =	ssyncadd.s32 $0xFFFFD800  }
0x3e: {  	[spmem:s12] =	stream.linear.scatter [tilespmem:s19], [sflag:$0x2], $0x2800, $0x38;
	[tilespmem:$0x1E800] =	vst v63  }
0x3f: {  	_ =	swait.ge [sflag:s17], $0x2800  }
0x40: {  	[sflag:s17] =	ssyncset.done $0x0  }
0x41: {  	[sflag:s17] =	ssyncadd.s32 $0xFFFFD800  }
0x42: {  	[spmem:s13] =	stream.linear.scatter [tilespmem:s19], [sflag:$0x2], $0x2800, $0x38;
	[tilespmem:$0x1E800] =	vst v63  }
0x43: {  	_ =	swait.ge [sflag:s17], $0x2800  }
0x44: {  	[sflag:s17] =	ssyncset.done $0x0  }
0x45: {  	[sflag:s17] =	ssyncadd.s32 $0xFFFFD800  }
0x46: {  	[spmem:s14] =	stream.linear.scatter [tilespmem:s19], [sflag:$0x2], $0x2800, $0x38;
	[tilespmem:$0x1E800] =	vst v63  }
0x47: {  	_ =	swait.ge [sflag:s17], $0x2800  }
0x48: {  	[sflag:s17] =	ssyncset.done $0x0  }
0x49: {  	[sflag:s17] =	ssyncadd.s32 $0xFFFFD800  }
0x4a: {  	s30 =	simm.s32 $0x0;
	[bflag:$0x0] =	sbarrier.arrive $0xFFFF  }
0x4b: {  	[tilespmem:s19], [sflag:$0x1] =	stream.indirect.gather [hbm4b:s1+s20], $0x80, s30, s20, $0xb8;
	[tilespmem:$0x1E800] =	vst v63  }
0x4c: {  	_ =	swait.ge [sflag:s21], $0x2800  }
0x4d: {  	[sflag:s21] =	ssyncset.done $0x0  }
0x4e: {  	s31 =	simm.s32 $0x4000;
	[sflag:s21] =	ssyncadd.s32 $0xFFFFD800  }
0x4f: {  	[spmem:s2] =	stream.indirect.scatter.add.f32 [tilespmem:s19], [sflag:$0x2], $0x80, s31, s20, $0xb8;
	[tilespmem:$0x1E800] =	vst v63  }
0x50: {  	_ =	swait.ge [sflag:s17], $0x2800  }
0x51: {  	s25 =	simm.s32 $0x200;
	s26 =	simm.s32 $0x400;
	[sflag:s17] =	ssyncset.done $0x0  }
.LBB2_4:
0x52: {  	s28 =	sshra.s32 s25, $0x2  }
0x53: {  	[sflag:s17] =	ssyncadd.s32 $0xFFFFD800;
	s25 =	smov.u32 s26;
	s29 =	sadd.s32 $0x200, s26  }
0x54: {  	[tilespmem:s19], [sflag:$0x1] =	stream.indirect.gather [hbm4b:s1+s20], $0x80, s28, s20, $0xb8;
	[tilespmem:$0x1E800] =	vst v63  }
0x55: {  	p0 =	sne.s32 s26, $0xF800;
	_ =	swait.ge [sflag:s21], $0x2800  }
.Ltmp1:
0x56: {  	[sflag:s21] =	ssyncset.done $0x0;
	(pc) =	sbr.rel @p0 .LBB2_4-.Ltmp1, $4  }
0x57: {  	s26 =	sadd.s32 $0x4000, s28;
	[sflag:s21] =	ssyncadd.s32 $0xFFFFD800  }
0x58: {  	[spmem:s2] =	stream.indirect.scatter.add.f32 [tilespmem:s19], [sflag:$0x2], $0x80, s26, s20, $0xb8;
	[tilespmem:$0x1E800] =	vst v63  }
0x59: {  	_ =	swait.ge [sflag:s17], $0x2800  }
0x5a: {  	s26 =	smov.u32 s29;
	[sflag:s17] =	ssyncset.done $0x0  }
0x5b: {  	s25 =	sshra.s32 s25, $0x2;
	[sflag:s17] =	ssyncadd.s32 $0xFFFFD800  }
0x5c: {  	[tilespmem:s19], [sflag:$0x1] =	stream.indirect.gather [hbm4b:s1+s20], $0x80, s25, s20, $0xb8;
	[tilespmem:$0x1E800] =	vst v63  }
0x5d: {  	_ =	swait.ge [sflag:s21], $0x2800  }
0x5e: {  	[sflag:s21] =	ssyncset.done $0x0  }
0x5f: {  	s25 =	sadd.s32 $0x4000, s25;
	[sflag:s21] =	ssyncadd.s32 $0xFFFFD800  }
0x60: {  	[spmem:s2] =	stream.indirect.scatter.add.f32 [tilespmem:s19], [sflag:$0x2], $0x80, s25, s20, $0xb8;
	[tilespmem:$0x1E800] =	vst v63  }
0x61: {  	_ =	swait.ge [sflag:s17], $0x2800  }
0x62: {  	s24 =	sadd.s32 $0x1, s24;
	[sflag:s17] =	ssyncset.done $0x0  }
0x63: {  	p0 =	sne.s32 s24, s16;
	[sflag:s17] =	ssyncadd.s32 $0xFFFFD800  }
.Ltmp2:
0x64: {  	[bflag:$0x0] =	sbarrier.arrive $0xFFFF;
	(pc) =	sbr.rel @p0 .LBB2_1-.Ltmp2, $4  }
0x65: {  	[hbm:s15], [sflag:s22] =	dma.local [spmem:s23], $0x2800  }
0x66: {  	_ =	swait.ge [sflag:s17], $0x2800  }
0x67: {  	[sflag:s17] =	ssyncset.done $0x0  }
0x68: {  	[sflag:s17] =	ssyncadd.s32 $0xFFFFD800  }
0x69: {  	_ =	sfence.sel $0x180000  }
0x6a: {  	[bflag:$0x0] =	sbarrier.arrive $0xFFFF  }
0x6b: {  	p0 =	sne.s32 s3, $0x0;
	_ =	strace $0x9000004D  }
0x6c: {  	s0 =	sadd.s32 @!p0 $0x100000, s0;
	[bflag:$0x2] =	sbarrier.arrive $0xFFFF  }
0x6d: {  	[sflag:s0] =	ssyncadd.tile.s32 @!p0 $0x1;
	_ =	shalt  }
.Lfunc_end2:
_tile_overlayer_lowered:
.L_overlay_start_2:
0x6e: {  	(tag) =	ssettag $0x2  }
0x6f: {  	s0 =	rddreg [dreg:$0x0];
	s2 =	stileid.u32  }
0x70: {  	s1 =	rddreg [dreg:$0x1];
	p0 =	sne.s32 s2, $0x0  }
0x71: {  	s3 =	rddreg [dreg:$0x2];
	[bflag:$0x3] =	sbarrier.arrive $0xFFFF;
	s2 =	simm.s32 @!p0 $0x1C02  }
0x72: {  	[timem:s3], [sflag:s2] =	dma.local @!p0 [hbm:s0], s1  }
0x73: {  	s0 =	simm.s32 @!p0 $0x2  }
0x74: {  	_ =	swait.ge @!p0 [sflag:s0], s1  }
0x75: {  	s1 =	ssub.s32 @!p0 $0x0, s1;
	[sflag:s0] =	ssyncset.done @!p0 $0x0  }
0x76: {  	[sflag:s0] =	ssyncadd.s32 @!p0 s1  }
0x77: {  	[bflag:$0x3] =	sbarrier.arrive $0xFFFF  }
0x78: {  	_ =	shalt  }

// kernel: kernel.25.cloned.1.call-start
scs
__scs_entry_jumppad:
0x0: {  	(pc) =	sbr.rel $0x88, $3  }
0x1: {  	(tag) =	ssettag $0x0;
	lr =	simm.s32 $0x1  }
0x2: {  	[smem:$0x3F99] =	sst lr;
	_ =	strace $0xD0000000  }
0x3: {  	_ = 	snop  }
0x4: {  	_ = 	snop  }
0x5: {  	_ = 	snop  }
0x6: {  	_ = 	snop  }
0x7: {  	_ = 	snop  }
__scs_overlays_trampoline_lowered:
0x8: {  	[smem:$0x3FA8] =	sst s0  }
0x9: {  	[smem:$0x3FA9] =	sst s1  }
0xa: {  	[smem:$0x3FAA] =	sst s2  }
0xb: {  	[smem:$0x3FAB] =	sst s3  }
0xc: {  	[smem:$0x3FAC] =	sst s4  }
0xd: {  	[smem:$0x3FAD] =	sst s5  }
0xe: {  	[smem:$0x3FAE] =	sst s6  }
0xf: {  	[smem:$0x3FAF] =	sst s7  }
0x10: {  	[smem:$0x3FB0] =	sst s8  }
0x11: {  	[smem:$0x3FB1] =	sst s9;
	s0 =	simm.s32 @!p0 $0x0  }
0x12: {  	s1 =	sld [smem:$0x3F97];
	s0 =	simm.s32 @p0 $0x1  }
0x13: {  	[smem:$0x3FB2] =	sst s0;
	s0 =	simm.s32 @!p1 $0x0  }
0x14: {  	s2 =	sld [smem:$0x3F96];
	s0 =	simm.s32 @p1 $0x1  }
0x15: {  	[smem:$0x3FB3] =	sst s0;
	s0 =	simm.s32 @!p2 $0x0  }
0x16: {  	s3 =	sld [smem:$0x3FDB];
	s0 =	simm.s32 @p2 $0x1  }
0x17: {  	s4 =	simm.s32 $0x1BF5;
	[smem:$0x3FB5] =	sst s0  }
0x18: {  	s0 =	sld [smem:$0x3F98];
	_ =	swait.ge [sflag:s4], $0x0  }
0x19: {  	s7 =	sld [smem:$0x3F99]  }
0x1a: {  	s8 =	sadd.s32 $0xFFFFE003, lr  }
0x1b: {  	s9 =	sadd.s32 $0xFFFFFEF7, lr;
	s5 =	simm.s32 $0xFFFFFFFF;
	p2 =	slt.u32 s8, $0xFFFFF086  }
0x1c: {  	p1 =	slt.u32 s9, $0xF7A;
	s5 =	simm.s32 @!p2 $0x0  }
0x1d: {  	s5 =	simm.s32 @p1 $0x1;
	p0 =	seq.s32 s7, s2  }
0x1e: {  	s7 =	smul.u32 @!p0 $0xF7A, s2;
	p2 =	seq.s32 @!p0 s5, $0x0  }
0x1f: {  	s9 =	smul.u32 $0xF7A, s1;
	s8 =	simm.s32 @!p0 $0x1BF5;
	p2 =	por !p2, p0  }
0x20: {  	[sflag:s8] =	ssyncset.s32 @!p0 $0xFFFFF086;
	s6 =	sadd.s32 @!p0 s3, s7;
	s7 =	simm.s32 @!p0 $0x108  }
0x21: {  	s3 =	sadd.s32 s3, s9;
	s6 =	sadd.s32 @!p0 $0x88, s6;
	s7 =	simm.s32 @p2 $0x1082  }
0x22: {  	[simem:s7], [sflag:s8] =	dma.local @!p0 [hbm:s6], $0xF7A  }
0x23: {  	s9 =	sor.u32 $0xD0000000, s2;
	s6 =	simm.s32 $0x108;
	_ =	swait.ge @!p0 [sflag:s8], $0x0  }
0x24: {  	s3 =	sadd.s32 $0x88, s3;
	s6 =	simm.s32 @!p1 $0x1082;
	[sflag:s4] =	ssyncset.s32 $0xFFFFF086  }
0x25: {  	[simem:s6], [sflag:s4] =	dma.local [hbm:s3], $0xF7A  }
0x26: {  	[smem:$0x3F99] =	sst s1;
	(tag) =	ssettag s2;
	_ =	strace s9  }
0x27: {  	s1 =	sld [smem:$0x3FA9]  }
0x28: {  	s2 =	sld [smem:$0x3FAA]  }
0x29: {  	s4 =	sld [smem:$0x3FAC]  }
0x2a: {  	p0 =	seq.s32 s5, $0x0;
	s5 =	sld [smem:$0x3FAD]  }
0x2b: {  	s6 =	sld [smem:$0x3FAE]  }
0x2c: {  	s7 =	sld [smem:$0x3FAF]  }
0x2d: {  	s3 =	simm.s32 $0x108;
	s8 =	sld [smem:$0x3FB0]  }
0x2e: {  	s3 =	simm.s32 @!p0 $0x1082;
	s9 =	sld [smem:$0x3FB1]  }
0x2f: {  	lr =	sadd.s32 s0, s3;
	s0 =	sld [smem:$0x3FA8]  }
0x30: {  	s3 =	sld [smem:$0x3FAB]  }
0x31: {  	[smem:$0x3FB4] =	sst s10  }
0x32: {  	s10 =	sld [smem:$0x3FB2];
	_ =	sdelay $0x3  }
0x33: {  	p0 =	seq.s32 s10, $0x1;
	s10 =	sld [smem:$0x3FB4];
	_ =	sdelay $0x3  }
0x34: {  	[smem:$0x3FB4] =	sst s10  }
0x35: {  	s10 =	sld [smem:$0x3FB3];
	_ =	sdelay $0x3  }
0x36: {  	p1 =	seq.s32 s10, $0x1;
	s10 =	sld [smem:$0x3FB4];
	_ =	sdelay $0x3  }
0x37: {  	[smem:$0x3FB4] =	sst s10  }
0x38: {  	s10 =	sld [smem:$0x3FB5]  }
0x39: {  	_ = 	snop;
	(pc) =	sbr.ind lr, $3  }
0x3a: {  	_ = 	snop  }
0x3b: {  	_ = 	snop  }
0x3c: {  	p2 =	seq.s32 s10, $0x1;
	s10 =	sld [smem:$0x3FB4]  }
0x3d: {  	_ =	shalt  }
0x3e: {  	_ =	shalt  }
0x3f: {  	_ =	shalt  }
0x40: {  	_ =	shalt  }
0x41: {  	_ =	shalt  }
0x42: {  	_ =	shalt  }
0x43: {  	_ =	shalt  }
0x44: {  	_ =	shalt  }
0x45: {  	_ =	shalt  }
0x46: {  	_ =	shalt  }
0x47: {  	_ =	shalt  }
0x48: {  	_ =	shalt  }
0x49: {  	_ =	shalt  }
0x4a: {  	_ =	shalt  }
0x4b: {  	_ =	shalt  }
0x4c: {  	_ =	shalt  }
0x4d: {  	_ =	shalt  }
0x4e: {  	_ =	shalt  }
0x4f: {  	_ =	shalt  }
0x50: {  	_ =	shalt  }
0x51: {  	_ =	shalt  }
0x52: {  	_ =	shalt  }
0x53: {  	_ =	shalt  }
0x54: {  	_ =	shalt  }
0x55: {  	_ =	shalt  }
0x56: {  	_ =	shalt  }
0x57: {  	_ =	shalt  }
0x58: {  	_ =	shalt  }
0x59: {  	_ =	shalt  }
0x5a: {  	_ =	shalt  }
0x5b: {  	_ =	shalt  }
0x5c: {  	_ =	shalt  }
0x5d: {  	_ =	shalt  }
0x5e: {  	_ =	shalt  }
0x5f: {  	_ =	shalt  }
0x60: {  	_ =	shalt  }
0x61: {  	_ =	shalt  }
0x62: {  	_ =	shalt  }
0x63: {  	_ =	shalt  }
0x64: {  	_ =	shalt  }
0x65: {  	_ =	shalt  }
0x66: {  	_ =	shalt  }
0x67: {  	_ =	shalt  }
0x68: {  	_ =	shalt  }
0x69: {  	_ =	shalt  }
0x6a: {  	_ =	shalt  }
0x6b: {  	_ =	shalt  }
0x6c: {  	_ =	shalt  }
0x6d: {  	_ =	shalt  }
0x6e: {  	_ =	shalt  }
0x6f: {  	_ =	shalt  }
0x70: {  	_ =	shalt  }
0x71: {  	_ =	shalt  }
0x72: {  	_ =	shalt  }
0x73: {  	_ =	shalt  }
0x74: {  	_ =	shalt  }
0x75: {  	_ =	shalt  }
0x76: {  	_ =	shalt  }
0x77: {  	_ =	shalt  }
0x78: {  	_ =	shalt  }
0x79: {  	_ =	shalt  }
0x7a: {  	_ =	shalt  }
0x7b: {  	_ =	shalt  }
0x7c: {  	_ =	shalt  }
0x7d: {  	_ =	shalt  }
0x7e: {  	_ =	shalt  }
0x7f: {  	_ =	shalt  }
0x80: {  	_ =	shalt  }
0x81: {  	_ =	shalt  }
0x82: {  	_ =	shalt  }
0x83: {  	_ =	shalt  }
0x84: {  	_ =	shalt  }
0x85: {  	_ =	shalt  }
0x86: {  	_ =	shalt  }
0x87: {  	_ =	shalt  }
.Lfunc_end0:
.L_simem_size_0:
called_computation.3_lowered:
.L_overlay_start_0:
0x88: {  	s2 =	sld [smem:$0x3FD9]  }
0x89: {  	s3 =	sld [smem:$0x3FFE];
	_ =	sdelay $0x1  }
0x8a: {  	s1 =	srdreg.scid  }
0x8b: {  	s0 =	sand.u32 $0x1, s1  }
0x8c: {  	s17 =	sshll.u32 s0, $0xA;
	s2 =	sadd.s32 s3, s2  }
0x8d: {  	s2 =	sadd.s32 s2, s17  }
0x8e: {  	[smem:$0x3FC0] =	sst s2  }
0x8f: {  	_ = 	snop  }
0x90: {  	s2 =	sld [smem:$0x3FD0];
	(tm) =	ssettm $0x1  }
0x91: {  	s18 =	sld [smem:$0x3FFB];
	_ =	sdelay $0x3  }
0x92: {  	_ =	strace s18  }
0x93: {  	s3 =	sld [smem:$0x3FFC];
	_ =	sdelay $0x3  }
0x94: {  	_ =	strace s3  }
0x95: {  	s3 =	sld [smem:$0x3FFD];
	_ =	sdelay $0x3  }
0x96: {  	_ =	strace s3  }
0x97: {  	_ =	strace $0x8FFFFFFF  }
0x98: {  	s19 =	sld [smem:$0x3FDB];
	_ =	sdelay $0x1  }
0x99: {  	s4 =	simm.s32 $_scs_section_size  }
0x9a: {  	s5 =	simm.s32 $_size__tile_overlayer_lowered;
	s6 =	simm.s32 $_tile_overlayer_lowered  }
0x9b: {  	s22 =	simm.s32 $0x1BFF;
	s21 =	sshll.u32 s6, $0x1;
	s3 =	sadd.s32 s4, s19  }
0x9c: {  	s7 =	simm.s32 $0x0;
	s20 =	sshll.u32 s5, $0x1;
	s5 =	sadd.s32 s21, s3  }
0x9d: {  	[timem:s7], [sflag:s22] =	dma.local [hbm:s5], s20  }
0x9e: {  	_ =	swait.ge [sflag:s22], s20  }
0x9f: {  	s4 =	ssub.s32 $0x0, s20;
	[sflag:s22] =	ssyncset.done $0x0  }
0xa0: {  	[sflag:s22] =	ssyncadd.s32 s4;
	_ =	sdelay $0x1  }
0xa1: {  	s23 =	simm.s32 $0x1B8B  }
0xa2: {  	_ =	swait.ge [sflag:s23], $0x1  }
0xa3: {  	[sflag:s23] =	ssyncset.done $0x0  }
0xa4: {  	s25 =	simm.s32 $0x1B8E;
	s24 =	sld [smem:$0x3FFE];
	[sflag:s23] =	ssyncadd.s32 $0xFFFFFFFF  }
0xa5: {  	s26 =	simm.s32 $execute0_lowered;
	[smem:$0x3FD2] =	sst s25  }
0xa6: {  	s5 =	sshll.u32 s26, $0x1;
	_ =	strace $0x8000004F;
	[dreg:$0x1] =	wrdreg $0xFFFFFFFF  }
0xa7: {  	s28 =	simm.s32 $_size_execute0_lowered;
	s3 =	sadd.s32 s3, s5;
	[dreg:$0x0] =	wrdreg $0x0  }
0xa8: {  	s5 =	sshll.u32 s28, $0x1;
	[dreg:$0x2] =	wrdreg s3  }
0xa9: {  	[dreg:$0x3] =	wrdreg s5  }
0xaa: {  	[dreg:$0x4] =	wrdreg $0xC0  }
0xab: {  	_ =	task [dreg:s7], $0x5FFFF  }
0xac: {  	[dreg:$0x1] =	wrdreg $0xFFFFFFFF  }
0xad: {  	[dreg:$0x0] =	wrdreg $0x60  }
0xae: {  	[dreg:$0x2] =	wrdreg s2  }
0xaf: {  	[dreg:$0x3] =	wrdreg s24  }
0xb0: {  	[dreg:$0x4] =	wrdreg $0xA8000  }
0xb1: {  	[dreg:$0x5] =	wrdreg $0x9  }
0xb2: {  	_ =	task.clear_ibuf [dreg:s7], $0x6FFFF;
	_ =	strace $0x9000004F  }
0xb3: {  	s29 =	simm.s32 $0x9;
	_ =	strace $0x80000051  }
0xb4: {  	_ =	swait.ge [sflag:s29], $0x1  }
0xb5: {  	[sflag:s29] =	ssyncadd.s32 $0xFFFFFFFF  }
0xb6: {  	_ =	strace $0x90000051  }
0xb7: {  	_ =	sfence  }
0xb8: {  	s30 =	sld [smem:$0x0];
	_ =	sdelay $0x2  }
0xb9: {  	s31 =	sshll.u32 s1, $0xD;
	s1 =	sshrl.u32 s1, $0x2  }
0xba: {  	s3 =	sand.u32 $0x4000, s31;
	s1 =	sadd.s32 s1, s30  }
0xbb: {  	s0 =	sor.u32 s3, s0;
	s1 =	sshll.u32 s1, $0x11  }
0xbc: {  	s0 =	sor.u32 s1, s0  }
0xbd: {  	s0 =	sadd.s32 $0x8F2B, s0  }
0xbe: {  	[sflag:s0] =	ssyncadd.remote.s32 $0x1  }
0xbf: {  	_ =	sfence.sel $0xFFFF  }
0xc0: {  	[dreg:$0x0] =	wrdreg $0xFFFFFFFF;
	(pc) =	sbr.abs _section_cstart, $3  }
0xc1: {  	[dreg:$0x1] =	wrdreg $0xFFFFFFFF  }
0xc2: {  	_ =	task.clear_ibuf [dreg:s7], $0x2FFFF;
	_ =	strace $0x9FFFFFFF  }
0xc3: {  	(tm) =	ssettm $0x7FFFFFFF  }
tec
execute0_lowered:
.L_overlay_start_1:
0x0: {  	(tag) =	ssettag $0x1  }
0x1: {  	s1 =	rddreg [dreg:$0x0]  }
0x2: {  	s5 =	rddreg [dreg:$0x1]  }
0x3: {  	s2 =	rddreg [dreg:$0x2]  }
0x4: {  	s0 =	rddreg [dreg:$0x3];
	s4 =	simm.s32 $0x0;
	s3 =	srdreg.scid  }
0x5: {  	s17 =	simm.s32 $0x2;
	s18 =	simm.s32 $0x4000;
	s19 =	simm.s32 $0x8000  }
0x6: {  	s20 =	simm.s32 $0x50;
	s21 =	simm.s32 $0x1;
	s24 =	simm.s32 $0x0  }
0x7: {  	[smem:$0x7FF] =	sst s4;
	s6 =	sand.u32 $0x1, s3;
	s3 =	stileid.u32  }
0x8: {  	s7 =	smul.u32 $0x140000, s6;
	s8 =	sshll.u32 s6, $0xF;
	s9 =	sshll.u32 s3, $0xB  }
0x9: {  	s10 =	smul.u32 $0x14000, s3;
	_ =	strace $0x80000050;
	s6 =	ssub.s32 $0x2, s6  }
0xa: {  	s29 =	smul.u32 $0x50000, s3;
	s22 =	sshll.u32 s3, $0x6;
	s8 =	sor.u32 s9, s8  }
0xb: {  	s30 =	sshrl.u32 s6, $0x1;
	s22 =	sor.u32 $0x1C02, s22;
	s7 =	sadd.s32 s10, s7  }
0xc: {  	s8 =	sadd.s32 s8, s5;
	s16 =	ssub.s32 s6, s30;
	s31 =	sshrl.u32 s29, $0x2  }
0xd: {  	s7 =	sshrl.u32 s7, $0x3;
	s6 =	sadd.s32 $0x65200, s8;
	s16 =	smax.u32 s16, $0x1  }
0xe: {  	s15 =	sadd.s32 s7, s5;
	s5 =	sadd.s32 $0x5200, s8;
	s7 =	sadd.s32 s31, s2  }
0xf: {  	s8 =	sadd.s32 $0x2800, s7;
	s9 =	sadd.s32 $0x5000, s7;
	s10 =	sadd.s32 $0x7800, s7  }
0x10: {  	s11 =	sadd.s32 $0xA000, s7;
	s12 =	sadd.s32 $0xC800, s7;
	s13 =	sadd.s32 $0xF000, s7  }
0x11: {  	v0 =	vimm.f32 $0.0e+00;
	s14 =	sadd.s32 $0x11800, s7;
	s15 =	sadd.s32 $0x75200, s15;
	s23 =	sshrl.u32 s7, $0x3  }
.LBB2_1:
0x12: {  	[tilespmem:s4], [sflag:$0x2] =	stream.linear.gather [hbm4b:s5+s4], $0x3E80, $0x38;
	[tilespmem:$0x1E800] =	vst v63  }
0x13: {  	_ =	swait.ge [sflag:s17], $0x3E80  }
0x14: {  	[sflag:s17] =	ssyncset.done $0x0  }
0x15: {  	[sflag:s17] =	ssyncadd.s32 $0xFFFFC180  }
0x16: {  	[tilespmem:s18], [sflag:$0x2] =	stream.linear.gather [hbm4b:s6+s4], $0x3E80, $0x38;
	[tilespmem:$0x1E800] =	vst v63  }
0x17: {  	_ =	swait.ge [sflag:s17], $0x3E80  }
0x18: {  	[sflag:s17] =	ssyncset.done $0x0  }
0x19: {  	s25 =	simm.s32 $0x0;
	s26 =	simm.s32 $0x200;
	[sflag:s17] =	ssyncadd.s32 $0xFFFFC180  }
.LBB2_2:
0x1a: {  	p0 =	sne.s32 s26, $0x9E00;
	[tilespmem:s25+$0x8070] =	vst v0  }
0x1b: {  	[tilespmem:s25+$0x8000] =	vst v0  }
0x1c: {  	[tilespmem:s25+$0x8010] =	vst v0  }
.Ltmp0:
0x1d: {  	[tilespmem:s25+$0x8020] =	vst v0;
	(pc) =	sbr.rel @p0 .LBB2_2-.Ltmp0, $4  }
0x1e: {  	[tilespmem:s25+$0x8030] =	vst v0  }
0x1f: {  	[tilespmem:s25+$0x8040] =	vst v0  }
0x20: {  	[tilespmem:s25+$0x8050] =	vst v0  }
0x21: {  	[tilespmem:s25+$0x8060] =	vst v0;
	s25 =	sshra.s32 s26, $0x2;
	s26 =	sadd.s32 $0x200, s26  }
0x22: {  	[tilespmem:s25+$0x8070] =	vst v0  }
0x23: {  	[tilespmem:s25+$0x8000] =	vst v0  }
0x24: {  	[tilespmem:s25+$0x8010] =	vst v0  }
0x25: {  	[tilespmem:s25+$0x8020] =	vst v0  }
0x26: {  	[tilespmem:s25+$0x8030] =	vst v0  }
0x27: {  	[tilespmem:s25+$0x8040] =	vst v0  }
0x28: {  	[tilespmem:s25+$0x8050] =	vst v0  }
0x29: {  	[tilespmem:s25+$0x8060] =	vst v0  }
0x2a: {  	[spmem:s7] =	stream.linear.scatter [tilespmem:s19], [sflag:$0x2], $0x2800, $0x38;
	[tilespmem:$0x1E800] =	vst v63  }
0x2b: {  	_ =	swait.ge [sflag:s17], $0x2800  }
0x2c: {  	[sflag:s17] =	ssyncset.done $0x0  }
0x2d: {  	[sflag:s17] =	ssyncadd.s32 $0xFFFFD800  }
0x2e: {  	[spmem:s8] =	stream.linear.scatter [tilespmem:s19], [sflag:$0x2], $0x2800, $0x38;
	[tilespmem:$0x1E800] =	vst v63  }
0x2f: {  	_ =	swait.ge [sflag:s17], $0x2800  }
0x30: {  	[sflag:s17] =	ssyncset.done $0x0  }
0x31: {  	[sflag:s17] =	ssyncadd.s32 $0xFFFFD800  }
0x32: {  	[spmem:s9] =	stream.linear.scatter [tilespmem:s19], [sflag:$0x2], $0x2800, $0x38;
	[tilespmem:$0x1E800] =	vst v63  }
0x33: {  	_ =	swait.ge [sflag:s17], $0x2800  }
0x34: {  	[sflag:s17] =	ssyncset.done $0x0  }
0x35: {  	[sflag:s17] =	ssyncadd.s32 $0xFFFFD800  }
0x36: {  	[spmem:s10] =	stream.linear.scatter [tilespmem:s19], [sflag:$0x2], $0x2800, $0x38;
	[tilespmem:$0x1E800] =	vst v63  }
0x37: {  	_ =	swait.ge [sflag:s17], $0x2800  }
0x38: {  	[sflag:s17] =	ssyncset.done $0x0  }
0x39: {  	[sflag:s17] =	ssyncadd.s32 $0xFFFFD800  }
0x3a: {  	[spmem:s11] =	stream.linear.scatter [tilespmem:s19], [sflag:$0x2], $0x2800, $0x38;
	[tilespmem:$0x1E800] =	vst v63  }
0x3b: {  	_ =	swait.ge [sflag:s17], $0x2800  }
0x3c: {  	[sflag:s17] =	ssyncset.done $0x0  }
0x3d: {  	[sflag:s17] =	ssyncadd.s32 $0xFFFFD800  }
0x3e: {  	[spmem:s12] =	stream.linear.scatter [tilespmem:s19], [sflag:$0x2], $0x2800, $0x38;
	[tilespmem:$0x1E800] =	vst v63  }
0x3f: {  	_ =	swait.ge [sflag:s17], $0x2800  }
0x40: {  	[sflag:s17] =	ssyncset.done $0x0  }
0x41: {  	[sflag:s17] =	ssyncadd.s32 $0xFFFFD800  }
0x42: {  	[spmem:s13] =	stream.linear.scatter [tilespmem:s19], [sflag:$0x2], $0x2800, $0x38;
	[tilespmem:$0x1E800] =	vst v63  }
0x43: {  	_ =	swait.ge [sflag:s17], $0x2800  }
0x44: {  	[sflag:s17] =	ssyncset.done $0x0  }
0x45: {  	[sflag:s17] =	ssyncadd.s32 $0xFFFFD800  }
0x46: {  	[spmem:s14] =	stream.linear.scatter [tilespmem:s19], [sflag:$0x2], $0x2800, $0x38;
	[tilespmem:$0x1E800] =	vst v63  }
0x47: {  	_ =	swait.ge [sflag:s17], $0x2800  }
0x48: {  	[sflag:s17] =	ssyncset.done $0x0  }
0x49: {  	[sflag:s17] =	ssyncadd.s32 $0xFFFFD800  }
0x4a: {  	s30 =	simm.s32 $0x0;
	[bflag:$0x0] =	sbarrier.arrive $0xFFFF  }
0x4b: {  	[tilespmem:s19], [sflag:$0x1] =	stream.indirect.gather [hbm4b:s1+s20], $0x80, s30, s20, $0xb8;
	[tilespmem:$0x1E800] =	vst v63  }
0x4c: {  	_ =	swait.ge [sflag:s21], $0x2800  }
0x4d: {  	[sflag:s21] =	ssyncset.done $0x0  }
0x4e: {  	s31 =	simm.s32 $0x4000;
	[sflag:s21] =	ssyncadd.s32 $0xFFFFD800  }
0x4f: {  	[spmem:s2] =	stream.indirect.scatter.add.f32 [tilespmem:s19], [sflag:$0x2], $0x80, s31, s20, $0xb8;
	[tilespmem:$0x1E800] =	vst v63  }
0x50: {  	_ =	swait.ge [sflag:s17], $0x2800  }
0x51: {  	s25 =	simm.s32 $0x200;
	s26 =	simm.s32 $0x400;
	[sflag:s17] =	ssyncset.done $0x0  }
.LBB2_4:
0x52: {  	s28 =	sshra.s32 s25, $0x2  }
0x53: {  	[sflag:s17] =	ssyncadd.s32 $0xFFFFD800;
	s25 =	smov.u32 s26;
	s29 =	sadd.s32 $0x200, s26  }
0x54: {  	[tilespmem:s19], [sflag:$0x1] =	stream.indirect.gather [hbm4b:s1+s20], $0x80, s28, s20, $0xb8;
	[tilespmem:$0x1E800] =	vst v63  }
0x55: {  	p0 =	sne.s32 s26, $0xF800;
	_ =	swait.ge [sflag:s21], $0x2800  }
.Ltmp1:
0x56: {  	[sflag:s21] =	ssyncset.done $0x0;
	(pc) =	sbr.rel @p0 .LBB2_4-.Ltmp1, $4  }
0x57: {  	s26 =	sadd.s32 $0x4000, s28;
	[sflag:s21] =	ssyncadd.s32 $0xFFFFD800  }
0x58: {  	[spmem:s2] =	stream.indirect.scatter.add.f32 [tilespmem:s19], [sflag:$0x2], $0x80, s26, s20, $0xb8;
	[tilespmem:$0x1E800] =	vst v63  }
0x59: {  	_ =	swait.ge [sflag:s17], $0x2800  }
0x5a: {  	s26 =	smov.u32 s29;
	[sflag:s17] =	ssyncset.done $0x0  }
0x5b: {  	s25 =	sshra.s32 s25, $0x2;
	[sflag:s17] =	ssyncadd.s32 $0xFFFFD800  }
0x5c: {  	[tilespmem:s19], [sflag:$0x1] =	stream.indirect.gather [hbm4b:s1+s20], $0x80, s25, s20, $0xb8;
	[tilespmem:$0x1E800] =	vst v63  }
0x5d: {  	_ =	swait.ge [sflag:s21], $0x2800  }
0x5e: {  	[sflag:s21] =	ssyncset.done $0x0  }
0x5f: {  	s25 =	sadd.s32 $0x4000, s25;
	[sflag:s21] =	ssyncadd.s32 $0xFFFFD800  }
0x60: {  	[spmem:s2] =	stream.indirect.scatter.add.f32 [tilespmem:s19], [sflag:$0x2], $0x80, s25, s20, $0xb8;
	[tilespmem:$0x1E800] =	vst v63  }
0x61: {  	_ =	swait.ge [sflag:s17], $0x2800  }
0x62: {  	s24 =	sadd.s32 $0x1, s24;
	[sflag:s17] =	ssyncset.done $0x0  }
0x63: {  	p0 =	sne.s32 s24, s16;
	[sflag:s17] =	ssyncadd.s32 $0xFFFFD800  }
.Ltmp2:
0x64: {  	[bflag:$0x0] =	sbarrier.arrive $0xFFFF;
	(pc) =	sbr.rel @p0 .LBB2_1-.Ltmp2, $4  }
0x65: {  	[hbm:s15], [sflag:s22] =	dma.local [spmem:s23], $0x2800  }
0x66: {  	_ =	swait.ge [sflag:s17], $0x2800  }
0x67: {  	[sflag:s17] =	ssyncset.done $0x0  }
0x68: {  	[sflag:s17] =	ssyncadd.s32 $0xFFFFD800  }
0x69: {  	_ =	sfence.sel $0x180000  }
0x6a: {  	[bflag:$0x0] =	sbarrier.arrive $0xFFFF  }
0x6b: {  	p0 =	sne.s32 s3, $0x0;
	_ =	strace $0x90000050  }
0x6c: {  	s0 =	sadd.s32 @!p0 $0x100000, s0;
	[bflag:$0x2] =	sbarrier.arrive $0xFFFF  }
0x6d: {  	[sflag:s0] =	ssyncadd.tile.s32 @!p0 $0x1;
	_ =	shalt  }
.Lfunc_end2:
_tile_overlayer_lowered:
.L_overlay_start_2:
0x6e: {  	(tag) =	ssettag $0x2  }
0x6f: {  	s0 =	rddreg [dreg:$0x0];
	s2 =	stileid.u32  }
0x70: {  	s1 =	rddreg [dreg:$0x1];
	p0 =	sne.s32 s2, $0x0  }
0x71: {  	s3 =	rddreg [dreg:$0x2];
	[bflag:$0x3] =	sbarrier.arrive $0xFFFF;
	s2 =	simm.s32 @!p0 $0x1C02  }
0x72: {  	[timem:s3], [sflag:s2] =	dma.local @!p0 [hbm:s0], s1  }
0x73: {  	s0 =	simm.s32 @!p0 $0x2  }
0x74: {  	_ =	swait.ge @!p0 [sflag:s0], s1  }
0x75: {  	s1 =	ssub.s32 @!p0 $0x0, s1;
	[sflag:s0] =	ssyncset.done @!p0 $0x0  }
0x76: {  	[sflag:s0] =	ssyncadd.s32 @!p0 s1  }
0x77: {  	[bflag:$0x3] =	sbarrier.arrive $0xFFFF  }
0x78: {  	_ =	shalt  }

// kernel: kernel.28.cloned.1.call-start
scs
__scs_entry_jumppad:
0x0: {  	(pc) =	sbr.rel $0x88, $3  }
0x1: {  	(tag) =	ssettag $0x0;
	lr =	simm.s32 $0x1  }
0x2: {  	[smem:$0x3F99] =	sst lr;
	_ =	strace $0xD0000000  }
0x3: {  	_ = 	snop  }
0x4: {  	_ = 	snop  }
0x5: {  	_ = 	snop  }
0x6: {  	_ = 	snop  }
0x7: {  	_ = 	snop  }
__scs_overlays_trampoline_lowered:
0x8: {  	[smem:$0x3FA8] =	sst s0  }
0x9: {  	[smem:$0x3FA9] =	sst s1  }
0xa: {  	[smem:$0x3FAA] =	sst s2  }
0xb: {  	[smem:$0x3FAB] =	sst s3  }
0xc: {  	[smem:$0x3FAC] =	sst s4  }
0xd: {  	[smem:$0x3FAD] =	sst s5  }
0xe: {  	[smem:$0x3FAE] =	sst s6  }
0xf: {  	[smem:$0x3FAF] =	sst s7  }
0x10: {  	[smem:$0x3FB0] =	sst s8  }
0x11: {  	[smem:$0x3FB1] =	sst s9;
	s0 =	simm.s32 @!p0 $0x0  }
0x12: {  	s1 =	sld [smem:$0x3F97];
	s0 =	simm.s32 @p0 $0x1  }
0x13: {  	[smem:$0x3FB2] =	sst s0;
	s0 =	simm.s32 @!p1 $0x0  }
0x14: {  	s2 =	sld [smem:$0x3F96];
	s0 =	simm.s32 @p1 $0x1  }
0x15: {  	[smem:$0x3FB3] =	sst s0;
	s0 =	simm.s32 @!p2 $0x0  }
0x16: {  	s3 =	sld [smem:$0x3FDB];
	s0 =	simm.s32 @p2 $0x1  }
0x17: {  	s4 =	simm.s32 $0x1BF5;
	[smem:$0x3FB5] =	sst s0  }
0x18: {  	s0 =	sld [smem:$0x3F98];
	_ =	swait.ge [sflag:s4], $0x0  }
0x19: {  	s7 =	sld [smem:$0x3F99]  }
0x1a: {  	s8 =	sadd.s32 $0xFFFFE003, lr  }
0x1b: {  	s9 =	sadd.s32 $0xFFFFFEF7, lr;
	s5 =	simm.s32 $0xFFFFFFFF;
	p2 =	slt.u32 s8, $0xFFFFF086  }
0x1c: {  	p1 =	slt.u32 s9, $0xF7A;
	s5 =	simm.s32 @!p2 $0x0  }
0x1d: {  	s5 =	simm.s32 @p1 $0x1;
	p0 =	seq.s32 s7, s2  }
0x1e: {  	s7 =	smul.u32 @!p0 $0xF7A, s2;
	p2 =	seq.s32 @!p0 s5, $0x0  }
0x1f: {  	s9 =	smul.u32 $0xF7A, s1;
	s8 =	simm.s32 @!p0 $0x1BF5;
	p2 =	por !p2, p0  }
0x20: {  	[sflag:s8] =	ssyncset.s32 @!p0 $0xFFFFF086;
	s6 =	sadd.s32 @!p0 s3, s7;
	s7 =	simm.s32 @!p0 $0x108  }
0x21: {  	s3 =	sadd.s32 s3, s9;
	s6 =	sadd.s32 @!p0 $0x88, s6;
	s7 =	simm.s32 @p2 $0x1082  }
0x22: {  	[simem:s7], [sflag:s8] =	dma.local @!p0 [hbm:s6], $0xF7A  }
0x23: {  	s9 =	sor.u32 $0xD0000000, s2;
	s6 =	simm.s32 $0x108;
	_ =	swait.ge @!p0 [sflag:s8], $0x0  }
0x24: {  	s3 =	sadd.s32 $0x88, s3;
	s6 =	simm.s32 @!p1 $0x1082;
	[sflag:s4] =	ssyncset.s32 $0xFFFFF086  }
0x25: {  	[simem:s6], [sflag:s4] =	dma.local [hbm:s3], $0xF7A  }
0x26: {  	[smem:$0x3F99] =	sst s1;
	(tag) =	ssettag s2;
	_ =	strace s9  }
0x27: {  	s1 =	sld [smem:$0x3FA9]  }
0x28: {  	s2 =	sld [smem:$0x3FAA]  }
0x29: {  	s4 =	sld [smem:$0x3FAC]  }
0x2a: {  	p0 =	seq.s32 s5, $0x0;
	s5 =	sld [smem:$0x3FAD]  }
0x2b: {  	s6 =	sld [smem:$0x3FAE]  }
0x2c: {  	s7 =	sld [smem:$0x3FAF]  }
0x2d: {  	s3 =	simm.s32 $0x108;
	s8 =	sld [smem:$0x3FB0]  }
0x2e: {  	s3 =	simm.s32 @!p0 $0x1082;
	s9 =	sld [smem:$0x3FB1]  }
0x2f: {  	lr =	sadd.s32 s0, s3;
	s0 =	sld [smem:$0x3FA8]  }
0x30: {  	s3 =	sld [smem:$0x3FAB]  }
0x31: {  	[smem:$0x3FB4] =	sst s10  }
0x32: {  	s10 =	sld [smem:$0x3FB2];
	_ =	sdelay $0x3  }
0x33: {  	p0 =	seq.s32 s10, $0x1;
	s10 =	sld [smem:$0x3FB4];
	_ =	sdelay $0x3  }
0x34: {  	[smem:$0x3FB4] =	sst s10  }
0x35: {  	s10 =	sld [smem:$0x3FB3];
	_ =	sdelay $0x3  }
0x36: {  	p1 =	seq.s32 s10, $0x1;
	s10 =	sld [smem:$0x3FB4];
	_ =	sdelay $0x3  }
0x37: {  	[smem:$0x3FB4] =	sst s10  }
0x38: {  	s10 =	sld [smem:$0x3FB5]  }
0x39: {  	_ = 	snop;
	(pc) =	sbr.ind lr, $3  }
0x3a: {  	_ = 	snop  }
0x3b: {  	_ = 	snop  }
0x3c: {  	p2 =	seq.s32 s10, $0x1;
	s10 =	sld [smem:$0x3FB4]  }
0x3d: {  	_ =	shalt  }
0x3e: {  	_ =	shalt  }
0x3f: {  	_ =	shalt  }
0x40: {  	_ =	shalt  }
0x41: {  	_ =	shalt  }
0x42: {  	_ =	shalt  }
0x43: {  	_ =	shalt  }
0x44: {  	_ =	shalt  }
0x45: {  	_ =	shalt  }
0x46: {  	_ =	shalt  }
0x47: {  	_ =	shalt  }
0x48: {  	_ =	shalt  }
0x49: {  	_ =	shalt  }
0x4a: {  	_ =	shalt  }
0x4b: {  	_ =	shalt  }
0x4c: {  	_ =	shalt  }
0x4d: {  	_ =	shalt  }
0x4e: {  	_ =	shalt  }
0x4f: {  	_ =	shalt  }
0x50: {  	_ =	shalt  }
0x51: {  	_ =	shalt  }
0x52: {  	_ =	shalt  }
0x53: {  	_ =	shalt  }
0x54: {  	_ =	shalt  }
0x55: {  	_ =	shalt  }
0x56: {  	_ =	shalt  }
0x57: {  	_ =	shalt  }
0x58: {  	_ =	shalt  }
0x59: {  	_ =	shalt  }
0x5a: {  	_ =	shalt  }
0x5b: {  	_ =	shalt  }
0x5c: {  	_ =	shalt  }
0x5d: {  	_ =	shalt  }
0x5e: {  	_ =	shalt  }
0x5f: {  	_ =	shalt  }
0x60: {  	_ =	shalt  }
0x61: {  	_ =	shalt  }
0x62: {  	_ =	shalt  }
0x63: {  	_ =	shalt  }
0x64: {  	_ =	shalt  }
0x65: {  	_ =	shalt  }
0x66: {  	_ =	shalt  }
0x67: {  	_ =	shalt  }
0x68: {  	_ =	shalt  }
0x69: {  	_ =	shalt  }
0x6a: {  	_ =	shalt  }
0x6b: {  	_ =	shalt  }
0x6c: {  	_ =	shalt  }
0x6d: {  	_ =	shalt  }
0x6e: {  	_ =	shalt  }
0x6f: {  	_ =	shalt  }
0x70: {  	_ =	shalt  }
0x71: {  	_ =	shalt  }
0x72: {  	_ =	shalt  }
0x73: {  	_ =	shalt  }
0x74: {  	_ =	shalt  }
0x75: {  	_ =	shalt  }
0x76: {  	_ =	shalt  }
0x77: {  	_ =	shalt  }
0x78: {  	_ =	shalt  }
0x79: {  	_ =	shalt  }
0x7a: {  	_ =	shalt  }
0x7b: {  	_ =	shalt  }
0x7c: {  	_ =	shalt  }
0x7d: {  	_ =	shalt  }
0x7e: {  	_ =	shalt  }
0x7f: {  	_ =	shalt  }
0x80: {  	_ =	shalt  }
0x81: {  	_ =	shalt  }
0x82: {  	_ =	shalt  }
0x83: {  	_ =	shalt  }
0x84: {  	_ =	shalt  }
0x85: {  	_ =	shalt  }
0x86: {  	_ =	shalt  }
0x87: {  	_ =	shalt  }
.Lfunc_end0:
.L_simem_size_0:
called_computation.4_lowered:
.L_overlay_start_0:
0x88: {  	s2 =	sld [smem:$0x3FD9]  }
0x89: {  	s3 =	sld [smem:$0x3FFE];
	_ =	sdelay $0x1  }
0x8a: {  	s1 =	srdreg.scid  }
0x8b: {  	s0 =	sand.u32 $0x1, s1  }
0x8c: {  	s17 =	sshll.u32 s0, $0xA;
	s2 =	sadd.s32 s3, s2  }
0x8d: {  	s2 =	sadd.s32 s2, s17  }
0x8e: {  	[smem:$0x3FC0] =	sst s2  }
0x8f: {  	_ = 	snop  }
0x90: {  	s2 =	sld [smem:$0x3FD0];
	(tm) =	ssettm $0x1  }
0x91: {  	s18 =	sld [smem:$0x3FFB];
	_ =	sdelay $0x3  }
0x92: {  	_ =	strace s18  }
0x93: {  	s3 =	sld [smem:$0x3FFC];
	_ =	sdelay $0x3  }
0x94: {  	_ =	strace s3  }
0x95: {  	s3 =	sld [smem:$0x3FFD];
	_ =	sdelay $0x3  }
0x96: {  	_ =	strace s3  }
0x97: {  	_ =	strace $0x8FFFFFFF  }
0x98: {  	s19 =	sld [smem:$0x3FDB];
	_ =	sdelay $0x1  }
0x99: {  	s4 =	simm.s32 $_scs_section_size  }
0x9a: {  	s5 =	simm.s32 $_size__tile_overlayer_lowered;
	s6 =	simm.s32 $_tile_overlayer_lowered  }
0x9b: {  	s22 =	simm.s32 $0x1BFF;
	s21 =	sshll.u32 s6, $0x1;
	s3 =	sadd.s32 s4, s19  }
0x9c: {  	s7 =	simm.s32 $0x0;
	s20 =	sshll.u32 s5, $0x1;
	s5 =	sadd.s32 s21, s3  }
0x9d: {  	[timem:s7], [sflag:s22] =	dma.local [hbm:s5], s20  }
0x9e: {  	_ =	swait.ge [sflag:s22], s20  }
0x9f: {  	s4 =	ssub.s32 $0x0, s20;
	[sflag:s22] =	ssyncset.done $0x0  }
0xa0: {  	[sflag:s22] =	ssyncadd.s32 s4;
	_ =	sdelay $0x1  }
0xa1: {  	s23 =	simm.s32 $0x1B8B  }
0xa2: {  	_ =	swait.ge [sflag:s23], $0x1  }
0xa3: {  	[sflag:s23] =	ssyncset.done $0x0  }
0xa4: {  	s25 =	simm.s32 $0x1B8E;
	s24 =	sld [smem:$0x3FFE];
	[sflag:s23] =	ssyncadd.s32 $0xFFFFFFFF  }
0xa5: {  	s26 =	simm.s32 $execute0_lowered;
	[smem:$0x3FD2] =	sst s25  }
0xa6: {  	s5 =	sshll.u32 s26, $0x1;
	_ =	strace $0x80000052;
	[dreg:$0x1] =	wrdreg $0xFFFFFFFF  }
0xa7: {  	s28 =	simm.s32 $_size_execute0_lowered;
	s3 =	sadd.s32 s3, s5;
	[dreg:$0x0] =	wrdreg $0x0  }
0xa8: {  	s5 =	sshll.u32 s28, $0x1;
	[dreg:$0x2] =	wrdreg s3  }
0xa9: {  	[dreg:$0x3] =	wrdreg s5  }
0xaa: {  	[dreg:$0x4] =	wrdreg $0xC0  }
0xab: {  	_ =	task [dreg:s7], $0x5FFFF  }
0xac: {  	[dreg:$0x1] =	wrdreg $0xFFFFFFFF  }
0xad: {  	[dreg:$0x0] =	wrdreg $0x60  }
0xae: {  	[dreg:$0x2] =	wrdreg s2  }
0xaf: {  	[dreg:$0x3] =	wrdreg s24  }
0xb0: {  	[dreg:$0x4] =	wrdreg $0xA8000  }
0xb1: {  	[dreg:$0x5] =	wrdreg $0x9  }
0xb2: {  	_ =	task.clear_ibuf [dreg:s7], $0x6FFFF;
	_ =	strace $0x90000052  }
0xb3: {  	s29 =	simm.s32 $0x9;
	_ =	strace $0x80000054  }
0xb4: {  	_ =	swait.ge [sflag:s29], $0x1  }
0xb5: {  	[sflag:s29] =	ssyncadd.s32 $0xFFFFFFFF  }
0xb6: {  	_ =	strace $0x90000054  }
0xb7: {  	_ =	sfence  }
0xb8: {  	s30 =	sld [smem:$0x0];
	_ =	sdelay $0x2  }
0xb9: {  	s31 =	sshll.u32 s1, $0xD;
	s1 =	sshrl.u32 s1, $0x2  }
0xba: {  	s3 =	sand.u32 $0x4000, s31;
	s1 =	sadd.s32 s1, s30  }
0xbb: {  	s0 =	sor.u32 s3, s0;
	s1 =	sshll.u32 s1, $0x11  }
0xbc: {  	s0 =	sor.u32 s1, s0  }
0xbd: {  	s0 =	sadd.s32 $0x8F2B, s0  }
0xbe: {  	[sflag:s0] =	ssyncadd.remote.s32 $0x1  }
0xbf: {  	_ =	sfence.sel $0xFFFF  }
0xc0: {  	[dreg:$0x0] =	wrdreg $0xFFFFFFFF;
	(pc) =	sbr.abs _section_cstart, $3  }
0xc1: {  	[dreg:$0x1] =	wrdreg $0xFFFFFFFF  }
0xc2: {  	_ =	task.clear_ibuf [dreg:s7], $0x2FFFF;
	_ =	strace $0x9FFFFFFF  }
0xc3: {  	(tm) =	ssettm $0x7FFFFFFF  }
tec
execute0_lowered:
.L_overlay_start_1:
0x0: {  	(tag) =	ssettag $0x1  }
0x1: {  	s1 =	rddreg [dreg:$0x0]  }
0x2: {  	s5 =	rddreg [dreg:$0x1]  }
0x3: {  	s2 =	rddreg [dreg:$0x2]  }
0x4: {  	s0 =	rddreg [dreg:$0x3];
	s4 =	simm.s32 $0x0;
	s3 =	srdreg.scid  }
0x5: {  	s17 =	simm.s32 $0x2;
	s18 =	simm.s32 $0x4000;
	s19 =	simm.s32 $0x8000  }
0x6: {  	s20 =	simm.s32 $0x50;
	s21 =	simm.s32 $0x1;
	s24 =	simm.s32 $0x0  }
0x7: {  	[smem:$0x7FF] =	sst s4;
	s6 =	sand.u32 $0x1, s3;
	s3 =	stileid.u32  }
0x8: {  	s7 =	smul.u32 $0x140000, s6;
	s8 =	sshll.u32 s6, $0xF;
	s9 =	sshll.u32 s3, $0xB  }
0x9: {  	s10 =	smul.u32 $0x14000, s3;
	_ =	strace $0x80000053;
	s6 =	ssub.s32 $0x2, s6  }
0xa: {  	s29 =	smul.u32 $0x50000, s3;
	s22 =	sshll.u32 s3, $0x6;
	s8 =	sor.u32 s9, s8  }
0xb: {  	s30 =	sshrl.u32 s6, $0x1;
	s22 =	sor.u32 $0x1C02, s22;
	s7 =	sadd.s32 s10, s7  }
0xc: {  	s8 =	sadd.s32 s8, s5;
	s16 =	ssub.s32 s6, s30;
	s31 =	sshrl.u32 s29, $0x2  }
0xd: {  	s7 =	sshrl.u32 s7, $0x3;
	s6 =	sadd.s32 $0x65200, s8;
	s16 =	smax.u32 s16, $0x1  }
0xe: {  	s15 =	sadd.s32 s7, s5;
	s5 =	sadd.s32 $0x5200, s8;
	s7 =	sadd.s32 s31, s2  }
0xf: {  	s8 =	sadd.s32 $0x2800, s7;
	s9 =	sadd.s32 $0x5000, s7;
	s10 =	sadd.s32 $0x7800, s7  }
0x10: {  	s11 =	sadd.s32 $0xA000, s7;
	s12 =	sadd.s32 $0xC800, s7;
	s13 =	sadd.s32 $0xF000, s7  }
0x11: {  	v0 =	vimm.f32 $0.0e+00;
	s14 =	sadd.s32 $0x11800, s7;
	s15 =	sadd.s32 $0x75200, s15;
	s23 =	sshrl.u32 s7, $0x3  }
.LBB2_1:
0x12: {  	[tilespmem:s4], [sflag:$0x2] =	stream.linear.gather [hbm4b:s5+s4], $0x3E80, $0x38;
	[tilespmem:$0x1E800] =	vst v63  }
0x13: {  	_ =	swait.ge [sflag:s17], $0x3E80  }
0x14: {  	[sflag:s17] =	ssyncset.done $0x0  }
0x15: {  	[sflag:s17] =	ssyncadd.s32 $0xFFFFC180  }
0x16: {  	[tilespmem:s18], [sflag:$0x2] =	stream.linear.gather [hbm4b:s6+s4], $0x3E80, $0x38;
	[tilespmem:$0x1E800] =	vst v63  }
0x17: {  	_ =	swait.ge [sflag:s17], $0x3E80  }
0x18: {  	[sflag:s17] =	ssyncset.done $0x0  }
0x19: {  	s25 =	simm.s32 $0x0;
	s26 =	simm.s32 $0x200;
	[sflag:s17] =	ssyncadd.s32 $0xFFFFC180  }
.LBB2_2:
0x1a: {  	p0 =	sne.s32 s26, $0x9E00;
	[tilespmem:s25+$0x8070] =	vst v0  }
0x1b: {  	[tilespmem:s25+$0x8000] =	vst v0  }
0x1c: {  	[tilespmem:s25+$0x8010] =	vst v0  }
.Ltmp0:
0x1d: {  	[tilespmem:s25+$0x8020] =	vst v0;
	(pc) =	sbr.rel @p0 .LBB2_2-.Ltmp0, $4  }
0x1e: {  	[tilespmem:s25+$0x8030] =	vst v0  }
0x1f: {  	[tilespmem:s25+$0x8040] =	vst v0  }
0x20: {  	[tilespmem:s25+$0x8050] =	vst v0  }
0x21: {  	[tilespmem:s25+$0x8060] =	vst v0;
	s25 =	sshra.s32 s26, $0x2;
	s26 =	sadd.s32 $0x200, s26  }
0x22: {  	[tilespmem:s25+$0x8070] =	vst v0  }
0x23: {  	[tilespmem:s25+$0x8000] =	vst v0  }
0x24: {  	[tilespmem:s25+$0x8010] =	vst v0  }
0x25: {  	[tilespmem:s25+$0x8020] =	vst v0  }
0x26: {  	[tilespmem:s25+$0x8030] =	vst v0  }
0x27: {  	[tilespmem:s25+$0x8040] =	vst v0  }
0x28: {  	[tilespmem:s25+$0x8050] =	vst v0  }
0x29: {  	[tilespmem:s25+$0x8060] =	vst v0  }
0x2a: {  	[spmem:s7] =	stream.linear.scatter [tilespmem:s19], [sflag:$0x2], $0x2800, $0x38;
	[tilespmem:$0x1E800] =	vst v63  }
0x2b: {  	_ =	swait.ge [sflag:s17], $0x2800  }
0x2c: {  	[sflag:s17] =	ssyncset.done $0x0  }
0x2d: {  	[sflag:s17] =	ssyncadd.s32 $0xFFFFD800  }
0x2e: {  	[spmem:s8] =	stream.linear.scatter [tilespmem:s19], [sflag:$0x2], $0x2800, $0x38;
	[tilespmem:$0x1E800] =	vst v63  }
0x2f: {  	_ =	swait.ge [sflag:s17], $0x2800  }
0x30: {  	[sflag:s17] =	ssyncset.done $0x0  }
0x31: {  	[sflag:s17] =	ssyncadd.s32 $0xFFFFD800  }
0x32: {  	[spmem:s9] =	stream.linear.scatter [tilespmem:s19], [sflag:$0x2], $0x2800, $0x38;
	[tilespmem:$0x1E800] =	vst v63  }
0x33: {  	_ =	swait.ge [sflag:s17], $0x2800  }
0x34: {  	[sflag:s17] =	ssyncset.done $0x0  }
0x35: {  	[sflag:s17] =	ssyncadd.s32 $0xFFFFD800  }
0x36: {  	[spmem:s10] =	stream.linear.scatter [tilespmem:s19], [sflag:$0x2], $0x2800, $0x38;
	[tilespmem:$0x1E800] =	vst v63  }
0x37: {  	_ =	swait.ge [sflag:s17], $0x2800  }
0x38: {  	[sflag:s17] =	ssyncset.done $0x0  }
0x39: {  	[sflag:s17] =	ssyncadd.s32 $0xFFFFD800  }
0x3a: {  	[spmem:s11] =	stream.linear.scatter [tilespmem:s19], [sflag:$0x2], $0x2800, $0x38;
	[tilespmem:$0x1E800] =	vst v63  }
0x3b: {  	_ =	swait.ge [sflag:s17], $0x2800  }
0x3c: {  	[sflag:s17] =	ssyncset.done $0x0  }
0x3d: {  	[sflag:s17] =	ssyncadd.s32 $0xFFFFD800  }
0x3e: {  	[spmem:s12] =	stream.linear.scatter [tilespmem:s19], [sflag:$0x2], $0x2800, $0x38;
	[tilespmem:$0x1E800] =	vst v63  }
0x3f: {  	_ =	swait.ge [sflag:s17], $0x2800  }
0x40: {  	[sflag:s17] =	ssyncset.done $0x0  }
0x41: {  	[sflag:s17] =	ssyncadd.s32 $0xFFFFD800  }
0x42: {  	[spmem:s13] =	stream.linear.scatter [tilespmem:s19], [sflag:$0x2], $0x2800, $0x38;
	[tilespmem:$0x1E800] =	vst v63  }
0x43: {  	_ =	swait.ge [sflag:s17], $0x2800  }
0x44: {  	[sflag:s17] =	ssyncset.done $0x0  }
0x45: {  	[sflag:s17] =	ssyncadd.s32 $0xFFFFD800  }
0x46: {  	[spmem:s14] =	stream.linear.scatter [tilespmem:s19], [sflag:$0x2], $0x2800, $0x38;
	[tilespmem:$0x1E800] =	vst v63  }
0x47: {  	_ =	swait.ge [sflag:s17], $0x2800  }
0x48: {  	[sflag:s17] =	ssyncset.done $0x0  }
0x49: {  	[sflag:s17] =	ssyncadd.s32 $0xFFFFD800  }
0x4a: {  	s30 =	simm.s32 $0x0;
	[bflag:$0x0] =	sbarrier.arrive $0xFFFF  }
0x4b: {  	[tilespmem:s19], [sflag:$0x1] =	stream.indirect.gather [hbm4b:s1+s20], $0x80, s30, s20, $0xb8;
	[tilespmem:$0x1E800] =	vst v63  }
0x4c: {  	_ =	swait.ge [sflag:s21], $0x2800  }
0x4d: {  	[sflag:s21] =	ssyncset.done $0x0  }
0x4e: {  	s31 =	simm.s32 $0x4000;
	[sflag:s21] =	ssyncadd.s32 $0xFFFFD800  }
0x4f: {  	[spmem:s2] =	stream.indirect.scatter.add.f32 [tilespmem:s19], [sflag:$0x2], $0x80, s31, s20, $0xb8;
	[tilespmem:$0x1E800] =	vst v63  }
0x50: {  	_ =	swait.ge [sflag:s17], $0x2800  }
0x51: {  	s25 =	simm.s32 $0x200;
	s26 =	simm.s32 $0x400;
	[sflag:s17] =	ssyncset.done $0x0  }
.LBB2_4:
0x52: {  	s28 =	sshra.s32 s25, $0x2  }
0x53: {  	[sflag:s17] =	ssyncadd.s32 $0xFFFFD800;
	s25 =	smov.u32 s26;
	s29 =	sadd.s32 $0x200, s26  }
0x54: {  	[tilespmem:s19], [sflag:$0x1] =	stream.indirect.gather [hbm4b:s1+s20], $0x80, s28, s20, $0xb8;
	[tilespmem:$0x1E800] =	vst v63  }
0x55: {  	p0 =	sne.s32 s26, $0xF800;
	_ =	swait.ge [sflag:s21], $0x2800  }
.Ltmp1:
0x56: {  	[sflag:s21] =	ssyncset.done $0x0;
	(pc) =	sbr.rel @p0 .LBB2_4-.Ltmp1, $4  }
0x57: {  	s26 =	sadd.s32 $0x4000, s28;
	[sflag:s21] =	ssyncadd.s32 $0xFFFFD800  }
0x58: {  	[spmem:s2] =	stream.indirect.scatter.add.f32 [tilespmem:s19], [sflag:$0x2], $0x80, s26, s20, $0xb8;
	[tilespmem:$0x1E800] =	vst v63  }
0x59: {  	_ =	swait.ge [sflag:s17], $0x2800  }
0x5a: {  	s26 =	smov.u32 s29;
	[sflag:s17] =	ssyncset.done $0x0  }
0x5b: {  	s25 =	sshra.s32 s25, $0x2;
	[sflag:s17] =	ssyncadd.s32 $0xFFFFD800  }
0x5c: {  	[tilespmem:s19], [sflag:$0x1] =	stream.indirect.gather [hbm4b:s1+s20], $0x80, s25, s20, $0xb8;
	[tilespmem:$0x1E800] =	vst v63  }
0x5d: {  	_ =	swait.ge [sflag:s21], $0x2800  }
0x5e: {  	[sflag:s21] =	ssyncset.done $0x0  }
0x5f: {  	s25 =	sadd.s32 $0x4000, s25;
	[sflag:s21] =	ssyncadd.s32 $0xFFFFD800  }
0x60: {  	[spmem:s2] =	stream.indirect.scatter.add.f32 [tilespmem:s19], [sflag:$0x2], $0x80, s25, s20, $0xb8;
	[tilespmem:$0x1E800] =	vst v63  }
0x61: {  	_ =	swait.ge [sflag:s17], $0x2800  }
0x62: {  	s24 =	sadd.s32 $0x1, s24;
	[sflag:s17] =	ssyncset.done $0x0  }
0x63: {  	p0 =	sne.s32 s24, s16;
	[sflag:s17] =	ssyncadd.s32 $0xFFFFD800  }
.Ltmp2:
0x64: {  	[bflag:$0x0] =	sbarrier.arrive $0xFFFF;
	(pc) =	sbr.rel @p0 .LBB2_1-.Ltmp2, $4  }
0x65: {  	[hbm:s15], [sflag:s22] =	dma.local [spmem:s23], $0x2800  }
0x66: {  	_ =	swait.ge [sflag:s17], $0x2800  }
0x67: {  	[sflag:s17] =	ssyncset.done $0x0  }
0x68: {  	[sflag:s17] =	ssyncadd.s32 $0xFFFFD800  }
0x69: {  	_ =	sfence.sel $0x180000  }
0x6a: {  	[bflag:$0x0] =	sbarrier.arrive $0xFFFF  }
0x6b: {  	p0 =	sne.s32 s3, $0x0;
	_ =	strace $0x90000053  }
0x6c: {  	s0 =	sadd.s32 @!p0 $0x100000, s0;
	[bflag:$0x2] =	sbarrier.arrive $0xFFFF  }
0x6d: {  	[sflag:s0] =	ssyncadd.tile.s32 @!p0 $0x1;
	_ =	shalt  }
.Lfunc_end2:
_tile_overlayer_lowered:
.L_overlay_start_2:
0x6e: {  	(tag) =	ssettag $0x2  }
0x6f: {  	s0 =	rddreg [dreg:$0x0];
	s2 =	stileid.u32  }
0x70: {  	s1 =	rddreg [dreg:$0x1];
	p0 =	sne.s32 s2, $0x0  }
0x71: {  	s3 =	rddreg [dreg:$0x2];
	[bflag:$0x3] =	sbarrier.arrive $0xFFFF;
	s2 =	simm.s32 @!p0 $0x1C02  }
0x72: {  	[timem:s3], [sflag:s2] =	dma.local @!p0 [hbm:s0], s1  }
0x73: {  	s0 =	simm.s32 @!p0 $0x2  }
0x74: {  	_ =	swait.ge @!p0 [sflag:s0], s1  }
0x75: {  	s1 =	ssub.s32 @!p0 $0x0, s1;
	[sflag:s0] =	ssyncset.done @!p0 $0x0  }
0x76: {  	[sflag:s0] =	ssyncadd.s32 @!p0 s1  }
0x77: {  	[bflag:$0x3] =	sbarrier.arrive $0xFFFF  }
0x78: {  	_ =	shalt  }

// kernel: kernel.31.cloned.1.call-start
scs
__scs_entry_jumppad:
0x0: {  	(pc) =	sbr.rel $0x88, $3  }
0x1: {  	(tag) =	ssettag $0x0;
	lr =	simm.s32 $0x1  }
0x2: {  	[smem:$0x3F99] =	sst lr;
	_ =	strace $0xD0000000  }
0x3: {  	_ = 	snop  }
0x4: {  	_ = 	snop  }
0x5: {  	_ = 	snop  }
0x6: {  	_ = 	snop  }
0x7: {  	_ = 	snop  }
__scs_overlays_trampoline_lowered:
0x8: {  	[smem:$0x3FA8] =	sst s0  }
0x9: {  	[smem:$0x3FA9] =	sst s1  }
0xa: {  	[smem:$0x3FAA] =	sst s2  }
0xb: {  	[smem:$0x3FAB] =	sst s3  }
0xc: {  	[smem:$0x3FAC] =	sst s4  }
0xd: {  	[smem:$0x3FAD] =	sst s5  }
0xe: {  	[smem:$0x3FAE] =	sst s6  }
0xf: {  	[smem:$0x3FAF] =	sst s7  }
0x10: {  	[smem:$0x3FB0] =	sst s8  }
0x11: {  	[smem:$0x3FB1] =	sst s9;
	s0 =	simm.s32 @!p0 $0x0  }
0x12: {  	s1 =	sld [smem:$0x3F97];
	s0 =	simm.s32 @p0 $0x1  }
0x13: {  	[smem:$0x3FB2] =	sst s0;
	s0 =	simm.s32 @!p1 $0x0  }
0x14: {  	s2 =	sld [smem:$0x3F96];
	s0 =	simm.s32 @p1 $0x1  }
0x15: {  	[smem:$0x3FB3] =	sst s0;
	s0 =	simm.s32 @!p2 $0x0  }
0x16: {  	s3 =	sld [smem:$0x3FDB];
	s0 =	simm.s32 @p2 $0x1  }
0x17: {  	s4 =	simm.s32 $0x1BF5;
	[smem:$0x3FB5] =	sst s0  }
0x18: {  	s0 =	sld [smem:$0x3F98];
	_ =	swait.ge [sflag:s4], $0x0  }
0x19: {  	s7 =	sld [smem:$0x3F99]  }
0x1a: {  	s8 =	sadd.s32 $0xFFFFE003, lr  }
0x1b: {  	s9 =	sadd.s32 $0xFFFFFEF7, lr;
	s5 =	simm.s32 $0xFFFFFFFF;
	p2 =	slt.u32 s8, $0xFFFFF086  }
0x1c: {  	p1 =	slt.u32 s9, $0xF7A;
	s5 =	simm.s32 @!p2 $0x0  }
0x1d: {  	s5 =	simm.s32 @p1 $0x1;
	p0 =	seq.s32 s7, s2  }
0x1e: {  	s7 =	smul.u32 @!p0 $0xF7A, s2;
	p2 =	seq.s32 @!p0 s5, $0x0  }
0x1f: {  	s9 =	smul.u32 $0xF7A, s1;
	s8 =	simm.s32 @!p0 $0x1BF5;
	p2 =	por !p2, p0  }
0x20: {  	[sflag:s8] =	ssyncset.s32 @!p0 $0xFFFFF086;
	s6 =	sadd.s32 @!p0 s3, s7;
	s7 =	simm.s32 @!p0 $0x108  }
0x21: {  	s3 =	sadd.s32 s3, s9;
	s6 =	sadd.s32 @!p0 $0x88, s6;
	s7 =	simm.s32 @p2 $0x1082  }
0x22: {  	[simem:s7], [sflag:s8] =	dma.local @!p0 [hbm:s6], $0xF7A  }
0x23: {  	s9 =	sor.u32 $0xD0000000, s2;
	s6 =	simm.s32 $0x108;
	_ =	swait.ge @!p0 [sflag:s8], $0x0  }
0x24: {  	s3 =	sadd.s32 $0x88, s3;
	s6 =	simm.s32 @!p1 $0x1082;
	[sflag:s4] =	ssyncset.s32 $0xFFFFF086  }
0x25: {  	[simem:s6], [sflag:s4] =	dma.local [hbm:s3], $0xF7A  }
0x26: {  	[smem:$0x3F99] =	sst s1;
	(tag) =	ssettag s2;
	_ =	strace s9  }
0x27: {  	s1 =	sld [smem:$0x3FA9]  }
0x28: {  	s2 =	sld [smem:$0x3FAA]  }
0x29: {  	s4 =	sld [smem:$0x3FAC]  }
0x2a: {  	p0 =	seq.s32 s5, $0x0;
	s5 =	sld [smem:$0x3FAD]  }
0x2b: {  	s6 =	sld [smem:$0x3FAE]  }
0x2c: {  	s7 =	sld [smem:$0x3FAF]  }
0x2d: {  	s3 =	simm.s32 $0x108;
	s8 =	sld [smem:$0x3FB0]  }
0x2e: {  	s3 =	simm.s32 @!p0 $0x1082;
	s9 =	sld [smem:$0x3FB1]  }
0x2f: {  	lr =	sadd.s32 s0, s3;
	s0 =	sld [smem:$0x3FA8]  }
0x30: {  	s3 =	sld [smem:$0x3FAB]  }
0x31: {  	[smem:$0x3FB4] =	sst s10  }
0x32: {  	s10 =	sld [smem:$0x3FB2];
	_ =	sdelay $0x3  }
0x33: {  	p0 =	seq.s32 s10, $0x1;
	s10 =	sld [smem:$0x3FB4];
	_ =	sdelay $0x3  }
0x34: {  	[smem:$0x3FB4] =	sst s10  }
0x35: {  	s10 =	sld [smem:$0x3FB3];
	_ =	sdelay $0x3  }
0x36: {  	p1 =	seq.s32 s10, $0x1;
	s10 =	sld [smem:$0x3FB4];
	_ =	sdelay $0x3  }
0x37: {  	[smem:$0x3FB4] =	sst s10  }
0x38: {  	s10 =	sld [smem:$0x3FB5]  }
0x39: {  	_ = 	snop;
	(pc) =	sbr.ind lr, $3  }
0x3a: {  	_ = 	snop  }
0x3b: {  	_ = 	snop  }
0x3c: {  	p2 =	seq.s32 s10, $0x1;
	s10 =	sld [smem:$0x3FB4]  }
0x3d: {  	_ =	shalt  }
0x3e: {  	_ =	shalt  }
0x3f: {  	_ =	shalt  }
0x40: {  	_ =	shalt  }
0x41: {  	_ =	shalt  }
0x42: {  	_ =	shalt  }
0x43: {  	_ =	shalt  }
0x44: {  	_ =	shalt  }
0x45: {  	_ =	shalt  }
0x46: {  	_ =	shalt  }
0x47: {  	_ =	shalt  }
0x48: {  	_ =	shalt  }
0x49: {  	_ =	shalt  }
0x4a: {  	_ =	shalt  }
0x4b: {  	_ =	shalt  }
0x4c: {  	_ =	shalt  }
0x4d: {  	_ =	shalt  }
0x4e: {  	_ =	shalt  }
0x4f: {  	_ =	shalt  }
0x50: {  	_ =	shalt  }
0x51: {  	_ =	shalt  }
0x52: {  	_ =	shalt  }
0x53: {  	_ =	shalt  }
0x54: {  	_ =	shalt  }
0x55: {  	_ =	shalt  }
0x56: {  	_ =	shalt  }
0x57: {  	_ =	shalt  }
0x58: {  	_ =	shalt  }
0x59: {  	_ =	shalt  }
0x5a: {  	_ =	shalt  }
0x5b: {  	_ =	shalt  }
0x5c: {  	_ =	shalt  }
0x5d: {  	_ =	shalt  }
0x5e: {  	_ =	shalt  }
0x5f: {  	_ =	shalt  }
0x60: {  	_ =	shalt  }
0x61: {  	_ =	shalt  }
0x62: {  	_ =	shalt  }
0x63: {  	_ =	shalt  }
0x64: {  	_ =	shalt  }
0x65: {  	_ =	shalt  }
0x66: {  	_ =	shalt  }
0x67: {  	_ =	shalt  }
0x68: {  	_ =	shalt  }
0x69: {  	_ =	shalt  }
0x6a: {  	_ =	shalt  }
0x6b: {  	_ =	shalt  }
0x6c: {  	_ =	shalt  }
0x6d: {  	_ =	shalt  }
0x6e: {  	_ =	shalt  }
0x6f: {  	_ =	shalt  }
0x70: {  	_ =	shalt  }
0x71: {  	_ =	shalt  }
0x72: {  	_ =	shalt  }
0x73: {  	_ =	shalt  }
0x74: {  	_ =	shalt  }
0x75: {  	_ =	shalt  }
0x76: {  	_ =	shalt  }
0x77: {  	_ =	shalt  }
0x78: {  	_ =	shalt  }
0x79: {  	_ =	shalt  }
0x7a: {  	_ =	shalt  }
0x7b: {  	_ =	shalt  }
0x7c: {  	_ =	shalt  }
0x7d: {  	_ =	shalt  }
0x7e: {  	_ =	shalt  }
0x7f: {  	_ =	shalt  }
0x80: {  	_ =	shalt  }
0x81: {  	_ =	shalt  }
0x82: {  	_ =	shalt  }
0x83: {  	_ =	shalt  }
0x84: {  	_ =	shalt  }
0x85: {  	_ =	shalt  }
0x86: {  	_ =	shalt  }
0x87: {  	_ =	shalt  }
.Lfunc_end0:
.L_simem_size_0:
called_computation.5_lowered:
.L_overlay_start_0:
0x88: {  	s2 =	sld [smem:$0x3FD9]  }
0x89: {  	s3 =	sld [smem:$0x3FFE];
	_ =	sdelay $0x1  }
0x8a: {  	s1 =	srdreg.scid  }
0x8b: {  	s0 =	sand.u32 $0x1, s1  }
0x8c: {  	s17 =	sshll.u32 s0, $0xA;
	s2 =	sadd.s32 s3, s2  }
0x8d: {  	s2 =	sadd.s32 s2, s17  }
0x8e: {  	[smem:$0x3FC0] =	sst s2  }
0x8f: {  	_ = 	snop  }
0x90: {  	s2 =	sld [smem:$0x3FD0];
	(tm) =	ssettm $0x1  }
0x91: {  	s18 =	sld [smem:$0x3FFB];
	_ =	sdelay $0x3  }
0x92: {  	_ =	strace s18  }
0x93: {  	s3 =	sld [smem:$0x3FFC];
	_ =	sdelay $0x3  }
0x94: {  	_ =	strace s3  }
0x95: {  	s3 =	sld [smem:$0x3FFD];
	_ =	sdelay $0x3  }
0x96: {  	_ =	strace s3  }
0x97: {  	_ =	strace $0x8FFFFFFF  }
0x98: {  	s19 =	sld [smem:$0x3FDB];
	_ =	sdelay $0x1  }
0x99: {  	s4 =	simm.s32 $_scs_section_size  }
0x9a: {  	s5 =	simm.s32 $_size__tile_overlayer_lowered;
	s6 =	simm.s32 $_tile_overlayer_lowered  }
0x9b: {  	s22 =	simm.s32 $0x1BFF;
	s21 =	sshll.u32 s6, $0x1;
	s3 =	sadd.s32 s4, s19  }
0x9c: {  	s7 =	simm.s32 $0x0;
	s20 =	sshll.u32 s5, $0x1;
	s5 =	sadd.s32 s21, s3  }
0x9d: {  	[timem:s7], [sflag:s22] =	dma.local [hbm:s5], s20  }
0x9e: {  	_ =	swait.ge [sflag:s22], s20  }
0x9f: {  	s4 =	ssub.s32 $0x0, s20;
	[sflag:s22] =	ssyncset.done $0x0  }
0xa0: {  	[sflag:s22] =	ssyncadd.s32 s4;
	_ =	sdelay $0x1  }
0xa1: {  	s23 =	simm.s32 $0x1B8B  }
0xa2: {  	_ =	swait.ge [sflag:s23], $0x1  }
0xa3: {  	[sflag:s23] =	ssyncset.done $0x0  }
0xa4: {  	s25 =	simm.s32 $0x1B8E;
	s24 =	sld [smem:$0x3FFE];
	[sflag:s23] =	ssyncadd.s32 $0xFFFFFFFF  }
0xa5: {  	s26 =	simm.s32 $execute0_lowered;
	[smem:$0x3FD2] =	sst s25  }
0xa6: {  	s5 =	sshll.u32 s26, $0x1;
	_ =	strace $0x80000055;
	[dreg:$0x1] =	wrdreg $0xFFFFFFFF  }
0xa7: {  	s28 =	simm.s32 $_size_execute0_lowered;
	s3 =	sadd.s32 s3, s5;
	[dreg:$0x0] =	wrdreg $0x0  }
0xa8: {  	s5 =	sshll.u32 s28, $0x1;
	[dreg:$0x2] =	wrdreg s3  }
0xa9: {  	[dreg:$0x3] =	wrdreg s5  }
0xaa: {  	[dreg:$0x4] =	wrdreg $0xC0  }
0xab: {  	_ =	task [dreg:s7], $0x5FFFF  }
0xac: {  	[dreg:$0x1] =	wrdreg $0xFFFFFFFF  }
0xad: {  	[dreg:$0x0] =	wrdreg $0x60  }
0xae: {  	[dreg:$0x2] =	wrdreg s2  }
0xaf: {  	[dreg:$0x3] =	wrdreg s24  }
0xb0: {  	[dreg:$0x4] =	wrdreg $0xA8000  }
0xb1: {  	[dreg:$0x5] =	wrdreg $0x9  }
0xb2: {  	_ =	task.clear_ibuf [dreg:s7], $0x6FFFF;
	_ =	strace $0x90000055  }
0xb3: {  	s29 =	simm.s32 $0x9;
	_ =	strace $0x80000057  }
0xb4: {  	_ =	swait.ge [sflag:s29], $0x1  }
0xb5: {  	[sflag:s29] =	ssyncadd.s32 $0xFFFFFFFF  }
0xb6: {  	_ =	strace $0x90000057  }
0xb7: {  	_ =	sfence  }
0xb8: {  	s30 =	sld [smem:$0x0];
	_ =	sdelay $0x2  }
0xb9: {  	s31 =	sshll.u32 s1, $0xD;
	s1 =	sshrl.u32 s1, $0x2  }
0xba: {  	s3 =	sand.u32 $0x4000, s31;
	s1 =	sadd.s32 s1, s30  }
0xbb: {  	s0 =	sor.u32 s3, s0;
	s1 =	sshll.u32 s1, $0x11  }
0xbc: {  	s0 =	sor.u32 s1, s0  }
0xbd: {  	s0 =	sadd.s32 $0x8F2B, s0  }
0xbe: {  	[sflag:s0] =	ssyncadd.remote.s32 $0x1  }
0xbf: {  	_ =	sfence.sel $0xFFFF  }
0xc0: {  	[dreg:$0x0] =	wrdreg $0xFFFFFFFF;
	(pc) =	sbr.abs _section_cstart, $3  }
0xc1: {  	[dreg:$0x1] =	wrdreg $0xFFFFFFFF  }
0xc2: {  	_ =	task.clear_ibuf [dreg:s7], $0x2FFFF;
	_ =	strace $0x9FFFFFFF  }
0xc3: {  	(tm) =	ssettm $0x7FFFFFFF  }
tec
execute0_lowered:
.L_overlay_start_1:
0x0: {  	(tag) =	ssettag $0x1  }
0x1: {  	s1 =	rddreg [dreg:$0x0]  }
0x2: {  	s5 =	rddreg [dreg:$0x1]  }
0x3: {  	s2 =	rddreg [dreg:$0x2]  }
0x4: {  	s0 =	rddreg [dreg:$0x3];
	s4 =	simm.s32 $0x0;
	s3 =	srdreg.scid  }
0x5: {  	s17 =	simm.s32 $0x2;
	s18 =	simm.s32 $0x4000;
	s19 =	simm.s32 $0x8000  }
0x6: {  	s20 =	simm.s32 $0x50;
	s21 =	simm.s32 $0x1;
	s24 =	simm.s32 $0x0  }
0x7: {  	[smem:$0x7FF] =	sst s4;
	s6 =	sand.u32 $0x1, s3;
	s3 =	stileid.u32  }
0x8: {  	s7 =	smul.u32 $0x140000, s6;
	s8 =	sshll.u32 s6, $0xF;
	s9 =	sshll.u32 s3, $0xB  }
0x9: {  	s10 =	smul.u32 $0x14000, s3;
	_ =	strace $0x80000056;
	s6 =	ssub.s32 $0x2, s6  }
0xa: {  	s29 =	smul.u32 $0x50000, s3;
	s22 =	sshll.u32 s3, $0x6;
	s8 =	sor.u32 s9, s8  }
0xb: {  	s30 =	sshrl.u32 s6, $0x1;
	s22 =	sor.u32 $0x1C02, s22;
	s7 =	sadd.s32 s10, s7  }
0xc: {  	s8 =	sadd.s32 s8, s5;
	s16 =	ssub.s32 s6, s30;
	s31 =	sshrl.u32 s29, $0x2  }
0xd: {  	s7 =	sshrl.u32 s7, $0x3;
	s6 =	sadd.s32 $0x65200, s8;
	s16 =	smax.u32 s16, $0x1  }
0xe: {  	s15 =	sadd.s32 s7, s5;
	s5 =	sadd.s32 $0x5200, s8;
	s7 =	sadd.s32 s31, s2  }
0xf: {  	s8 =	sadd.s32 $0x2800, s7;
	s9 =	sadd.s32 $0x5000, s7;
	s10 =	sadd.s32 $0x7800, s7  }
0x10: {  	s11 =	sadd.s32 $0xA000, s7;
	s12 =	sadd.s32 $0xC800, s7;
	s13 =	sadd.s32 $0xF000, s7  }
0x11: {  	v0 =	vimm.f32 $0.0e+00;
	s14 =	sadd.s32 $0x11800, s7;
	s15 =	sadd.s32 $0x75200, s15;
	s23 =	sshrl.u32 s7, $0x3  }
.LBB2_1:
0x12: {  	[tilespmem:s4], [sflag:$0x2] =	stream.linear.gather [hbm4b:s5+s4], $0x3E80, $0x38;
	[tilespmem:$0x1E800] =	vst v63  }
0x13: {  	_ =	swait.ge [sflag:s17], $0x3E80  }
0x14: {  	[sflag:s17] =	ssyncset.done $0x0  }
0x15: {  	[sflag:s17] =	ssyncadd.s32 $0xFFFFC180  }
0x16: {  	[tilespmem:s18], [sflag:$0x2] =	stream.linear.gather [hbm4b:s6+s4], $0x3E80, $0x38;
	[tilespmem:$0x1E800] =	vst v63  }
0x17: {  	_ =	swait.ge [sflag:s17], $0x3E80  }
0x18: {  	[sflag:s17] =	ssyncset.done $0x0  }
0x19: {  	s25 =	simm.s32 $0x0;
	s26 =	simm.s32 $0x200;
	[sflag:s17] =	ssyncadd.s32 $0xFFFFC180  }
.LBB2_2:
0x1a: {  	p0 =	sne.s32 s26, $0x9E00;
	[tilespmem:s25+$0x8070] =	vst v0  }
0x1b: {  	[tilespmem:s25+$0x8000] =	vst v0  }
0x1c: {  	[tilespmem:s25+$0x8010] =	vst v0  }
.Ltmp0:
0x1d: {  	[tilespmem:s25+$0x8020] =	vst v0;
	(pc) =	sbr.rel @p0 .LBB2_2-.Ltmp0, $4  }
0x1e: {  	[tilespmem:s25+$0x8030] =	vst v0  }
0x1f: {  	[tilespmem:s25+$0x8040] =	vst v0  }
0x20: {  	[tilespmem:s25+$0x8050] =	vst v0  }
0x21: {  	[tilespmem:s25+$0x8060] =	vst v0;
	s25 =	sshra.s32 s26, $0x2;
	s26 =	sadd.s32 $0x200, s26  }
0x22: {  	[tilespmem:s25+$0x8070] =	vst v0  }
0x23: {  	[tilespmem:s25+$0x8000] =	vst v0  }
0x24: {  	[tilespmem:s25+$0x8010] =	vst v0  }
0x25: {  	[tilespmem:s25+$0x8020] =	vst v0  }
0x26: {  	[tilespmem:s25+$0x8030] =	vst v0  }
0x27: {  	[tilespmem:s25+$0x8040] =	vst v0  }
0x28: {  	[tilespmem:s25+$0x8050] =	vst v0  }
0x29: {  	[tilespmem:s25+$0x8060] =	vst v0  }
0x2a: {  	[spmem:s7] =	stream.linear.scatter [tilespmem:s19], [sflag:$0x2], $0x2800, $0x38;
	[tilespmem:$0x1E800] =	vst v63  }
0x2b: {  	_ =	swait.ge [sflag:s17], $0x2800  }
0x2c: {  	[sflag:s17] =	ssyncset.done $0x0  }
0x2d: {  	[sflag:s17] =	ssyncadd.s32 $0xFFFFD800  }
0x2e: {  	[spmem:s8] =	stream.linear.scatter [tilespmem:s19], [sflag:$0x2], $0x2800, $0x38;
	[tilespmem:$0x1E800] =	vst v63  }
0x2f: {  	_ =	swait.ge [sflag:s17], $0x2800  }
0x30: {  	[sflag:s17] =	ssyncset.done $0x0  }
0x31: {  	[sflag:s17] =	ssyncadd.s32 $0xFFFFD800  }
0x32: {  	[spmem:s9] =	stream.linear.scatter [tilespmem:s19], [sflag:$0x2], $0x2800, $0x38;
	[tilespmem:$0x1E800] =	vst v63  }
0x33: {  	_ =	swait.ge [sflag:s17], $0x2800  }
0x34: {  	[sflag:s17] =	ssyncset.done $0x0  }
0x35: {  	[sflag:s17] =	ssyncadd.s32 $0xFFFFD800  }
0x36: {  	[spmem:s10] =	stream.linear.scatter [tilespmem:s19], [sflag:$0x2], $0x2800, $0x38;
	[tilespmem:$0x1E800] =	vst v63  }
0x37: {  	_ =	swait.ge [sflag:s17], $0x2800  }
0x38: {  	[sflag:s17] =	ssyncset.done $0x0  }
0x39: {  	[sflag:s17] =	ssyncadd.s32 $0xFFFFD800  }
0x3a: {  	[spmem:s11] =	stream.linear.scatter [tilespmem:s19], [sflag:$0x2], $0x2800, $0x38;
	[tilespmem:$0x1E800] =	vst v63  }
0x3b: {  	_ =	swait.ge [sflag:s17], $0x2800  }
0x3c: {  	[sflag:s17] =	ssyncset.done $0x0  }
0x3d: {  	[sflag:s17] =	ssyncadd.s32 $0xFFFFD800  }
0x3e: {  	[spmem:s12] =	stream.linear.scatter [tilespmem:s19], [sflag:$0x2], $0x2800, $0x38;
	[tilespmem:$0x1E800] =	vst v63  }
0x3f: {  	_ =	swait.ge [sflag:s17], $0x2800  }
0x40: {  	[sflag:s17] =	ssyncset.done $0x0  }
0x41: {  	[sflag:s17] =	ssyncadd.s32 $0xFFFFD800  }
0x42: {  	[spmem:s13] =	stream.linear.scatter [tilespmem:s19], [sflag:$0x2], $0x2800, $0x38;
	[tilespmem:$0x1E800] =	vst v63  }
0x43: {  	_ =	swait.ge [sflag:s17], $0x2800  }
0x44: {  	[sflag:s17] =	ssyncset.done $0x0  }
0x45: {  	[sflag:s17] =	ssyncadd.s32 $0xFFFFD800  }
0x46: {  	[spmem:s14] =	stream.linear.scatter [tilespmem:s19], [sflag:$0x2], $0x2800, $0x38;
	[tilespmem:$0x1E800] =	vst v63  }
0x47: {  	_ =	swait.ge [sflag:s17], $0x2800  }
0x48: {  	[sflag:s17] =	ssyncset.done $0x0  }
0x49: {  	[sflag:s17] =	ssyncadd.s32 $0xFFFFD800  }
0x4a: {  	s30 =	simm.s32 $0x0;
	[bflag:$0x0] =	sbarrier.arrive $0xFFFF  }
0x4b: {  	[tilespmem:s19], [sflag:$0x1] =	stream.indirect.gather [hbm4b:s1+s20], $0x80, s30, s20, $0xb8;
	[tilespmem:$0x1E800] =	vst v63  }
0x4c: {  	_ =	swait.ge [sflag:s21], $0x2800  }
0x4d: {  	[sflag:s21] =	ssyncset.done $0x0  }
0x4e: {  	s31 =	simm.s32 $0x4000;
	[sflag:s21] =	ssyncadd.s32 $0xFFFFD800  }
0x4f: {  	[spmem:s2] =	stream.indirect.scatter.add.f32 [tilespmem:s19], [sflag:$0x2], $0x80, s31, s20, $0xb8;
	[tilespmem:$0x1E800] =	vst v63  }
0x50: {  	_ =	swait.ge [sflag:s17], $0x2800  }
0x51: {  	s25 =	simm.s32 $0x200;
	s26 =	simm.s32 $0x400;
	[sflag:s17] =	ssyncset.done $0x0  }
.LBB2_4:
0x52: {  	s28 =	sshra.s32 s25, $0x2  }
0x53: {  	[sflag:s17] =	ssyncadd.s32 $0xFFFFD800;
	s25 =	smov.u32 s26;
	s29 =	sadd.s32 $0x200, s26  }
0x54: {  	[tilespmem:s19], [sflag:$0x1] =	stream.indirect.gather [hbm4b:s1+s20], $0x80, s28, s20, $0xb8;
	[tilespmem:$0x1E800] =	vst v63  }
0x55: {  	p0 =	sne.s32 s26, $0xF800;
	_ =	swait.ge [sflag:s21], $0x2800  }
.Ltmp1:
0x56: {  	[sflag:s21] =	ssyncset.done $0x0;
	(pc) =	sbr.rel @p0 .LBB2_4-.Ltmp1, $4  }
0x57: {  	s26 =	sadd.s32 $0x4000, s28;
	[sflag:s21] =	ssyncadd.s32 $0xFFFFD800  }
0x58: {  	[spmem:s2] =	stream.indirect.scatter.add.f32 [tilespmem:s19], [sflag:$0x2], $0x80, s26, s20, $0xb8;
	[tilespmem:$0x1E800] =	vst v63  }
0x59: {  	_ =	swait.ge [sflag:s17], $0x2800  }
0x5a: {  	s26 =	smov.u32 s29;
	[sflag:s17] =	ssyncset.done $0x0  }
0x5b: {  	s25 =	sshra.s32 s25, $0x2;
	[sflag:s17] =	ssyncadd.s32 $0xFFFFD800  }
0x5c: {  	[tilespmem:s19], [sflag:$0x1] =	stream.indirect.gather [hbm4b:s1+s20], $0x80, s25, s20, $0xb8;
	[tilespmem:$0x1E800] =	vst v63  }
0x5d: {  	_ =	swait.ge [sflag:s21], $0x2800  }
0x5e: {  	[sflag:s21] =	ssyncset.done $0x0  }
0x5f: {  	s25 =	sadd.s32 $0x4000, s25;
	[sflag:s21] =	ssyncadd.s32 $0xFFFFD800  }
0x60: {  	[spmem:s2] =	stream.indirect.scatter.add.f32 [tilespmem:s19], [sflag:$0x2], $0x80, s25, s20, $0xb8;
	[tilespmem:$0x1E800] =	vst v63  }
0x61: {  	_ =	swait.ge [sflag:s17], $0x2800  }
0x62: {  	s24 =	sadd.s32 $0x1, s24;
	[sflag:s17] =	ssyncset.done $0x0  }
0x63: {  	p0 =	sne.s32 s24, s16;
	[sflag:s17] =	ssyncadd.s32 $0xFFFFD800  }
.Ltmp2:
0x64: {  	[bflag:$0x0] =	sbarrier.arrive $0xFFFF;
	(pc) =	sbr.rel @p0 .LBB2_1-.Ltmp2, $4  }
0x65: {  	[hbm:s15], [sflag:s22] =	dma.local [spmem:s23], $0x2800  }
0x66: {  	_ =	swait.ge [sflag:s17], $0x2800  }
0x67: {  	[sflag:s17] =	ssyncset.done $0x0  }
0x68: {  	[sflag:s17] =	ssyncadd.s32 $0xFFFFD800  }
0x69: {  	_ =	sfence.sel $0x180000  }
0x6a: {  	[bflag:$0x0] =	sbarrier.arrive $0xFFFF  }
0x6b: {  	p0 =	sne.s32 s3, $0x0;
	_ =	strace $0x90000056  }
0x6c: {  	s0 =	sadd.s32 @!p0 $0x100000, s0;
	[bflag:$0x2] =	sbarrier.arrive $0xFFFF  }
0x6d: {  	[sflag:s0] =	ssyncadd.tile.s32 @!p0 $0x1;
	_ =	shalt  }
.Lfunc_end2:
_tile_overlayer_lowered:
.L_overlay_start_2:
0x6e: {  	(tag) =	ssettag $0x2  }
0x6f: {  	s0 =	rddreg [dreg:$0x0];
	s2 =	stileid.u32  }
0x70: {  	s1 =	rddreg [dreg:$0x1];
	p0 =	sne.s32 s2, $0x0  }
0x71: {  	s3 =	rddreg [dreg:$0x2];
	[bflag:$0x3] =	sbarrier.arrive $0xFFFF;
	s2 =	simm.s32 @!p0 $0x1C02  }
0x72: {  	[timem:s3], [sflag:s2] =	dma.local @!p0 [hbm:s0], s1  }
0x73: {  	s0 =	simm.s32 @!p0 $0x2  }
0x74: {  	_ =	swait.ge @!p0 [sflag:s0], s1  }
0x75: {  	s1 =	ssub.s32 @!p0 $0x0, s1;
	[sflag:s0] =	ssyncset.done @!p0 $0x0  }
0x76: {  	[sflag:s0] =	ssyncadd.s32 @!p0 s1  }
0x77: {  	[bflag:$0x3] =	sbarrier.arrive $0xFFFF  }
0x78: {  	_ =	shalt  }

// kernel: kernel.34.cloned.1.call-start
scs
__scs_entry_jumppad:
0x0: {  	(pc) =	sbr.rel $0x88, $3  }
0x1: {  	(tag) =	ssettag $0x0;
	lr =	simm.s32 $0x1  }
0x2: {  	[smem:$0x3F99] =	sst lr;
	_ =	strace $0xD0000000  }
0x3: {  	_ = 	snop  }
0x4: {  	_ = 	snop  }
0x5: {  	_ = 	snop  }
0x6: {  	_ = 	snop  }
0x7: {  	_ = 	snop  }
__scs_overlays_trampoline_lowered:
0x8: {  	[smem:$0x3FA8] =	sst s0  }
0x9: {  	[smem:$0x3FA9] =	sst s1  }
0xa: {  	[smem:$0x3FAA] =	sst s2  }
0xb: {  	[smem:$0x3FAB] =	sst s3  }
0xc: {  	[smem:$0x3FAC] =	sst s4  }
0xd: {  	[smem:$0x3FAD] =	sst s5  }
0xe: {  	[smem:$0x3FAE] =	sst s6  }
0xf: {  	[smem:$0x3FAF] =	sst s7  }
0x10: {  	[smem:$0x3FB0] =	sst s8  }
0x11: {  	[smem:$0x3FB1] =	sst s9;
	s0 =	simm.s32 @!p0 $0x0  }
0x12: {  	s1 =	sld [smem:$0x3F97];
	s0 =	simm.s32 @p0 $0x1  }
0x13: {  	[smem:$0x3FB2] =	sst s0;
	s0 =	simm.s32 @!p1 $0x0  }
0x14: {  	s2 =	sld [smem:$0x3F96];
	s0 =	simm.s32 @p1 $0x1  }
0x15: {  	[smem:$0x3FB3] =	sst s0;
	s0 =	simm.s32 @!p2 $0x0  }
0x16: {  	s3 =	sld [smem:$0x3FDB];
	s0 =	simm.s32 @p2 $0x1  }
0x17: {  	s4 =	simm.s32 $0x1BF5;
	[smem:$0x3FB5] =	sst s0  }
0x18: {  	s0 =	sld [smem:$0x3F98];
	_ =	swait.ge [sflag:s4], $0x0  }
0x19: {  	s7 =	sld [smem:$0x3F99]  }
0x1a: {  	s8 =	sadd.s32 $0xFFFFE003, lr  }
0x1b: {  	s9 =	sadd.s32 $0xFFFFFEF7, lr;
	s5 =	simm.s32 $0xFFFFFFFF;
	p2 =	slt.u32 s8, $0xFFFFF086  }
0x1c: {  	p1 =	slt.u32 s9, $0xF7A;
	s5 =	simm.s32 @!p2 $0x0  }
0x1d: {  	s5 =	simm.s32 @p1 $0x1;
	p0 =	seq.s32 s7, s2  }
0x1e: {  	s7 =	smul.u32 @!p0 $0xF7A, s2;
	p2 =	seq.s32 @!p0 s5, $0x0  }
0x1f: {  	s9 =	smul.u32 $0xF7A, s1;
	s8 =	simm.s32 @!p0 $0x1BF5;
	p2 =	por !p2, p0  }
0x20: {  	[sflag:s8] =	ssyncset.s32 @!p0 $0xFFFFF086;
	s6 =	sadd.s32 @!p0 s3, s7;
	s7 =	simm.s32 @!p0 $0x108  }
0x21: {  	s3 =	sadd.s32 s3, s9;
	s6 =	sadd.s32 @!p0 $0x88, s6;
	s7 =	simm.s32 @p2 $0x1082  }
0x22: {  	[simem:s7], [sflag:s8] =	dma.local @!p0 [hbm:s6], $0xF7A  }
0x23: {  	s9 =	sor.u32 $0xD0000000, s2;
	s6 =	simm.s32 $0x108;
	_ =	swait.ge @!p0 [sflag:s8], $0x0  }
0x24: {  	s3 =	sadd.s32 $0x88, s3;
	s6 =	simm.s32 @!p1 $0x1082;
	[sflag:s4] =	ssyncset.s32 $0xFFFFF086  }
0x25: {  	[simem:s6], [sflag:s4] =	dma.local [hbm:s3], $0xF7A  }
0x26: {  	[smem:$0x3F99] =	sst s1;
	(tag) =	ssettag s2;
	_ =	strace s9  }
0x27: {  	s1 =	sld [smem:$0x3FA9]  }
0x28: {  	s2 =	sld [smem:$0x3FAA]  }
0x29: {  	s4 =	sld [smem:$0x3FAC]  }
0x2a: {  	p0 =	seq.s32 s5, $0x0;
	s5 =	sld [smem:$0x3FAD]  }
0x2b: {  	s6 =	sld [smem:$0x3FAE]  }
0x2c: {  	s7 =	sld [smem:$0x3FAF]  }
0x2d: {  	s3 =	simm.s32 $0x108;
	s8 =	sld [smem:$0x3FB0]  }
0x2e: {  	s3 =	simm.s32 @!p0 $0x1082;
	s9 =	sld [smem:$0x3FB1]  }
0x2f: {  	lr =	sadd.s32 s0, s3;
	s0 =	sld [smem:$0x3FA8]  }
0x30: {  	s3 =	sld [smem:$0x3FAB]  }
0x31: {  	[smem:$0x3FB4] =	sst s10  }
0x32: {  	s10 =	sld [smem:$0x3FB2];
	_ =	sdelay $0x3  }
0x33: {  	p0 =	seq.s32 s10, $0x1;
	s10 =	sld [smem:$0x3FB4];
	_ =	sdelay $0x3  }
0x34: {  	[smem:$0x3FB4] =	sst s10  }
0x35: {  	s10 =	sld [smem:$0x3FB3];
	_ =	sdelay $0x3  }
0x36: {  	p1 =	seq.s32 s10, $0x1;
	s10 =	sld [smem:$0x3FB4];
	_ =	sdelay $0x3  }
0x37: {  	[smem:$0x3FB4] =	sst s10  }
0x38: {  	s10 =	sld [smem:$0x3FB5]  }
0x39: {  	_ = 	snop;
	(pc) =	sbr.ind lr, $3  }
0x3a: {  	_ = 	snop  }
0x3b: {  	_ = 	snop  }
0x3c: {  	p2 =	seq.s32 s10, $0x1;
	s10 =	sld [smem:$0x3FB4]  }
0x3d: {  	_ =	shalt  }
0x3e: {  	_ =	shalt  }
0x3f: {  	_ =	shalt  }
0x40: {  	_ =	shalt  }
0x41: {  	_ =	shalt  }
0x42: {  	_ =	shalt  }
0x43: {  	_ =	shalt  }
0x44: {  	_ =	shalt  }
0x45: {  	_ =	shalt  }
0x46: {  	_ =	shalt  }
0x47: {  	_ =	shalt  }
0x48: {  	_ =	shalt  }
0x49: {  	_ =	shalt  }
0x4a: {  	_ =	shalt  }
0x4b: {  	_ =	shalt  }
0x4c: {  	_ =	shalt  }
0x4d: {  	_ =	shalt  }
0x4e: {  	_ =	shalt  }
0x4f: {  	_ =	shalt  }
0x50: {  	_ =	shalt  }
0x51: {  	_ =	shalt  }
0x52: {  	_ =	shalt  }
0x53: {  	_ =	shalt  }
0x54: {  	_ =	shalt  }
0x55: {  	_ =	shalt  }
0x56: {  	_ =	shalt  }
0x57: {  	_ =	shalt  }
0x58: {  	_ =	shalt  }
0x59: {  	_ =	shalt  }
0x5a: {  	_ =	shalt  }
0x5b: {  	_ =	shalt  }
0x5c: {  	_ =	shalt  }
0x5d: {  	_ =	shalt  }
0x5e: {  	_ =	shalt  }
0x5f: {  	_ =	shalt  }
0x60: {  	_ =	shalt  }
0x61: {  	_ =	shalt  }
0x62: {  	_ =	shalt  }
0x63: {  	_ =	shalt  }
0x64: {  	_ =	shalt  }
0x65: {  	_ =	shalt  }
0x66: {  	_ =	shalt  }
0x67: {  	_ =	shalt  }
0x68: {  	_ =	shalt  }
0x69: {  	_ =	shalt  }
0x6a: {  	_ =	shalt  }
0x6b: {  	_ =	shalt  }
0x6c: {  	_ =	shalt  }
0x6d: {  	_ =	shalt  }
0x6e: {  	_ =	shalt  }
0x6f: {  	_ =	shalt  }
0x70: {  	_ =	shalt  }
0x71: {  	_ =	shalt  }
0x72: {  	_ =	shalt  }
0x73: {  	_ =	shalt  }
0x74: {  	_ =	shalt  }
0x75: {  	_ =	shalt  }
0x76: {  	_ =	shalt  }
0x77: {  	_ =	shalt  }
0x78: {  	_ =	shalt  }
0x79: {  	_ =	shalt  }
0x7a: {  	_ =	shalt  }
0x7b: {  	_ =	shalt  }
0x7c: {  	_ =	shalt  }
0x7d: {  	_ =	shalt  }
0x7e: {  	_ =	shalt  }
0x7f: {  	_ =	shalt  }
0x80: {  	_ =	shalt  }
0x81: {  	_ =	shalt  }
0x82: {  	_ =	shalt  }
0x83: {  	_ =	shalt  }
0x84: {  	_ =	shalt  }
0x85: {  	_ =	shalt  }
0x86: {  	_ =	shalt  }
0x87: {  	_ =	shalt  }
.Lfunc_end0:
.L_simem_size_0:
called_computation.6_lowered:
.L_overlay_start_0:
0x88: {  	s2 =	sld [smem:$0x3FD9]  }
0x89: {  	s3 =	sld [smem:$0x3FFE];
	_ =	sdelay $0x1  }
0x8a: {  	s1 =	srdreg.scid  }
0x8b: {  	s0 =	sand.u32 $0x1, s1  }
0x8c: {  	s17 =	sshll.u32 s0, $0xA;
	s2 =	sadd.s32 s3, s2  }
0x8d: {  	s2 =	sadd.s32 s2, s17  }
0x8e: {  	[smem:$0x3FC0] =	sst s2  }
0x8f: {  	_ = 	snop  }
0x90: {  	s2 =	sld [smem:$0x3FD0];
	(tm) =	ssettm $0x1  }
0x91: {  	s18 =	sld [smem:$0x3FFB];
	_ =	sdelay $0x3  }
0x92: {  	_ =	strace s18  }
0x93: {  	s3 =	sld [smem:$0x3FFC];
	_ =	sdelay $0x3  }
0x94: {  	_ =	strace s3  }
0x95: {  	s3 =	sld [smem:$0x3FFD];
	_ =	sdelay $0x3  }
0x96: {  	_ =	strace s3  }
0x97: {  	_ =	strace $0x8FFFFFFF  }
0x98: {  	s19 =	sld [smem:$0x3FDB];
	_ =	sdelay $0x1  }
0x99: {  	s4 =	simm.s32 $_scs_section_size  }
0x9a: {  	s5 =	simm.s32 $_size__tile_overlayer_lowered;
	s6 =	simm.s32 $_tile_overlayer_lowered  }
0x9b: {  	s22 =	simm.s32 $0x1BFF;
	s21 =	sshll.u32 s6, $0x1;
	s3 =	sadd.s32 s4, s19  }
0x9c: {  	s7 =	simm.s32 $0x0;
	s20 =	sshll.u32 s5, $0x1;
	s5 =	sadd.s32 s21, s3  }
0x9d: {  	[timem:s7], [sflag:s22] =	dma.local [hbm:s5], s20  }
0x9e: {  	_ =	swait.ge [sflag:s22], s20  }
0x9f: {  	s4 =	ssub.s32 $0x0, s20;
	[sflag:s22] =	ssyncset.done $0x0  }
0xa0: {  	[sflag:s22] =	ssyncadd.s32 s4;
	_ =	sdelay $0x1  }
0xa1: {  	s23 =	simm.s32 $0x1B8B  }
0xa2: {  	_ =	swait.ge [sflag:s23], $0x1  }
0xa3: {  	[sflag:s23] =	ssyncset.done $0x0  }
0xa4: {  	s25 =	simm.s32 $0x1B8E;
	s24 =	sld [smem:$0x3FFE];
	[sflag:s23] =	ssyncadd.s32 $0xFFFFFFFF  }
0xa5: {  	s26 =	simm.s32 $execute0_lowered;
	[smem:$0x3FD2] =	sst s25  }
0xa6: {  	s5 =	sshll.u32 s26, $0x1;
	_ =	strace $0x80000058;
	[dreg:$0x1] =	wrdreg $0xFFFFFFFF  }
0xa7: {  	s28 =	simm.s32 $_size_execute0_lowered;
	s3 =	sadd.s32 s3, s5;
	[dreg:$0x0] =	wrdreg $0x0  }
0xa8: {  	s5 =	sshll.u32 s28, $0x1;
	[dreg:$0x2] =	wrdreg s3  }
0xa9: {  	[dreg:$0x3] =	wrdreg s5  }
0xaa: {  	[dreg:$0x4] =	wrdreg $0xC0  }
0xab: {  	_ =	task [dreg:s7], $0x5FFFF  }
0xac: {  	[dreg:$0x1] =	wrdreg $0xFFFFFFFF  }
0xad: {  	[dreg:$0x0] =	wrdreg $0x60  }
0xae: {  	[dreg:$0x2] =	wrdreg s2  }
0xaf: {  	[dreg:$0x3] =	wrdreg s24  }
0xb0: {  	[dreg:$0x4] =	wrdreg $0xA8000  }
0xb1: {  	[dreg:$0x5] =	wrdreg $0x9  }
0xb2: {  	_ =	task.clear_ibuf [dreg:s7], $0x6FFFF;
	_ =	strace $0x90000058  }
0xb3: {  	s29 =	simm.s32 $0x9;
	_ =	strace $0x8000005A  }
0xb4: {  	_ =	swait.ge [sflag:s29], $0x1  }
0xb5: {  	[sflag:s29] =	ssyncadd.s32 $0xFFFFFFFF  }
0xb6: {  	_ =	strace $0x9000005A  }
0xb7: {  	_ =	sfence  }
0xb8: {  	s30 =	sld [smem:$0x0];
	_ =	sdelay $0x2  }
0xb9: {  	s31 =	sshll.u32 s1, $0xD;
	s1 =	sshrl.u32 s1, $0x2  }
0xba: {  	s3 =	sand.u32 $0x4000, s31;
	s1 =	sadd.s32 s1, s30  }
0xbb: {  	s0 =	sor.u32 s3, s0;
	s1 =	sshll.u32 s1, $0x11  }
0xbc: {  	s0 =	sor.u32 s1, s0  }
0xbd: {  	s0 =	sadd.s32 $0x8F2B, s0  }
0xbe: {  	[sflag:s0] =	ssyncadd.remote.s32 $0x1  }
0xbf: {  	_ =	sfence.sel $0xFFFF  }
0xc0: {  	[dreg:$0x0] =	wrdreg $0xFFFFFFFF;
	(pc) =	sbr.abs _section_cstart, $3  }
0xc1: {  	[dreg:$0x1] =	wrdreg $0xFFFFFFFF  }
0xc2: {  	_ =	task.clear_ibuf [dreg:s7], $0x2FFFF;
	_ =	strace $0x9FFFFFFF  }
0xc3: {  	(tm) =	ssettm $0x7FFFFFFF  }
tec
execute0_lowered:
.L_overlay_start_1:
0x0: {  	(tag) =	ssettag $0x1  }
0x1: {  	s1 =	rddreg [dreg:$0x0]  }
0x2: {  	s5 =	rddreg [dreg:$0x1]  }
0x3: {  	s2 =	rddreg [dreg:$0x2]  }
0x4: {  	s0 =	rddreg [dreg:$0x3];
	s4 =	simm.s32 $0x0;
	s3 =	srdreg.scid  }
0x5: {  	s17 =	simm.s32 $0x2;
	s18 =	simm.s32 $0x4000;
	s19 =	simm.s32 $0x8000  }
0x6: {  	s20 =	simm.s32 $0x50;
	s21 =	simm.s32 $0x1;
	s24 =	simm.s32 $0x0  }
0x7: {  	[smem:$0x7FF] =	sst s4;
	s6 =	sand.u32 $0x1, s3;
	s3 =	stileid.u32  }
0x8: {  	s7 =	smul.u32 $0x140000, s6;
	s8 =	sshll.u32 s6, $0xF;
	s9 =	sshll.u32 s3, $0xB  }
0x9: {  	s10 =	smul.u32 $0x14000, s3;
	_ =	strace $0x80000059;
	s6 =	ssub.s32 $0x2, s6  }
0xa: {  	s29 =	smul.u32 $0x50000, s3;
	s22 =	sshll.u32 s3, $0x6;
	s8 =	sor.u32 s9, s8  }
0xb: {  	s30 =	sshrl.u32 s6, $0x1;
	s22 =	sor.u32 $0x1C02, s22;
	s7 =	sadd.s32 s10, s7  }
0xc: {  	s8 =	sadd.s32 s8, s5;
	s16 =	ssub.s32 s6, s30;
	s31 =	sshrl.u32 s29, $0x2  }
0xd: {  	s7 =	sshrl.u32 s7, $0x3;
	s6 =	sadd.s32 $0x65200, s8;
	s16 =	smax.u32 s16, $0x1  }
0xe: {  	s15 =	sadd.s32 s7, s5;
	s5 =	sadd.s32 $0x5200, s8;
	s7 =	sadd.s32 s31, s2  }
0xf: {  	s8 =	sadd.s32 $0x2800, s7;
	s9 =	sadd.s32 $0x5000, s7;
	s10 =	sadd.s32 $0x7800, s7  }
0x10: {  	s11 =	sadd.s32 $0xA000, s7;
	s12 =	sadd.s32 $0xC800, s7;
	s13 =	sadd.s32 $0xF000, s7  }
0x11: {  	v0 =	vimm.f32 $0.0e+00;
	s14 =	sadd.s32 $0x11800, s7;
	s15 =	sadd.s32 $0x15200, s15;
	s23 =	sshrl.u32 s7, $0x3  }
.LBB2_1:
0x12: {  	[tilespmem:s4], [sflag:$0x2] =	stream.linear.gather [hbm4b:s5+s4], $0x3E80, $0x38;
	[tilespmem:$0x1E800] =	vst v63  }
0x13: {  	_ =	swait.ge [sflag:s17], $0x3E80  }
0x14: {  	[sflag:s17] =	ssyncset.done $0x0  }
0x15: {  	[sflag:s17] =	ssyncadd.s32 $0xFFFFC180  }
0x16: {  	[tilespmem:s18], [sflag:$0x2] =	stream.linear.gather [hbm4b:s6+s4], $0x3E80, $0x38;
	[tilespmem:$0x1E800] =	vst v63  }
0x17: {  	_ =	swait.ge [sflag:s17], $0x3E80  }
0x18: {  	[sflag:s17] =	ssyncset.done $0x0  }
0x19: {  	s25 =	simm.s32 $0x0;
	s26 =	simm.s32 $0x200;
	[sflag:s17] =	ssyncadd.s32 $0xFFFFC180  }
.LBB2_2:
0x1a: {  	p0 =	sne.s32 s26, $0x9E00;
	[tilespmem:s25+$0x8070] =	vst v0  }
0x1b: {  	[tilespmem:s25+$0x8000] =	vst v0  }
0x1c: {  	[tilespmem:s25+$0x8010] =	vst v0  }
.Ltmp0:
0x1d: {  	[tilespmem:s25+$0x8020] =	vst v0;
	(pc) =	sbr.rel @p0 .LBB2_2-.Ltmp0, $4  }
0x1e: {  	[tilespmem:s25+$0x8030] =	vst v0  }
0x1f: {  	[tilespmem:s25+$0x8040] =	vst v0  }
0x20: {  	[tilespmem:s25+$0x8050] =	vst v0  }
0x21: {  	[tilespmem:s25+$0x8060] =	vst v0;
	s25 =	sshra.s32 s26, $0x2;
	s26 =	sadd.s32 $0x200, s26  }
0x22: {  	[tilespmem:s25+$0x8070] =	vst v0  }
0x23: {  	[tilespmem:s25+$0x8000] =	vst v0  }
0x24: {  	[tilespmem:s25+$0x8010] =	vst v0  }
0x25: {  	[tilespmem:s25+$0x8020] =	vst v0  }
0x26: {  	[tilespmem:s25+$0x8030] =	vst v0  }
0x27: {  	[tilespmem:s25+$0x8040] =	vst v0  }
0x28: {  	[tilespmem:s25+$0x8050] =	vst v0  }
0x29: {  	[tilespmem:s25+$0x8060] =	vst v0  }
0x2a: {  	[spmem:s7] =	stream.linear.scatter [tilespmem:s19], [sflag:$0x2], $0x2800, $0x38;
	[tilespmem:$0x1E800] =	vst v63  }
0x2b: {  	_ =	swait.ge [sflag:s17], $0x2800  }
0x2c: {  	[sflag:s17] =	ssyncset.done $0x0  }
0x2d: {  	[sflag:s17] =	ssyncadd.s32 $0xFFFFD800  }
0x2e: {  	[spmem:s8] =	stream.linear.scatter [tilespmem:s19], [sflag:$0x2], $0x2800, $0x38;
	[tilespmem:$0x1E800] =	vst v63  }
0x2f: {  	_ =	swait.ge [sflag:s17], $0x2800  }
0x30: {  	[sflag:s17] =	ssyncset.done $0x0  }
0x31: {  	[sflag:s17] =	ssyncadd.s32 $0xFFFFD800  }
0x32: {  	[spmem:s9] =	stream.linear.scatter [tilespmem:s19], [sflag:$0x2], $0x2800, $0x38;
	[tilespmem:$0x1E800] =	vst v63  }
0x33: {  	_ =	swait.ge [sflag:s17], $0x2800  }
0x34: {  	[sflag:s17] =	ssyncset.done $0x0  }
0x35: {  	[sflag:s17] =	ssyncadd.s32 $0xFFFFD800  }
0x36: {  	[spmem:s10] =	stream.linear.scatter [tilespmem:s19], [sflag:$0x2], $0x2800, $0x38;
	[tilespmem:$0x1E800] =	vst v63  }
0x37: {  	_ =	swait.ge [sflag:s17], $0x2800  }
0x38: {  	[sflag:s17] =	ssyncset.done $0x0  }
0x39: {  	[sflag:s17] =	ssyncadd.s32 $0xFFFFD800  }
0x3a: {  	[spmem:s11] =	stream.linear.scatter [tilespmem:s19], [sflag:$0x2], $0x2800, $0x38;
	[tilespmem:$0x1E800] =	vst v63  }
0x3b: {  	_ =	swait.ge [sflag:s17], $0x2800  }
0x3c: {  	[sflag:s17] =	ssyncset.done $0x0  }
0x3d: {  	[sflag:s17] =	ssyncadd.s32 $0xFFFFD800  }
0x3e: {  	[spmem:s12] =	stream.linear.scatter [tilespmem:s19], [sflag:$0x2], $0x2800, $0x38;
	[tilespmem:$0x1E800] =	vst v63  }
0x3f: {  	_ =	swait.ge [sflag:s17], $0x2800  }
0x40: {  	[sflag:s17] =	ssyncset.done $0x0  }
0x41: {  	[sflag:s17] =	ssyncadd.s32 $0xFFFFD800  }
0x42: {  	[spmem:s13] =	stream.linear.scatter [tilespmem:s19], [sflag:$0x2], $0x2800, $0x38;
	[tilespmem:$0x1E800] =	vst v63  }
0x43: {  	_ =	swait.ge [sflag:s17], $0x2800  }
0x44: {  	[sflag:s17] =	ssyncset.done $0x0  }
0x45: {  	[sflag:s17] =	ssyncadd.s32 $0xFFFFD800  }
0x46: {  	[spmem:s14] =	stream.linear.scatter [tilespmem:s19], [sflag:$0x2], $0x2800, $0x38;
	[tilespmem:$0x1E800] =	vst v63  }
0x47: {  	_ =	swait.ge [sflag:s17], $0x2800  }
0x48: {  	[sflag:s17] =	ssyncset.done $0x0  }
0x49: {  	[sflag:s17] =	ssyncadd.s32 $0xFFFFD800  }
0x4a: {  	s30 =	simm.s32 $0x0;
	[bflag:$0x0] =	sbarrier.arrive $0xFFFF  }
0x4b: {  	[tilespmem:s19], [sflag:$0x1] =	stream.indirect.gather [hbm4b:s1+s20], $0x80, s30, s20, $0xb8;
	[tilespmem:$0x1E800] =	vst v63  }
0x4c: {  	_ =	swait.ge [sflag:s21], $0x2800  }
0x4d: {  	[sflag:s21] =	ssyncset.done $0x0  }
0x4e: {  	s31 =	simm.s32 $0x4000;
	[sflag:s21] =	ssyncadd.s32 $0xFFFFD800  }
0x4f: {  	[spmem:s2] =	stream.indirect.scatter.add.f32 [tilespmem:s19], [sflag:$0x2], $0x80, s31, s20, $0xb8;
	[tilespmem:$0x1E800] =	vst v63  }
0x50: {  	_ =	swait.ge [sflag:s17], $0x2800  }
0x51: {  	s25 =	simm.s32 $0x200;
	s26 =	simm.s32 $0x400;
	[sflag:s17] =	ssyncset.done $0x0  }
.LBB2_4:
0x52: {  	s28 =	sshra.s32 s25, $0x2  }
0x53: {  	[sflag:s17] =	ssyncadd.s32 $0xFFFFD800;
	s25 =	smov.u32 s26;
	s29 =	sadd.s32 $0x200, s26  }
0x54: {  	[tilespmem:s19], [sflag:$0x1] =	stream.indirect.gather [hbm4b:s1+s20], $0x80, s28, s20, $0xb8;
	[tilespmem:$0x1E800] =	vst v63  }
0x55: {  	p0 =	sne.s32 s26, $0xF800;
	_ =	swait.ge [sflag:s21], $0x2800  }
.Ltmp1:
0x56: {  	[sflag:s21] =	ssyncset.done $0x0;
	(pc) =	sbr.rel @p0 .LBB2_4-.Ltmp1, $4  }
0x57: {  	s26 =	sadd.s32 $0x4000, s28;
	[sflag:s21] =	ssyncadd.s32 $0xFFFFD800  }
0x58: {  	[spmem:s2] =	stream.indirect.scatter.add.f32 [tilespmem:s19], [sflag:$0x2], $0x80, s26, s20, $0xb8;
	[tilespmem:$0x1E800] =	vst v63  }
0x59: {  	_ =	swait.ge [sflag:s17], $0x2800  }
0x5a: {  	s26 =	smov.u32 s29;
	[sflag:s17] =	ssyncset.done $0x0  }
0x5b: {  	s25 =	sshra.s32 s25, $0x2;
	[sflag:s17] =	ssyncadd.s32 $0xFFFFD800  }
0x5c: {  	[tilespmem:s19], [sflag:$0x1] =	stream.indirect.gather [hbm4b:s1+s20], $0x80, s25, s20, $0xb8;
	[tilespmem:$0x1E800] =	vst v63  }
0x5d: {  	_ =	swait.ge [sflag:s21], $0x2800  }
0x5e: {  	[sflag:s21] =	ssyncset.done $0x0  }
0x5f: {  	s25 =	sadd.s32 $0x4000, s25;
	[sflag:s21] =	ssyncadd.s32 $0xFFFFD800  }
0x60: {  	[spmem:s2] =	stream.indirect.scatter.add.f32 [tilespmem:s19], [sflag:$0x2], $0x80, s25, s20, $0xb8;
	[tilespmem:$0x1E800] =	vst v63  }
0x61: {  	_ =	swait.ge [sflag:s17], $0x2800  }
0x62: {  	s24 =	sadd.s32 $0x1, s24;
	[sflag:s17] =	ssyncset.done $0x0  }
0x63: {  	p0 =	sne.s32 s24, s16;
	[sflag:s17] =	ssyncadd.s32 $0xFFFFD800  }
.Ltmp2:
0x64: {  	[bflag:$0x0] =	sbarrier.arrive $0xFFFF;
	(pc) =	sbr.rel @p0 .LBB2_1-.Ltmp2, $4  }
0x65: {  	[hbm:s15], [sflag:s22] =	dma.local [spmem:s23], $0x2800  }
0x66: {  	_ =	swait.ge [sflag:s17], $0x2800  }
0x67: {  	[sflag:s17] =	ssyncset.done $0x0  }
0x68: {  	[sflag:s17] =	ssyncadd.s32 $0xFFFFD800  }
0x69: {  	_ =	sfence.sel $0x180000  }
0x6a: {  	[bflag:$0x0] =	sbarrier.arrive $0xFFFF  }
0x6b: {  	p0 =	sne.s32 s3, $0x0;
	_ =	strace $0x90000059  }
0x6c: {  	s0 =	sadd.s32 @!p0 $0x100000, s0;
	[bflag:$0x2] =	sbarrier.arrive $0xFFFF  }
0x6d: {  	[sflag:s0] =	ssyncadd.tile.s32 @!p0 $0x1;
	_ =	shalt  }
.Lfunc_end2:
_tile_overlayer_lowered:
.L_overlay_start_2:
0x6e: {  	(tag) =	ssettag $0x2  }
0x6f: {  	s0 =	rddreg [dreg:$0x0];
	s2 =	stileid.u32  }
0x70: {  	s1 =	rddreg [dreg:$0x1];
	p0 =	sne.s32 s2, $0x0  }
0x71: {  	s3 =	rddreg [dreg:$0x2];
	[bflag:$0x3] =	sbarrier.arrive $0xFFFF;
	s2 =	simm.s32 @!p0 $0x1C02  }
0x72: {  	[timem:s3], [sflag:s2] =	dma.local @!p0 [hbm:s0], s1  }
0x73: {  	s0 =	simm.s32 @!p0 $0x2  }
0x74: {  	_ =	swait.ge @!p0 [sflag:s0], s1  }
0x75: {  	s1 =	ssub.s32 @!p0 $0x0, s1;
	[sflag:s0] =	ssyncset.done @!p0 $0x0  }
0x76: {  	[sflag:s0] =	ssyncadd.s32 @!p0 s1  }
0x77: {  	[bflag:$0x3] =	sbarrier.arrive $0xFFFF  }
0x78: {  	_ =	shalt  }

</sc_bundles>
